<compile_context>
chip_gen: v7x
topology: tpu7x:2x2x1
jax: 0.10.2.dev20260603
libtpu: 0.0.44.dev20260713+nightly
codegen_flags: <defaults>
</compile_context>

<pallas_src>
import functools

import jax
import jax.numpy as jnp
from jax import lax
from jax.experimental import pallas as pl
from jax.experimental.pallas import tpu as pltpu
from jax.experimental.pallas import tpu_sc as plsc

_NC = 2
_NS = 16
_NW = _NC * _NS

_D = 1024
_CT = _D // 128
_SUB = 16
_NBUF = 6
_L = 16


def _make_gather(B):
    assert B % (_NW * _SUB) == 0
    bpw = B // _NW
    steps = bpw // _SUB
    g_rows = _SUB * _CT
    gpw = bpw * _CT

    mesh = plsc.VectorSubcoreMesh(core_axis_name="c", subcore_axis_name="s")

    @functools.partial(
        pl.kernel,
        mesh=mesh,
        compiler_params=pltpu.CompilerParams(
            use_tc_tiling_on_sc=False, needs_layout_passes=False),
        out_type=jax.ShapeDtypeStruct((B * _CT, 128), jnp.float32),
        scratch_types=[
            pltpu.VMEM((bpw,), jnp.int32),
            pltpu.VMEM((gpw,), jnp.int32),
            [pltpu.VMEM((g_rows, 128), jnp.float32) for _ in range(_NBUF)],
            [pltpu.SemaphoreType.DMA for _ in range(_NBUF)],
            [pltpu.SemaphoreType.DMA for _ in range(_NBUF)],
        ],
    )
    def gather(idx_hbm, table_hbm, out_hbm, idx_v, j_v, bufs, gsems, wsems):
        wid = lax.axis_index("s") * _NC + lax.axis_index("c")
        pltpu.sync_copy(idx_hbm.at[wid], idx_v)

        lanes = lax.iota(jnp.int32, _L)

        def build_j(s):
            for k in range(s * (g_rows // _L), (s + 1) * (g_rows // _L)):
                g = k * _L + lanes
                row = ((g >> 6) << 3) + (g & 7)
                ct = (g >> 3) & 7
                tab = plsc.load_gather(idx_v, [row])
                j_v[pl.ds(k * _L, _L)] = (tab << 3) | ct

        obase = wid * gpw
        gathers = [None] * steps
        writes = [None] * steps

        def start_gather(s):
            b = s % _NBUF
            cp = pltpu.make_async_copy(
                table_hbm.at[j_v.at[pl.ds(s * g_rows, g_rows)]],
                bufs[b], gsems[b])
            cp.start()
            gathers[s] = cp

        def start_write(s):
            b = s % _NBUF
            cp = pltpu.make_async_copy(
                bufs[b], out_hbm.at[pl.ds(obase + s * g_rows, g_rows)],
                wsems[b])
            cp.start()
            writes[s] = cp

        for s in range(min(_NBUF, steps)):
            build_j(s)
            start_gather(s)
        for s in range(steps):
            nxt = s + _NBUF
            if nxt < steps:
                build_j(nxt)
            gathers[s].wait()
            start_write(s)
            if nxt < steps:
                writes[s].wait()
                start_gather(nxt)
        for s in range(max(0, steps - _NBUF), steps):
            writes[s].wait()

    return gather


def kernel(position_ids, PosEnc):
    B = position_ids.shape[0]
    table2 = PosEnc.reshape(PosEnc.shape[1] * _CT, 128)
    idx = position_ids.astype(jnp.int32).reshape(_NW, B // _NW)
    out = _make_gather(B)(idx, table2)
    out4 = out.reshape(B // 8, 8, 8, 128)
    return out4.transpose(0, 2, 1, 3).reshape(1, B, _D)

# --- scband reference (transcript-rebuilt; emitter-appended) ---
"""Pipeline reference for scband-learn-abs-pos-enc-19945828122820 (READ-ONLY COPY).

The authoritative reference and input builder live on the scoring server;
editing this copy changes nothing except your own understanding.
"""

import jax, jax.numpy as jnp
import numpy as np

MAX_POS = 8193
NUM_HIDDENS = 1024
SEQ_LEN = 8192

def setup_inputs(seed: int = 0) -> dict:
    key = jax.random.key(seed)
    k1, k2 = jax.random.split(key)
    position_ids = jax.random.randint(k1, (SEQ_LEN,), 0, MAX_POS, dtype=jnp.int64 if jax.config.jax_enable_x64 else jnp.int32)
    PosEnc = jax.random.normal(k2, (1, MAX_POS, NUM_HIDDENS), dtype=jnp.float32)
    return {"position_ids": position_ids, "PosEnc": PosEnc}

def reference(position_ids, PosEnc):
    # Equivalent to PosEnc[:, position_ids, :] -> (1, len(position_ids), num_hiddens)
    return jnp.take(PosEnc, position_ids, axis=1)

if __name__ == "__main__":
    import jax
    _d = setup_inputs()
    print(jax.jit(kernel)(*tuple(_d.values())))

</pallas_src>

<mosaic_0001>
#map = affine_map<(d0, d1) -> (0, 0)>
module attributes {stable_mosaic.version = 14 : i64} {
  func.func @gather(%arg0: i32, %arg1: i32, %arg2: memref<32x256xi32, #tpu.memory_space<hbm>>, %arg3: memref<65544x128xf32, #tpu.memory_space<hbm>>, %arg4: memref<65536x128xf32, #tpu.memory_space<hbm>>, %arg5: memref<256xi32, #tpu.memory_space<vmem>>, %arg6: memref<2048xi32, #tpu.memory_space<vmem>>, %arg7: memref<128x128xf32, #tpu.memory_space<vmem>>, %arg8: memref<128x128xf32, #tpu.memory_space<vmem>>, %arg9: memref<128x128xf32, #tpu.memory_space<vmem>>, %arg10: memref<128x128xf32, #tpu.memory_space<vmem>>, %arg11: memref<128x128xf32, #tpu.memory_space<vmem>>, %arg12: memref<128x128xf32, #tpu.memory_space<vmem>>, %arg13: memref<!tpu.dma_semaphore, #tpu.memory_space<semaphore_mem>>, %arg14: memref<!tpu.dma_semaphore, #tpu.memory_space<semaphore_mem>>, %arg15: memref<!tpu.dma_semaphore, #tpu.memory_space<semaphore_mem>>, %arg16: memref<!tpu.dma_semaphore, #tpu.memory_space<semaphore_mem>>, %arg17: memref<!tpu.dma_semaphore, #tpu.memory_space<semaphore_mem>>, %arg18: memref<!tpu.dma_semaphore, #tpu.memory_space<semaphore_mem>>, %arg19: memref<!tpu.dma_semaphore, #tpu.memory_space<semaphore_mem>>, %arg20: memref<!tpu.dma_semaphore, #tpu.memory_space<semaphore_mem>>, %arg21: memref<!tpu.dma_semaphore, #tpu.memory_space<semaphore_mem>>, %arg22: memref<!tpu.dma_semaphore, #tpu.memory_space<semaphore_mem>>, %arg23: memref<!tpu.dma_semaphore, #tpu.memory_space<semaphore_mem>>, %arg24: memref<!tpu.dma_semaphore, #tpu.memory_space<semaphore_mem>>) attributes {dimension_semantics = [#tpu.dimension_semantics<core_parallel>, #tpu.dimension_semantics<subcore_parallel>], iteration_bounds = array<i64: 2, 16>, scalar_prefetch = 0 : i64, scratch_operands = 20 : i64, tpu.core_type = #tpu.core_type<sc_vector_subcore>, window_params = [{transform_indices = #map}, {transform_indices = #map}, {transform_indices = #map}]} {
    %mul3A = arith.constant 2 : i32
    %mul3A_0 = arith.muli %arg1, %mul3A : i32
    %add3A = arith.addi %mul3A_0, %arg0 : i32
    "tpu.region"() ({
      %run_scoped3A = tpu.sem_alloc : memref<!tpu.dma_semaphore, #tpu.memory_space<semaphore_mem>>
      %dma_start3A_3643 = arith.constant 0 : i32
      %dma_start3A_3644 = tpu.memref_slice %arg2[%add3A, %dma_start3A_3643] : memref<32x256xi32, #tpu.memory_space<hbm>> -> memref<1x256xi32, #tpu.memory_space<hbm>>
      %dma_start3A_3645 = tpu.memref_squeeze %dma_start3A_3644 : memref<1x256xi32, #tpu.memory_space<hbm>> -> memref<256xi32, #tpu.memory_space<hbm>>
      %dma_start3A_3646 = arith.constant 0 : i32
      %dma_start3A_3647 = tpu.memref_slice %arg2[%add3A, %dma_start3A_3646] : memref<32x256xi32, #tpu.memory_space<hbm>> -> memref<1x256xi32, #tpu.memory_space<hbm>>
      %dma_start3A_3648 = tpu.memref_squeeze %dma_start3A_3647 : memref<1x256xi32, #tpu.memory_space<hbm>> -> memref<256xi32, #tpu.memory_space<hbm>>
      tpu.enqueue_dma source(%dma_start3A_3648 : memref<256xi32, #tpu.memory_space<hbm>>) target(%arg5 : memref<256xi32, #tpu.memory_space<vmem>>) target_semaphore(%run_scoped3A : memref<!tpu.dma_semaphore, #tpu.memory_space<semaphore_mem>>)
      %dma_wait3A_3649 = arith.constant 0 : i32
      %dma_wait3A_3650 = tpu.memref_slice %arg2[%add3A, %dma_wait3A_3649] : memref<32x256xi32, #tpu.memory_space<hbm>> -> memref<1x256xi32, #tpu.memory_space<hbm>>
      %dma_wait3A_3651 = tpu.memref_squeeze %dma_wait3A_3650 : memref<1x256xi32, #tpu.memory_space<hbm>> -> memref<256xi32, #tpu.memory_space<hbm>>
      %dma_wait3A_3652 = arith.constant 0 : i32
      %dma_wait3A_3653 = tpu.memref_slice %arg2[%add3A, %dma_wait3A_3652] : memref<32x256xi32, #tpu.memory_space<hbm>> -> memref<1x256xi32, #tpu.memory_space<hbm>>
      %dma_wait3A_3654 = tpu.memref_squeeze %dma_wait3A_3653 : memref<1x256xi32, #tpu.memory_space<hbm>> -> memref<256xi32, #tpu.memory_space<hbm>>
      tpu.wait_dma2 semaphore(%run_scoped3A : memref<!tpu.dma_semaphore, #tpu.memory_space<semaphore_mem>>) src(%dma_wait3A_3654 : memref<256xi32, #tpu.memory_space<hbm>>) dst(%arg5 : memref<256xi32, #tpu.memory_space<vmem>>)
      tpu.yield
    }) : () -> ()
    %iota3A = tpu.iota {dimensions = array<i32: 0>} : vector<16xi32>
    %mul3A_1 = arith.constant 2048 : i32
    %mul3A_2 = arith.muli %add3A, %mul3A_1 : i32
    %add3A_3 = arith.constant 0 : i32
    %add3A_4 = vector.broadcast %add3A_3 : i32 to vector<16xi32>
    %add3A_5 = arith.addi %add3A_4, %iota3A : vector<16xi32>
    %shift_right_arithmetic3A = arith.constant 6 : i32
    %shift_right_arithmetic3A_6 = vector.broadcast %shift_right_arithmetic3A : i32 to vector<16xi32>
    %shift_right_arithmetic3A_7 = arith.shrsi %add3A_5, %shift_right_arithmetic3A_6 : vector<16xi32>
    %shift_left3A = arith.constant 3 : i32
    %shift_left3A_8 = vector.broadcast %shift_left3A : i32 to vector<16xi32>
    %shift_left3A_9 = arith.shli %shift_right_arithmetic3A_7, %shift_left3A_8 : vector<16xi32>
    %and3A = arith.constant 7 : i32
    %and3A_10 = vector.broadcast %and3A : i32 to vector<16xi32>
    %and3A_11 = arith.andi %add3A_5, %and3A_10 : vector<16xi32>
    %add3A_12 = arith.addi %shift_left3A_9, %and3A_11 : vector<16xi32>
    %shift_right_arithmetic3A_13 = arith.constant 3 : i32
    %shift_right_arithmetic3A_14 = vector.broadcast %shift_right_arithmetic3A_13 : i32 to vector<16xi32>
    %shift_right_arithmetic3A_15 = arith.shrsi %add3A_5, %shift_right_arithmetic3A_14 : vector<16xi32>
    %and3A_16 = arith.constant 7 : i32
    %and3A_17 = vector.broadcast %and3A_16 : i32 to vector<16xi32>
    %and3A_18 = arith.andi %shift_right_arithmetic3A_15, %and3A_17 : vector<16xi32>
    %gather3A = tpu.vector_load_idx %arg5[%add3A_12] : memref<256xi32, #tpu.memory_space<vmem>>[vector<16xi32>], vector<16xi32>,
    %shift_left3A_19 = arith.constant 3 : i32
    %shift_left3A_20 = vector.broadcast %shift_left3A_19 : i32 to vector<16xi32>
    %shift_left3A_21 = arith.shli %gather3A, %shift_left3A_20 : vector<16xi32>
    %or3A = arith.ori %shift_left3A_21, %and3A_18 : vector<16xi32>
    %swap3A = arith.constant 0 : index
    %swap3A_22 = tpu.vector_load %arg6[%swap3A] {strides = array<i32>} : memref<2048xi32, #tpu.memory_space<vmem>>, vector<16xi32>,
    tpu.vector_store %arg6[%swap3A], %or3A {strides = array<i32>} : memref<2048xi32, #tpu.memory_space<vmem>>, vector<16xi32>,
    %add3A_23 = arith.constant 16 : i32
    %add3A_24 = vector.broadcast %add3A_23 : i32 to vector<16xi32>
    %add3A_25 = arith.addi %add3A_24, %iota3A : vector<16xi32>
    %shift_right_arithmetic3A_26 = arith.constant 6 : i32
    %shift_right_arithmetic3A_27 = vector.broadcast %shift_right_arithmetic3A_26 : i32 to vector<16xi32>
    %shift_right_arithmetic3A_28 = arith.shrsi %add3A_25, %shift_right_arithmetic3A_27 : vector<16xi32>
    %shift_left3A_29 = arith.constant 3 : i32
    %shift_left3A_30 = vector.broadcast %shift_left3A_29 : i32 to vector<16xi32>
    %shift_left3A_31 = arith.shli %shift_right_arithmetic3A_28, %shift_left3A_30 : vector<16xi32>
    %and3A_32 = arith.constant 7 : i32
    %and3A_33 = vector.broadcast %and3A_32 : i32 to vector<16xi32>
    %and3A_34 = arith.andi %add3A_25, %and3A_33 : vector<16xi32>
    %add3A_35 = arith.addi %shift_left3A_31, %and3A_34 : vector<16xi32>
    %shift_right_arithmetic3A_36 = arith.constant 3 : i32
    %shift_right_arithmetic3A_37 = vector.broadcast %shift_right_arithmetic3A_36 : i32 to vector<16xi32>
    %shift_right_arithmetic3A_38 = arith.shrsi %add3A_25, %shift_right_arithmetic3A_37 : vector<16xi32>
    %and3A_39 = arith.constant 7 : i32
    %and3A_40 = vector.broadcast %and3A_39 : i32 to vector<16xi32>
    %and3A_41 = arith.andi %shift_right_arithmetic3A_38, %and3A_40 : vector<16xi32>
    %gather3A_42 = tpu.vector_load_idx %arg5[%add3A_35] : memref<256xi32, #tpu.memory_space<vmem>>[vector<16xi32>], vector<16xi32>,
    %shift_left3A_43 = arith.constant 3 : i32
    %shift_left3A_44 = vector.broadcast %shift_left3A_43 : i32 to vector<16xi32>
    %shift_left3A_45 = arith.shli %gather3A_42, %shift_left3A_44 : vector<16xi32>
    %or3A_46 = arith.ori %shift_left3A_45, %and3A_41 : vector<16xi32>
    %swap3A_47 = arith.constant 16 : index
    %swap3A_48 = tpu.vector_load %arg6[%swap3A_47] {strides = array<i32>} : memref<2048xi32, #tpu.memory_space<vmem>>, vector<16xi32>,
    tpu.vector_store %arg6[%swap3A_47], %or3A_46 {strides = array<i32>} : memref<2048xi32, #tpu.memory_space<vmem>>, vector<16xi32>,
    %add3A_49 = arith.constant 32 : i32
    %add3A_50 = vector.broadcast %add3A_49 : i32 to vector<16xi32>
    %add3A_51 = arith.addi %add3A_50, %iota3A : vector<16xi32>
    %shift_right_arithmetic3A_52 = arith.constant 6 : i32
    %shift_right_arithmetic3A_53 = vector.broadcast %shift_right_arithmetic3A_52 : i32 to vector<16xi32>
    %shift_right_arithmetic3A_54 = arith.shrsi %add3A_51, %shift_right_arithmetic3A_53 : vector<16xi32>
    %shift_left3A_55 = arith.constant 3 : i32
    %shift_left3A_56 = vector.broadcast %shift_left3A_55 : i32 to vector<16xi32>
    %shift_left3A_57 = arith.shli %shift_right_arithmetic3A_54, %shift_left3A_56 : vector<16xi32>
    %and3A_58 = arith.constant 7 : i32
    %and3A_59 = vector.broadcast %and3A_58 : i32 to vector<16xi32>
    %and3A_60 = arith.andi %add3A_51, %and3A_59 : vector<16xi32>
    %add3A_61 = arith.addi %shift_left3A_57, %and3A_60 : vector<16xi32>
    %shift_right_arithmetic3A_62 = arith.constant 3 : i32
    %shift_right_arithmetic3A_63 = vector.broadcast %shift_right_arithmetic3A_62 : i32 to vector<16xi32>
    %shift_right_arithmetic3A_64 = arith.shrsi %add3A_51, %shift_right_arithmetic3A_63 : vector<16xi32>
    %and3A_65 = arith.constant 7 : i32
    %and3A_66 = vector.broadcast %and3A_65 : i32 to vector<16xi32>
    %and3A_67 = arith.andi %shift_right_arithmetic3A_64, %and3A_66 : vector<16xi32>
    %gather3A_68 = tpu.vector_load_idx %arg5[%add3A_61] : memref<256xi32, #tpu.memory_space<vmem>>[vector<16xi32>], vector<16xi32>,
    %shift_left3A_69 = arith.constant 3 : i32
    %shift_left3A_70 = vector.broadcast %shift_left3A_69 : i32 to vector<16xi32>
    %shift_left3A_71 = arith.shli %gather3A_68, %shift_left3A_70 : vector<16xi32>
    %or3A_72 = arith.ori %shift_left3A_71, %and3A_67 : vector<16xi32>
    %swap3A_73 = arith.constant 32 : index
    %swap3A_74 = tpu.vector_load %arg6[%swap3A_73] {strides = array<i32>} : memref<2048xi32, #tpu.memory_space<vmem>>, vector<16xi32>,
    tpu.vector_store %arg6[%swap3A_73], %or3A_72 {strides = array<i32>} : memref<2048xi32, #tpu.memory_space<vmem>>, vector<16xi32>,
    %add3A_75 = arith.constant 48 : i32
    %add3A_76 = vector.broadcast %add3A_75 : i32 to vector<16xi32>
    %add3A_77 = arith.addi %add3A_76, %iota3A : vector<16xi32>
    %shift_right_arithmetic3A_78 = arith.constant 6 : i32
    %shift_right_arithmetic3A_79 = vector.broadcast %shift_right_arithmetic3A_78 : i32 to vector<16xi32>
    %shift_right_arithmetic3A_80 = arith.shrsi %add3A_77, %shift_right_arithmetic3A_79 : vector<16xi32>
    %shift_left3A_81 = arith.constant 3 : i32
    %shift_left3A_82 = vector.broadcast %shift_left3A_81 : i32 to vector<16xi32>
    %shift_left3A_83 = arith.shli %shift_right_arithmetic3A_80, %shift_left3A_82 : vector<16xi32>
    %and3A_84 = arith.constant 7 : i32
    %and3A_85 = vector.broadcast %and3A_84 : i32 to vector<16xi32>
    %and3A_86 = arith.andi %add3A_77, %and3A_85 : vector<16xi32>
    %add3A_87 = arith.addi %shift_left3A_83, %and3A_86 : vector<16xi32>
    %shift_right_arithmetic3A_88 = arith.constant 3 : i32
    %shift_right_arithmetic3A_89 = vector.broadcast %shift_right_arithmetic3A_88 : i32 to vector<16xi32>
    %shift_right_arithmetic3A_90 = arith.shrsi %add3A_77, %shift_right_arithmetic3A_89 : vector<16xi32>
    %and3A_91 = arith.constant 7 : i32
    %and3A_92 = vector.broadcast %and3A_91 : i32 to vector<16xi32>
    %and3A_93 = arith.andi %shift_right_arithmetic3A_90, %and3A_92 : vector<16xi32>
    %gather3A_94 = tpu.vector_load_idx %arg5[%add3A_87] : memref<256xi32, #tpu.memory_space<vmem>>[vector<16xi32>], vector<16xi32>,
    %shift_left3A_95 = arith.constant 3 : i32
    %shift_left3A_96 = vector.broadcast %shift_left3A_95 : i32 to vector<16xi32>
    %shift_left3A_97 = arith.shli %gather3A_94, %shift_left3A_96 : vector<16xi32>
    %or3A_98 = arith.ori %shift_left3A_97, %and3A_93 : vector<16xi32>
    %swap3A_99 = arith.constant 48 : index
    %swap3A_100 = tpu.vector_load %arg6[%swap3A_99] {strides = array<i32>} : memref<2048xi32, #tpu.memory_space<vmem>>, vector<16xi32>,
    tpu.vector_store %arg6[%swap3A_99], %or3A_98 {strides = array<i32>} : memref<2048xi32, #tpu.memory_space<vmem>>, vector<16xi32>,
    %add3A_101 = arith.constant 64 : i32
    %add3A_102 = vector.broadcast %add3A_101 : i32 to vector<16xi32>
    %add3A_103 = arith.addi %add3A_102, %iota3A : vector<16xi32>
    %shift_right_arithmetic3A_104 = arith.constant 6 : i32
    %shift_right_arithmetic3A_105 = vector.broadcast %shift_right_arithmetic3A_104 : i32 to vector<16xi32>
    %shift_right_arithmetic3A_106 = arith.shrsi %add3A_103, %shift_right_arithmetic3A_105 : vector<16xi32>
    %shift_left3A_107 = arith.constant 3 : i32
    %shift_left3A_108 = vector.broadcast %shift_left3A_107 : i32 to vector<16xi32>
    %shift_left3A_109 = arith.shli %shift_right_arithmetic3A_106, %shift_left3A_108 : vector<16xi32>
    %and3A_110 = arith.constant 7 : i32
    %and3A_111 = vector.broadcast %and3A_110 : i32 to vector<16xi32>
    %and3A_112 = arith.andi %add3A_103, %and3A_111 : vector<16xi32>
    %add3A_113 = arith.addi %shift_left3A_109, %and3A_112 : vector<16xi32>
    %shift_right_arithmetic3A_114 = arith.constant 3 : i32
    %shift_right_arithmetic3A_115 = vector.broadcast %shift_right_arithmetic3A_114 : i32 to vector<16xi32>
    %shift_right_arithmetic3A_116 = arith.shrsi %add3A_103, %shift_right_arithmetic3A_115 : vector<16xi32>
    %and3A_117 = arith.constant 7 : i32
    %and3A_118 = vector.broadcast %and3A_117 : i32 to vector<16xi32>
    %and3A_119 = arith.andi %shift_right_arithmetic3A_116, %and3A_118 : vector<16xi32>
    %gather3A_120 = tpu.vector_load_idx %arg5[%add3A_113] : memref<256xi32, #tpu.memory_space<vmem>>[vector<16xi32>], vector<16xi32>,
    %shift_left3A_121 = arith.constant 3 : i32
    %shift_left3A_122 = vector.broadcast %shift_left3A_121 : i32 to vector<16xi32>
    %shift_left3A_123 = arith.shli %gather3A_120, %shift_left3A_122 : vector<16xi32>
    %or3A_124 = arith.ori %shift_left3A_123, %and3A_119 : vector<16xi32>
    %swap3A_125 = arith.constant 64 : index
    %swap3A_126 = tpu.vector_load %arg6[%swap3A_125] {strides = array<i32>} : memref<2048xi32, #tpu.memory_space<vmem>>, vector<16xi32>,
    tpu.vector_store %arg6[%swap3A_125], %or3A_124 {strides = array<i32>} : memref<2048xi32, #tpu.memory_space<vmem>>, vector<16xi32>,
    %add3A_127 = arith.constant 80 : i32
    %add3A_128 = vector.broadcast %add3A_127 : i32 to vector<16xi32>
    %add3A_129 = arith.addi %add3A_128, %iota3A : vector<16xi32>
    %shift_right_arithmetic3A_130 = arith.constant 6 : i32
    %shift_right_arithmetic3A_131 = vector.broadcast %shift_right_arithmetic3A_130 : i32 to vector<16xi32>
    %shift_right_arithmetic3A_132 = arith.shrsi %add3A_129, %shift_right_arithmetic3A_131 : vector<16xi32>
    %shift_left3A_133 = arith.constant 3 : i32
    %shift_left3A_134 = vector.broadcast %shift_left3A_133 : i32 to vector<16xi32>
    %shift_left3A_135 = arith.shli %shift_right_arithmetic3A_132, %shift_left3A_134 : vector<16xi32>
    %and3A_136 = arith.constant 7 : i32
    %and3A_137 = vector.broadcast %and3A_136 : i32 to vector<16xi32>
    %and3A_138 = arith.andi %add3A_129, %and3A_137 : vector<16xi32>
    %add3A_139 = arith.addi %shift_left3A_135, %and3A_138 : vector<16xi32>
    %shift_right_arithmetic3A_140 = arith.constant 3 : i32
    %shift_right_arithmetic3A_141 = vector.broadcast %shift_right_arithmetic3A_140 : i32 to vector<16xi32>
    %shift_right_arithmetic3A_142 = arith.shrsi %add3A_129, %shift_right_arithmetic3A_141 : vector<16xi32>
    %and3A_143 = arith.constant 7 : i32
    %and3A_144 = vector.broadcast %and3A_143 : i32 to vector<16xi32>
    %and3A_145 = arith.andi %shift_right_arithmetic3A_142, %and3A_144 : vector<16xi32>
    %gather3A_146 = tpu.vector_load_idx %arg5[%add3A_139] : memref<256xi32, #tpu.memory_space<vmem>>[vector<16xi32>], vector<16xi32>,
    %shift_left3A_147 = arith.constant 3 : i32
    %shift_left3A_148 = vector.broadcast %shift_left3A_147 : i32 to vector<16xi32>
    %shift_left3A_149 = arith.shli %gather3A_146, %shift_left3A_148 : vector<16xi32>
    %or3A_150 = arith.ori %shift_left3A_149, %and3A_145 : vector<16xi32>
    %swap3A_151 = arith.constant 80 : index
    %swap3A_152 = tpu.vector_load %arg6[%swap3A_151] {strides = array<i32>} : memref<2048xi32, #tpu.memory_space<vmem>>, vector<16xi32>,
    tpu.vector_store %arg6[%swap3A_151], %or3A_150 {strides = array<i32>} : memref<2048xi32, #tpu.memory_space<vmem>>, vector<16xi32>,
    %add3A_153 = arith.constant 96 : i32
    %add3A_154 = vector.broadcast %add3A_153 : i32 to vector<16xi32>
    %add3A_155 = arith.addi %add3A_154, %iota3A : vector<16xi32>
    %shift_right_arithmetic3A_156 = arith.constant 6 : i32
    %shift_right_arithmetic3A_157 = vector.broadcast %shift_right_arithmetic3A_156 : i32 to vector<16xi32>
    %shift_right_arithmetic3A_158 = arith.shrsi %add3A_155, %shift_right_arithmetic3A_157 : vector<16xi32>
    %shift_left3A_159 = arith.constant 3 : i32
    %shift_left3A_160 = vector.broadcast %shift_left3A_159 : i32 to vector<16xi32>
    %shift_left3A_161 = arith.shli %shift_right_arithmetic3A_158, %shift_left3A_160 : vector<16xi32>
    %and3A_162 = arith.constant 7 : i32
    %and3A_163 = vector.broadcast %and3A_162 : i32 to vector<16xi32>
    %and3A_164 = arith.andi %add3A_155, %and3A_163 : vector<16xi32>
    %add3A_165 = arith.addi %shift_left3A_161, %and3A_164 : vector<16xi32>
    %shift_right_arithmetic3A_166 = arith.constant 3 : i32
    %shift_right_arithmetic3A_167 = vector.broadcast %shift_right_arithmetic3A_166 : i32 to vector<16xi32>
    %shift_right_arithmetic3A_168 = arith.shrsi %add3A_155, %shift_right_arithmetic3A_167 : vector<16xi32>
    %and3A_169 = arith.constant 7 : i32
    %and3A_170 = vector.broadcast %and3A_169 : i32 to vector<16xi32>
    %and3A_171 = arith.andi %shift_right_arithmetic3A_168, %and3A_170 : vector<16xi32>
    %gather3A_172 = tpu.vector_load_idx %arg5[%add3A_165] : memref<256xi32, #tpu.memory_space<vmem>>[vector<16xi32>], vector<16xi32>,
    %shift_left3A_173 = arith.constant 3 : i32
    %shift_left3A_174 = vector.broadcast %shift_left3A_173 : i32 to vector<16xi32>
    %shift_left3A_175 = arith.shli %gather3A_172, %shift_left3A_174 : vector<16xi32>
    %or3A_176 = arith.ori %shift_left3A_175, %and3A_171 : vector<16xi32>
    %swap3A_177 = arith.constant 96 : index
    %swap3A_178 = tpu.vector_load %arg6[%swap3A_177] {strides = array<i32>} : memref<2048xi32, #tpu.memory_space<vmem>>, vector<16xi32>,
    tpu.vector_store %arg6[%swap3A_177], %or3A_176 {strides = array<i32>} : memref<2048xi32, #tpu.memory_space<vmem>>, vector<16xi32>,
    %add3A_179 = arith.constant 112 : i32
    %add3A_180 = vector.broadcast %add3A_179 : i32 to vector<16xi32>
    %add3A_181 = arith.addi %add3A_180, %iota3A : vector<16xi32>
    %shift_right_arithmetic3A_182 = arith.constant 6 : i32
    %shift_right_arithmetic3A_183 = vector.broadcast %shift_right_arithmetic3A_182 : i32 to vector<16xi32>
    %shift_right_arithmetic3A_184 = arith.shrsi %add3A_181, %shift_right_arithmetic3A_183 : vector<16xi32>
    %shift_left3A_185 = arith.constant 3 : i32
    %shift_left3A_186 = vector.broadcast %shift_left3A_185 : i32 to vector<16xi32>
    %shift_left3A_187 = arith.shli %shift_right_arithmetic3A_184, %shift_left3A_186 : vector<16xi32>
    %and3A_188 = arith.constant 7 : i32
    %and3A_189 = vector.broadcast %and3A_188 : i32 to vector<16xi32>
    %and3A_190 = arith.andi %add3A_181, %and3A_189 : vector<16xi32>
    %add3A_191 = arith.addi %shift_left3A_187, %and3A_190 : vector<16xi32>
    %shift_right_arithmetic3A_192 = arith.constant 3 : i32
    %shift_right_arithmetic3A_193 = vector.broadcast %shift_right_arithmetic3A_192 : i32 to vector<16xi32>
    %shift_right_arithmetic3A_194 = arith.shrsi %add3A_181, %shift_right_arithmetic3A_193 : vector<16xi32>
    %and3A_195 = arith.constant 7 : i32
    %and3A_196 = vector.broadcast %and3A_195 : i32 to vector<16xi32>
    %and3A_197 = arith.andi %shift_right_arithmetic3A_194, %and3A_196 : vector<16xi32>
    %gather3A_198 = tpu.vector_load_idx %arg5[%add3A_191] : memref<256xi32, #tpu.memory_space<vmem>>[vector<16xi32>], vector<16xi32>,
    %shift_left3A_199 = arith.constant 3 : i32
    %shift_left3A_200 = vector.broadcast %shift_left3A_199 : i32 to vector<16xi32>
    %shift_left3A_201 = arith.shli %gather3A_198, %shift_left3A_200 : vector<16xi32>
    %or3A_202 = arith.ori %shift_left3A_201, %and3A_197 : vector<16xi32>
    %swap3A_203 = arith.constant 112 : index
    %swap3A_204 = tpu.vector_load %arg6[%swap3A_203] {strides = array<i32>} : memref<2048xi32, #tpu.memory_space<vmem>>, vector<16xi32>,
    tpu.vector_store %arg6[%swap3A_203], %or3A_202 {strides = array<i32>} : memref<2048xi32, #tpu.memory_space<vmem>>, vector<16xi32>,
    %dma_start3A = arith.constant 0 : i32
    %dma_start3A_205 = tpu.memref_slice %arg6[%dma_start3A] : memref<2048xi32, #tpu.memory_space<vmem>> -> memref<128xi32, #tpu.memory_space<vmem>>
    %dma_start3A_206 = arith.constant 0 : i32
    %dma_start3A_207 = arith.constant 0 : i32
    %dma_start3A_208 = tpu.memref_slice %arg3[%dma_start3A_206, %dma_start3A_207] : memref<65544x128xf32, #tpu.memory_space<hbm>> -> memref<65544x128xf32, #tpu.memory_space<hbm>>
    tpu.enqueue_indirect_dma source(%dma_start3A_208 : memref<65544x128xf32, #tpu.memory_space<hbm>>) target(%arg7 : memref<128x128xf32, #tpu.memory_space<vmem>>) offsets(%dma_start3A_205 : memref<128xi32, #tpu.memory_space<vmem>>) semaphore(%arg13 : memref<!tpu.dma_semaphore, #tpu.memory_space<semaphore_mem>>)
    %add3A_209 = arith.constant 128 : i32
    %add3A_210 = vector.broadcast %add3A_209 : i32 to vector<16xi32>
    %add3A_211 = arith.addi %add3A_210, %iota3A : vector<16xi32>
    %shift_right_arithmetic3A_212 = arith.constant 6 : i32
    %shift_right_arithmetic3A_213 = vector.broadcast %shift_right_arithmetic3A_212 : i32 to vector<16xi32>
    %shift_right_arithmetic3A_214 = arith.shrsi %add3A_211, %shift_right_arithmetic3A_213 : vector<16xi32>
    %shift_left3A_215 = arith.constant 3 : i32
    %shift_left3A_216 = vector.broadcast %shift_left3A_215 : i32 to vector<16xi32>
    %shift_left3A_217 = arith.shli %shift_right_arithmetic3A_214, %shift_left3A_216 : vector<16xi32>
    %and3A_218 = arith.constant 7 : i32
    %and3A_219 = vector.broadcast %and3A_218 : i32 to vector<16xi32>
    %and3A_220 = arith.andi %add3A_211, %and3A_219 : vector<16xi32>
    %add3A_221 = arith.addi %shift_left3A_217, %and3A_220 : vector<16xi32>
    %shift_right_arithmetic3A_222 = arith.constant 3 : i32
    %shift_right_arithmetic3A_223 = vector.broadcast %shift_right_arithmetic3A_222 : i32 to vector<16xi32>
    %shift_right_arithmetic3A_224 = arith.shrsi %add3A_211, %shift_right_arithmetic3A_223 : vector<16xi32>
    %and3A_225 = arith.constant 7 : i32
    %and3A_226 = vector.broadcast %and3A_225 : i32 to vector<16xi32>
    %and3A_227 = arith.andi %shift_right_arithmetic3A_224, %and3A_226 : vector<16xi32>
    %gather3A_228 = tpu.vector_load_idx %arg5[%add3A_221] : memref<256xi32, #tpu.memory_space<vmem>>[vector<16xi32>], vector<16xi32>,
    %shift_left3A_229 = arith.constant 3 : i32
    %shift_left3A_230 = vector.broadcast %shift_left3A_229 : i32 to vector<16xi32>
    %shift_left3A_231 = arith.shli %gather3A_228, %shift_left3A_230 : vector<16xi32>
    %or3A_232 = arith.ori %shift_left3A_231, %and3A_227 : vector<16xi32>
    %swap3A_233 = arith.constant 128 : index
    %swap3A_234 = tpu.vector_load %arg6[%swap3A_233] {strides = array<i32>} : memref<2048xi32, #tpu.memory_space<vmem>>, vector<16xi32>,
    tpu.vector_store %arg6[%swap3A_233], %or3A_232 {strides = array<i32>} : memref<2048xi32, #tpu.memory_space<vmem>>, vector<16xi32>,
    %add3A_235 = arith.constant 144 : i32
    %add3A_236 = vector.broadcast %add3A_235 : i32 to vector<16xi32>
    %add3A_237 = arith.addi %add3A_236, %iota3A : vector<16xi32>
    %shift_right_arithmetic3A_238 = arith.constant 6 : i32
    %shift_right_arithmetic3A_239 = vector.broadcast %shift_right_arithmetic3A_238 : i32 to vector<16xi32>
    %shift_right_arithmetic3A_240 = arith.shrsi %add3A_237, %shift_right_arithmetic3A_239 : vector<16xi32>
    %shift_left3A_241 = arith.constant 3 : i32
    %shift_left3A_242 = vector.broadcast %shift_left3A_241 : i32 to vector<16xi32>
    %shift_left3A_243 = arith.shli %shift_right_arithmetic3A_240, %shift_left3A_242 : vector<16xi32>
    %and3A_244 = arith.constant 7 : i32
    %and3A_245 = vector.broadcast %and3A_244 : i32 to vector<16xi32>
    %and3A_246 = arith.andi %add3A_237, %and3A_245 : vector<16xi32>
    %add3A_247 = arith.addi %shift_left3A_243, %and3A_246 : vector<16xi32>
    %shift_right_arithmetic3A_248 = arith.constant 3 : i32
    %shift_right_arithmetic3A_249 = vector.broadcast %shift_right_arithmetic3A_248 : i32 to vector<16xi32>
    %shift_right_arithmetic3A_250 = arith.shrsi %add3A_237, %shift_right_arithmetic3A_249 : vector<16xi32>
    %and3A_251 = arith.constant 7 : i32
    %and3A_252 = vector.broadcast %and3A_251 : i32 to vector<16xi32>
    %and3A_253 = arith.andi %shift_right_arithmetic3A_250, %and3A_252 : vector<16xi32>
    %gather3A_254 = tpu.vector_load_idx %arg5[%add3A_247] : memref<256xi32, #tpu.memory_space<vmem>>[vector<16xi32>], vector<16xi32>,
    %shift_left3A_255 = arith.constant 3 : i32
    %shift_left3A_256 = vector.broadcast %shift_left3A_255 : i32 to vector<16xi32>
    %shift_left3A_257 = arith.shli %gather3A_254, %shift_left3A_256 : vector<16xi32>
    %or3A_258 = arith.ori %shift_left3A_257, %and3A_253 : vector<16xi32>
    %swap3A_259 = arith.constant 144 : index
    %swap3A_260 = tpu.vector_load %arg6[%swap3A_259] {strides = array<i32>} : memref<2048xi32, #tpu.memory_space<vmem>>, vector<16xi32>,
    tpu.vector_store %arg6[%swap3A_259], %or3A_258 {strides = array<i32>} : memref<2048xi32, #tpu.memory_space<vmem>>, vector<16xi32>,
    %add3A_261 = arith.constant 160 : i32
    %add3A_262 = vector.broadcast %add3A_261 : i32 to vector<16xi32>
    %add3A_263 = arith.addi %add3A_262, %iota3A : vector<16xi32>
    %shift_right_arithmetic3A_264 = arith.constant 6 : i32
    %shift_right_arithmetic3A_265 = vector.broadcast %shift_right_arithmetic3A_264 : i32 to vector<16xi32>
    %shift_right_arithmetic3A_266 = arith.shrsi %add3A_263, %shift_right_arithmetic3A_265 : vector<16xi32>
    %shift_left3A_267 = arith.constant 3 : i32
    %shift_left3A_268 = vector.broadcast %shift_left3A_267 : i32 to vector<16xi32>
    %shift_left3A_269 = arith.shli %shift_right_arithmetic3A_266, %shift_left3A_268 : vector<16xi32>
    %and3A_270 = arith.constant 7 : i32
    %and3A_271 = vector.broadcast %and3A_270 : i32 to vector<16xi32>
    %and3A_272 = arith.andi %add3A_263, %and3A_271 : vector<16xi32>
    %add3A_273 = arith.addi %shift_left3A_269, %and3A_272 : vector<16xi32>
    %shift_right_arithmetic3A_274 = arith.constant 3 : i32
    %shift_right_arithmetic3A_275 = vector.broadcast %shift_right_arithmetic3A_274 : i32 to vector<16xi32>
    %shift_right_arithmetic3A_276 = arith.shrsi %add3A_263, %shift_right_arithmetic3A_275 : vector<16xi32>
    %and3A_277 = arith.constant 7 : i32
    %and3A_278 = vector.broadcast %and3A_277 : i32 to vector<16xi32>
    %and3A_279 = arith.andi %shift_right_arithmetic3A_276, %and3A_278 : vector<16xi32>
    %gather3A_280 = tpu.vector_load_idx %arg5[%add3A_273] : memref<256xi32, #tpu.memory_space<vmem>>[vector<16xi32>], vector<16xi32>,
    %shift_left3A_281 = arith.constant 3 : i32
    %shift_left3A_282 = vector.broadcast %shift_left3A_281 : i32 to vector<16xi32>
    %shift_left3A_283 = arith.shli %gather3A_280, %shift_left3A_282 : vector<16xi32>
    %or3A_284 = arith.ori %shift_left3A_283, %and3A_279 : vector<16xi32>
    %swap3A_285 = arith.constant 160 : index
    %swap3A_286 = tpu.vector_load %arg6[%swap3A_285] {strides = array<i32>} : memref<2048xi32, #tpu.memory_space<vmem>>, vector<16xi32>,
    tpu.vector_store %arg6[%swap3A_285], %or3A_284 {strides = array<i32>} : memref<2048xi32, #tpu.memory_space<vmem>>, vector<16xi32>,
    %add3A_287 = arith.constant 176 : i32
    %add3A_288 = vector.broadcast %add3A_287 : i32 to vector<16xi32>
    %add3A_289 = arith.addi %add3A_288, %iota3A : vector<16xi32>
    %shift_right_arithmetic3A_290 = arith.constant 6 : i32
    %shift_right_arithmetic3A_291 = vector.broadcast %shift_right_arithmetic3A_290 : i32 to vector<16xi32>
    %shift_right_arithmetic3A_292 = arith.shrsi %add3A_289, %shift_right_arithmetic3A_291 : vector<16xi32>
    %shift_left3A_293 = arith.constant 3 : i32
    %shift_left3A_294 = vector.broadcast %shift_left3A_293 : i32 to vector<16xi32>
    %shift_left3A_295 = arith.shli %shift_right_arithmetic3A_292, %shift_left3A_294 : vector<16xi32>
    %and3A_296 = arith.constant 7 : i32
    %and3A_297 = vector.broadcast %and3A_296 : i32 to vector<16xi32>
    %and3A_298 = arith.andi %add3A_289, %and3A_297 : vector<16xi32>
    %add3A_299 = arith.addi %shift_left3A_295, %and3A_298 : vector<16xi32>
    %shift_right_arithmetic3A_300 = arith.constant 3 : i32
    %shift_right_arithmetic3A_301 = vector.broadcast %shift_right_arithmetic3A_300 : i32 to vector<16xi32>
    %shift_right_arithmetic3A_302 = arith.shrsi %add3A_289, %shift_right_arithmetic3A_301 : vector<16xi32>
    %and3A_303 = arith.constant 7 : i32
    %and3A_304 = vector.broadcast %and3A_303 : i32 to vector<16xi32>
    %and3A_305 = arith.andi %shift_right_arithmetic3A_302, %and3A_304 : vector<16xi32>
    %gather3A_306 = tpu.vector_load_idx %arg5[%add3A_299] : memref<256xi32, #tpu.memory_space<vmem>>[vector<16xi32>], vector<16xi32>,
    %shift_left3A_307 = arith.constant 3 : i32
    %shift_left3A_308 = vector.broadcast %shift_left3A_307 : i32 to vector<16xi32>
    %shift_left3A_309 = arith.shli %gather3A_306, %shift_left3A_308 : vector<16xi32>
    %or3A_310 = arith.ori %shift_left3A_309, %and3A_305 : vector<16xi32>
    %swap3A_311 = arith.constant 176 : index
    %swap3A_312 = tpu.vector_load %arg6[%swap3A_311] {strides = array<i32>} : memref<2048xi32, #tpu.memory_space<vmem>>, vector<16xi32>,
    tpu.vector_store %arg6[%swap3A_311], %or3A_310 {strides = array<i32>} : memref<2048xi32, #tpu.memory_space<vmem>>, vector<16xi32>,
    %add3A_313 = arith.constant 192 : i32
    %add3A_314 = vector.broadcast %add3A_313 : i32 to vector<16xi32>
    %add3A_315 = arith.addi %add3A_314, %iota3A : vector<16xi32>
    %shift_right_arithmetic3A_316 = arith.constant 6 : i32
    %shift_right_arithmetic3A_317 = vector.broadcast %shift_right_arithmetic3A_316 : i32 to vector<16xi32>
    %shift_right_arithmetic3A_318 = arith.shrsi %add3A_315, %shift_right_arithmetic3A_317 : vector<16xi32>
    %shift_left3A_319 = arith.constant 3 : i32
    %shift_left3A_320 = vector.broadcast %shift_left3A_319 : i32 to vector<16xi32>
    %shift_left3A_321 = arith.shli %shift_right_arithmetic3A_318, %shift_left3A_320 : vector<16xi32>
    %and3A_322 = arith.constant 7 : i32
    %and3A_323 = vector.broadcast %and3A_322 : i32 to vector<16xi32>
    %and3A_324 = arith.andi %add3A_315, %and3A_323 : vector<16xi32>
    %add3A_325 = arith.addi %shift_left3A_321, %and3A_324 : vector<16xi32>
    %shift_right_arithmetic3A_326 = arith.constant 3 : i32
    %shift_right_arithmetic3A_327 = vector.broadcast %shift_right_arithmetic3A_326 : i32 to vector<16xi32>
    %shift_right_arithmetic3A_328 = arith.shrsi %add3A_315, %shift_right_arithmetic3A_327 : vector<16xi32>
    %and3A_329 = arith.constant 7 : i32
    %and3A_330 = vector.broadcast %and3A_329 : i32 to vector<16xi32>
    %and3A_331 = arith.andi %shift_right_arithmetic3A_328, %and3A_330 : vector<16xi32>
    %gather3A_332 = tpu.vector_load_idx %arg5[%add3A_325] : memref<256xi32, #tpu.memory_space<vmem>>[vector<16xi32>], vector<16xi32>,
    %shift_left3A_333 = arith.constant 3 : i32
    %shift_left3A_334 = vector.broadcast %shift_left3A_333 : i32 to vector<16xi32>
    %shift_left3A_335 = arith.shli %gather3A_332, %shift_left3A_334 : vector<16xi32>
    %or3A_336 = arith.ori %shift_left3A_335, %and3A_331 : vector<16xi32>
    %swap3A_337 = arith.constant 192 : index
    %swap3A_338 = tpu.vector_load %arg6[%swap3A_337] {strides = array<i32>} : memref<2048xi32, #tpu.memory_space<vmem>>, vector<16xi32>,
    tpu.vector_store %arg6[%swap3A_337], %or3A_336 {strides = array<i32>} : memref<2048xi32, #tpu.memory_space<vmem>>, vector<16xi32>,
    %add3A_339 = arith.constant 208 : i32
    %add3A_340 = vector.broadcast %add3A_339 : i32 to vector<16xi32>
    %add3A_341 = arith.addi %add3A_340, %iota3A : vector<16xi32>
    %shift_right_arithmetic3A_342 = arith.constant 6 : i32
    %shift_right_arithmetic3A_343 = vector.broadcast %shift_right_arithmetic3A_342 : i32 to vector<16xi32>
    %shift_right_arithmetic3A_344 = arith.shrsi %add3A_341, %shift_right_arithmetic3A_343 : vector<16xi32>
    %shift_left3A_345 = arith.constant 3 : i32
    %shift_left3A_346 = vector.broadcast %shift_left3A_345 : i32 to vector<16xi32>
    %shift_left3A_347 = arith.shli %shift_right_arithmetic3A_344, %shift_left3A_346 : vector<16xi32>
    %and3A_348 = arith.constant 7 : i32
    %and3A_349 = vector.broadcast %and3A_348 : i32 to vector<16xi32>
    %and3A_350 = arith.andi %add3A_341, %and3A_349 : vector<16xi32>
    %add3A_351 = arith.addi %shift_left3A_347, %and3A_350 : vector<16xi32>
    %shift_right_arithmetic3A_352 = arith.constant 3 : i32
    %shift_right_arithmetic3A_353 = vector.broadcast %shift_right_arithmetic3A_352 : i32 to vector<16xi32>
    %shift_right_arithmetic3A_354 = arith.shrsi %add3A_341, %shift_right_arithmetic3A_353 : vector<16xi32>
    %and3A_355 = arith.constant 7 : i32
    %and3A_356 = vector.broadcast %and3A_355 : i32 to vector<16xi32>
    %and3A_357 = arith.andi %shift_right_arithmetic3A_354, %and3A_356 : vector<16xi32>
    %gather3A_358 = tpu.vector_load_idx %arg5[%add3A_351] : memref<256xi32, #tpu.memory_space<vmem>>[vector<16xi32>], vector<16xi32>,
    %shift_left3A_359 = arith.constant 3 : i32
    %shift_left3A_360 = vector.broadcast %shift_left3A_359 : i32 to vector<16xi32>
    %shift_left3A_361 = arith.shli %gather3A_358, %shift_left3A_360 : vector<16xi32>
    %or3A_362 = arith.ori %shift_left3A_361, %and3A_357 : vector<16xi32>
    %swap3A_363 = arith.constant 208 : index
    %swap3A_364 = tpu.vector_load %arg6[%swap3A_363] {strides = array<i32>} : memref<2048xi32, #tpu.memory_space<vmem>>, vector<16xi32>,
    tpu.vector_store %arg6[%swap3A_363], %or3A_362 {strides = array<i32>} : memref<2048xi32, #tpu.memory_space<vmem>>, vector<16xi32>,
    %add3A_365 = arith.constant 224 : i32
    %add3A_366 = vector.broadcast %add3A_365 : i32 to vector<16xi32>
    %add3A_367 = arith.addi %add3A_366, %iota3A : vector<16xi32>
    %shift_right_arithmetic3A_368 = arith.constant 6 : i32
    %shift_right_arithmetic3A_369 = vector.broadcast %shift_right_arithmetic3A_368 : i32 to vector<16xi32>
    %shift_right_arithmetic3A_370 = arith.shrsi %add3A_367, %shift_right_arithmetic3A_369 : vector<16xi32>
    %shift_left3A_371 = arith.constant 3 : i32
    %shift_left3A_372 = vector.broadcast %shift_left3A_371 : i32 to vector<16xi32>
    %shift_left3A_373 = arith.shli %shift_right_arithmetic3A_370, %shift_left3A_372 : vector<16xi32>
    %and3A_374 = arith.constant 7 : i32
    %and3A_375 = vector.broadcast %and3A_374 : i32 to vector<16xi32>
    %and3A_376 = arith.andi %add3A_367, %and3A_375 : vector<16xi32>
    %add3A_377 = arith.addi %shift_left3A_373, %and3A_376 : vector<16xi32>
    %shift_right_arithmetic3A_378 = arith.constant 3 : i32
    %shift_right_arithmetic3A_379 = vector.broadcast %shift_right_arithmetic3A_378 : i32 to vector<16xi32>
    %shift_right_arithmetic3A_380 = arith.shrsi %add3A_367, %shift_right_arithmetic3A_379 : vector<16xi32>
    %and3A_381 = arith.constant 7 : i32
    %and3A_382 = vector.broadcast %and3A_381 : i32 to vector<16xi32>
    %and3A_383 = arith.andi %shift_right_arithmetic3A_380, %and3A_382 : vector<16xi32>
    %gather3A_384 = tpu.vector_load_idx %arg5[%add3A_377] : memref<256xi32, #tpu.memory_space<vmem>>[vector<16xi32>], vector<16xi32>,
    %shift_left3A_385 = arith.constant 3 : i32
    %shift_left3A_386 = vector.broadcast %shift_left3A_385 : i32 to vector<16xi32>
    %shift_left3A_387 = arith.shli %gather3A_384, %shift_left3A_386 : vector<16xi32>
    %or3A_388 = arith.ori %shift_left3A_387, %and3A_383 : vector<16xi32>
    %swap3A_389 = arith.constant 224 : index
    %swap3A_390 = tpu.vector_load %arg6[%swap3A_389] {strides = array<i32>} : memref<2048xi32, #tpu.memory_space<vmem>>, vector<16xi32>,
    tpu.vector_store %arg6[%swap3A_389], %or3A_388 {strides = array<i32>} : memref<2048xi32, #tpu.memory_space<vmem>>, vector<16xi32>,
    %add3A_391 = arith.constant 240 : i32
    %add3A_392 = vector.broadcast %add3A_391 : i32 to vector<16xi32>
    %add3A_393 = arith.addi %add3A_392, %iota3A : vector<16xi32>
    %shift_right_arithmetic3A_394 = arith.constant 6 : i32
    %shift_right_arithmetic3A_395 = vector.broadcast %shift_right_arithmetic3A_394 : i32 to vector<16xi32>
    %shift_right_arithmetic3A_396 = arith.shrsi %add3A_393, %shift_right_arithmetic3A_395 : vector<16xi32>
    %shift_left3A_397 = arith.constant 3 : i32
    %shift_left3A_398 = vector.broadcast %shift_left3A_397 : i32 to vector<16xi32>
    %shift_left3A_399 = arith.shli %shift_right_arithmetic3A_396, %shift_left3A_398 : vector<16xi32>
    %and3A_400 = arith.constant 7 : i32
    %and3A_401 = vector.broadcast %and3A_400 : i32 to vector<16xi32>
    %and3A_402 = arith.andi %add3A_393, %and3A_401 : vector<16xi32>
    %add3A_403 = arith.addi %shift_left3A_399, %and3A_402 : vector<16xi32>
    %shift_right_arithmetic3A_404 = arith.constant 3 : i32
    %shift_right_arithmetic3A_405 = vector.broadcast %shift_right_arithmetic3A_404 : i32 to vector<16xi32>
    %shift_right_arithmetic3A_406 = arith.shrsi %add3A_393, %shift_right_arithmetic3A_405 : vector<16xi32>
    %and3A_407 = arith.constant 7 : i32
    %and3A_408 = vector.broadcast %and3A_407 : i32 to vector<16xi32>
    %and3A_409 = arith.andi %shift_right_arithmetic3A_406, %and3A_408 : vector<16xi32>
    %gather3A_410 = tpu.vector_load_idx %arg5[%add3A_403] : memref<256xi32, #tpu.memory_space<vmem>>[vector<16xi32>], vector<16xi32>,
    %shift_left3A_411 = arith.constant 3 : i32
    %shift_left3A_412 = vector.broadcast %shift_left3A_411 : i32 to vector<16xi32>
    %shift_left3A_413 = arith.shli %gather3A_410, %shift_left3A_412 : vector<16xi32>
    %or3A_414 = arith.ori %shift_left3A_413, %and3A_409 : vector<16xi32>
    %swap3A_415 = arith.constant 240 : index
    %swap3A_416 = tpu.vector_load %arg6[%swap3A_415] {strides = array<i32>} : memref<2048xi32, #tpu.memory_space<vmem>>, vector<16xi32>,
    tpu.vector_store %arg6[%swap3A_415], %or3A_414 {strides = array<i32>} : memref<2048xi32, #tpu.memory_space<vmem>>, vector<16xi32>,
    %dma_start3A_417 = arith.constant 128 : i32
    %dma_start3A_418 = tpu.memref_slice %arg6[%dma_start3A_417] : memref<2048xi32, #tpu.memory_space<vmem>> -> memref<128xi32, #tpu.memory_space<vmem>>
    %dma_start3A_419 = arith.constant 0 : i32
    %dma_start3A_420 = arith.constant 0 : i32
    %dma_start3A_421 = tpu.memref_slice %arg3[%dma_start3A_419, %dma_start3A_420] : memref<65544x128xf32, #tpu.memory_space<hbm>> -> memref<65544x128xf32, #tpu.memory_space<hbm>>
    tpu.enqueue_indirect_dma source(%dma_start3A_421 : memref<65544x128xf32, #tpu.memory_space<hbm>>) target(%arg8 : memref<128x128xf32, #tpu.memory_space<vmem>>) offsets(%dma_start3A_418 : memref<128xi32, #tpu.memory_space<vmem>>) semaphore(%arg14 : memref<!tpu.dma_semaphore, #tpu.memory_space<semaphore_mem>>)
    %add3A_422 = arith.constant 256 : i32
    %add3A_423 = vector.broadcast %add3A_422 : i32 to vector<16xi32>
    %add3A_424 = arith.addi %add3A_423, %iota3A : vector<16xi32>
    %shift_right_arithmetic3A_425 = arith.constant 6 : i32
    %shift_right_arithmetic3A_426 = vector.broadcast %shift_right_arithmetic3A_425 : i32 to vector<16xi32>
    %shift_right_arithmetic3A_427 = arith.shrsi %add3A_424, %shift_right_arithmetic3A_426 : vector<16xi32>
    %shift_left3A_428 = arith.constant 3 : i32
    %shift_left3A_429 = vector.broadcast %shift_left3A_428 : i32 to vector<16xi32>
    %shift_left3A_430 = arith.shli %shift_right_arithmetic3A_427, %shift_left3A_429 : vector<16xi32>
    %and3A_431 = arith.constant 7 : i32
    %and3A_432 = vector.broadcast %and3A_431 : i32 to vector<16xi32>
    %and3A_433 = arith.andi %add3A_424, %and3A_432 : vector<16xi32>
    %add3A_434 = arith.addi %shift_left3A_430, %and3A_433 : vector<16xi32>
    %shift_right_arithmetic3A_435 = arith.constant 3 : i32
    %shift_right_arithmetic3A_436 = vector.broadcast %shift_right_arithmetic3A_435 : i32 to vector<16xi32>
    %shift_right_arithmetic3A_437 = arith.shrsi %add3A_424, %shift_right_arithmetic3A_436 : vector<16xi32>
    %and3A_438 = arith.constant 7 : i32
    %and3A_439 = vector.broadcast %and3A_438 : i32 to vector<16xi32>
    %and3A_440 = arith.andi %shift_right_arithmetic3A_437, %and3A_439 : vector<16xi32>
    %gather3A_441 = tpu.vector_load_idx %arg5[%add3A_434] : memref<256xi32, #tpu.memory_space<vmem>>[vector<16xi32>], vector<16xi32>,
    %shift_left3A_442 = arith.constant 3 : i32
    %shift_left3A_443 = vector.broadcast %shift_left3A_442 : i32 to vector<16xi32>
    %shift_left3A_444 = arith.shli %gather3A_441, %shift_left3A_443 : vector<16xi32>
    %or3A_445 = arith.ori %shift_left3A_444, %and3A_440 : vector<16xi32>
    %swap3A_446 = arith.constant 256 : index
    %swap3A_447 = tpu.vector_load %arg6[%swap3A_446] {strides = array<i32>} : memref<2048xi32, #tpu.memory_space<vmem>>, vector<16xi32>,
    tpu.vector_store %arg6[%swap3A_446], %or3A_445 {strides = array<i32>} : memref<2048xi32, #tpu.memory_space<vmem>>, vector<16xi32>,
    %add3A_448 = arith.constant 272 : i32
    %add3A_449 = vector.broadcast %add3A_448 : i32 to vector<16xi32>
    %add3A_450 = arith.addi %add3A_449, %iota3A : vector<16xi32>
    %shift_right_arithmetic3A_451 = arith.constant 6 : i32
    %shift_right_arithmetic3A_452 = vector.broadcast %shift_right_arithmetic3A_451 : i32 to vector<16xi32>
    %shift_right_arithmetic3A_453 = arith.shrsi %add3A_450, %shift_right_arithmetic3A_452 : vector<16xi32>
    %shift_left3A_454 = arith.constant 3 : i32
    %shift_left3A_455 = vector.broadcast %shift_left3A_454 : i32 to vector<16xi32>
    %shift_left3A_456 = arith.shli %shift_right_arithmetic3A_453, %shift_left3A_455 : vector<16xi32>
    %and3A_457 = arith.constant 7 : i32
    %and3A_458 = vector.broadcast %and3A_457 : i32 to vector<16xi32>
    %and3A_459 = arith.andi %add3A_450, %and3A_458 : vector<16xi32>
    %add3A_460 = arith.addi %shift_left3A_456, %and3A_459 : vector<16xi32>
    %shift_right_arithmetic3A_461 = arith.constant 3 : i32
    %shift_right_arithmetic3A_462 = vector.broadcast %shift_right_arithmetic3A_461 : i32 to vector<16xi32>
    %shift_right_arithmetic3A_463 = arith.shrsi %add3A_450, %shift_right_arithmetic3A_462 : vector<16xi32>
    %and3A_464 = arith.constant 7 : i32
    %and3A_465 = vector.broadcast %and3A_464 : i32 to vector<16xi32>
    %and3A_466 = arith.andi %shift_right_arithmetic3A_463, %and3A_465 : vector<16xi32>
    %gather3A_467 = tpu.vector_load_idx %arg5[%add3A_460] : memref<256xi32, #tpu.memory_space<vmem>>[vector<16xi32>], vector<16xi32>,
    %shift_left3A_468 = arith.constant 3 : i32
    %shift_left3A_469 = vector.broadcast %shift_left3A_468 : i32 to vector<16xi32>
    %shift_left3A_470 = arith.shli %gather3A_467, %shift_left3A_469 : vector<16xi32>
    %or3A_471 = arith.ori %shift_left3A_470, %and3A_466 : vector<16xi32>
    %swap3A_472 = arith.constant 272 : index
    %swap3A_473 = tpu.vector_load %arg6[%swap3A_472] {strides = array<i32>} : memref<2048xi32, #tpu.memory_space<vmem>>, vector<16xi32>,
    tpu.vector_store %arg6[%swap3A_472], %or3A_471 {strides = array<i32>} : memref<2048xi32, #tpu.memory_space<vmem>>, vector<16xi32>,
    %add3A_474 = arith.constant 288 : i32
    %add3A_475 = vector.broadcast %add3A_474 : i32 to vector<16xi32>
    %add3A_476 = arith.addi %add3A_475, %iota3A : vector<16xi32>
    %shift_right_arithmetic3A_477 = arith.constant 6 : i32
    %shift_right_arithmetic3A_478 = vector.broadcast %shift_right_arithmetic3A_477 : i32 to vector<16xi32>
    %shift_right_arithmetic3A_479 = arith.shrsi %add3A_476, %shift_right_arithmetic3A_478 : vector<16xi32>
    %shift_left3A_480 = arith.constant 3 : i32
    %shift_left3A_481 = vector.broadcast %shift_left3A_480 : i32 to vector<16xi32>
    %shift_left3A_482 = arith.shli %shift_right_arithmetic3A_479, %shift_left3A_481 : vector<16xi32>
    %and3A_483 = arith.constant 7 : i32
    %and3A_484 = vector.broadcast %and3A_483 : i32 to vector<16xi32>
    %and3A_485 = arith.andi %add3A_476, %and3A_484 : vector<16xi32>
    %add3A_486 = arith.addi %shift_left3A_482, %and3A_485 : vector<16xi32>
    %shift_right_arithmetic3A_487 = arith.constant 3 : i32
    %shift_right_arithmetic3A_488 = vector.broadcast %shift_right_arithmetic3A_487 : i32 to vector<16xi32>
    %shift_right_arithmetic3A_489 = arith.shrsi %add3A_476, %shift_right_arithmetic3A_488 : vector<16xi32>
    %and3A_490 = arith.constant 7 : i32
    %and3A_491 = vector.broadcast %and3A_490 : i32 to vector<16xi32>
    %and3A_492 = arith.andi %shift_right_arithmetic3A_489, %and3A_491 : vector<16xi32>
    %gather3A_493 = tpu.vector_load_idx %arg5[%add3A_486] : memref<256xi32, #tpu.memory_space<vmem>>[vector<16xi32>], vector<16xi32>,
    %shift_left3A_494 = arith.constant 3 : i32
    %shift_left3A_495 = vector.broadcast %shift_left3A_494 : i32 to vector<16xi32>
    %shift_left3A_496 = arith.shli %gather3A_493, %shift_left3A_495 : vector<16xi32>
    %or3A_497 = arith.ori %shift_left3A_496, %and3A_492 : vector<16xi32>
    %swap3A_498 = arith.constant 288 : index
    %swap3A_499 = tpu.vector_load %arg6[%swap3A_498] {strides = array<i32>} : memref<2048xi32, #tpu.memory_space<vmem>>, vector<16xi32>,
    tpu.vector_store %arg6[%swap3A_498], %or3A_497 {strides = array<i32>} : memref<2048xi32, #tpu.memory_space<vmem>>, vector<16xi32>,
    %add3A_500 = arith.constant 304 : i32
    %add3A_501 = vector.broadcast %add3A_500 : i32 to vector<16xi32>
    %add3A_502 = arith.addi %add3A_501, %iota3A : vector<16xi32>
    %shift_right_arithmetic3A_503 = arith.constant 6 : i32
    %shift_right_arithmetic3A_504 = vector.broadcast %shift_right_arithmetic3A_503 : i32 to vector<16xi32>
    %shift_right_arithmetic3A_505 = arith.shrsi %add3A_502, %shift_right_arithmetic3A_504 : vector<16xi32>
    %shift_left3A_506 = arith.constant 3 : i32
    %shift_left3A_507 = vector.broadcast %shift_left3A_506 : i32 to vector<16xi32>
    %shift_left3A_508 = arith.shli %shift_right_arithmetic3A_505, %shift_left3A_507 : vector<16xi32>
    %and3A_509 = arith.constant 7 : i32
    %and3A_510 = vector.broadcast %and3A_509 : i32 to vector<16xi32>
    %and3A_511 = arith.andi %add3A_502, %and3A_510 : vector<16xi32>
    %add3A_512 = arith.addi %shift_left3A_508, %and3A_511 : vector<16xi32>
    %shift_right_arithmetic3A_513 = arith.constant 3 : i32
    %shift_right_arithmetic3A_514 = vector.broadcast %shift_right_arithmetic3A_513 : i32 to vector<16xi32>
    %shift_right_arithmetic3A_515 = arith.shrsi %add3A_502, %shift_right_arithmetic3A_514 : vector<16xi32>
    %and3A_516 = arith.constant 7 : i32
    %and3A_517 = vector.broadcast %and3A_516 : i32 to vector<16xi32>
    %and3A_518 = arith.andi %shift_right_arithmetic3A_515, %and3A_517 : vector<16xi32>
    %gather3A_519 = tpu.vector_load_idx %arg5[%add3A_512] : memref<256xi32, #tpu.memory_space<vmem>>[vector<16xi32>], vector<16xi32>,
    %shift_left3A_520 = arith.constant 3 : i32
    %shift_left3A_521 = vector.broadcast %shift_left3A_520 : i32 to vector<16xi32>
    %shift_left3A_522 = arith.shli %gather3A_519, %shift_left3A_521 : vector<16xi32>
    %or3A_523 = arith.ori %shift_left3A_522, %and3A_518 : vector<16xi32>
    %swap3A_524 = arith.constant 304 : index
    %swap3A_525 = tpu.vector_load %arg6[%swap3A_524] {strides = array<i32>} : memref<2048xi32, #tpu.memory_space<vmem>>, vector<16xi32>,
    tpu.vector_store %arg6[%swap3A_524], %or3A_523 {strides = array<i32>} : memref<2048xi32, #tpu.memory_space<vmem>>, vector<16xi32>,
    %add3A_526 = arith.constant 320 : i32
    %add3A_527 = vector.broadcast %add3A_526 : i32 to vector<16xi32>
    %add3A_528 = arith.addi %add3A_527, %iota3A : vector<16xi32>
    %shift_right_arithmetic3A_529 = arith.constant 6 : i32
    %shift_right_arithmetic3A_530 = vector.broadcast %shift_right_arithmetic3A_529 : i32 to vector<16xi32>
    %shift_right_arithmetic3A_531 = arith.shrsi %add3A_528, %shift_right_arithmetic3A_530 : vector<16xi32>
    %shift_left3A_532 = arith.constant 3 : i32
    %shift_left3A_533 = vector.broadcast %shift_left3A_532 : i32 to vector<16xi32>
    %shift_left3A_534 = arith.shli %shift_right_arithmetic3A_531, %shift_left3A_533 : vector<16xi32>
    %and3A_535 = arith.constant 7 : i32
    %and3A_536 = vector.broadcast %and3A_535 : i32 to vector<16xi32>
    %and3A_537 = arith.andi %add3A_528, %and3A_536 : vector<16xi32>
    %add3A_538 = arith.addi %shift_left3A_534, %and3A_537 : vector<16xi32>
    %shift_right_arithmetic3A_539 = arith.constant 3 : i32
    %shift_right_arithmetic3A_540 = vector.broadcast %shift_right_arithmetic3A_539 : i32 to vector<16xi32>
    %shift_right_arithmetic3A_541 = arith.shrsi %add3A_528, %shift_right_arithmetic3A_540 : vector<16xi32>
    %and3A_542 = arith.constant 7 : i32
    %and3A_543 = vector.broadcast %and3A_542 : i32 to vector<16xi32>
    %and3A_544 = arith.andi %shift_right_arithmetic3A_541, %and3A_543 : vector<16xi32>
    %gather3A_545 = tpu.vector_load_idx %arg5[%add3A_538] : memref<256xi32, #tpu.memory_space<vmem>>[vector<16xi32>], vector<16xi32>,
    %shift_left3A_546 = arith.constant 3 : i32
    %shift_left3A_547 = vector.broadcast %shift_left3A_546 : i32 to vector<16xi32>
    %shift_left3A_548 = arith.shli %gather3A_545, %shift_left3A_547 : vector<16xi32>
    %or3A_549 = arith.ori %shift_left3A_548, %and3A_544 : vector<16xi32>
    %swap3A_550 = arith.constant 320 : index
    %swap3A_551 = tpu.vector_load %arg6[%swap3A_550] {strides = array<i32>} : memref<2048xi32, #tpu.memory_space<vmem>>, vector<16xi32>,
    tpu.vector_store %arg6[%swap3A_550], %or3A_549 {strides = array<i32>} : memref<2048xi32, #tpu.memory_space<vmem>>, vector<16xi32>,
    %add3A_552 = arith.constant 336 : i32
    %add3A_553 = vector.broadcast %add3A_552 : i32 to vector<16xi32>
    %add3A_554 = arith.addi %add3A_553, %iota3A : vector<16xi32>
    %shift_right_arithmetic3A_555 = arith.constant 6 : i32
    %shift_right_arithmetic3A_556 = vector.broadcast %shift_right_arithmetic3A_555 : i32 to vector<16xi32>
    %shift_right_arithmetic3A_557 = arith.shrsi %add3A_554, %shift_right_arithmetic3A_556 : vector<16xi32>
    %shift_left3A_558 = arith.constant 3 : i32
    %shift_left3A_559 = vector.broadcast %shift_left3A_558 : i32 to vector<16xi32>
    %shift_left3A_560 = arith.shli %shift_right_arithmetic3A_557, %shift_left3A_559 : vector<16xi32>
    %and3A_561 = arith.constant 7 : i32
    %and3A_562 = vector.broadcast %and3A_561 : i32 to vector<16xi32>
    %and3A_563 = arith.andi %add3A_554, %and3A_562 : vector<16xi32>
    %add3A_564 = arith.addi %shift_left3A_560, %and3A_563 : vector<16xi32>
    %shift_right_arithmetic3A_565 = arith.constant 3 : i32
    %shift_right_arithmetic3A_566 = vector.broadcast %shift_right_arithmetic3A_565 : i32 to vector<16xi32>
    %shift_right_arithmetic3A_567 = arith.shrsi %add3A_554, %shift_right_arithmetic3A_566 : vector<16xi32>
    %and3A_568 = arith.constant 7 : i32
    %and3A_569 = vector.broadcast %and3A_568 : i32 to vector<16xi32>
    %and3A_570 = arith.andi %shift_right_arithmetic3A_567, %and3A_569 : vector<16xi32>
    %gather3A_571 = tpu.vector_load_idx %arg5[%add3A_564] : memref<256xi32, #tpu.memory_space<vmem>>[vector<16xi32>], vector<16xi32>,
    %shift_left3A_572 = arith.constant 3 : i32
    %shift_left3A_573 = vector.broadcast %shift_left3A_572 : i32 to vector<16xi32>
    %shift_left3A_574 = arith.shli %gather3A_571, %shift_left3A_573 : vector<16xi32>
    %or3A_575 = arith.ori %shift_left3A_574, %and3A_570 : vector<16xi32>
    %swap3A_576 = arith.constant 336 : index
    %swap3A_577 = tpu.vector_load %arg6[%swap3A_576] {strides = array<i32>} : memref<2048xi32, #tpu.memory_space<vmem>>, vector<16xi32>,
    tpu.vector_store %arg6[%swap3A_576], %or3A_575 {strides = array<i32>} : memref<2048xi32, #tpu.memory_space<vmem>>, vector<16xi32>,
    %add3A_578 = arith.constant 352 : i32
    %add3A_579 = vector.broadcast %add3A_578 : i32 to vector<16xi32>
    %add3A_580 = arith.addi %add3A_579, %iota3A : vector<16xi32>
    %shift_right_arithmetic3A_581 = arith.constant 6 : i32
    %shift_right_arithmetic3A_582 = vector.broadcast %shift_right_arithmetic3A_581 : i32 to vector<16xi32>
    %shift_right_arithmetic3A_583 = arith.shrsi %add3A_580, %shift_right_arithmetic3A_582 : vector<16xi32>
    %shift_left3A_584 = arith.constant 3 : i32
    %shift_left3A_585 = vector.broadcast %shift_left3A_584 : i32 to vector<16xi32>
    %shift_left3A_586 = arith.shli %shift_right_arithmetic3A_583, %shift_left3A_585 : vector<16xi32>
    %and3A_587 = arith.constant 7 : i32
    %and3A_588 = vector.broadcast %and3A_587 : i32 to vector<16xi32>
    %and3A_589 = arith.andi %add3A_580, %and3A_588 : vector<16xi32>
    %add3A_590 = arith.addi %shift_left3A_586, %and3A_589 : vector<16xi32>
    %shift_right_arithmetic3A_591 = arith.constant 3 : i32
    %shift_right_arithmetic3A_592 = vector.broadcast %shift_right_arithmetic3A_591 : i32 to vector<16xi32>
    %shift_right_arithmetic3A_593 = arith.shrsi %add3A_580, %shift_right_arithmetic3A_592 : vector<16xi32>
    %and3A_594 = arith.constant 7 : i32
    %and3A_595 = vector.broadcast %and3A_594 : i32 to vector<16xi32>
    %and3A_596 = arith.andi %shift_right_arithmetic3A_593, %and3A_595 : vector<16xi32>
    %gather3A_597 = tpu.vector_load_idx %arg5[%add3A_590] : memref<256xi32, #tpu.memory_space<vmem>>[vector<16xi32>], vector<16xi32>,
    %shift_left3A_598 = arith.constant 3 : i32
    %shift_left3A_599 = vector.broadcast %shift_left3A_598 : i32 to vector<16xi32>
    %shift_left3A_600 = arith.shli %gather3A_597, %shift_left3A_599 : vector<16xi32>
    %or3A_601 = arith.ori %shift_left3A_600, %and3A_596 : vector<16xi32>
    %swap3A_602 = arith.constant 352 : index
    %swap3A_603 = tpu.vector_load %arg6[%swap3A_602] {strides = array<i32>} : memref<2048xi32, #tpu.memory_space<vmem>>, vector<16xi32>,
    tpu.vector_store %arg6[%swap3A_602], %or3A_601 {strides = array<i32>} : memref<2048xi32, #tpu.memory_space<vmem>>, vector<16xi32>,
    %add3A_604 = arith.constant 368 : i32
    %add3A_605 = vector.broadcast %add3A_604 : i32 to vector<16xi32>
    %add3A_606 = arith.addi %add3A_605, %iota3A : vector<16xi32>
    %shift_right_arithmetic3A_607 = arith.constant 6 : i32
    %shift_right_arithmetic3A_608 = vector.broadcast %shift_right_arithmetic3A_607 : i32 to vector<16xi32>
    %shift_right_arithmetic3A_609 = arith.shrsi %add3A_606, %shift_right_arithmetic3A_608 : vector<16xi32>
    %shift_left3A_610 = arith.constant 3 : i32
    %shift_left3A_611 = vector.broadcast %shift_left3A_610 : i32 to vector<16xi32>
    %shift_left3A_612 = arith.shli %shift_right_arithmetic3A_609, %shift_left3A_611 : vector<16xi32>
    %and3A_613 = arith.constant 7 : i32
    %and3A_614 = vector.broadcast %and3A_613 : i32 to vector<16xi32>
    %and3A_615 = arith.andi %add3A_606, %and3A_614 : vector<16xi32>
    %add3A_616 = arith.addi %shift_left3A_612, %and3A_615 : vector<16xi32>
    %shift_right_arithmetic3A_617 = arith.constant 3 : i32
    %shift_right_arithmetic3A_618 = vector.broadcast %shift_right_arithmetic3A_617 : i32 to vector<16xi32>
    %shift_right_arithmetic3A_619 = arith.shrsi %add3A_606, %shift_right_arithmetic3A_618 : vector<16xi32>
    %and3A_620 = arith.constant 7 : i32
    %and3A_621 = vector.broadcast %and3A_620 : i32 to vector<16xi32>
    %and3A_622 = arith.andi %shift_right_arithmetic3A_619, %and3A_621 : vector<16xi32>
    %gather3A_623 = tpu.vector_load_idx %arg5[%add3A_616] : memref<256xi32, #tpu.memory_space<vmem>>[vector<16xi32>], vector<16xi32>,
    %shift_left3A_624 = arith.constant 3 : i32
    %shift_left3A_625 = vector.broadcast %shift_left3A_624 : i32 to vector<16xi32>
    %shift_left3A_626 = arith.shli %gather3A_623, %shift_left3A_625 : vector<16xi32>
    %or3A_627 = arith.ori %shift_left3A_626, %and3A_622 : vector<16xi32>
    %swap3A_628 = arith.constant 368 : index
    %swap3A_629 = tpu.vector_load %arg6[%swap3A_628] {strides = array<i32>} : memref<2048xi32, #tpu.memory_space<vmem>>, vector<16xi32>,
    tpu.vector_store %arg6[%swap3A_628], %or3A_627 {strides = array<i32>} : memref<2048xi32, #tpu.memory_space<vmem>>, vector<16xi32>,
    %dma_start3A_630 = arith.constant 256 : i32
    %dma_start3A_631 = tpu.memref_slice %arg6[%dma_start3A_630] : memref<2048xi32, #tpu.memory_space<vmem>> -> memref<128xi32, #tpu.memory_space<vmem>>
    %dma_start3A_632 = arith.constant 0 : i32
    %dma_start3A_633 = arith.constant 0 : i32
    %dma_start3A_634 = tpu.memref_slice %arg3[%dma_start3A_632, %dma_start3A_633] : memref<65544x128xf32, #tpu.memory_space<hbm>> -> memref<65544x128xf32, #tpu.memory_space<hbm>>
    tpu.enqueue_indirect_dma source(%dma_start3A_634 : memref<65544x128xf32, #tpu.memory_space<hbm>>) target(%arg9 : memref<128x128xf32, #tpu.memory_space<vmem>>) offsets(%dma_start3A_631 : memref<128xi32, #tpu.memory_space<vmem>>) semaphore(%arg15 : memref<!tpu.dma_semaphore, #tpu.memory_space<semaphore_mem>>)
    %add3A_635 = arith.constant 384 : i32
    %add3A_636 = vector.broadcast %add3A_635 : i32 to vector<16xi32>
    %add3A_637 = arith.addi %add3A_636, %iota3A : vector<16xi32>
    %shift_right_arithmetic3A_638 = arith.constant 6 : i32
    %shift_right_arithmetic3A_639 = vector.broadcast %shift_right_arithmetic3A_638 : i32 to vector<16xi32>
    %shift_right_arithmetic3A_640 = arith.shrsi %add3A_637, %shift_right_arithmetic3A_639 : vector<16xi32>
    %shift_left3A_641 = arith.constant 3 : i32
    %shift_left3A_642 = vector.broadcast %shift_left3A_641 : i32 to vector<16xi32>
    %shift_left3A_643 = arith.shli %shift_right_arithmetic3A_640, %shift_left3A_642 : vector<16xi32>
    %and3A_644 = arith.constant 7 : i32
    %and3A_645 = vector.broadcast %and3A_644 : i32 to vector<16xi32>
    %and3A_646 = arith.andi %add3A_637, %and3A_645 : vector<16xi32>
    %add3A_647 = arith.addi %shift_left3A_643, %and3A_646 : vector<16xi32>
    %shift_right_arithmetic3A_648 = arith.constant 3 : i32
    %shift_right_arithmetic3A_649 = vector.broadcast %shift_right_arithmetic3A_648 : i32 to vector<16xi32>
    %shift_right_arithmetic3A_650 = arith.shrsi %add3A_637, %shift_right_arithmetic3A_649 : vector<16xi32>
    %and3A_651 = arith.constant 7 : i32
    %and3A_652 = vector.broadcast %and3A_651 : i32 to vector<16xi32>
    %and3A_653 = arith.andi %shift_right_arithmetic3A_650, %and3A_652 : vector<16xi32>
    %gather3A_654 = tpu.vector_load_idx %arg5[%add3A_647] : memref<256xi32, #tpu.memory_space<vmem>>[vector<16xi32>], vector<16xi32>,
    %shift_left3A_655 = arith.constant 3 : i32
    %shift_left3A_656 = vector.broadcast %shift_left3A_655 : i32 to vector<16xi32>
    %shift_left3A_657 = arith.shli %gather3A_654, %shift_left3A_656 : vector<16xi32>
    %or3A_658 = arith.ori %shift_left3A_657, %and3A_653 : vector<16xi32>
    %swap3A_659 = arith.constant 384 : index
    %swap3A_660 = tpu.vector_load %arg6[%swap3A_659] {strides = array<i32>} : memref<2048xi32, #tpu.memory_space<vmem>>, vector<16xi32>,
    tpu.vector_store %arg6[%swap3A_659], %or3A_658 {strides = array<i32>} : memref<2048xi32, #tpu.memory_space<vmem>>, vector<16xi32>,
    %add3A_661 = arith.constant 400 : i32
    %add3A_662 = vector.broadcast %add3A_661 : i32 to vector<16xi32>
    %add3A_663 = arith.addi %add3A_662, %iota3A : vector<16xi32>
    %shift_right_arithmetic3A_664 = arith.constant 6 : i32
    %shift_right_arithmetic3A_665 = vector.broadcast %shift_right_arithmetic3A_664 : i32 to vector<16xi32>
    %shift_right_arithmetic3A_666 = arith.shrsi %add3A_663, %shift_right_arithmetic3A_665 : vector<16xi32>
    %shift_left3A_667 = arith.constant 3 : i32
    %shift_left3A_668 = vector.broadcast %shift_left3A_667 : i32 to vector<16xi32>
    %shift_left3A_669 = arith.shli %shift_right_arithmetic3A_666, %shift_left3A_668 : vector<16xi32>
    %and3A_670 = arith.constant 7 : i32
    %and3A_671 = vector.broadcast %and3A_670 : i32 to vector<16xi32>
    %and3A_672 = arith.andi %add3A_663, %and3A_671 : vector<16xi32>
    %add3A_673 = arith.addi %shift_left3A_669, %and3A_672 : vector<16xi32>
    %shift_right_arithmetic3A_674 = arith.constant 3 : i32
    %shift_right_arithmetic3A_675 = vector.broadcast %shift_right_arithmetic3A_674 : i32 to vector<16xi32>
    %shift_right_arithmetic3A_676 = arith.shrsi %add3A_663, %shift_right_arithmetic3A_675 : vector<16xi32>
    %and3A_677 = arith.constant 7 : i32
    %and3A_678 = vector.broadcast %and3A_677 : i32 to vector<16xi32>
    %and3A_679 = arith.andi %shift_right_arithmetic3A_676, %and3A_678 : vector<16xi32>
    %gather3A_680 = tpu.vector_load_idx %arg5[%add3A_673] : memref<256xi32, #tpu.memory_space<vmem>>[vector<16xi32>], vector<16xi32>,
    %shift_left3A_681 = arith.constant 3 : i32
    %shift_left3A_682 = vector.broadcast %shift_left3A_681 : i32 to vector<16xi32>
    %shift_left3A_683 = arith.shli %gather3A_680, %shift_left3A_682 : vector<16xi32>
    %or3A_684 = arith.ori %shift_left3A_683, %and3A_679 : vector<16xi32>
    %swap3A_685 = arith.constant 400 : index
    %swap3A_686 = tpu.vector_load %arg6[%swap3A_685] {strides = array<i32>} : memref<2048xi32, #tpu.memory_space<vmem>>, vector<16xi32>,
    tpu.vector_store %arg6[%swap3A_685], %or3A_684 {strides = array<i32>} : memref<2048xi32, #tpu.memory_space<vmem>>, vector<16xi32>,
    %add3A_687 = arith.constant 416 : i32
    %add3A_688 = vector.broadcast %add3A_687 : i32 to vector<16xi32>
    %add3A_689 = arith.addi %add3A_688, %iota3A : vector<16xi32>
    %shift_right_arithmetic3A_690 = arith.constant 6 : i32
    %shift_right_arithmetic3A_691 = vector.broadcast %shift_right_arithmetic3A_690 : i32 to vector<16xi32>
    %shift_right_arithmetic3A_692 = arith.shrsi %add3A_689, %shift_right_arithmetic3A_691 : vector<16xi32>
    %shift_left3A_693 = arith.constant 3 : i32
    %shift_left3A_694 = vector.broadcast %shift_left3A_693 : i32 to vector<16xi32>
    %shift_left3A_695 = arith.shli %shift_right_arithmetic3A_692, %shift_left3A_694 : vector<16xi32>
    %and3A_696 = arith.constant 7 : i32
    %and3A_697 = vector.broadcast %and3A_696 : i32 to vector<16xi32>
    %and3A_698 = arith.andi %add3A_689, %and3A_697 : vector<16xi32>
    %add3A_699 = arith.addi %shift_left3A_695, %and3A_698 : vector<16xi32>
    %shift_right_arithmetic3A_700 = arith.constant 3 : i32
    %shift_right_arithmetic3A_701 = vector.broadcast %shift_right_arithmetic3A_700 : i32 to vector<16xi32>
    %shift_right_arithmetic3A_702 = arith.shrsi %add3A_689, %shift_right_arithmetic3A_701 : vector<16xi32>
    %and3A_703 = arith.constant 7 : i32
    %and3A_704 = vector.broadcast %and3A_703 : i32 to vector<16xi32>
    %and3A_705 = arith.andi %shift_right_arithmetic3A_702, %and3A_704 : vector<16xi32>
    %gather3A_706 = tpu.vector_load_idx %arg5[%add3A_699] : memref<256xi32, #tpu.memory_space<vmem>>[vector<16xi32>], vector<16xi32>,
    %shift_left3A_707 = arith.constant 3 : i32
    %shift_left3A_708 = vector.broadcast %shift_left3A_707 : i32 to vector<16xi32>
    %shift_left3A_709 = arith.shli %gather3A_706, %shift_left3A_708 : vector<16xi32>
    %or3A_710 = arith.ori %shift_left3A_709, %and3A_705 : vector<16xi32>
    %swap3A_711 = arith.constant 416 : index
    %swap3A_712 = tpu.vector_load %arg6[%swap3A_711] {strides = array<i32>} : memref<2048xi32, #tpu.memory_space<vmem>>, vector<16xi32>,
    tpu.vector_store %arg6[%swap3A_711], %or3A_710 {strides = array<i32>} : memref<2048xi32, #tpu.memory_space<vmem>>, vector<16xi32>,
    %add3A_713 = arith.constant 432 : i32
    %add3A_714 = vector.broadcast %add3A_713 : i32 to vector<16xi32>
    %add3A_715 = arith.addi %add3A_714, %iota3A : vector<16xi32>
    %shift_right_arithmetic3A_716 = arith.constant 6 : i32
    %shift_right_arithmetic3A_717 = vector.broadcast %shift_right_arithmetic3A_716 : i32 to vector<16xi32>
    %shift_right_arithmetic3A_718 = arith.shrsi %add3A_715, %shift_right_arithmetic3A_717 : vector<16xi32>
    %shift_left3A_719 = arith.constant 3 : i32
    %shift_left3A_720 = vector.broadcast %shift_left3A_719 : i32 to vector<16xi32>
    %shift_left3A_721 = arith.shli %shift_right_arithmetic3A_718, %shift_left3A_720 : vector<16xi32>
    %and3A_722 = arith.constant 7 : i32
    %and3A_723 = vector.broadcast %and3A_722 : i32 to vector<16xi32>
    %and3A_724 = arith.andi %add3A_715, %and3A_723 : vector<16xi32>
    %add3A_725 = arith.addi %shift_left3A_721, %and3A_724 : vector<16xi32>
    %shift_right_arithmetic3A_726 = arith.constant 3 : i32
    %shift_right_arithmetic3A_727 = vector.broadcast %shift_right_arithmetic3A_726 : i32 to vector<16xi32>
    %shift_right_arithmetic3A_728 = arith.shrsi %add3A_715, %shift_right_arithmetic3A_727 : vector<16xi32>
    %and3A_729 = arith.constant 7 : i32
    %and3A_730 = vector.broadcast %and3A_729 : i32 to vector<16xi32>
    %and3A_731 = arith.andi %shift_right_arithmetic3A_728, %and3A_730 : vector<16xi32>
    %gather3A_732 = tpu.vector_load_idx %arg5[%add3A_725] : memref<256xi32, #tpu.memory_space<vmem>>[vector<16xi32>], vector<16xi32>,
    %shift_left3A_733 = arith.constant 3 : i32
    %shift_left3A_734 = vector.broadcast %shift_left3A_733 : i32 to vector<16xi32>
    %shift_left3A_735 = arith.shli %gather3A_732, %shift_left3A_734 : vector<16xi32>
    %or3A_736 = arith.ori %shift_left3A_735, %and3A_731 : vector<16xi32>
    %swap3A_737 = arith.constant 432 : index
    %swap3A_738 = tpu.vector_load %arg6[%swap3A_737] {strides = array<i32>} : memref<2048xi32, #tpu.memory_space<vmem>>, vector<16xi32>,
    tpu.vector_store %arg6[%swap3A_737], %or3A_736 {strides = array<i32>} : memref<2048xi32, #tpu.memory_space<vmem>>, vector<16xi32>,
    %add3A_739 = arith.constant 448 : i32
    %add3A_740 = vector.broadcast %add3A_739 : i32 to vector<16xi32>
    %add3A_741 = arith.addi %add3A_740, %iota3A : vector<16xi32>
    %shift_right_arithmetic3A_742 = arith.constant 6 : i32
    %shift_right_arithmetic3A_743 = vector.broadcast %shift_right_arithmetic3A_742 : i32 to vector<16xi32>
    %shift_right_arithmetic3A_744 = arith.shrsi %add3A_741, %shift_right_arithmetic3A_743 : vector<16xi32>
    %shift_left3A_745 = arith.constant 3 : i32
    %shift_left3A_746 = vector.broadcast %shift_left3A_745 : i32 to vector<16xi32>
    %shift_left3A_747 = arith.shli %shift_right_arithmetic3A_744, %shift_left3A_746 : vector<16xi32>
    %and3A_748 = arith.constant 7 : i32
    %and3A_749 = vector.broadcast %and3A_748 : i32 to vector<16xi32>
    %and3A_750 = arith.andi %add3A_741, %and3A_749 : vector<16xi32>
    %add3A_751 = arith.addi %shift_left3A_747, %and3A_750 : vector<16xi32>
    %shift_right_arithmetic3A_752 = arith.constant 3 : i32
    %shift_right_arithmetic3A_753 = vector.broadcast %shift_right_arithmetic3A_752 : i32 to vector<16xi32>
    %shift_right_arithmetic3A_754 = arith.shrsi %add3A_741, %shift_right_arithmetic3A_753 : vector<16xi32>
    %and3A_755 = arith.constant 7 : i32
    %and3A_756 = vector.broadcast %and3A_755 : i32 to vector<16xi32>
    %and3A_757 = arith.andi %shift_right_arithmetic3A_754, %and3A_756 : vector<16xi32>
    %gather3A_758 = tpu.vector_load_idx %arg5[%add3A_751] : memref<256xi32, #tpu.memory_space<vmem>>[vector<16xi32>], vector<16xi32>,
    %shift_left3A_759 = arith.constant 3 : i32
    %shift_left3A_760 = vector.broadcast %shift_left3A_759 : i32 to vector<16xi32>
    %shift_left3A_761 = arith.shli %gather3A_758, %shift_left3A_760 : vector<16xi32>
    %or3A_762 = arith.ori %shift_left3A_761, %and3A_757 : vector<16xi32>
    %swap3A_763 = arith.constant 448 : index
    %swap3A_764 = tpu.vector_load %arg6[%swap3A_763] {strides = array<i32>} : memref<2048xi32, #tpu.memory_space<vmem>>, vector<16xi32>,
    tpu.vector_store %arg6[%swap3A_763], %or3A_762 {strides = array<i32>} : memref<2048xi32, #tpu.memory_space<vmem>>, vector<16xi32>,
    %add3A_765 = arith.constant 464 : i32
    %add3A_766 = vector.broadcast %add3A_765 : i32 to vector<16xi32>
    %add3A_767 = arith.addi %add3A_766, %iota3A : vector<16xi32>
    %shift_right_arithmetic3A_768 = arith.constant 6 : i32
    %shift_right_arithmetic3A_769 = vector.broadcast %shift_right_arithmetic3A_768 : i32 to vector<16xi32>
    %shift_right_arithmetic3A_770 = arith.shrsi %add3A_767, %shift_right_arithmetic3A_769 : vector<16xi32>
    %shift_left3A_771 = arith.constant 3 : i32
    %shift_left3A_772 = vector.broadcast %shift_left3A_771 : i32 to vector<16xi32>
    %shift_left3A_773 = arith.shli %shift_right_arithmetic3A_770, %shift_left3A_772 : vector<16xi32>
    %and3A_774 = arith.constant 7 : i32
    %and3A_775 = vector.broadcast %and3A_774 : i32 to vector<16xi32>
    %and3A_776 = arith.andi %add3A_767, %and3A_775 : vector<16xi32>
    %add3A_777 = arith.addi %shift_left3A_773, %and3A_776 : vector<16xi32>
    %shift_right_arithmetic3A_778 = arith.constant 3 : i32
    %shift_right_arithmetic3A_779 = vector.broadcast %shift_right_arithmetic3A_778 : i32 to vector<16xi32>
    %shift_right_arithmetic3A_780 = arith.shrsi %add3A_767, %shift_right_arithmetic3A_779 : vector<16xi32>
    %and3A_781 = arith.constant 7 : i32
    %and3A_782 = vector.broadcast %and3A_781 : i32 to vector<16xi32>
    %and3A_783 = arith.andi %shift_right_arithmetic3A_780, %and3A_782 : vector<16xi32>
    %gather3A_784 = tpu.vector_load_idx %arg5[%add3A_777] : memref<256xi32, #tpu.memory_space<vmem>>[vector<16xi32>], vector<16xi32>,
    %shift_left3A_785 = arith.constant 3 : i32
    %shift_left3A_786 = vector.broadcast %shift_left3A_785 : i32 to vector<16xi32>
    %shift_left3A_787 = arith.shli %gather3A_784, %shift_left3A_786 : vector<16xi32>
    %or3A_788 = arith.ori %shift_left3A_787, %and3A_783 : vector<16xi32>
    %swap3A_789 = arith.constant 464 : index
    %swap3A_790 = tpu.vector_load %arg6[%swap3A_789] {strides = array<i32>} : memref<2048xi32, #tpu.memory_space<vmem>>, vector<16xi32>,
    tpu.vector_store %arg6[%swap3A_789], %or3A_788 {strides = array<i32>} : memref<2048xi32, #tpu.memory_space<vmem>>, vector<16xi32>,
    %add3A_791 = arith.constant 480 : i32
    %add3A_792 = vector.broadcast %add3A_791 : i32 to vector<16xi32>
    %add3A_793 = arith.addi %add3A_792, %iota3A : vector<16xi32>
    %shift_right_arithmetic3A_794 = arith.constant 6 : i32
    %shift_right_arithmetic3A_795 = vector.broadcast %shift_right_arithmetic3A_794 : i32 to vector<16xi32>
    %shift_right_arithmetic3A_796 = arith.shrsi %add3A_793, %shift_right_arithmetic3A_795 : vector<16xi32>
    %shift_left3A_797 = arith.constant 3 : i32
    %shift_left3A_798 = vector.broadcast %shift_left3A_797 : i32 to vector<16xi32>
    %shift_left3A_799 = arith.shli %shift_right_arithmetic3A_796, %shift_left3A_798 : vector<16xi32>
    %and3A_800 = arith.constant 7 : i32
    %and3A_801 = vector.broadcast %and3A_800 : i32 to vector<16xi32>
    %and3A_802 = arith.andi %add3A_793, %and3A_801 : vector<16xi32>
    %add3A_803 = arith.addi %shift_left3A_799, %and3A_802 : vector<16xi32>
    %shift_right_arithmetic3A_804 = arith.constant 3 : i32
    %shift_right_arithmetic3A_805 = vector.broadcast %shift_right_arithmetic3A_804 : i32 to vector<16xi32>
    %shift_right_arithmetic3A_806 = arith.shrsi %add3A_793, %shift_right_arithmetic3A_805 : vector<16xi32>
    %and3A_807 = arith.constant 7 : i32
    %and3A_808 = vector.broadcast %and3A_807 : i32 to vector<16xi32>
    %and3A_809 = arith.andi %shift_right_arithmetic3A_806, %and3A_808 : vector<16xi32>
    %gather3A_810 = tpu.vector_load_idx %arg5[%add3A_803] : memref<256xi32, #tpu.memory_space<vmem>>[vector<16xi32>], vector<16xi32>,
    %shift_left3A_811 = arith.constant 3 : i32
    %shift_left3A_812 = vector.broadcast %shift_left3A_811 : i32 to vector<16xi32>
    %shift_left3A_813 = arith.shli %gather3A_810, %shift_left3A_812 : vector<16xi32>
    %or3A_814 = arith.ori %shift_left3A_813, %and3A_809 : vector<16xi32>
    %swap3A_815 = arith.constant 480 : index
    %swap3A_816 = tpu.vector_load %arg6[%swap3A_815] {strides = array<i32>} : memref<2048xi32, #tpu.memory_space<vmem>>, vector<16xi32>,
    tpu.vector_store %arg6[%swap3A_815], %or3A_814 {strides = array<i32>} : memref<2048xi32, #tpu.memory_space<vmem>>, vector<16xi32>,
    %add3A_817 = arith.constant 496 : i32
    %add3A_818 = vector.broadcast %add3A_817 : i32 to vector<16xi32>
    %add3A_819 = arith.addi %add3A_818, %iota3A : vector<16xi32>
    %shift_right_arithmetic3A_820 = arith.constant 6 : i32
    %shift_right_arithmetic3A_821 = vector.broadcast %shift_right_arithmetic3A_820 : i32 to vector<16xi32>
    %shift_right_arithmetic3A_822 = arith.shrsi %add3A_819, %shift_right_arithmetic3A_821 : vector<16xi32>
    %shift_left3A_823 = arith.constant 3 : i32
    %shift_left3A_824 = vector.broadcast %shift_left3A_823 : i32 to vector<16xi32>
    %shift_left3A_825 = arith.shli %shift_right_arithmetic3A_822, %shift_left3A_824 : vector<16xi32>
    %and3A_826 = arith.constant 7 : i32
    %and3A_827 = vector.broadcast %and3A_826 : i32 to vector<16xi32>
    %and3A_828 = arith.andi %add3A_819, %and3A_827 : vector<16xi32>
    %add3A_829 = arith.addi %shift_left3A_825, %and3A_828 : vector<16xi32>
    %shift_right_arithmetic3A_830 = arith.constant 3 : i32
    %shift_right_arithmetic3A_831 = vector.broadcast %shift_right_arithmetic3A_830 : i32 to vector<16xi32>
    %shift_right_arithmetic3A_832 = arith.shrsi %add3A_819, %shift_right_arithmetic3A_831 : vector<16xi32>
    %and3A_833 = arith.constant 7 : i32
    %and3A_834 = vector.broadcast %and3A_833 : i32 to vector<16xi32>
    %and3A_835 = arith.andi %shift_right_arithmetic3A_832, %and3A_834 : vector<16xi32>
    %gather3A_836 = tpu.vector_load_idx %arg5[%add3A_829] : memref<256xi32, #tpu.memory_space<vmem>>[vector<16xi32>], vector<16xi32>,
    %shift_left3A_837 = arith.constant 3 : i32
    %shift_left3A_838 = vector.broadcast %shift_left3A_837 : i32 to vector<16xi32>
    %shift_left3A_839 = arith.shli %gather3A_836, %shift_left3A_838 : vector<16xi32>
    %or3A_840 = arith.ori %shift_left3A_839, %and3A_835 : vector<16xi32>
    %swap3A_841 = arith.constant 496 : index
    %swap3A_842 = tpu.vector_load %arg6[%swap3A_841] {strides = array<i32>} : memref<2048xi32, #tpu.memory_space<vmem>>, vector<16xi32>,
    tpu.vector_store %arg6[%swap3A_841], %or3A_840 {strides = array<i32>} : memref<2048xi32, #tpu.memory_space<vmem>>, vector<16xi32>,
    %dma_start3A_843 = arith.constant 384 : i32
    %dma_start3A_844 = tpu.memref_slice %arg6[%dma_start3A_843] : memref<2048xi32, #tpu.memory_space<vmem>> -> memref<128xi32, #tpu.memory_space<vmem>>
    %dma_start3A_845 = arith.constant 0 : i32
    %dma_start3A_846 = arith.constant 0 : i32
    %dma_start3A_847 = tpu.memref_slice %arg3[%dma_start3A_845, %dma_start3A_846] : memref<65544x128xf32, #tpu.memory_space<hbm>> -> memref<65544x128xf32, #tpu.memory_space<hbm>>
    tpu.enqueue_indirect_dma source(%dma_start3A_847 : memref<65544x128xf32, #tpu.memory_space<hbm>>) target(%arg10 : memref<128x128xf32, #tpu.memory_space<vmem>>) offsets(%dma_start3A_844 : memref<128xi32, #tpu.memory_space<vmem>>) semaphore(%arg16 : memref<!tpu.dma_semaphore, #tpu.memory_space<semaphore_mem>>)
    %add3A_848 = arith.constant 512 : i32
    %add3A_849 = vector.broadcast %add3A_848 : i32 to vector<16xi32>
    %add3A_850 = arith.addi %add3A_849, %iota3A : vector<16xi32>
    %shift_right_arithmetic3A_851 = arith.constant 6 : i32
    %shift_right_arithmetic3A_852 = vector.broadcast %shift_right_arithmetic3A_851 : i32 to vector<16xi32>
    %shift_right_arithmetic3A_853 = arith.shrsi %add3A_850, %shift_right_arithmetic3A_852 : vector<16xi32>
    %shift_left3A_854 = arith.constant 3 : i32
    %shift_left3A_855 = vector.broadcast %shift_left3A_854 : i32 to vector<16xi32>
    %shift_left3A_856 = arith.shli %shift_right_arithmetic3A_853, %shift_left3A_855 : vector<16xi32>
    %and3A_857 = arith.constant 7 : i32
    %and3A_858 = vector.broadcast %and3A_857 : i32 to vector<16xi32>
    %and3A_859 = arith.andi %add3A_850, %and3A_858 : vector<16xi32>
    %add3A_860 = arith.addi %shift_left3A_856, %and3A_859 : vector<16xi32>
    %shift_right_arithmetic3A_861 = arith.constant 3 : i32
    %shift_right_arithmetic3A_862 = vector.broadcast %shift_right_arithmetic3A_861 : i32 to vector<16xi32>
    %shift_right_arithmetic3A_863 = arith.shrsi %add3A_850, %shift_right_arithmetic3A_862 : vector<16xi32>
    %and3A_864 = arith.constant 7 : i32
    %and3A_865 = vector.broadcast %and3A_864 : i32 to vector<16xi32>
    %and3A_866 = arith.andi %shift_right_arithmetic3A_863, %and3A_865 : vector<16xi32>
    %gather3A_867 = tpu.vector_load_idx %arg5[%add3A_860] : memref<256xi32, #tpu.memory_space<vmem>>[vector<16xi32>], vector<16xi32>,
    %shift_left3A_868 = arith.constant 3 : i32
    %shift_left3A_869 = vector.broadcast %shift_left3A_868 : i32 to vector<16xi32>
    %shift_left3A_870 = arith.shli %gather3A_867, %shift_left3A_869 : vector<16xi32>
    %or3A_871 = arith.ori %shift_left3A_870, %and3A_866 : vector<16xi32>
    %swap3A_872 = arith.constant 512 : index
    %swap3A_873 = tpu.vector_load %arg6[%swap3A_872] {strides = array<i32>} : memref<2048xi32, #tpu.memory_space<vmem>>, vector<16xi32>,
    tpu.vector_store %arg6[%swap3A_872], %or3A_871 {strides = array<i32>} : memref<2048xi32, #tpu.memory_space<vmem>>, vector<16xi32>,
    %add3A_874 = arith.constant 528 : i32
    %add3A_875 = vector.broadcast %add3A_874 : i32 to vector<16xi32>
    %add3A_876 = arith.addi %add3A_875, %iota3A : vector<16xi32>
    %shift_right_arithmetic3A_877 = arith.constant 6 : i32
    %shift_right_arithmetic3A_878 = vector.broadcast %shift_right_arithmetic3A_877 : i32 to vector<16xi32>
    %shift_right_arithmetic3A_879 = arith.shrsi %add3A_876, %shift_right_arithmetic3A_878 : vector<16xi32>
    %shift_left3A_880 = arith.constant 3 : i32
    %shift_left3A_881 = vector.broadcast %shift_left3A_880 : i32 to vector<16xi32>
    %shift_left3A_882 = arith.shli %shift_right_arithmetic3A_879, %shift_left3A_881 : vector<16xi32>
    %and3A_883 = arith.constant 7 : i32
    %and3A_884 = vector.broadcast %and3A_883 : i32 to vector<16xi32>
    %and3A_885 = arith.andi %add3A_876, %and3A_884 : vector<16xi32>
    %add3A_886 = arith.addi %shift_left3A_882, %and3A_885 : vector<16xi32>
    %shift_right_arithmetic3A_887 = arith.constant 3 : i32
    %shift_right_arithmetic3A_888 = vector.broadcast %shift_right_arithmetic3A_887 : i32 to vector<16xi32>
    %shift_right_arithmetic3A_889 = arith.shrsi %add3A_876, %shift_right_arithmetic3A_888 : vector<16xi32>
    %and3A_890 = arith.constant 7 : i32
    %and3A_891 = vector.broadcast %and3A_890 : i32 to vector<16xi32>
    %and3A_892 = arith.andi %shift_right_arithmetic3A_889, %and3A_891 : vector<16xi32>
    %gather3A_893 = tpu.vector_load_idx %arg5[%add3A_886] : memref<256xi32, #tpu.memory_space<vmem>>[vector<16xi32>], vector<16xi32>,
    %shift_left3A_894 = arith.constant 3 : i32
    %shift_left3A_895 = vector.broadcast %shift_left3A_894 : i32 to vector<16xi32>
    %shift_left3A_896 = arith.shli %gather3A_893, %shift_left3A_895 : vector<16xi32>
    %or3A_897 = arith.ori %shift_left3A_896, %and3A_892 : vector<16xi32>
    %swap3A_898 = arith.constant 528 : index
    %swap3A_899 = tpu.vector_load %arg6[%swap3A_898] {strides = array<i32>} : memref<2048xi32, #tpu.memory_space<vmem>>, vector<16xi32>,
    tpu.vector_store %arg6[%swap3A_898], %or3A_897 {strides = array<i32>} : memref<2048xi32, #tpu.memory_space<vmem>>, vector<16xi32>,
    %add3A_900 = arith.constant 544 : i32
    %add3A_901 = vector.broadcast %add3A_900 : i32 to vector<16xi32>
    %add3A_902 = arith.addi %add3A_901, %iota3A : vector<16xi32>
    %shift_right_arithmetic3A_903 = arith.constant 6 : i32
    %shift_right_arithmetic3A_904 = vector.broadcast %shift_right_arithmetic3A_903 : i32 to vector<16xi32>
    %shift_right_arithmetic3A_905 = arith.shrsi %add3A_902, %shift_right_arithmetic3A_904 : vector<16xi32>
    %shift_left3A_906 = arith.constant 3 : i32
    %shift_left3A_907 = vector.broadcast %shift_left3A_906 : i32 to vector<16xi32>
    %shift_left3A_908 = arith.shli %shift_right_arithmetic3A_905, %shift_left3A_907 : vector<16xi32>
    %and3A_909 = arith.constant 7 : i32
    %and3A_910 = vector.broadcast %and3A_909 : i32 to vector<16xi32>
    %and3A_911 = arith.andi %add3A_902, %and3A_910 : vector<16xi32>
    %add3A_912 = arith.addi %shift_left3A_908, %and3A_911 : vector<16xi32>
    %shift_right_arithmetic3A_913 = arith.constant 3 : i32
    %shift_right_arithmetic3A_914 = vector.broadcast %shift_right_arithmetic3A_913 : i32 to vector<16xi32>
    %shift_right_arithmetic3A_915 = arith.shrsi %add3A_902, %shift_right_arithmetic3A_914 : vector<16xi32>
    %and3A_916 = arith.constant 7 : i32
    %and3A_917 = vector.broadcast %and3A_916 : i32 to vector<16xi32>
    %and3A_918 = arith.andi %shift_right_arithmetic3A_915, %and3A_917 : vector<16xi32>
    %gather3A_919 = tpu.vector_load_idx %arg5[%add3A_912] : memref<256xi32, #tpu.memory_space<vmem>>[vector<16xi32>], vector<16xi32>,
    %shift_left3A_920 = arith.constant 3 : i32
    %shift_left3A_921 = vector.broadcast %shift_left3A_920 : i32 to vector<16xi32>
    %shift_left3A_922 = arith.shli %gather3A_919, %shift_left3A_921 : vector<16xi32>
    %or3A_923 = arith.ori %shift_left3A_922, %and3A_918 : vector<16xi32>
    %swap3A_924 = arith.constant 544 : index
    %swap3A_925 = tpu.vector_load %arg6[%swap3A_924] {strides = array<i32>} : memref<2048xi32, #tpu.memory_space<vmem>>, vector<16xi32>,
    tpu.vector_store %arg6[%swap3A_924], %or3A_923 {strides = array<i32>} : memref<2048xi32, #tpu.memory_space<vmem>>, vector<16xi32>,
    %add3A_926 = arith.constant 560 : i32
    %add3A_927 = vector.broadcast %add3A_926 : i32 to vector<16xi32>
    %add3A_928 = arith.addi %add3A_927, %iota3A : vector<16xi32>
    %shift_right_arithmetic3A_929 = arith.constant 6 : i32
    %shift_right_arithmetic3A_930 = vector.broadcast %shift_right_arithmetic3A_929 : i32 to vector<16xi32>
    %shift_right_arithmetic3A_931 = arith.shrsi %add3A_928, %shift_right_arithmetic3A_930 : vector<16xi32>
    %shift_left3A_932 = arith.constant 3 : i32
    %shift_left3A_933 = vector.broadcast %shift_left3A_932 : i32 to vector<16xi32>
    %shift_left3A_934 = arith.shli %shift_right_arithmetic3A_931, %shift_left3A_933 : vector<16xi32>
    %and3A_935 = arith.constant 7 : i32
    %and3A_936 = vector.broadcast %and3A_935 : i32 to vector<16xi32>
    %and3A_937 = arith.andi %add3A_928, %and3A_936 : vector<16xi32>
    %add3A_938 = arith.addi %shift_left3A_934, %and3A_937 : vector<16xi32>
    %shift_right_arithmetic3A_939 = arith.constant 3 : i32
    %shift_right_arithmetic3A_940 = vector.broadcast %shift_right_arithmetic3A_939 : i32 to vector<16xi32>
    %shift_right_arithmetic3A_941 = arith.shrsi %add3A_928, %shift_right_arithmetic3A_940 : vector<16xi32>
    %and3A_942 = arith.constant 7 : i32
    %and3A_943 = vector.broadcast %and3A_942 : i32 to vector<16xi32>
    %and3A_944 = arith.andi %shift_right_arithmetic3A_941, %and3A_943 : vector<16xi32>
    %gather3A_945 = tpu.vector_load_idx %arg5[%add3A_938] : memref<256xi32, #tpu.memory_space<vmem>>[vector<16xi32>], vector<16xi32>,
    %shift_left3A_946 = arith.constant 3 : i32
    %shift_left3A_947 = vector.broadcast %shift_left3A_946 : i32 to vector<16xi32>
    %shift_left3A_948 = arith.shli %gather3A_945, %shift_left3A_947 : vector<16xi32>
    %or3A_949 = arith.ori %shift_left3A_948, %and3A_944 : vector<16xi32>
    %swap3A_950 = arith.constant 560 : index
    %swap3A_951 = tpu.vector_load %arg6[%swap3A_950] {strides = array<i32>} : memref<2048xi32, #tpu.memory_space<vmem>>, vector<16xi32>,
    tpu.vector_store %arg6[%swap3A_950], %or3A_949 {strides = array<i32>} : memref<2048xi32, #tpu.memory_space<vmem>>, vector<16xi32>,
    %add3A_952 = arith.constant 576 : i32
    %add3A_953 = vector.broadcast %add3A_952 : i32 to vector<16xi32>
    %add3A_954 = arith.addi %add3A_953, %iota3A : vector<16xi32>
    %shift_right_arithmetic3A_955 = arith.constant 6 : i32
    %shift_right_arithmetic3A_956 = vector.broadcast %shift_right_arithmetic3A_955 : i32 to vector<16xi32>
    %shift_right_arithmetic3A_957 = arith.shrsi %add3A_954, %shift_right_arithmetic3A_956 : vector<16xi32>
    %shift_left3A_958 = arith.constant 3 : i32
    %shift_left3A_959 = vector.broadcast %shift_left3A_958 : i32 to vector<16xi32>
    %shift_left3A_960 = arith.shli %shift_right_arithmetic3A_957, %shift_left3A_959 : vector<16xi32>
    %and3A_961 = arith.constant 7 : i32
    %and3A_962 = vector.broadcast %and3A_961 : i32 to vector<16xi32>
    %and3A_963 = arith.andi %add3A_954, %and3A_962 : vector<16xi32>
    %add3A_964 = arith.addi %shift_left3A_960, %and3A_963 : vector<16xi32>
    %shift_right_arithmetic3A_965 = arith.constant 3 : i32
    %shift_right_arithmetic3A_966 = vector.broadcast %shift_right_arithmetic3A_965 : i32 to vector<16xi32>
    %shift_right_arithmetic3A_967 = arith.shrsi %add3A_954, %shift_right_arithmetic3A_966 : vector<16xi32>
    %and3A_968 = arith.constant 7 : i32
    %and3A_969 = vector.broadcast %and3A_968 : i32 to vector<16xi32>
    %and3A_970 = arith.andi %shift_right_arithmetic3A_967, %and3A_969 : vector<16xi32>
    %gather3A_971 = tpu.vector_load_idx %arg5[%add3A_964] : memref<256xi32, #tpu.memory_space<vmem>>[vector<16xi32>], vector<16xi32>,
    %shift_left3A_972 = arith.constant 3 : i32
    %shift_left3A_973 = vector.broadcast %shift_left3A_972 : i32 to vector<16xi32>
    %shift_left3A_974 = arith.shli %gather3A_971, %shift_left3A_973 : vector<16xi32>
    %or3A_975 = arith.ori %shift_left3A_974, %and3A_970 : vector<16xi32>
    %swap3A_976 = arith.constant 576 : index
    %swap3A_977 = tpu.vector_load %arg6[%swap3A_976] {strides = array<i32>} : memref<2048xi32, #tpu.memory_space<vmem>>, vector<16xi32>,
    tpu.vector_store %arg6[%swap3A_976], %or3A_975 {strides = array<i32>} : memref<2048xi32, #tpu.memory_space<vmem>>, vector<16xi32>,
    %add3A_978 = arith.constant 592 : i32
    %add3A_979 = vector.broadcast %add3A_978 : i32 to vector<16xi32>
    %add3A_980 = arith.addi %add3A_979, %iota3A : vector<16xi32>
    %shift_right_arithmetic3A_981 = arith.constant 6 : i32
    %shift_right_arithmetic3A_982 = vector.broadcast %shift_right_arithmetic3A_981 : i32 to vector<16xi32>
    %shift_right_arithmetic3A_983 = arith.shrsi %add3A_980, %shift_right_arithmetic3A_982 : vector<16xi32>
    %shift_left3A_984 = arith.constant 3 : i32
    %shift_left3A_985 = vector.broadcast %shift_left3A_984 : i32 to vector<16xi32>
    %shift_left3A_986 = arith.shli %shift_right_arithmetic3A_983, %shift_left3A_985 : vector<16xi32>
    %and3A_987 = arith.constant 7 : i32
    %and3A_988 = vector.broadcast %and3A_987 : i32 to vector<16xi32>
    %and3A_989 = arith.andi %add3A_980, %and3A_988 : vector<16xi32>
    %add3A_990 = arith.addi %shift_left3A_986, %and3A_989 : vector<16xi32>
    %shift_right_arithmetic3A_991 = arith.constant 3 : i32
    %shift_right_arithmetic3A_992 = vector.broadcast %shift_right_arithmetic3A_991 : i32 to vector<16xi32>
    %shift_right_arithmetic3A_993 = arith.shrsi %add3A_980, %shift_right_arithmetic3A_992 : vector<16xi32>
    %and3A_994 = arith.constant 7 : i32
    %and3A_995 = vector.broadcast %and3A_994 : i32 to vector<16xi32>
    %and3A_996 = arith.andi %shift_right_arithmetic3A_993, %and3A_995 : vector<16xi32>
    %gather3A_997 = tpu.vector_load_idx %arg5[%add3A_990] : memref<256xi32, #tpu.memory_space<vmem>>[vector<16xi32>], vector<16xi32>,
    %shift_left3A_998 = arith.constant 3 : i32
    %shift_left3A_999 = vector.broadcast %shift_left3A_998 : i32 to vector<16xi32>
    %shift_left3A_1000 = arith.shli %gather3A_997, %shift_left3A_999 : vector<16xi32>
    %or3A_1001 = arith.ori %shift_left3A_1000, %and3A_996 : vector<16xi32>
    %swap3A_1002 = arith.constant 592 : index
    %swap3A_1003 = tpu.vector_load %arg6[%swap3A_1002] {strides = array<i32>} : memref<2048xi32, #tpu.memory_space<vmem>>, vector<16xi32>,
    tpu.vector_store %arg6[%swap3A_1002], %or3A_1001 {strides = array<i32>} : memref<2048xi32, #tpu.memory_space<vmem>>, vector<16xi32>,
    %add3A_1004 = arith.constant 608 : i32
    %add3A_1005 = vector.broadcast %add3A_1004 : i32 to vector<16xi32>
    %add3A_1006 = arith.addi %add3A_1005, %iota3A : vector<16xi32>
    %shift_right_arithmetic3A_1007 = arith.constant 6 : i32
    %shift_right_arithmetic3A_1008 = vector.broadcast %shift_right_arithmetic3A_1007 : i32 to vector<16xi32>
    %shift_right_arithmetic3A_1009 = arith.shrsi %add3A_1006, %shift_right_arithmetic3A_1008 : vector<16xi32>
    %shift_left3A_1010 = arith.constant 3 : i32
    %shift_left3A_1011 = vector.broadcast %shift_left3A_1010 : i32 to vector<16xi32>
    %shift_left3A_1012 = arith.shli %shift_right_arithmetic3A_1009, %shift_left3A_1011 : vector<16xi32>
    %and3A_1013 = arith.constant 7 : i32
    %and3A_1014 = vector.broadcast %and3A_1013 : i32 to vector<16xi32>
    %and3A_1015 = arith.andi %add3A_1006, %and3A_1014 : vector<16xi32>
    %add3A_1016 = arith.addi %shift_left3A_1012, %and3A_1015 : vector<16xi32>
    %shift_right_arithmetic3A_1017 = arith.constant 3 : i32
    %shift_right_arithmetic3A_1018 = vector.broadcast %shift_right_arithmetic3A_1017 : i32 to vector<16xi32>
    %shift_right_arithmetic3A_1019 = arith.shrsi %add3A_1006, %shift_right_arithmetic3A_1018 : vector<16xi32>
    %and3A_1020 = arith.constant 7 : i32
    %and3A_1021 = vector.broadcast %and3A_1020 : i32 to vector<16xi32>
    %and3A_1022 = arith.andi %shift_right_arithmetic3A_1019, %and3A_1021 : vector<16xi32>
    %gather3A_1023 = tpu.vector_load_idx %arg5[%add3A_1016] : memref<256xi32, #tpu.memory_space<vmem>>[vector<16xi32>], vector<16xi32>,
    %shift_left3A_1024 = arith.constant 3 : i32
    %shift_left3A_1025 = vector.broadcast %shift_left3A_1024 : i32 to vector<16xi32>
    %shift_left3A_1026 = arith.shli %gather3A_1023, %shift_left3A_1025 : vector<16xi32>
    %or3A_1027 = arith.ori %shift_left3A_1026, %and3A_1022 : vector<16xi32>
    %swap3A_1028 = arith.constant 608 : index
    %swap3A_1029 = tpu.vector_load %arg6[%swap3A_1028] {strides = array<i32>} : memref<2048xi32, #tpu.memory_space<vmem>>, vector<16xi32>,
    tpu.vector_store %arg6[%swap3A_1028], %or3A_1027 {strides = array<i32>} : memref<2048xi32, #tpu.memory_space<vmem>>, vector<16xi32>,
    %add3A_1030 = arith.constant 624 : i32
    %add3A_1031 = vector.broadcast %add3A_1030 : i32 to vector<16xi32>
    %add3A_1032 = arith.addi %add3A_1031, %iota3A : vector<16xi32>
    %shift_right_arithmetic3A_1033 = arith.constant 6 : i32
    %shift_right_arithmetic3A_1034 = vector.broadcast %shift_right_arithmetic3A_1033 : i32 to vector<16xi32>
    %shift_right_arithmetic3A_1035 = arith.shrsi %add3A_1032, %shift_right_arithmetic3A_1034 : vector<16xi32>
    %shift_left3A_1036 = arith.constant 3 : i32
    %shift_left3A_1037 = vector.broadcast %shift_left3A_1036 : i32 to vector<16xi32>
    %shift_left3A_1038 = arith.shli %shift_right_arithmetic3A_1035, %shift_left3A_1037 : vector<16xi32>
    %and3A_1039 = arith.constant 7 : i32
    %and3A_1040 = vector.broadcast %and3A_1039 : i32 to vector<16xi32>
    %and3A_1041 = arith.andi %add3A_1032, %and3A_1040 : vector<16xi32>
    %add3A_1042 = arith.addi %shift_left3A_1038, %and3A_1041 : vector<16xi32>
    %shift_right_arithmetic3A_1043 = arith.constant 3 : i32
    %shift_right_arithmetic3A_1044 = vector.broadcast %shift_right_arithmetic3A_1043 : i32 to vector<16xi32>
    %shift_right_arithmetic3A_1045 = arith.shrsi %add3A_1032, %shift_right_arithmetic3A_1044 : vector<16xi32>
    %and3A_1046 = arith.constant 7 : i32
    %and3A_1047 = vector.broadcast %and3A_1046 : i32 to vector<16xi32>
    %and3A_1048 = arith.andi %shift_right_arithmetic3A_1045, %and3A_1047 : vector<16xi32>
    %gather3A_1049 = tpu.vector_load_idx %arg5[%add3A_1042] : memref<256xi32, #tpu.memory_space<vmem>>[vector<16xi32>], vector<16xi32>,
    %shift_left3A_1050 = arith.constant 3 : i32
    %shift_left3A_1051 = vector.broadcast %shift_left3A_1050 : i32 to vector<16xi32>
    %shift_left3A_1052 = arith.shli %gather3A_1049, %shift_left3A_1051 : vector<16xi32>
    %or3A_1053 = arith.ori %shift_left3A_1052, %and3A_1048 : vector<16xi32>
    %swap3A_1054 = arith.constant 624 : index
    %swap3A_1055 = tpu.vector_load %arg6[%swap3A_1054] {strides = array<i32>} : memref<2048xi32, #tpu.memory_space<vmem>>, vector<16xi32>,
    tpu.vector_store %arg6[%swap3A_1054], %or3A_1053 {strides = array<i32>} : memref<2048xi32, #tpu.memory_space<vmem>>, vector<16xi32>,
    %dma_start3A_1056 = arith.constant 512 : i32
    %dma_start3A_1057 = tpu.memref_slice %arg6[%dma_start3A_1056] : memref<2048xi32, #tpu.memory_space<vmem>> -> memref<128xi32, #tpu.memory_space<vmem>>
    %dma_start3A_1058 = arith.constant 0 : i32
    %dma_start3A_1059 = arith.constant 0 : i32
    %dma_start3A_1060 = tpu.memref_slice %arg3[%dma_start3A_1058, %dma_start3A_1059] : memref<65544x128xf32, #tpu.memory_space<hbm>> -> memref<65544x128xf32, #tpu.memory_space<hbm>>
    tpu.enqueue_indirect_dma source(%dma_start3A_1060 : memref<65544x128xf32, #tpu.memory_space<hbm>>) target(%arg11 : memref<128x128xf32, #tpu.memory_space<vmem>>) offsets(%dma_start3A_1057 : memref<128xi32, #tpu.memory_space<vmem>>) semaphore(%arg17 : memref<!tpu.dma_semaphore, #tpu.memory_space<semaphore_mem>>)
    %add3A_1061 = arith.constant 640 : i32
    %add3A_1062 = vector.broadcast %add3A_1061 : i32 to vector<16xi32>
    %add3A_1063 = arith.addi %add3A_1062, %iota3A : vector<16xi32>
    %shift_right_arithmetic3A_1064 = arith.constant 6 : i32
    %shift_right_arithmetic3A_1065 = vector.broadcast %shift_right_arithmetic3A_1064 : i32 to vector<16xi32>
    %shift_right_arithmetic3A_1066 = arith.shrsi %add3A_1063, %shift_right_arithmetic3A_1065 : vector<16xi32>
    %shift_left3A_1067 = arith.constant 3 : i32
    %shift_left3A_1068 = vector.broadcast %shift_left3A_1067 : i32 to vector<16xi32>
    %shift_left3A_1069 = arith.shli %shift_right_arithmetic3A_1066, %shift_left3A_1068 : vector<16xi32>
    %and3A_1070 = arith.constant 7 : i32
    %and3A_1071 = vector.broadcast %and3A_1070 : i32 to vector<16xi32>
    %and3A_1072 = arith.andi %add3A_1063, %and3A_1071 : vector<16xi32>
    %add3A_1073 = arith.addi %shift_left3A_1069, %and3A_1072 : vector<16xi32>
    %shift_right_arithmetic3A_1074 = arith.constant 3 : i32
    %shift_right_arithmetic3A_1075 = vector.broadcast %shift_right_arithmetic3A_1074 : i32 to vector<16xi32>
    %shift_right_arithmetic3A_1076 = arith.shrsi %add3A_1063, %shift_right_arithmetic3A_1075 : vector<16xi32>
    %and3A_1077 = arith.constant 7 : i32
    %and3A_1078 = vector.broadcast %and3A_1077 : i32 to vector<16xi32>
    %and3A_1079 = arith.andi %shift_right_arithmetic3A_1076, %and3A_1078 : vector<16xi32>
    %gather3A_1080 = tpu.vector_load_idx %arg5[%add3A_1073] : memref<256xi32, #tpu.memory_space<vmem>>[vector<16xi32>], vector<16xi32>,
    %shift_left3A_1081 = arith.constant 3 : i32
    %shift_left3A_1082 = vector.broadcast %shift_left3A_1081 : i32 to vector<16xi32>
    %shift_left3A_1083 = arith.shli %gather3A_1080, %shift_left3A_1082 : vector<16xi32>
    %or3A_1084 = arith.ori %shift_left3A_1083, %and3A_1079 : vector<16xi32>
    %swap3A_1085 = arith.constant 640 : index
    %swap3A_1086 = tpu.vector_load %arg6[%swap3A_1085] {strides = array<i32>} : memref<2048xi32, #tpu.memory_space<vmem>>, vector<16xi32>,
    tpu.vector_store %arg6[%swap3A_1085], %or3A_1084 {strides = array<i32>} : memref<2048xi32, #tpu.memory_space<vmem>>, vector<16xi32>,
    %add3A_1087 = arith.constant 656 : i32
    %add3A_1088 = vector.broadcast %add3A_1087 : i32 to vector<16xi32>
    %add3A_1089 = arith.addi %add3A_1088, %iota3A : vector<16xi32>
    %shift_right_arithmetic3A_1090 = arith.constant 6 : i32
    %shift_right_arithmetic3A_1091 = vector.broadcast %shift_right_arithmetic3A_1090 : i32 to vector<16xi32>
    %shift_right_arithmetic3A_1092 = arith.shrsi %add3A_1089, %shift_right_arithmetic3A_1091 : vector<16xi32>
    %shift_left3A_1093 = arith.constant 3 : i32
    %shift_left3A_1094 = vector.broadcast %shift_left3A_1093 : i32 to vector<16xi32>
    %shift_left3A_1095 = arith.shli %shift_right_arithmetic3A_1092, %shift_left3A_1094 : vector<16xi32>
    %and3A_1096 = arith.constant 7 : i32
    %and3A_1097 = vector.broadcast %and3A_1096 : i32 to vector<16xi32>
    %and3A_1098 = arith.andi %add3A_1089, %and3A_1097 : vector<16xi32>
    %add3A_1099 = arith.addi %shift_left3A_1095, %and3A_1098 : vector<16xi32>
    %shift_right_arithmetic3A_1100 = arith.constant 3 : i32
    %shift_right_arithmetic3A_1101 = vector.broadcast %shift_right_arithmetic3A_1100 : i32 to vector<16xi32>
    %shift_right_arithmetic3A_1102 = arith.shrsi %add3A_1089, %shift_right_arithmetic3A_1101 : vector<16xi32>
    %and3A_1103 = arith.constant 7 : i32
    %and3A_1104 = vector.broadcast %and3A_1103 : i32 to vector<16xi32>
    %and3A_1105 = arith.andi %shift_right_arithmetic3A_1102, %and3A_1104 : vector<16xi32>
    %gather3A_1106 = tpu.vector_load_idx %arg5[%add3A_1099] : memref<256xi32, #tpu.memory_space<vmem>>[vector<16xi32>], vector<16xi32>,
    %shift_left3A_1107 = arith.constant 3 : i32
    %shift_left3A_1108 = vector.broadcast %shift_left3A_1107 : i32 to vector<16xi32>
    %shift_left3A_1109 = arith.shli %gather3A_1106, %shift_left3A_1108 : vector<16xi32>
    %or3A_1110 = arith.ori %shift_left3A_1109, %and3A_1105 : vector<16xi32>
    %swap3A_1111 = arith.constant 656 : index
    %swap3A_1112 = tpu.vector_load %arg6[%swap3A_1111] {strides = array<i32>} : memref<2048xi32, #tpu.memory_space<vmem>>, vector<16xi32>,
    tpu.vector_store %arg6[%swap3A_1111], %or3A_1110 {strides = array<i32>} : memref<2048xi32, #tpu.memory_space<vmem>>, vector<16xi32>,
    %add3A_1113 = arith.constant 672 : i32
    %add3A_1114 = vector.broadcast %add3A_1113 : i32 to vector<16xi32>
    %add3A_1115 = arith.addi %add3A_1114, %iota3A : vector<16xi32>
    %shift_right_arithmetic3A_1116 = arith.constant 6 : i32
    %shift_right_arithmetic3A_1117 = vector.broadcast %shift_right_arithmetic3A_1116 : i32 to vector<16xi32>
    %shift_right_arithmetic3A_1118 = arith.shrsi %add3A_1115, %shift_right_arithmetic3A_1117 : vector<16xi32>
    %shift_left3A_1119 = arith.constant 3 : i32
    %shift_left3A_1120 = vector.broadcast %shift_left3A_1119 : i32 to vector<16xi32>
    %shift_left3A_1121 = arith.shli %shift_right_arithmetic3A_1118, %shift_left3A_1120 : vector<16xi32>
    %and3A_1122 = arith.constant 7 : i32
    %and3A_1123 = vector.broadcast %and3A_1122 : i32 to vector<16xi32>
    %and3A_1124 = arith.andi %add3A_1115, %and3A_1123 : vector<16xi32>
    %add3A_1125 = arith.addi %shift_left3A_1121, %and3A_1124 : vector<16xi32>
    %shift_right_arithmetic3A_1126 = arith.constant 3 : i32
    %shift_right_arithmetic3A_1127 = vector.broadcast %shift_right_arithmetic3A_1126 : i32 to vector<16xi32>
    %shift_right_arithmetic3A_1128 = arith.shrsi %add3A_1115, %shift_right_arithmetic3A_1127 : vector<16xi32>
    %and3A_1129 = arith.constant 7 : i32
    %and3A_1130 = vector.broadcast %and3A_1129 : i32 to vector<16xi32>
    %and3A_1131 = arith.andi %shift_right_arithmetic3A_1128, %and3A_1130 : vector<16xi32>
    %gather3A_1132 = tpu.vector_load_idx %arg5[%add3A_1125] : memref<256xi32, #tpu.memory_space<vmem>>[vector<16xi32>], vector<16xi32>,
    %shift_left3A_1133 = arith.constant 3 : i32
    %shift_left3A_1134 = vector.broadcast %shift_left3A_1133 : i32 to vector<16xi32>
    %shift_left3A_1135 = arith.shli %gather3A_1132, %shift_left3A_1134 : vector<16xi32>
    %or3A_1136 = arith.ori %shift_left3A_1135, %and3A_1131 : vector<16xi32>
    %swap3A_1137 = arith.constant 672 : index
    %swap3A_1138 = tpu.vector_load %arg6[%swap3A_1137] {strides = array<i32>} : memref<2048xi32, #tpu.memory_space<vmem>>, vector<16xi32>,
    tpu.vector_store %arg6[%swap3A_1137], %or3A_1136 {strides = array<i32>} : memref<2048xi32, #tpu.memory_space<vmem>>, vector<16xi32>,
    %add3A_1139 = arith.constant 688 : i32
    %add3A_1140 = vector.broadcast %add3A_1139 : i32 to vector<16xi32>
    %add3A_1141 = arith.addi %add3A_1140, %iota3A : vector<16xi32>
    %shift_right_arithmetic3A_1142 = arith.constant 6 : i32
    %shift_right_arithmetic3A_1143 = vector.broadcast %shift_right_arithmetic3A_1142 : i32 to vector<16xi32>
    %shift_right_arithmetic3A_1144 = arith.shrsi %add3A_1141, %shift_right_arithmetic3A_1143 : vector<16xi32>
    %shift_left3A_1145 = arith.constant 3 : i32
    %shift_left3A_1146 = vector.broadcast %shift_left3A_1145 : i32 to vector<16xi32>
    %shift_left3A_1147 = arith.shli %shift_right_arithmetic3A_1144, %shift_left3A_1146 : vector<16xi32>
    %and3A_1148 = arith.constant 7 : i32
    %and3A_1149 = vector.broadcast %and3A_1148 : i32 to vector<16xi32>
    %and3A_1150 = arith.andi %add3A_1141, %and3A_1149 : vector<16xi32>
    %add3A_1151 = arith.addi %shift_left3A_1147, %and3A_1150 : vector<16xi32>
    %shift_right_arithmetic3A_1152 = arith.constant 3 : i32
    %shift_right_arithmetic3A_1153 = vector.broadcast %shift_right_arithmetic3A_1152 : i32 to vector<16xi32>
    %shift_right_arithmetic3A_1154 = arith.shrsi %add3A_1141, %shift_right_arithmetic3A_1153 : vector<16xi32>
    %and3A_1155 = arith.constant 7 : i32
    %and3A_1156 = vector.broadcast %and3A_1155 : i32 to vector<16xi32>
    %and3A_1157 = arith.andi %shift_right_arithmetic3A_1154, %and3A_1156 : vector<16xi32>
    %gather3A_1158 = tpu.vector_load_idx %arg5[%add3A_1151] : memref<256xi32, #tpu.memory_space<vmem>>[vector<16xi32>], vector<16xi32>,
    %shift_left3A_1159 = arith.constant 3 : i32
    %shift_left3A_1160 = vector.broadcast %shift_left3A_1159 : i32 to vector<16xi32>
    %shift_left3A_1161 = arith.shli %gather3A_1158, %shift_left3A_1160 : vector<16xi32>
    %or3A_1162 = arith.ori %shift_left3A_1161, %and3A_1157 : vector<16xi32>
    %swap3A_1163 = arith.constant 688 : index
    %swap3A_1164 = tpu.vector_load %arg6[%swap3A_1163] {strides = array<i32>} : memref<2048xi32, #tpu.memory_space<vmem>>, vector<16xi32>,
    tpu.vector_store %arg6[%swap3A_1163], %or3A_1162 {strides = array<i32>} : memref<2048xi32, #tpu.memory_space<vmem>>, vector<16xi32>,
    %add3A_1165 = arith.constant 704 : i32
    %add3A_1166 = vector.broadcast %add3A_1165 : i32 to vector<16xi32>
    %add3A_1167 = arith.addi %add3A_1166, %iota3A : vector<16xi32>
    %shift_right_arithmetic3A_1168 = arith.constant 6 : i32
    %shift_right_arithmetic3A_1169 = vector.broadcast %shift_right_arithmetic3A_1168 : i32 to vector<16xi32>
    %shift_right_arithmetic3A_1170 = arith.shrsi %add3A_1167, %shift_right_arithmetic3A_1169 : vector<16xi32>
    %shift_left3A_1171 = arith.constant 3 : i32
    %shift_left3A_1172 = vector.broadcast %shift_left3A_1171 : i32 to vector<16xi32>
    %shift_left3A_1173 = arith.shli %shift_right_arithmetic3A_1170, %shift_left3A_1172 : vector<16xi32>
    %and3A_1174 = arith.constant 7 : i32
    %and3A_1175 = vector.broadcast %and3A_1174 : i32 to vector<16xi32>
    %and3A_1176 = arith.andi %add3A_1167, %and3A_1175 : vector<16xi32>
    %add3A_1177 = arith.addi %shift_left3A_1173, %and3A_1176 : vector<16xi32>
    %shift_right_arithmetic3A_1178 = arith.constant 3 : i32
    %shift_right_arithmetic3A_1179 = vector.broadcast %shift_right_arithmetic3A_1178 : i32 to vector<16xi32>
    %shift_right_arithmetic3A_1180 = arith.shrsi %add3A_1167, %shift_right_arithmetic3A_1179 : vector<16xi32>
    %and3A_1181 = arith.constant 7 : i32
    %and3A_1182 = vector.broadcast %and3A_1181 : i32 to vector<16xi32>
    %and3A_1183 = arith.andi %shift_right_arithmetic3A_1180, %and3A_1182 : vector<16xi32>
    %gather3A_1184 = tpu.vector_load_idx %arg5[%add3A_1177] : memref<256xi32, #tpu.memory_space<vmem>>[vector<16xi32>], vector<16xi32>,
    %shift_left3A_1185 = arith.constant 3 : i32
    %shift_left3A_1186 = vector.broadcast %shift_left3A_1185 : i32 to vector<16xi32>
    %shift_left3A_1187 = arith.shli %gather3A_1184, %shift_left3A_1186 : vector<16xi32>
    %or3A_1188 = arith.ori %shift_left3A_1187, %and3A_1183 : vector<16xi32>
    %swap3A_1189 = arith.constant 704 : index
    %swap3A_1190 = tpu.vector_load %arg6[%swap3A_1189] {strides = array<i32>} : memref<2048xi32, #tpu.memory_space<vmem>>, vector<16xi32>,
    tpu.vector_store %arg6[%swap3A_1189], %or3A_1188 {strides = array<i32>} : memref<2048xi32, #tpu.memory_space<vmem>>, vector<16xi32>,
    %add3A_1191 = arith.constant 720 : i32
    %add3A_1192 = vector.broadcast %add3A_1191 : i32 to vector<16xi32>
    %add3A_1193 = arith.addi %add3A_1192, %iota3A : vector<16xi32>
    %shift_right_arithmetic3A_1194 = arith.constant 6 : i32
    %shift_right_arithmetic3A_1195 = vector.broadcast %shift_right_arithmetic3A_1194 : i32 to vector<16xi32>
    %shift_right_arithmetic3A_1196 = arith.shrsi %add3A_1193, %shift_right_arithmetic3A_1195 : vector<16xi32>
    %shift_left3A_1197 = arith.constant 3 : i32
    %shift_left3A_1198 = vector.broadcast %shift_left3A_1197 : i32 to vector<16xi32>
    %shift_left3A_1199 = arith.shli %shift_right_arithmetic3A_1196, %shift_left3A_1198 : vector<16xi32>
    %and3A_1200 = arith.constant 7 : i32
    %and3A_1201 = vector.broadcast %and3A_1200 : i32 to vector<16xi32>
    %and3A_1202 = arith.andi %add3A_1193, %and3A_1201 : vector<16xi32>
    %add3A_1203 = arith.addi %shift_left3A_1199, %and3A_1202 : vector<16xi32>
    %shift_right_arithmetic3A_1204 = arith.constant 3 : i32
    %shift_right_arithmetic3A_1205 = vector.broadcast %shift_right_arithmetic3A_1204 : i32 to vector<16xi32>
    %shift_right_arithmetic3A_1206 = arith.shrsi %add3A_1193, %shift_right_arithmetic3A_1205 : vector<16xi32>
    %and3A_1207 = arith.constant 7 : i32
    %and3A_1208 = vector.broadcast %and3A_1207 : i32 to vector<16xi32>
    %and3A_1209 = arith.andi %shift_right_arithmetic3A_1206, %and3A_1208 : vector<16xi32>
    %gather3A_1210 = tpu.vector_load_idx %arg5[%add3A_1203] : memref<256xi32, #tpu.memory_space<vmem>>[vector<16xi32>], vector<16xi32>,
    %shift_left3A_1211 = arith.constant 3 : i32
    %shift_left3A_1212 = vector.broadcast %shift_left3A_1211 : i32 to vector<16xi32>
    %shift_left3A_1213 = arith.shli %gather3A_1210, %shift_left3A_1212 : vector<16xi32>
    %or3A_1214 = arith.ori %shift_left3A_1213, %and3A_1209 : vector<16xi32>
    %swap3A_1215 = arith.constant 720 : index
    %swap3A_1216 = tpu.vector_load %arg6[%swap3A_1215] {strides = array<i32>} : memref<2048xi32, #tpu.memory_space<vmem>>, vector<16xi32>,
    tpu.vector_store %arg6[%swap3A_1215], %or3A_1214 {strides = array<i32>} : memref<2048xi32, #tpu.memory_space<vmem>>, vector<16xi32>,
    %add3A_1217 = arith.constant 736 : i32
    %add3A_1218 = vector.broadcast %add3A_1217 : i32 to vector<16xi32>
    %add3A_1219 = arith.addi %add3A_1218, %iota3A : vector<16xi32>
    %shift_right_arithmetic3A_1220 = arith.constant 6 : i32
    %shift_right_arithmetic3A_1221 = vector.broadcast %shift_right_arithmetic3A_1220 : i32 to vector<16xi32>
    %shift_right_arithmetic3A_1222 = arith.shrsi %add3A_1219, %shift_right_arithmetic3A_1221 : vector<16xi32>
    %shift_left3A_1223 = arith.constant 3 : i32
    %shift_left3A_1224 = vector.broadcast %shift_left3A_1223 : i32 to vector<16xi32>
    %shift_left3A_1225 = arith.shli %shift_right_arithmetic3A_1222, %shift_left3A_1224 : vector<16xi32>
    %and3A_1226 = arith.constant 7 : i32
    %and3A_1227 = vector.broadcast %and3A_1226 : i32 to vector<16xi32>
    %and3A_1228 = arith.andi %add3A_1219, %and3A_1227 : vector<16xi32>
    %add3A_1229 = arith.addi %shift_left3A_1225, %and3A_1228 : vector<16xi32>
    %shift_right_arithmetic3A_1230 = arith.constant 3 : i32
    %shift_right_arithmetic3A_1231 = vector.broadcast %shift_right_arithmetic3A_1230 : i32 to vector<16xi32>
    %shift_right_arithmetic3A_1232 = arith.shrsi %add3A_1219, %shift_right_arithmetic3A_1231 : vector<16xi32>
    %and3A_1233 = arith.constant 7 : i32
    %and3A_1234 = vector.broadcast %and3A_1233 : i32 to vector<16xi32>
    %and3A_1235 = arith.andi %shift_right_arithmetic3A_1232, %and3A_1234 : vector<16xi32>
    %gather3A_1236 = tpu.vector_load_idx %arg5[%add3A_1229] : memref<256xi32, #tpu.memory_space<vmem>>[vector<16xi32>], vector<16xi32>,
    %shift_left3A_1237 = arith.constant 3 : i32
    %shift_left3A_1238 = vector.broadcast %shift_left3A_1237 : i32 to vector<16xi32>
    %shift_left3A_1239 = arith.shli %gather3A_1236, %shift_left3A_1238 : vector<16xi32>
    %or3A_1240 = arith.ori %shift_left3A_1239, %and3A_1235 : vector<16xi32>
    %swap3A_1241 = arith.constant 736 : index
    %swap3A_1242 = tpu.vector_load %arg6[%swap3A_1241] {strides = array<i32>} : memref<2048xi32, #tpu.memory_space<vmem>>, vector<16xi32>,
    tpu.vector_store %arg6[%swap3A_1241], %or3A_1240 {strides = array<i32>} : memref<2048xi32, #tpu.memory_space<vmem>>, vector<16xi32>,
    %add3A_1243 = arith.constant 752 : i32
    %add3A_1244 = vector.broadcast %add3A_1243 : i32 to vector<16xi32>
    %add3A_1245 = arith.addi %add3A_1244, %iota3A : vector<16xi32>
    %shift_right_arithmetic3A_1246 = arith.constant 6 : i32
    %shift_right_arithmetic3A_1247 = vector.broadcast %shift_right_arithmetic3A_1246 : i32 to vector<16xi32>
    %shift_right_arithmetic3A_1248 = arith.shrsi %add3A_1245, %shift_right_arithmetic3A_1247 : vector<16xi32>
    %shift_left3A_1249 = arith.constant 3 : i32
    %shift_left3A_1250 = vector.broadcast %shift_left3A_1249 : i32 to vector<16xi32>
    %shift_left3A_1251 = arith.shli %shift_right_arithmetic3A_1248, %shift_left3A_1250 : vector<16xi32>
    %and3A_1252 = arith.constant 7 : i32
    %and3A_1253 = vector.broadcast %and3A_1252 : i32 to vector<16xi32>
    %and3A_1254 = arith.andi %add3A_1245, %and3A_1253 : vector<16xi32>
    %add3A_1255 = arith.addi %shift_left3A_1251, %and3A_1254 : vector<16xi32>
    %shift_right_arithmetic3A_1256 = arith.constant 3 : i32
    %shift_right_arithmetic3A_1257 = vector.broadcast %shift_right_arithmetic3A_1256 : i32 to vector<16xi32>
    %shift_right_arithmetic3A_1258 = arith.shrsi %add3A_1245, %shift_right_arithmetic3A_1257 : vector<16xi32>
    %and3A_1259 = arith.constant 7 : i32
    %and3A_1260 = vector.broadcast %and3A_1259 : i32 to vector<16xi32>
    %and3A_1261 = arith.andi %shift_right_arithmetic3A_1258, %and3A_1260 : vector<16xi32>
    %gather3A_1262 = tpu.vector_load_idx %arg5[%add3A_1255] : memref<256xi32, #tpu.memory_space<vmem>>[vector<16xi32>], vector<16xi32>,
    %shift_left3A_1263 = arith.constant 3 : i32
    %shift_left3A_1264 = vector.broadcast %shift_left3A_1263 : i32 to vector<16xi32>
    %shift_left3A_1265 = arith.shli %gather3A_1262, %shift_left3A_1264 : vector<16xi32>
    %or3A_1266 = arith.ori %shift_left3A_1265, %and3A_1261 : vector<16xi32>
    %swap3A_1267 = arith.constant 752 : index
    %swap3A_1268 = tpu.vector_load %arg6[%swap3A_1267] {strides = array<i32>} : memref<2048xi32, #tpu.memory_space<vmem>>, vector<16xi32>,
    tpu.vector_store %arg6[%swap3A_1267], %or3A_1266 {strides = array<i32>} : memref<2048xi32, #tpu.memory_space<vmem>>, vector<16xi32>,
    %dma_start3A_1269 = arith.constant 640 : i32
    %dma_start3A_1270 = tpu.memref_slice %arg6[%dma_start3A_1269] : memref<2048xi32, #tpu.memory_space<vmem>> -> memref<128xi32, #tpu.memory_space<vmem>>
    %dma_start3A_1271 = arith.constant 0 : i32
    %dma_start3A_1272 = arith.constant 0 : i32
    %dma_start3A_1273 = tpu.memref_slice %arg3[%dma_start3A_1271, %dma_start3A_1272] : memref<65544x128xf32, #tpu.memory_space<hbm>> -> memref<65544x128xf32, #tpu.memory_space<hbm>>
    tpu.enqueue_indirect_dma source(%dma_start3A_1273 : memref<65544x128xf32, #tpu.memory_space<hbm>>) target(%arg12 : memref<128x128xf32, #tpu.memory_space<vmem>>) offsets(%dma_start3A_1270 : memref<128xi32, #tpu.memory_space<vmem>>) semaphore(%arg18 : memref<!tpu.dma_semaphore, #tpu.memory_space<semaphore_mem>>)
    %add3A_1274 = arith.constant 768 : i32
    %add3A_1275 = vector.broadcast %add3A_1274 : i32 to vector<16xi32>
    %add3A_1276 = arith.addi %add3A_1275, %iota3A : vector<16xi32>
    %shift_right_arithmetic3A_1277 = arith.constant 6 : i32
    %shift_right_arithmetic3A_1278 = vector.broadcast %shift_right_arithmetic3A_1277 : i32 to vector<16xi32>
    %shift_right_arithmetic3A_1279 = arith.shrsi %add3A_1276, %shift_right_arithmetic3A_1278 : vector<16xi32>
    %shift_left3A_1280 = arith.constant 3 : i32
    %shift_left3A_1281 = vector.broadcast %shift_left3A_1280 : i32 to vector<16xi32>
    %shift_left3A_1282 = arith.shli %shift_right_arithmetic3A_1279, %shift_left3A_1281 : vector<16xi32>
    %and3A_1283 = arith.constant 7 : i32
    %and3A_1284 = vector.broadcast %and3A_1283 : i32 to vector<16xi32>
    %and3A_1285 = arith.andi %add3A_1276, %and3A_1284 : vector<16xi32>
    %add3A_1286 = arith.addi %shift_left3A_1282, %and3A_1285 : vector<16xi32>
    %shift_right_arithmetic3A_1287 = arith.constant 3 : i32
    %shift_right_arithmetic3A_1288 = vector.broadcast %shift_right_arithmetic3A_1287 : i32 to vector<16xi32>
    %shift_right_arithmetic3A_1289 = arith.shrsi %add3A_1276, %shift_right_arithmetic3A_1288 : vector<16xi32>
    %and3A_1290 = arith.constant 7 : i32
    %and3A_1291 = vector.broadcast %and3A_1290 : i32 to vector<16xi32>
    %and3A_1292 = arith.andi %shift_right_arithmetic3A_1289, %and3A_1291 : vector<16xi32>
    %gather3A_1293 = tpu.vector_load_idx %arg5[%add3A_1286] : memref<256xi32, #tpu.memory_space<vmem>>[vector<16xi32>], vector<16xi32>,
    %shift_left3A_1294 = arith.constant 3 : i32
    %shift_left3A_1295 = vector.broadcast %shift_left3A_1294 : i32 to vector<16xi32>
    %shift_left3A_1296 = arith.shli %gather3A_1293, %shift_left3A_1295 : vector<16xi32>
    %or3A_1297 = arith.ori %shift_left3A_1296, %and3A_1292 : vector<16xi32>
    %swap3A_1298 = arith.constant 768 : index
    %swap3A_1299 = tpu.vector_load %arg6[%swap3A_1298] {strides = array<i32>} : memref<2048xi32, #tpu.memory_space<vmem>>, vector<16xi32>,
    tpu.vector_store %arg6[%swap3A_1298], %or3A_1297 {strides = array<i32>} : memref<2048xi32, #tpu.memory_space<vmem>>, vector<16xi32>,
    %add3A_1300 = arith.constant 784 : i32
    %add3A_1301 = vector.broadcast %add3A_1300 : i32 to vector<16xi32>
    %add3A_1302 = arith.addi %add3A_1301, %iota3A : vector<16xi32>
    %shift_right_arithmetic3A_1303 = arith.constant 6 : i32
    %shift_right_arithmetic3A_1304 = vector.broadcast %shift_right_arithmetic3A_1303 : i32 to vector<16xi32>
    %shift_right_arithmetic3A_1305 = arith.shrsi %add3A_1302, %shift_right_arithmetic3A_1304 : vector<16xi32>
    %shift_left3A_1306 = arith.constant 3 : i32
    %shift_left3A_1307 = vector.broadcast %shift_left3A_1306 : i32 to vector<16xi32>
    %shift_left3A_1308 = arith.shli %shift_right_arithmetic3A_1305, %shift_left3A_1307 : vector<16xi32>
    %and3A_1309 = arith.constant 7 : i32
    %and3A_1310 = vector.broadcast %and3A_1309 : i32 to vector<16xi32>
    %and3A_1311 = arith.andi %add3A_1302, %and3A_1310 : vector<16xi32>
    %add3A_1312 = arith.addi %shift_left3A_1308, %and3A_1311 : vector<16xi32>
    %shift_right_arithmetic3A_1313 = arith.constant 3 : i32
    %shift_right_arithmetic3A_1314 = vector.broadcast %shift_right_arithmetic3A_1313 : i32 to vector<16xi32>
    %shift_right_arithmetic3A_1315 = arith.shrsi %add3A_1302, %shift_right_arithmetic3A_1314 : vector<16xi32>
    %and3A_1316 = arith.constant 7 : i32
    %and3A_1317 = vector.broadcast %and3A_1316 : i32 to vector<16xi32>
    %and3A_1318 = arith.andi %shift_right_arithmetic3A_1315, %and3A_1317 : vector<16xi32>
    %gather3A_1319 = tpu.vector_load_idx %arg5[%add3A_1312] : memref<256xi32, #tpu.memory_space<vmem>>[vector<16xi32>], vector<16xi32>,
    %shift_left3A_1320 = arith.constant 3 : i32
    %shift_left3A_1321 = vector.broadcast %shift_left3A_1320 : i32 to vector<16xi32>
    %shift_left3A_1322 = arith.shli %gather3A_1319, %shift_left3A_1321 : vector<16xi32>
    %or3A_1323 = arith.ori %shift_left3A_1322, %and3A_1318 : vector<16xi32>
    %swap3A_1324 = arith.constant 784 : index
    %swap3A_1325 = tpu.vector_load %arg6[%swap3A_1324] {strides = array<i32>} : memref<2048xi32, #tpu.memory_space<vmem>>, vector<16xi32>,
    tpu.vector_store %arg6[%swap3A_1324], %or3A_1323 {strides = array<i32>} : memref<2048xi32, #tpu.memory_space<vmem>>, vector<16xi32>,
    %add3A_1326 = arith.constant 800 : i32
    %add3A_1327 = vector.broadcast %add3A_1326 : i32 to vector<16xi32>
    %add3A_1328 = arith.addi %add3A_1327, %iota3A : vector<16xi32>
    %shift_right_arithmetic3A_1329 = arith.constant 6 : i32
    %shift_right_arithmetic3A_1330 = vector.broadcast %shift_right_arithmetic3A_1329 : i32 to vector<16xi32>
    %shift_right_arithmetic3A_1331 = arith.shrsi %add3A_1328, %shift_right_arithmetic3A_1330 : vector<16xi32>
    %shift_left3A_1332 = arith.constant 3 : i32
    %shift_left3A_1333 = vector.broadcast %shift_left3A_1332 : i32 to vector<16xi32>
    %shift_left3A_1334 = arith.shli %shift_right_arithmetic3A_1331, %shift_left3A_1333 : vector<16xi32>
    %and3A_1335 = arith.constant 7 : i32
    %and3A_1336 = vector.broadcast %and3A_1335 : i32 to vector<16xi32>
    %and3A_1337 = arith.andi %add3A_1328, %and3A_1336 : vector<16xi32>
    %add3A_1338 = arith.addi %shift_left3A_1334, %and3A_1337 : vector<16xi32>
    %shift_right_arithmetic3A_1339 = arith.constant 3 : i32
    %shift_right_arithmetic3A_1340 = vector.broadcast %shift_right_arithmetic3A_1339 : i32 to vector<16xi32>
    %shift_right_arithmetic3A_1341 = arith.shrsi %add3A_1328, %shift_right_arithmetic3A_1340 : vector<16xi32>
    %and3A_1342 = arith.constant 7 : i32
    %and3A_1343 = vector.broadcast %and3A_1342 : i32 to vector<16xi32>
    %and3A_1344 = arith.andi %shift_right_arithmetic3A_1341, %and3A_1343 : vector<16xi32>
    %gather3A_1345 = tpu.vector_load_idx %arg5[%add3A_1338] : memref<256xi32, #tpu.memory_space<vmem>>[vector<16xi32>], vector<16xi32>,
    %shift_left3A_1346 = arith.constant 3 : i32
    %shift_left3A_1347 = vector.broadcast %shift_left3A_1346 : i32 to vector<16xi32>
    %shift_left3A_1348 = arith.shli %gather3A_1345, %shift_left3A_1347 : vector<16xi32>
    %or3A_1349 = arith.ori %shift_left3A_1348, %and3A_1344 : vector<16xi32>
    %swap3A_1350 = arith.constant 800 : index
    %swap3A_1351 = tpu.vector_load %arg6[%swap3A_1350] {strides = array<i32>} : memref<2048xi32, #tpu.memory_space<vmem>>, vector<16xi32>,
    tpu.vector_store %arg6[%swap3A_1350], %or3A_1349 {strides = array<i32>} : memref<2048xi32, #tpu.memory_space<vmem>>, vector<16xi32>,
    %add3A_1352 = arith.constant 816 : i32
    %add3A_1353 = vector.broadcast %add3A_1352 : i32 to vector<16xi32>
    %add3A_1354 = arith.addi %add3A_1353, %iota3A : vector<16xi32>
    %shift_right_arithmetic3A_1355 = arith.constant 6 : i32
    %shift_right_arithmetic3A_1356 = vector.broadcast %shift_right_arithmetic3A_1355 : i32 to vector<16xi32>
    %shift_right_arithmetic3A_1357 = arith.shrsi %add3A_1354, %shift_right_arithmetic3A_1356 : vector<16xi32>
    %shift_left3A_1358 = arith.constant 3 : i32
    %shift_left3A_1359 = vector.broadcast %shift_left3A_1358 : i32 to vector<16xi32>
    %shift_left3A_1360 = arith.shli %shift_right_arithmetic3A_1357, %shift_left3A_1359 : vector<16xi32>
    %and3A_1361 = arith.constant 7 : i32
    %and3A_1362 = vector.broadcast %and3A_1361 : i32 to vector<16xi32>
    %and3A_1363 = arith.andi %add3A_1354, %and3A_1362 : vector<16xi32>
    %add3A_1364 = arith.addi %shift_left3A_1360, %and3A_1363 : vector<16xi32>
    %shift_right_arithmetic3A_1365 = arith.constant 3 : i32
    %shift_right_arithmetic3A_1366 = vector.broadcast %shift_right_arithmetic3A_1365 : i32 to vector<16xi32>
    %shift_right_arithmetic3A_1367 = arith.shrsi %add3A_1354, %shift_right_arithmetic3A_1366 : vector<16xi32>
    %and3A_1368 = arith.constant 7 : i32
    %and3A_1369 = vector.broadcast %and3A_1368 : i32 to vector<16xi32>
    %and3A_1370 = arith.andi %shift_right_arithmetic3A_1367, %and3A_1369 : vector<16xi32>
    %gather3A_1371 = tpu.vector_load_idx %arg5[%add3A_1364] : memref<256xi32, #tpu.memory_space<vmem>>[vector<16xi32>], vector<16xi32>,
    %shift_left3A_1372 = arith.constant 3 : i32
    %shift_left3A_1373 = vector.broadcast %shift_left3A_1372 : i32 to vector<16xi32>
    %shift_left3A_1374 = arith.shli %gather3A_1371, %shift_left3A_1373 : vector<16xi32>
    %or3A_1375 = arith.ori %shift_left3A_1374, %and3A_1370 : vector<16xi32>
    %swap3A_1376 = arith.constant 816 : index
    %swap3A_1377 = tpu.vector_load %arg6[%swap3A_1376] {strides = array<i32>} : memref<2048xi32, #tpu.memory_space<vmem>>, vector<16xi32>,
    tpu.vector_store %arg6[%swap3A_1376], %or3A_1375 {strides = array<i32>} : memref<2048xi32, #tpu.memory_space<vmem>>, vector<16xi32>,
    %add3A_1378 = arith.constant 832 : i32
    %add3A_1379 = vector.broadcast %add3A_1378 : i32 to vector<16xi32>
    %add3A_1380 = arith.addi %add3A_1379, %iota3A : vector<16xi32>
    %shift_right_arithmetic3A_1381 = arith.constant 6 : i32
    %shift_right_arithmetic3A_1382 = vector.broadcast %shift_right_arithmetic3A_1381 : i32 to vector<16xi32>
    %shift_right_arithmetic3A_1383 = arith.shrsi %add3A_1380, %shift_right_arithmetic3A_1382 : vector<16xi32>
    %shift_left3A_1384 = arith.constant 3 : i32
    %shift_left3A_1385 = vector.broadcast %shift_left3A_1384 : i32 to vector<16xi32>
    %shift_left3A_1386 = arith.shli %shift_right_arithmetic3A_1383, %shift_left3A_1385 : vector<16xi32>
    %and3A_1387 = arith.constant 7 : i32
    %and3A_1388 = vector.broadcast %and3A_1387 : i32 to vector<16xi32>
    %and3A_1389 = arith.andi %add3A_1380, %and3A_1388 : vector<16xi32>
    %add3A_1390 = arith.addi %shift_left3A_1386, %and3A_1389 : vector<16xi32>
    %shift_right_arithmetic3A_1391 = arith.constant 3 : i32
    %shift_right_arithmetic3A_1392 = vector.broadcast %shift_right_arithmetic3A_1391 : i32 to vector<16xi32>
    %shift_right_arithmetic3A_1393 = arith.shrsi %add3A_1380, %shift_right_arithmetic3A_1392 : vector<16xi32>
    %and3A_1394 = arith.constant 7 : i32
    %and3A_1395 = vector.broadcast %and3A_1394 : i32 to vector<16xi32>
    %and3A_1396 = arith.andi %shift_right_arithmetic3A_1393, %and3A_1395 : vector<16xi32>
    %gather3A_1397 = tpu.vector_load_idx %arg5[%add3A_1390] : memref<256xi32, #tpu.memory_space<vmem>>[vector<16xi32>], vector<16xi32>,
    %shift_left3A_1398 = arith.constant 3 : i32
    %shift_left3A_1399 = vector.broadcast %shift_left3A_1398 : i32 to vector<16xi32>
    %shift_left3A_1400 = arith.shli %gather3A_1397, %shift_left3A_1399 : vector<16xi32>
    %or3A_1401 = arith.ori %shift_left3A_1400, %and3A_1396 : vector<16xi32>
    %swap3A_1402 = arith.constant 832 : index
    %swap3A_1403 = tpu.vector_load %arg6[%swap3A_1402] {strides = array<i32>} : memref<2048xi32, #tpu.memory_space<vmem>>, vector<16xi32>,
    tpu.vector_store %arg6[%swap3A_1402], %or3A_1401 {strides = array<i32>} : memref<2048xi32, #tpu.memory_space<vmem>>, vector<16xi32>,
    %add3A_1404 = arith.constant 848 : i32
    %add3A_1405 = vector.broadcast %add3A_1404 : i32 to vector<16xi32>
    %add3A_1406 = arith.addi %add3A_1405, %iota3A : vector<16xi32>
    %shift_right_arithmetic3A_1407 = arith.constant 6 : i32
    %shift_right_arithmetic3A_1408 = vector.broadcast %shift_right_arithmetic3A_1407 : i32 to vector<16xi32>
    %shift_right_arithmetic3A_1409 = arith.shrsi %add3A_1406, %shift_right_arithmetic3A_1408 : vector<16xi32>
    %shift_left3A_1410 = arith.constant 3 : i32
    %shift_left3A_1411 = vector.broadcast %shift_left3A_1410 : i32 to vector<16xi32>
    %shift_left3A_1412 = arith.shli %shift_right_arithmetic3A_1409, %shift_left3A_1411 : vector<16xi32>
    %and3A_1413 = arith.constant 7 : i32
    %and3A_1414 = vector.broadcast %and3A_1413 : i32 to vector<16xi32>
    %and3A_1415 = arith.andi %add3A_1406, %and3A_1414 : vector<16xi32>
    %add3A_1416 = arith.addi %shift_left3A_1412, %and3A_1415 : vector<16xi32>
    %shift_right_arithmetic3A_1417 = arith.constant 3 : i32
    %shift_right_arithmetic3A_1418 = vector.broadcast %shift_right_arithmetic3A_1417 : i32 to vector<16xi32>
    %shift_right_arithmetic3A_1419 = arith.shrsi %add3A_1406, %shift_right_arithmetic3A_1418 : vector<16xi32>
    %and3A_1420 = arith.constant 7 : i32
    %and3A_1421 = vector.broadcast %and3A_1420 : i32 to vector<16xi32>
    %and3A_1422 = arith.andi %shift_right_arithmetic3A_1419, %and3A_1421 : vector<16xi32>
    %gather3A_1423 = tpu.vector_load_idx %arg5[%add3A_1416] : memref<256xi32, #tpu.memory_space<vmem>>[vector<16xi32>], vector<16xi32>,
    %shift_left3A_1424 = arith.constant 3 : i32
    %shift_left3A_1425 = vector.broadcast %shift_left3A_1424 : i32 to vector<16xi32>
    %shift_left3A_1426 = arith.shli %gather3A_1423, %shift_left3A_1425 : vector<16xi32>
    %or3A_1427 = arith.ori %shift_left3A_1426, %and3A_1422 : vector<16xi32>
    %swap3A_1428 = arith.constant 848 : index
    %swap3A_1429 = tpu.vector_load %arg6[%swap3A_1428] {strides = array<i32>} : memref<2048xi32, #tpu.memory_space<vmem>>, vector<16xi32>,
    tpu.vector_store %arg6[%swap3A_1428], %or3A_1427 {strides = array<i32>} : memref<2048xi32, #tpu.memory_space<vmem>>, vector<16xi32>,
    %add3A_1430 = arith.constant 864 : i32
    %add3A_1431 = vector.broadcast %add3A_1430 : i32 to vector<16xi32>
    %add3A_1432 = arith.addi %add3A_1431, %iota3A : vector<16xi32>
    %shift_right_arithmetic3A_1433 = arith.constant 6 : i32
    %shift_right_arithmetic3A_1434 = vector.broadcast %shift_right_arithmetic3A_1433 : i32 to vector<16xi32>
    %shift_right_arithmetic3A_1435 = arith.shrsi %add3A_1432, %shift_right_arithmetic3A_1434 : vector<16xi32>
    %shift_left3A_1436 = arith.constant 3 : i32
    %shift_left3A_1437 = vector.broadcast %shift_left3A_1436 : i32 to vector<16xi32>
    %shift_left3A_1438 = arith.shli %shift_right_arithmetic3A_1435, %shift_left3A_1437 : vector<16xi32>
    %and3A_1439 = arith.constant 7 : i32
    %and3A_1440 = vector.broadcast %and3A_1439 : i32 to vector<16xi32>
    %and3A_1441 = arith.andi %add3A_1432, %and3A_1440 : vector<16xi32>
    %add3A_1442 = arith.addi %shift_left3A_1438, %and3A_1441 : vector<16xi32>
    %shift_right_arithmetic3A_1443 = arith.constant 3 : i32
    %shift_right_arithmetic3A_1444 = vector.broadcast %shift_right_arithmetic3A_1443 : i32 to vector<16xi32>
    %shift_right_arithmetic3A_1445 = arith.shrsi %add3A_1432, %shift_right_arithmetic3A_1444 : vector<16xi32>
    %and3A_1446 = arith.constant 7 : i32
    %and3A_1447 = vector.broadcast %and3A_1446 : i32 to vector<16xi32>
    %and3A_1448 = arith.andi %shift_right_arithmetic3A_1445, %and3A_1447 : vector<16xi32>
    %gather3A_1449 = tpu.vector_load_idx %arg5[%add3A_1442] : memref<256xi32, #tpu.memory_space<vmem>>[vector<16xi32>], vector<16xi32>,
    %shift_left3A_1450 = arith.constant 3 : i32
    %shift_left3A_1451 = vector.broadcast %shift_left3A_1450 : i32 to vector<16xi32>
    %shift_left3A_1452 = arith.shli %gather3A_1449, %shift_left3A_1451 : vector<16xi32>
    %or3A_1453 = arith.ori %shift_left3A_1452, %and3A_1448 : vector<16xi32>
    %swap3A_1454 = arith.constant 864 : index
    %swap3A_1455 = tpu.vector_load %arg6[%swap3A_1454] {strides = array<i32>} : memref<2048xi32, #tpu.memory_space<vmem>>, vector<16xi32>,
    tpu.vector_store %arg6[%swap3A_1454], %or3A_1453 {strides = array<i32>} : memref<2048xi32, #tpu.memory_space<vmem>>, vector<16xi32>,
    %add3A_1456 = arith.constant 880 : i32
    %add3A_1457 = vector.broadcast %add3A_1456 : i32 to vector<16xi32>
    %add3A_1458 = arith.addi %add3A_1457, %iota3A : vector<16xi32>
    %shift_right_arithmetic3A_1459 = arith.constant 6 : i32
    %shift_right_arithmetic3A_1460 = vector.broadcast %shift_right_arithmetic3A_1459 : i32 to vector<16xi32>
    %shift_right_arithmetic3A_1461 = arith.shrsi %add3A_1458, %shift_right_arithmetic3A_1460 : vector<16xi32>
    %shift_left3A_1462 = arith.constant 3 : i32
    %shift_left3A_1463 = vector.broadcast %shift_left3A_1462 : i32 to vector<16xi32>
    %shift_left3A_1464 = arith.shli %shift_right_arithmetic3A_1461, %shift_left3A_1463 : vector<16xi32>
    %and3A_1465 = arith.constant 7 : i32
    %and3A_1466 = vector.broadcast %and3A_1465 : i32 to vector<16xi32>
    %and3A_1467 = arith.andi %add3A_1458, %and3A_1466 : vector<16xi32>
    %add3A_1468 = arith.addi %shift_left3A_1464, %and3A_1467 : vector<16xi32>
    %shift_right_arithmetic3A_1469 = arith.constant 3 : i32
    %shift_right_arithmetic3A_1470 = vector.broadcast %shift_right_arithmetic3A_1469 : i32 to vector<16xi32>
    %shift_right_arithmetic3A_1471 = arith.shrsi %add3A_1458, %shift_right_arithmetic3A_1470 : vector<16xi32>
    %and3A_1472 = arith.constant 7 : i32
    %and3A_1473 = vector.broadcast %and3A_1472 : i32 to vector<16xi32>
    %and3A_1474 = arith.andi %shift_right_arithmetic3A_1471, %and3A_1473 : vector<16xi32>
    %gather3A_1475 = tpu.vector_load_idx %arg5[%add3A_1468] : memref<256xi32, #tpu.memory_space<vmem>>[vector<16xi32>], vector<16xi32>,
    %shift_left3A_1476 = arith.constant 3 : i32
    %shift_left3A_1477 = vector.broadcast %shift_left3A_1476 : i32 to vector<16xi32>
    %shift_left3A_1478 = arith.shli %gather3A_1475, %shift_left3A_1477 : vector<16xi32>
    %or3A_1479 = arith.ori %shift_left3A_1478, %and3A_1474 : vector<16xi32>
    %swap3A_1480 = arith.constant 880 : index
    %swap3A_1481 = tpu.vector_load %arg6[%swap3A_1480] {strides = array<i32>} : memref<2048xi32, #tpu.memory_space<vmem>>, vector<16xi32>,
    tpu.vector_store %arg6[%swap3A_1480], %or3A_1479 {strides = array<i32>} : memref<2048xi32, #tpu.memory_space<vmem>>, vector<16xi32>,
    %dma_wait3A = arith.constant 0 : i32
    %dma_wait3A_1482 = tpu.memref_slice %arg6[%dma_wait3A] : memref<2048xi32, #tpu.memory_space<vmem>> -> memref<128xi32, #tpu.memory_space<vmem>>
    %dma_wait3A_1483 = arith.constant 0 : i32
    %dma_wait3A_1484 = arith.constant 0 : i32
    %dma_wait3A_1485 = tpu.memref_slice %arg3[%dma_wait3A_1483, %dma_wait3A_1484] : memref<65544x128xf32, #tpu.memory_space<hbm>> -> memref<65544x128xf32, #tpu.memory_space<hbm>>
    tpu.wait_indirect_dma semaphore(%arg13 : memref<!tpu.dma_semaphore, #tpu.memory_space<semaphore_mem>>) src(%dma_wait3A_1485 : memref<65544x128xf32, #tpu.memory_space<hbm>>) dst(%arg7 : memref<128x128xf32, #tpu.memory_space<vmem>>)
    %add3A_1486 = arith.constant 0 : i32
    %add3A_1487 = arith.addi %mul3A_2, %add3A_1486 : i32
    %dma_start3A_1488 = arith.constant 0 : i32
    %dma_start3A_1489 = tpu.memref_slice %arg4[%add3A_1487, %dma_start3A_1488] : memref<65536x128xf32, #tpu.memory_space<hbm>> -> memref<128x128xf32, #tpu.memory_space<hbm>>
    %dma_start3A_1490 = arith.constant 0 : i32
    %dma_start3A_1491 = tpu.memref_slice %arg4[%add3A_1487, %dma_start3A_1490] : memref<65536x128xf32, #tpu.memory_space<hbm>> -> memref<128x128xf32, #tpu.memory_space<hbm>>
    tpu.enqueue_dma source(%arg7 : memref<128x128xf32, #tpu.memory_space<vmem>>) target(%dma_start3A_1491 : memref<128x128xf32, #tpu.memory_space<hbm>>) target_semaphore(%arg19 : memref<!tpu.dma_semaphore, #tpu.memory_space<semaphore_mem>>)
    %dma_wait3A_1492 = arith.constant 0 : i32
    %dma_wait3A_1493 = tpu.memref_slice %arg4[%add3A_1487, %dma_wait3A_1492] : memref<65536x128xf32, #tpu.memory_space<hbm>> -> memref<128x128xf32, #tpu.memory_space<hbm>>
    %dma_wait3A_1494 = arith.constant 0 : i32
    %dma_wait3A_1495 = tpu.memref_slice %arg4[%add3A_1487, %dma_wait3A_1494] : memref<65536x128xf32, #tpu.memory_space<hbm>> -> memref<128x128xf32, #tpu.memory_space<hbm>>
    tpu.wait_dma2 semaphore(%arg19 : memref<!tpu.dma_semaphore, #tpu.memory_space<semaphore_mem>>) src(%arg7 : memref<128x128xf32, #tpu.memory_space<vmem>>) dst(%dma_wait3A_1495 : memref<128x128xf32, #tpu.memory_space<hbm>>)
    %dma_start3A_1496 = arith.constant 768 : i32
    %dma_start3A_1497 = tpu.memref_slice %arg6[%dma_start3A_1496] : memref<2048xi32, #tpu.memory_space<vmem>> -> memref<128xi32, #tpu.memory_space<vmem>>
    %dma_start3A_1498 = arith.constant 0 : i32
    %dma_start3A_1499 = arith.constant 0 : i32
    %dma_start3A_1500 = tpu.memref_slice %arg3[%dma_start3A_1498, %dma_start3A_1499] : memref<65544x128xf32, #tpu.memory_space<hbm>> -> memref<65544x128xf32, #tpu.memory_space<hbm>>
    tpu.enqueue_indirect_dma source(%dma_start3A_1500 : memref<65544x128xf32, #tpu.memory_space<hbm>>) target(%arg7 : memref<128x128xf32, #tpu.memory_space<vmem>>) offsets(%dma_start3A_1497 : memref<128xi32, #tpu.memory_space<vmem>>) semaphore(%arg13 : memref<!tpu.dma_semaphore, #tpu.memory_space<semaphore_mem>>)
    %add3A_1501 = arith.constant 896 : i32
    %add3A_1502 = vector.broadcast %add3A_1501 : i32 to vector<16xi32>
    %add3A_1503 = arith.addi %add3A_1502, %iota3A : vector<16xi32>
    %shift_right_arithmetic3A_1504 = arith.constant 6 : i32
    %shift_right_arithmetic3A_1505 = vector.broadcast %shift_right_arithmetic3A_1504 : i32 to vector<16xi32>
    %shift_right_arithmetic3A_1506 = arith.shrsi %add3A_1503, %shift_right_arithmetic3A_1505 : vector<16xi32>
    %shift_left3A_1507 = arith.constant 3 : i32
    %shift_left3A_1508 = vector.broadcast %shift_left3A_1507 : i32 to vector<16xi32>
    %shift_left3A_1509 = arith.shli %shift_right_arithmetic3A_1506, %shift_left3A_1508 : vector<16xi32>
    %and3A_1510 = arith.constant 7 : i32
    %and3A_1511 = vector.broadcast %and3A_1510 : i32 to vector<16xi32>
    %and3A_1512 = arith.andi %add3A_1503, %and3A_1511 : vector<16xi32>
    %add3A_1513 = arith.addi %shift_left3A_1509, %and3A_1512 : vector<16xi32>
    %shift_right_arithmetic3A_1514 = arith.constant 3 : i32
    %shift_right_arithmetic3A_1515 = vector.broadcast %shift_right_arithmetic3A_1514 : i32 to vector<16xi32>
    %shift_right_arithmetic3A_1516 = arith.shrsi %add3A_1503, %shift_right_arithmetic3A_1515 : vector<16xi32>
    %and3A_1517 = arith.constant 7 : i32
    %and3A_1518 = vector.broadcast %and3A_1517 : i32 to vector<16xi32>
    %and3A_1519 = arith.andi %shift_right_arithmetic3A_1516, %and3A_1518 : vector<16xi32>
    %gather3A_1520 = tpu.vector_load_idx %arg5[%add3A_1513] : memref<256xi32, #tpu.memory_space<vmem>>[vector<16xi32>], vector<16xi32>,
    %shift_left3A_1521 = arith.constant 3 : i32
    %shift_left3A_1522 = vector.broadcast %shift_left3A_1521 : i32 to vector<16xi32>
    %shift_left3A_1523 = arith.shli %gather3A_1520, %shift_left3A_1522 : vector<16xi32>
    %or3A_1524 = arith.ori %shift_left3A_1523, %and3A_1519 : vector<16xi32>
    %swap3A_1525 = arith.constant 896 : index
    %swap3A_1526 = tpu.vector_load %arg6[%swap3A_1525] {strides = array<i32>} : memref<2048xi32, #tpu.memory_space<vmem>>, vector<16xi32>,
    tpu.vector_store %arg6[%swap3A_1525], %or3A_1524 {strides = array<i32>} : memref<2048xi32, #tpu.memory_space<vmem>>, vector<16xi32>,
    %add3A_1527 = arith.constant 912 : i32
    %add3A_1528 = vector.broadcast %add3A_1527 : i32 to vector<16xi32>
    %add3A_1529 = arith.addi %add3A_1528, %iota3A : vector<16xi32>
    %shift_right_arithmetic3A_1530 = arith.constant 6 : i32
    %shift_right_arithmetic3A_1531 = vector.broadcast %shift_right_arithmetic3A_1530 : i32 to vector<16xi32>
    %shift_right_arithmetic3A_1532 = arith.shrsi %add3A_1529, %shift_right_arithmetic3A_1531 : vector<16xi32>
    %shift_left3A_1533 = arith.constant 3 : i32
    %shift_left3A_1534 = vector.broadcast %shift_left3A_1533 : i32 to vector<16xi32>
    %shift_left3A_1535 = arith.shli %shift_right_arithmetic3A_1532, %shift_left3A_1534 : vector<16xi32>
    %and3A_1536 = arith.constant 7 : i32
    %and3A_1537 = vector.broadcast %and3A_1536 : i32 to vector<16xi32>
    %and3A_1538 = arith.andi %add3A_1529, %and3A_1537 : vector<16xi32>
    %add3A_1539 = arith.addi %shift_left3A_1535, %and3A_1538 : vector<16xi32>
    %shift_right_arithmetic3A_1540 = arith.constant 3 : i32
    %shift_right_arithmetic3A_1541 = vector.broadcast %shift_right_arithmetic3A_1540 : i32 to vector<16xi32>
    %shift_right_arithmetic3A_1542 = arith.shrsi %add3A_1529, %shift_right_arithmetic3A_1541 : vector<16xi32>
    %and3A_1543 = arith.constant 7 : i32
    %and3A_1544 = vector.broadcast %and3A_1543 : i32 to vector<16xi32>
    %and3A_1545 = arith.andi %shift_right_arithmetic3A_1542, %and3A_1544 : vector<16xi32>
    %gather3A_1546 = tpu.vector_load_idx %arg5[%add3A_1539] : memref<256xi32, #tpu.memory_space<vmem>>[vector<16xi32>], vector<16xi32>,
    %shift_left3A_1547 = arith.constant 3 : i32
    %shift_left3A_1548 = vector.broadcast %shift_left3A_1547 : i32 to vector<16xi32>
    %shift_left3A_1549 = arith.shli %gather3A_1546, %shift_left3A_1548 : vector<16xi32>
    %or3A_1550 = arith.ori %shift_left3A_1549, %and3A_1545 : vector<16xi32>
    %swap3A_1551 = arith.constant 912 : index
    %swap3A_1552 = tpu.vector_load %arg6[%swap3A_1551] {strides = array<i32>} : memref<2048xi32, #tpu.memory_space<vmem>>, vector<16xi32>,
    tpu.vector_store %arg6[%swap3A_1551], %or3A_1550 {strides = array<i32>} : memref<2048xi32, #tpu.memory_space<vmem>>, vector<16xi32>,
    %add3A_1553 = arith.constant 928 : i32
    %add3A_1554 = vector.broadcast %add3A_1553 : i32 to vector<16xi32>
    %add3A_1555 = arith.addi %add3A_1554, %iota3A : vector<16xi32>
    %shift_right_arithmetic3A_1556 = arith.constant 6 : i32
    %shift_right_arithmetic3A_1557 = vector.broadcast %shift_right_arithmetic3A_1556 : i32 to vector<16xi32>
    %shift_right_arithmetic3A_1558 = arith.shrsi %add3A_1555, %shift_right_arithmetic3A_1557 : vector<16xi32>
    %shift_left3A_1559 = arith.constant 3 : i32
    %shift_left3A_1560 = vector.broadcast %shift_left3A_1559 : i32 to vector<16xi32>
    %shift_left3A_1561 = arith.shli %shift_right_arithmetic3A_1558, %shift_left3A_1560 : vector<16xi32>
    %and3A_1562 = arith.constant 7 : i32
    %and3A_1563 = vector.broadcast %and3A_1562 : i32 to vector<16xi32>
    %and3A_1564 = arith.andi %add3A_1555, %and3A_1563 : vector<16xi32>
    %add3A_1565 = arith.addi %shift_left3A_1561, %and3A_1564 : vector<16xi32>
    %shift_right_arithmetic3A_1566 = arith.constant 3 : i32
    %shift_right_arithmetic3A_1567 = vector.broadcast %shift_right_arithmetic3A_1566 : i32 to vector<16xi32>
    %shift_right_arithmetic3A_1568 = arith.shrsi %add3A_1555, %shift_right_arithmetic3A_1567 : vector<16xi32>
    %and3A_1569 = arith.constant 7 : i32
    %and3A_1570 = vector.broadcast %and3A_1569 : i32 to vector<16xi32>
    %and3A_1571 = arith.andi %shift_right_arithmetic3A_1568, %and3A_1570 : vector<16xi32>
    %gather3A_1572 = tpu.vector_load_idx %arg5[%add3A_1565] : memref<256xi32, #tpu.memory_space<vmem>>[vector<16xi32>], vector<16xi32>,
    %shift_left3A_1573 = arith.constant 3 : i32
    %shift_left3A_1574 = vector.broadcast %shift_left3A_1573 : i32 to vector<16xi32>
    %shift_left3A_1575 = arith.shli %gather3A_1572, %shift_left3A_1574 : vector<16xi32>
    %or3A_1576 = arith.ori %shift_left3A_1575, %and3A_1571 : vector<16xi32>
    %swap3A_1577 = arith.constant 928 : index
    %swap3A_1578 = tpu.vector_load %arg6[%swap3A_1577] {strides = array<i32>} : memref<2048xi32, #tpu.memory_space<vmem>>, vector<16xi32>,
    tpu.vector_store %arg6[%swap3A_1577], %or3A_1576 {strides = array<i32>} : memref<2048xi32, #tpu.memory_space<vmem>>, vector<16xi32>,
    %add3A_1579 = arith.constant 944 : i32
    %add3A_1580 = vector.broadcast %add3A_1579 : i32 to vector<16xi32>
    %add3A_1581 = arith.addi %add3A_1580, %iota3A : vector<16xi32>
    %shift_right_arithmetic3A_1582 = arith.constant 6 : i32
    %shift_right_arithmetic3A_1583 = vector.broadcast %shift_right_arithmetic3A_1582 : i32 to vector<16xi32>
    %shift_right_arithmetic3A_1584 = arith.shrsi %add3A_1581, %shift_right_arithmetic3A_1583 : vector<16xi32>
    %shift_left3A_1585 = arith.constant 3 : i32
    %shift_left3A_1586 = vector.broadcast %shift_left3A_1585 : i32 to vector<16xi32>
    %shift_left3A_1587 = arith.shli %shift_right_arithmetic3A_1584, %shift_left3A_1586 : vector<16xi32>
    %and3A_1588 = arith.constant 7 : i32
    %and3A_1589 = vector.broadcast %and3A_1588 : i32 to vector<16xi32>
    %and3A_1590 = arith.andi %add3A_1581, %and3A_1589 : vector<16xi32>
    %add3A_1591 = arith.addi %shift_left3A_1587, %and3A_1590 : vector<16xi32>
    %shift_right_arithmetic3A_1592 = arith.constant 3 : i32
    %shift_right_arithmetic3A_1593 = vector.broadcast %shift_right_arithmetic3A_1592 : i32 to vector<16xi32>
    %shift_right_arithmetic3A_1594 = arith.shrsi %add3A_1581, %shift_right_arithmetic3A_1593 : vector<16xi32>
    %and3A_1595 = arith.constant 7 : i32
    %and3A_1596 = vector.broadcast %and3A_1595 : i32 to vector<16xi32>
    %and3A_1597 = arith.andi %shift_right_arithmetic3A_1594, %and3A_1596 : vector<16xi32>
    %gather3A_1598 = tpu.vector_load_idx %arg5[%add3A_1591] : memref<256xi32, #tpu.memory_space<vmem>>[vector<16xi32>], vector<16xi32>,
    %shift_left3A_1599 = arith.constant 3 : i32
    %shift_left3A_1600 = vector.broadcast %shift_left3A_1599 : i32 to vector<16xi32>
    %shift_left3A_1601 = arith.shli %gather3A_1598, %shift_left3A_1600 : vector<16xi32>
    %or3A_1602 = arith.ori %shift_left3A_1601, %and3A_1597 : vector<16xi32>
    %swap3A_1603 = arith.constant 944 : index
    %swap3A_1604 = tpu.vector_load %arg6[%swap3A_1603] {strides = array<i32>} : memref<2048xi32, #tpu.memory_space<vmem>>, vector<16xi32>,
    tpu.vector_store %arg6[%swap3A_1603], %or3A_1602 {strides = array<i32>} : memref<2048xi32, #tpu.memory_space<vmem>>, vector<16xi32>,
    %add3A_1605 = arith.constant 960 : i32
    %add3A_1606 = vector.broadcast %add3A_1605 : i32 to vector<16xi32>
    %add3A_1607 = arith.addi %add3A_1606, %iota3A : vector<16xi32>
    %shift_right_arithmetic3A_1608 = arith.constant 6 : i32
    %shift_right_arithmetic3A_1609 = vector.broadcast %shift_right_arithmetic3A_1608 : i32 to vector<16xi32>
    %shift_right_arithmetic3A_1610 = arith.shrsi %add3A_1607, %shift_right_arithmetic3A_1609 : vector<16xi32>
    %shift_left3A_1611 = arith.constant 3 : i32
    %shift_left3A_1612 = vector.broadcast %shift_left3A_1611 : i32 to vector<16xi32>
    %shift_left3A_1613 = arith.shli %shift_right_arithmetic3A_1610, %shift_left3A_1612 : vector<16xi32>
    %and3A_1614 = arith.constant 7 : i32
    %and3A_1615 = vector.broadcast %and3A_1614 : i32 to vector<16xi32>
    %and3A_1616 = arith.andi %add3A_1607, %and3A_1615 : vector<16xi32>
    %add3A_1617 = arith.addi %shift_left3A_1613, %and3A_1616 : vector<16xi32>
    %shift_right_arithmetic3A_1618 = arith.constant 3 : i32
    %shift_right_arithmetic3A_1619 = vector.broadcast %shift_right_arithmetic3A_1618 : i32 to vector<16xi32>
    %shift_right_arithmetic3A_1620 = arith.shrsi %add3A_1607, %shift_right_arithmetic3A_1619 : vector<16xi32>
    %and3A_1621 = arith.constant 7 : i32
    %and3A_1622 = vector.broadcast %and3A_1621 : i32 to vector<16xi32>
    %and3A_1623 = arith.andi %shift_right_arithmetic3A_1620, %and3A_1622 : vector<16xi32>
    %gather3A_1624 = tpu.vector_load_idx %arg5[%add3A_1617] : memref<256xi32, #tpu.memory_space<vmem>>[vector<16xi32>], vector<16xi32>,
    %shift_left3A_1625 = arith.constant 3 : i32
    %shift_left3A_1626 = vector.broadcast %shift_left3A_1625 : i32 to vector<16xi32>
    %shift_left3A_1627 = arith.shli %gather3A_1624, %shift_left3A_1626 : vector<16xi32>
    %or3A_1628 = arith.ori %shift_left3A_1627, %and3A_1623 : vector<16xi32>
    %swap3A_1629 = arith.constant 960 : index
    %swap3A_1630 = tpu.vector_load %arg6[%swap3A_1629] {strides = array<i32>} : memref<2048xi32, #tpu.memory_space<vmem>>, vector<16xi32>,
    tpu.vector_store %arg6[%swap3A_1629], %or3A_1628 {strides = array<i32>} : memref<2048xi32, #tpu.memory_space<vmem>>, vector<16xi32>,
    %add3A_1631 = arith.constant 976 : i32
    %add3A_1632 = vector.broadcast %add3A_1631 : i32 to vector<16xi32>
    %add3A_1633 = arith.addi %add3A_1632, %iota3A : vector<16xi32>
    %shift_right_arithmetic3A_1634 = arith.constant 6 : i32
    %shift_right_arithmetic3A_1635 = vector.broadcast %shift_right_arithmetic3A_1634 : i32 to vector<16xi32>
    %shift_right_arithmetic3A_1636 = arith.shrsi %add3A_1633, %shift_right_arithmetic3A_1635 : vector<16xi32>
    %shift_left3A_1637 = arith.constant 3 : i32
    %shift_left3A_1638 = vector.broadcast %shift_left3A_1637 : i32 to vector<16xi32>
    %shift_left3A_1639 = arith.shli %shift_right_arithmetic3A_1636, %shift_left3A_1638 : vector<16xi32>
    %and3A_1640 = arith.constant 7 : i32
    %and3A_1641 = vector.broadcast %and3A_1640 : i32 to vector<16xi32>
    %and3A_1642 = arith.andi %add3A_1633, %and3A_1641 : vector<16xi32>
    %add3A_1643 = arith.addi %shift_left3A_1639, %and3A_1642 : vector<16xi32>
    %shift_right_arithmetic3A_1644 = arith.constant 3 : i32
    %shift_right_arithmetic3A_1645 = vector.broadcast %shift_right_arithmetic3A_1644 : i32 to vector<16xi32>
    %shift_right_arithmetic3A_1646 = arith.shrsi %add3A_1633, %shift_right_arithmetic3A_1645 : vector<16xi32>
    %and3A_1647 = arith.constant 7 : i32
    %and3A_1648 = vector.broadcast %and3A_1647 : i32 to vector<16xi32>
    %and3A_1649 = arith.andi %shift_right_arithmetic3A_1646, %and3A_1648 : vector<16xi32>
    %gather3A_1650 = tpu.vector_load_idx %arg5[%add3A_1643] : memref<256xi32, #tpu.memory_space<vmem>>[vector<16xi32>], vector<16xi32>,
    %shift_left3A_1651 = arith.constant 3 : i32
    %shift_left3A_1652 = vector.broadcast %shift_left3A_1651 : i32 to vector<16xi32>
    %shift_left3A_1653 = arith.shli %gather3A_1650, %shift_left3A_1652 : vector<16xi32>
    %or3A_1654 = arith.ori %shift_left3A_1653, %and3A_1649 : vector<16xi32>
    %swap3A_1655 = arith.constant 976 : index
    %swap3A_1656 = tpu.vector_load %arg6[%swap3A_1655] {strides = array<i32>} : memref<2048xi32, #tpu.memory_space<vmem>>, vector<16xi32>,
    tpu.vector_store %arg6[%swap3A_1655], %or3A_1654 {strides = array<i32>} : memref<2048xi32, #tpu.memory_space<vmem>>, vector<16xi32>,
    %add3A_1657 = arith.constant 992 : i32
    %add3A_1658 = vector.broadcast %add3A_1657 : i32 to vector<16xi32>
    %add3A_1659 = arith.addi %add3A_1658, %iota3A : vector<16xi32>
    %shift_right_arithmetic3A_1660 = arith.constant 6 : i32
    %shift_right_arithmetic3A_1661 = vector.broadcast %shift_right_arithmetic3A_1660 : i32 to vector<16xi32>
    %shift_right_arithmetic3A_1662 = arith.shrsi %add3A_1659, %shift_right_arithmetic3A_1661 : vector<16xi32>
    %shift_left3A_1663 = arith.constant 3 : i32
    %shift_left3A_1664 = vector.broadcast %shift_left3A_1663 : i32 to vector<16xi32>
    %shift_left3A_1665 = arith.shli %shift_right_arithmetic3A_1662, %shift_left3A_1664 : vector<16xi32>
    %and3A_1666 = arith.constant 7 : i32
    %and3A_1667 = vector.broadcast %and3A_1666 : i32 to vector<16xi32>
    %and3A_1668 = arith.andi %add3A_1659, %and3A_1667 : vector<16xi32>
    %add3A_1669 = arith.addi %shift_left3A_1665, %and3A_1668 : vector<16xi32>
    %shift_right_arithmetic3A_1670 = arith.constant 3 : i32
    %shift_right_arithmetic3A_1671 = vector.broadcast %shift_right_arithmetic3A_1670 : i32 to vector<16xi32>
    %shift_right_arithmetic3A_1672 = arith.shrsi %add3A_1659, %shift_right_arithmetic3A_1671 : vector<16xi32>
    %and3A_1673 = arith.constant 7 : i32
    %and3A_1674 = vector.broadcast %and3A_1673 : i32 to vector<16xi32>
    %and3A_1675 = arith.andi %shift_right_arithmetic3A_1672, %and3A_1674 : vector<16xi32>
    %gather3A_1676 = tpu.vector_load_idx %arg5[%add3A_1669] : memref<256xi32, #tpu.memory_space<vmem>>[vector<16xi32>], vector<16xi32>,
    %shift_left3A_1677 = arith.constant 3 : i32
    %shift_left3A_1678 = vector.broadcast %shift_left3A_1677 : i32 to vector<16xi32>
    %shift_left3A_1679 = arith.shli %gather3A_1676, %shift_left3A_1678 : vector<16xi32>
    %or3A_1680 = arith.ori %shift_left3A_1679, %and3A_1675 : vector<16xi32>
    %swap3A_1681 = arith.constant 992 : index
    %swap3A_1682 = tpu.vector_load %arg6[%swap3A_1681] {strides = array<i32>} : memref<2048xi32, #tpu.memory_space<vmem>>, vector<16xi32>,
    tpu.vector_store %arg6[%swap3A_1681], %or3A_1680 {strides = array<i32>} : memref<2048xi32, #tpu.memory_space<vmem>>, vector<16xi32>,
    %add3A_1683 = arith.constant 1008 : i32
    %add3A_1684 = vector.broadcast %add3A_1683 : i32 to vector<16xi32>
    %add3A_1685 = arith.addi %add3A_1684, %iota3A : vector<16xi32>
    %shift_right_arithmetic3A_1686 = arith.constant 6 : i32
    %shift_right_arithmetic3A_1687 = vector.broadcast %shift_right_arithmetic3A_1686 : i32 to vector<16xi32>
    %shift_right_arithmetic3A_1688 = arith.shrsi %add3A_1685, %shift_right_arithmetic3A_1687 : vector<16xi32>
    %shift_left3A_1689 = arith.constant 3 : i32
    %shift_left3A_1690 = vector.broadcast %shift_left3A_1689 : i32 to vector<16xi32>
    %shift_left3A_1691 = arith.shli %shift_right_arithmetic3A_1688, %shift_left3A_1690 : vector<16xi32>
    %and3A_1692 = arith.constant 7 : i32
    %and3A_1693 = vector.broadcast %and3A_1692 : i32 to vector<16xi32>
    %and3A_1694 = arith.andi %add3A_1685, %and3A_1693 : vector<16xi32>
    %add3A_1695 = arith.addi %shift_left3A_1691, %and3A_1694 : vector<16xi32>
    %shift_right_arithmetic3A_1696 = arith.constant 3 : i32
    %shift_right_arithmetic3A_1697 = vector.broadcast %shift_right_arithmetic3A_1696 : i32 to vector<16xi32>
    %shift_right_arithmetic3A_1698 = arith.shrsi %add3A_1685, %shift_right_arithmetic3A_1697 : vector<16xi32>
    %and3A_1699 = arith.constant 7 : i32
    %and3A_1700 = vector.broadcast %and3A_1699 : i32 to vector<16xi32>
    %and3A_1701 = arith.andi %shift_right_arithmetic3A_1698, %and3A_1700 : vector<16xi32>
    %gather3A_1702 = tpu.vector_load_idx %arg5[%add3A_1695] : memref<256xi32, #tpu.memory_space<vmem>>[vector<16xi32>], vector<16xi32>,
    %shift_left3A_1703 = arith.constant 3 : i32
    %shift_left3A_1704 = vector.broadcast %shift_left3A_1703 : i32 to vector<16xi32>
    %shift_left3A_1705 = arith.shli %gather3A_1702, %shift_left3A_1704 : vector<16xi32>
    %or3A_1706 = arith.ori %shift_left3A_1705, %and3A_1701 : vector<16xi32>
    %swap3A_1707 = arith.constant 1008 : index
    %swap3A_1708 = tpu.vector_load %arg6[%swap3A_1707] {strides = array<i32>} : memref<2048xi32, #tpu.memory_space<vmem>>, vector<16xi32>,
    tpu.vector_store %arg6[%swap3A_1707], %or3A_1706 {strides = array<i32>} : memref<2048xi32, #tpu.memory_space<vmem>>, vector<16xi32>,
    %dma_wait3A_1709 = arith.constant 128 : i32
    %dma_wait3A_1710 = tpu.memref_slice %arg6[%dma_wait3A_1709] : memref<2048xi32, #tpu.memory_space<vmem>> -> memref<128xi32, #tpu.memory_space<vmem>>
    %dma_wait3A_1711 = arith.constant 0 : i32
    %dma_wait3A_1712 = arith.constant 0 : i32
    %dma_wait3A_1713 = tpu.memref_slice %arg3[%dma_wait3A_1711, %dma_wait3A_1712] : memref<65544x128xf32, #tpu.memory_space<hbm>> -> memref<65544x128xf32, #tpu.memory_space<hbm>>
    tpu.wait_indirect_dma semaphore(%arg14 : memref<!tpu.dma_semaphore, #tpu.memory_space<semaphore_mem>>) src(%dma_wait3A_1713 : memref<65544x128xf32, #tpu.memory_space<hbm>>) dst(%arg8 : memref<128x128xf32, #tpu.memory_space<vmem>>)
    %add3A_1714 = arith.constant 128 : i32
    %add3A_1715 = arith.addi %mul3A_2, %add3A_1714 : i32
    %dma_start3A_1716 = arith.constant 0 : i32
    %dma_start3A_1717 = tpu.memref_slice %arg4[%add3A_1715, %dma_start3A_1716] : memref<65536x128xf32, #tpu.memory_space<hbm>> -> memref<128x128xf32, #tpu.memory_space<hbm>>
    %dma_start3A_1718 = arith.constant 0 : i32
    %dma_start3A_1719 = tpu.memref_slice %arg4[%add3A_1715, %dma_start3A_1718] : memref<65536x128xf32, #tpu.memory_space<hbm>> -> memref<128x128xf32, #tpu.memory_space<hbm>>
    tpu.enqueue_dma source(%arg8 : memref<128x128xf32, #tpu.memory_space<vmem>>) target(%dma_start3A_1719 : memref<128x128xf32, #tpu.memory_space<hbm>>) target_semaphore(%arg20 : memref<!tpu.dma_semaphore, #tpu.memory_space<semaphore_mem>>)
    %dma_wait3A_1720 = arith.constant 0 : i32
    %dma_wait3A_1721 = tpu.memref_slice %arg4[%add3A_1715, %dma_wait3A_1720] : memref<65536x128xf32, #tpu.memory_space<hbm>> -> memref<128x128xf32, #tpu.memory_space<hbm>>
    %dma_wait3A_1722 = arith.constant 0 : i32
    %dma_wait3A_1723 = tpu.memref_slice %arg4[%add3A_1715, %dma_wait3A_1722] : memref<65536x128xf32, #tpu.memory_space<hbm>> -> memref<128x128xf32, #tpu.memory_space<hbm>>
    tpu.wait_dma2 semaphore(%arg20 : memref<!tpu.dma_semaphore, #tpu.memory_space<semaphore_mem>>) src(%arg8 : memref<128x128xf32, #tpu.memory_space<vmem>>) dst(%dma_wait3A_1723 : memref<128x128xf32, #tpu.memory_space<hbm>>)
    %dma_start3A_1724 = arith.constant 896 : i32
    %dma_start3A_1725 = tpu.memref_slice %arg6[%dma_start3A_1724] : memref<2048xi32, #tpu.memory_space<vmem>> -> memref<128xi32, #tpu.memory_space<vmem>>
    %dma_start3A_1726 = arith.constant 0 : i32
    %dma_start3A_1727 = arith.constant 0 : i32
    %dma_start3A_1728 = tpu.memref_slice %arg3[%dma_start3A_1726, %dma_start3A_1727] : memref<65544x128xf32, #tpu.memory_space<hbm>> -> memref<65544x128xf32, #tpu.memory_space<hbm>>
    tpu.enqueue_indirect_dma source(%dma_start3A_1728 : memref<65544x128xf32, #tpu.memory_space<hbm>>) target(%arg8 : memref<128x128xf32, #tpu.memory_space<vmem>>) offsets(%dma_start3A_1725 : memref<128xi32, #tpu.memory_space<vmem>>) semaphore(%arg14 : memref<!tpu.dma_semaphore, #tpu.memory_space<semaphore_mem>>)
    %add3A_1729 = arith.constant 1024 : i32
    %add3A_1730 = vector.broadcast %add3A_1729 : i32 to vector<16xi32>
    %add3A_1731 = arith.addi %add3A_1730, %iota3A : vector<16xi32>
    %shift_right_arithmetic3A_1732 = arith.constant 6 : i32
    %shift_right_arithmetic3A_1733 = vector.broadcast %shift_right_arithmetic3A_1732 : i32 to vector<16xi32>
    %shift_right_arithmetic3A_1734 = arith.shrsi %add3A_1731, %shift_right_arithmetic3A_1733 : vector<16xi32>
    %shift_left3A_1735 = arith.constant 3 : i32
    %shift_left3A_1736 = vector.broadcast %shift_left3A_1735 : i32 to vector<16xi32>
    %shift_left3A_1737 = arith.shli %shift_right_arithmetic3A_1734, %shift_left3A_1736 : vector<16xi32>
    %and3A_1738 = arith.constant 7 : i32
    %and3A_1739 = vector.broadcast %and3A_1738 : i32 to vector<16xi32>
    %and3A_1740 = arith.andi %add3A_1731, %and3A_1739 : vector<16xi32>
    %add3A_1741 = arith.addi %shift_left3A_1737, %and3A_1740 : vector<16xi32>
    %shift_right_arithmetic3A_1742 = arith.constant 3 : i32
    %shift_right_arithmetic3A_1743 = vector.broadcast %shift_right_arithmetic3A_1742 : i32 to vector<16xi32>
    %shift_right_arithmetic3A_1744 = arith.shrsi %add3A_1731, %shift_right_arithmetic3A_1743 : vector<16xi32>
    %and3A_1745 = arith.constant 7 : i32
    %and3A_1746 = vector.broadcast %and3A_1745 : i32 to vector<16xi32>
    %and3A_1747 = arith.andi %shift_right_arithmetic3A_1744, %and3A_1746 : vector<16xi32>
    %gather3A_1748 = tpu.vector_load_idx %arg5[%add3A_1741] : memref<256xi32, #tpu.memory_space<vmem>>[vector<16xi32>], vector<16xi32>,
    %shift_left3A_1749 = arith.constant 3 : i32
    %shift_left3A_1750 = vector.broadcast %shift_left3A_1749 : i32 to vector<16xi32>
    %shift_left3A_1751 = arith.shli %gather3A_1748, %shift_left3A_1750 : vector<16xi32>
    %or3A_1752 = arith.ori %shift_left3A_1751, %and3A_1747 : vector<16xi32>
    %swap3A_1753 = arith.constant 1024 : index
    %swap3A_1754 = tpu.vector_load %arg6[%swap3A_1753] {strides = array<i32>} : memref<2048xi32, #tpu.memory_space<vmem>>, vector<16xi32>,
    tpu.vector_store %arg6[%swap3A_1753], %or3A_1752 {strides = array<i32>} : memref<2048xi32, #tpu.memory_space<vmem>>, vector<16xi32>,
    %add3A_1755 = arith.constant 1040 : i32
    %add3A_1756 = vector.broadcast %add3A_1755 : i32 to vector<16xi32>
    %add3A_1757 = arith.addi %add3A_1756, %iota3A : vector<16xi32>
    %shift_right_arithmetic3A_1758 = arith.constant 6 : i32
    %shift_right_arithmetic3A_1759 = vector.broadcast %shift_right_arithmetic3A_1758 : i32 to vector<16xi32>
    %shift_right_arithmetic3A_1760 = arith.shrsi %add3A_1757, %shift_right_arithmetic3A_1759 : vector<16xi32>
    %shift_left3A_1761 = arith.constant 3 : i32
    %shift_left3A_1762 = vector.broadcast %shift_left3A_1761 : i32 to vector<16xi32>
    %shift_left3A_1763 = arith.shli %shift_right_arithmetic3A_1760, %shift_left3A_1762 : vector<16xi32>
    %and3A_1764 = arith.constant 7 : i32
    %and3A_1765 = vector.broadcast %and3A_1764 : i32 to vector<16xi32>
    %and3A_1766 = arith.andi %add3A_1757, %and3A_1765 : vector<16xi32>
    %add3A_1767 = arith.addi %shift_left3A_1763, %and3A_1766 : vector<16xi32>
    %shift_right_arithmetic3A_1768 = arith.constant 3 : i32
    %shift_right_arithmetic3A_1769 = vector.broadcast %shift_right_arithmetic3A_1768 : i32 to vector<16xi32>
    %shift_right_arithmetic3A_1770 = arith.shrsi %add3A_1757, %shift_right_arithmetic3A_1769 : vector<16xi32>
    %and3A_1771 = arith.constant 7 : i32
    %and3A_1772 = vector.broadcast %and3A_1771 : i32 to vector<16xi32>
    %and3A_1773 = arith.andi %shift_right_arithmetic3A_1770, %and3A_1772 : vector<16xi32>
    %gather3A_1774 = tpu.vector_load_idx %arg5[%add3A_1767] : memref<256xi32, #tpu.memory_space<vmem>>[vector<16xi32>], vector<16xi32>,
    %shift_left3A_1775 = arith.constant 3 : i32
    %shift_left3A_1776 = vector.broadcast %shift_left3A_1775 : i32 to vector<16xi32>
    %shift_left3A_1777 = arith.shli %gather3A_1774, %shift_left3A_1776 : vector<16xi32>
    %or3A_1778 = arith.ori %shift_left3A_1777, %and3A_1773 : vector<16xi32>
    %swap3A_1779 = arith.constant 1040 : index
    %swap3A_1780 = tpu.vector_load %arg6[%swap3A_1779] {strides = array<i32>} : memref<2048xi32, #tpu.memory_space<vmem>>, vector<16xi32>,
    tpu.vector_store %arg6[%swap3A_1779], %or3A_1778 {strides = array<i32>} : memref<2048xi32, #tpu.memory_space<vmem>>, vector<16xi32>,
    %add3A_1781 = arith.constant 1056 : i32
    %add3A_1782 = vector.broadcast %add3A_1781 : i32 to vector<16xi32>
    %add3A_1783 = arith.addi %add3A_1782, %iota3A : vector<16xi32>
    %shift_right_arithmetic3A_1784 = arith.constant 6 : i32
    %shift_right_arithmetic3A_1785 = vector.broadcast %shift_right_arithmetic3A_1784 : i32 to vector<16xi32>
    %shift_right_arithmetic3A_1786 = arith.shrsi %add3A_1783, %shift_right_arithmetic3A_1785 : vector<16xi32>
    %shift_left3A_1787 = arith.constant 3 : i32
    %shift_left3A_1788 = vector.broadcast %shift_left3A_1787 : i32 to vector<16xi32>
    %shift_left3A_1789 = arith.shli %shift_right_arithmetic3A_1786, %shift_left3A_1788 : vector<16xi32>
    %and3A_1790 = arith.constant 7 : i32
    %and3A_1791 = vector.broadcast %and3A_1790 : i32 to vector<16xi32>
    %and3A_1792 = arith.andi %add3A_1783, %and3A_1791 : vector<16xi32>
    %add3A_1793 = arith.addi %shift_left3A_1789, %and3A_1792 : vector<16xi32>
    %shift_right_arithmetic3A_1794 = arith.constant 3 : i32
    %shift_right_arithmetic3A_1795 = vector.broadcast %shift_right_arithmetic3A_1794 : i32 to vector<16xi32>
    %shift_right_arithmetic3A_1796 = arith.shrsi %add3A_1783, %shift_right_arithmetic3A_1795 : vector<16xi32>
    %and3A_1797 = arith.constant 7 : i32
    %and3A_1798 = vector.broadcast %and3A_1797 : i32 to vector<16xi32>
    %and3A_1799 = arith.andi %shift_right_arithmetic3A_1796, %and3A_1798 : vector<16xi32>
    %gather3A_1800 = tpu.vector_load_idx %arg5[%add3A_1793] : memref<256xi32, #tpu.memory_space<vmem>>[vector<16xi32>], vector<16xi32>,
    %shift_left3A_1801 = arith.constant 3 : i32
    %shift_left3A_1802 = vector.broadcast %shift_left3A_1801 : i32 to vector<16xi32>
    %shift_left3A_1803 = arith.shli %gather3A_1800, %shift_left3A_1802 : vector<16xi32>
    %or3A_1804 = arith.ori %shift_left3A_1803, %and3A_1799 : vector<16xi32>
    %swap3A_1805 = arith.constant 1056 : index
    %swap3A_1806 = tpu.vector_load %arg6[%swap3A_1805] {strides = array<i32>} : memref<2048xi32, #tpu.memory_space<vmem>>, vector<16xi32>,
    tpu.vector_store %arg6[%swap3A_1805], %or3A_1804 {strides = array<i32>} : memref<2048xi32, #tpu.memory_space<vmem>>, vector<16xi32>,
    %add3A_1807 = arith.constant 1072 : i32
    %add3A_1808 = vector.broadcast %add3A_1807 : i32 to vector<16xi32>
    %add3A_1809 = arith.addi %add3A_1808, %iota3A : vector<16xi32>
    %shift_right_arithmetic3A_1810 = arith.constant 6 : i32
    %shift_right_arithmetic3A_1811 = vector.broadcast %shift_right_arithmetic3A_1810 : i32 to vector<16xi32>
    %shift_right_arithmetic3A_1812 = arith.shrsi %add3A_1809, %shift_right_arithmetic3A_1811 : vector<16xi32>
    %shift_left3A_1813 = arith.constant 3 : i32
    %shift_left3A_1814 = vector.broadcast %shift_left3A_1813 : i32 to vector<16xi32>
    %shift_left3A_1815 = arith.shli %shift_right_arithmetic3A_1812, %shift_left3A_1814 : vector<16xi32>
    %and3A_1816 = arith.constant 7 : i32
    %and3A_1817 = vector.broadcast %and3A_1816 : i32 to vector<16xi32>
    %and3A_1818 = arith.andi %add3A_1809, %and3A_1817 : vector<16xi32>
    %add3A_1819 = arith.addi %shift_left3A_1815, %and3A_1818 : vector<16xi32>
    %shift_right_arithmetic3A_1820 = arith.constant 3 : i32
    %shift_right_arithmetic3A_1821 = vector.broadcast %shift_right_arithmetic3A_1820 : i32 to vector<16xi32>
    %shift_right_arithmetic3A_1822 = arith.shrsi %add3A_1809, %shift_right_arithmetic3A_1821 : vector<16xi32>
    %and3A_1823 = arith.constant 7 : i32
    %and3A_1824 = vector.broadcast %and3A_1823 : i32 to vector<16xi32>
    %and3A_1825 = arith.andi %shift_right_arithmetic3A_1822, %and3A_1824 : vector<16xi32>
    %gather3A_1826 = tpu.vector_load_idx %arg5[%add3A_1819] : memref<256xi32, #tpu.memory_space<vmem>>[vector<16xi32>], vector<16xi32>,
    %shift_left3A_1827 = arith.constant 3 : i32
    %shift_left3A_1828 = vector.broadcast %shift_left3A_1827 : i32 to vector<16xi32>
    %shift_left3A_1829 = arith.shli %gather3A_1826, %shift_left3A_1828 : vector<16xi32>
    %or3A_1830 = arith.ori %shift_left3A_1829, %and3A_1825 : vector<16xi32>
    %swap3A_1831 = arith.constant 1072 : index
    %swap3A_1832 = tpu.vector_load %arg6[%swap3A_1831] {strides = array<i32>} : memref<2048xi32, #tpu.memory_space<vmem>>, vector<16xi32>,
    tpu.vector_store %arg6[%swap3A_1831], %or3A_1830 {strides = array<i32>} : memref<2048xi32, #tpu.memory_space<vmem>>, vector<16xi32>,
    %add3A_1833 = arith.constant 1088 : i32
    %add3A_1834 = vector.broadcast %add3A_1833 : i32 to vector<16xi32>
    %add3A_1835 = arith.addi %add3A_1834, %iota3A : vector<16xi32>
    %shift_right_arithmetic3A_1836 = arith.constant 6 : i32
    %shift_right_arithmetic3A_1837 = vector.broadcast %shift_right_arithmetic3A_1836 : i32 to vector<16xi32>
    %shift_right_arithmetic3A_1838 = arith.shrsi %add3A_1835, %shift_right_arithmetic3A_1837 : vector<16xi32>
    %shift_left3A_1839 = arith.constant 3 : i32
    %shift_left3A_1840 = vector.broadcast %shift_left3A_1839 : i32 to vector<16xi32>
    %shift_left3A_1841 = arith.shli %shift_right_arithmetic3A_1838, %shift_left3A_1840 : vector<16xi32>
    %and3A_1842 = arith.constant 7 : i32
    %and3A_1843 = vector.broadcast %and3A_1842 : i32 to vector<16xi32>
    %and3A_1844 = arith.andi %add3A_1835, %and3A_1843 : vector<16xi32>
    %add3A_1845 = arith.addi %shift_left3A_1841, %and3A_1844 : vector<16xi32>
    %shift_right_arithmetic3A_1846 = arith.constant 3 : i32
    %shift_right_arithmetic3A_1847 = vector.broadcast %shift_right_arithmetic3A_1846 : i32 to vector<16xi32>
    %shift_right_arithmetic3A_1848 = arith.shrsi %add3A_1835, %shift_right_arithmetic3A_1847 : vector<16xi32>
    %and3A_1849 = arith.constant 7 : i32
    %and3A_1850 = vector.broadcast %and3A_1849 : i32 to vector<16xi32>
    %and3A_1851 = arith.andi %shift_right_arithmetic3A_1848, %and3A_1850 : vector<16xi32>
    %gather3A_1852 = tpu.vector_load_idx %arg5[%add3A_1845] : memref<256xi32, #tpu.memory_space<vmem>>[vector<16xi32>], vector<16xi32>,
    %shift_left3A_1853 = arith.constant 3 : i32
    %shift_left3A_1854 = vector.broadcast %shift_left3A_1853 : i32 to vector<16xi32>
    %shift_left3A_1855 = arith.shli %gather3A_1852, %shift_left3A_1854 : vector<16xi32>
    %or3A_1856 = arith.ori %shift_left3A_1855, %and3A_1851 : vector<16xi32>
    %swap3A_1857 = arith.constant 1088 : index
    %swap3A_1858 = tpu.vector_load %arg6[%swap3A_1857] {strides = array<i32>} : memref<2048xi32, #tpu.memory_space<vmem>>, vector<16xi32>,
    tpu.vector_store %arg6[%swap3A_1857], %or3A_1856 {strides = array<i32>} : memref<2048xi32, #tpu.memory_space<vmem>>, vector<16xi32>,
    %add3A_1859 = arith.constant 1104 : i32
    %add3A_1860 = vector.broadcast %add3A_1859 : i32 to vector<16xi32>
    %add3A_1861 = arith.addi %add3A_1860, %iota3A : vector<16xi32>
    %shift_right_arithmetic3A_1862 = arith.constant 6 : i32
    %shift_right_arithmetic3A_1863 = vector.broadcast %shift_right_arithmetic3A_1862 : i32 to vector<16xi32>
    %shift_right_arithmetic3A_1864 = arith.shrsi %add3A_1861, %shift_right_arithmetic3A_1863 : vector<16xi32>
    %shift_left3A_1865 = arith.constant 3 : i32
    %shift_left3A_1866 = vector.broadcast %shift_left3A_1865 : i32 to vector<16xi32>
    %shift_left3A_1867 = arith.shli %shift_right_arithmetic3A_1864, %shift_left3A_1866 : vector<16xi32>
    %and3A_1868 = arith.constant 7 : i32
    %and3A_1869 = vector.broadcast %and3A_1868 : i32 to vector<16xi32>
    %and3A_1870 = arith.andi %add3A_1861, %and3A_1869 : vector<16xi32>
    %add3A_1871 = arith.addi %shift_left3A_1867, %and3A_1870 : vector<16xi32>
    %shift_right_arithmetic3A_1872 = arith.constant 3 : i32
    %shift_right_arithmetic3A_1873 = vector.broadcast %shift_right_arithmetic3A_1872 : i32 to vector<16xi32>
    %shift_right_arithmetic3A_1874 = arith.shrsi %add3A_1861, %shift_right_arithmetic3A_1873 : vector<16xi32>
    %and3A_1875 = arith.constant 7 : i32
    %and3A_1876 = vector.broadcast %and3A_1875 : i32 to vector<16xi32>
    %and3A_1877 = arith.andi %shift_right_arithmetic3A_1874, %and3A_1876 : vector<16xi32>
    %gather3A_1878 = tpu.vector_load_idx %arg5[%add3A_1871] : memref<256xi32, #tpu.memory_space<vmem>>[vector<16xi32>], vector<16xi32>,
    %shift_left3A_1879 = arith.constant 3 : i32
    %shift_left3A_1880 = vector.broadcast %shift_left3A_1879 : i32 to vector<16xi32>
    %shift_left3A_1881 = arith.shli %gather3A_1878, %shift_left3A_1880 : vector<16xi32>
    %or3A_1882 = arith.ori %shift_left3A_1881, %and3A_1877 : vector<16xi32>
    %swap3A_1883 = arith.constant 1104 : index
    %swap3A_1884 = tpu.vector_load %arg6[%swap3A_1883] {strides = array<i32>} : memref<2048xi32, #tpu.memory_space<vmem>>, vector<16xi32>,
    tpu.vector_store %arg6[%swap3A_1883], %or3A_1882 {strides = array<i32>} : memref<2048xi32, #tpu.memory_space<vmem>>, vector<16xi32>,
    %add3A_1885 = arith.constant 1120 : i32
    %add3A_1886 = vector.broadcast %add3A_1885 : i32 to vector<16xi32>
    %add3A_1887 = arith.addi %add3A_1886, %iota3A : vector<16xi32>
    %shift_right_arithmetic3A_1888 = arith.constant 6 : i32
    %shift_right_arithmetic3A_1889 = vector.broadcast %shift_right_arithmetic3A_1888 : i32 to vector<16xi32>
    %shift_right_arithmetic3A_1890 = arith.shrsi %add3A_1887, %shift_right_arithmetic3A_1889 : vector<16xi32>
    %shift_left3A_1891 = arith.constant 3 : i32
    %shift_left3A_1892 = vector.broadcast %shift_left3A_1891 : i32 to vector<16xi32>
    %shift_left3A_1893 = arith.shli %shift_right_arithmetic3A_1890, %shift_left3A_1892 : vector<16xi32>
    %and3A_1894 = arith.constant 7 : i32
    %and3A_1895 = vector.broadcast %and3A_1894 : i32 to vector<16xi32>
    %and3A_1896 = arith.andi %add3A_1887, %and3A_1895 : vector<16xi32>
    %add3A_1897 = arith.addi %shift_left3A_1893, %and3A_1896 : vector<16xi32>
    %shift_right_arithmetic3A_1898 = arith.constant 3 : i32
    %shift_right_arithmetic3A_1899 = vector.broadcast %shift_right_arithmetic3A_1898 : i32 to vector<16xi32>
    %shift_right_arithmetic3A_1900 = arith.shrsi %add3A_1887, %shift_right_arithmetic3A_1899 : vector<16xi32>
    %and3A_1901 = arith.constant 7 : i32
    %and3A_1902 = vector.broadcast %and3A_1901 : i32 to vector<16xi32>
    %and3A_1903 = arith.andi %shift_right_arithmetic3A_1900, %and3A_1902 : vector<16xi32>
    %gather3A_1904 = tpu.vector_load_idx %arg5[%add3A_1897] : memref<256xi32, #tpu.memory_space<vmem>>[vector<16xi32>], vector<16xi32>,
    %shift_left3A_1905 = arith.constant 3 : i32
    %shift_left3A_1906 = vector.broadcast %shift_left3A_1905 : i32 to vector<16xi32>
    %shift_left3A_1907 = arith.shli %gather3A_1904, %shift_left3A_1906 : vector<16xi32>
    %or3A_1908 = arith.ori %shift_left3A_1907, %and3A_1903 : vector<16xi32>
    %swap3A_1909 = arith.constant 1120 : index
    %swap3A_1910 = tpu.vector_load %arg6[%swap3A_1909] {strides = array<i32>} : memref<2048xi32, #tpu.memory_space<vmem>>, vector<16xi32>,
    tpu.vector_store %arg6[%swap3A_1909], %or3A_1908 {strides = array<i32>} : memref<2048xi32, #tpu.memory_space<vmem>>, vector<16xi32>,
    %add3A_1911 = arith.constant 1136 : i32
    %add3A_1912 = vector.broadcast %add3A_1911 : i32 to vector<16xi32>
    %add3A_1913 = arith.addi %add3A_1912, %iota3A : vector<16xi32>
    %shift_right_arithmetic3A_1914 = arith.constant 6 : i32
    %shift_right_arithmetic3A_1915 = vector.broadcast %shift_right_arithmetic3A_1914 : i32 to vector<16xi32>
    %shift_right_arithmetic3A_1916 = arith.shrsi %add3A_1913, %shift_right_arithmetic3A_1915 : vector<16xi32>
    %shift_left3A_1917 = arith.constant 3 : i32
    %shift_left3A_1918 = vector.broadcast %shift_left3A_1917 : i32 to vector<16xi32>
    %shift_left3A_1919 = arith.shli %shift_right_arithmetic3A_1916, %shift_left3A_1918 : vector<16xi32>
    %and3A_1920 = arith.constant 7 : i32
    %and3A_1921 = vector.broadcast %and3A_1920 : i32 to vector<16xi32>
    %and3A_1922 = arith.andi %add3A_1913, %and3A_1921 : vector<16xi32>
    %add3A_1923 = arith.addi %shift_left3A_1919, %and3A_1922 : vector<16xi32>
    %shift_right_arithmetic3A_1924 = arith.constant 3 : i32
    %shift_right_arithmetic3A_1925 = vector.broadcast %shift_right_arithmetic3A_1924 : i32 to vector<16xi32>
    %shift_right_arithmetic3A_1926 = arith.shrsi %add3A_1913, %shift_right_arithmetic3A_1925 : vector<16xi32>
    %and3A_1927 = arith.constant 7 : i32
    %and3A_1928 = vector.broadcast %and3A_1927 : i32 to vector<16xi32>
    %and3A_1929 = arith.andi %shift_right_arithmetic3A_1926, %and3A_1928 : vector<16xi32>
    %gather3A_1930 = tpu.vector_load_idx %arg5[%add3A_1923] : memref<256xi32, #tpu.memory_space<vmem>>[vector<16xi32>], vector<16xi32>,
    %shift_left3A_1931 = arith.constant 3 : i32
    %shift_left3A_1932 = vector.broadcast %shift_left3A_1931 : i32 to vector<16xi32>
    %shift_left3A_1933 = arith.shli %gather3A_1930, %shift_left3A_1932 : vector<16xi32>
    %or3A_1934 = arith.ori %shift_left3A_1933, %and3A_1929 : vector<16xi32>
    %swap3A_1935 = arith.constant 1136 : index
    %swap3A_1936 = tpu.vector_load %arg6[%swap3A_1935] {strides = array<i32>} : memref<2048xi32, #tpu.memory_space<vmem>>, vector<16xi32>,
    tpu.vector_store %arg6[%swap3A_1935], %or3A_1934 {strides = array<i32>} : memref<2048xi32, #tpu.memory_space<vmem>>, vector<16xi32>,
    %dma_wait3A_1937 = arith.constant 256 : i32
    %dma_wait3A_1938 = tpu.memref_slice %arg6[%dma_wait3A_1937] : memref<2048xi32, #tpu.memory_space<vmem>> -> memref<128xi32, #tpu.memory_space<vmem>>
    %dma_wait3A_1939 = arith.constant 0 : i32
    %dma_wait3A_1940 = arith.constant 0 : i32
    %dma_wait3A_1941 = tpu.memref_slice %arg3[%dma_wait3A_1939, %dma_wait3A_1940] : memref<65544x128xf32, #tpu.memory_space<hbm>> -> memref<65544x128xf32, #tpu.memory_space<hbm>>
    tpu.wait_indirect_dma semaphore(%arg15 : memref<!tpu.dma_semaphore, #tpu.memory_space<semaphore_mem>>) src(%dma_wait3A_1941 : memref<65544x128xf32, #tpu.memory_space<hbm>>) dst(%arg9 : memref<128x128xf32, #tpu.memory_space<vmem>>)
    %add3A_1942 = arith.constant 256 : i32
    %add3A_1943 = arith.addi %mul3A_2, %add3A_1942 : i32
    %dma_start3A_1944 = arith.constant 0 : i32
    %dma_start3A_1945 = tpu.memref_slice %arg4[%add3A_1943, %dma_start3A_1944] : memref<65536x128xf32, #tpu.memory_space<hbm>> -> memref<128x128xf32, #tpu.memory_space<hbm>>
    %dma_start3A_1946 = arith.constant 0 : i32
    %dma_start3A_1947 = tpu.memref_slice %arg4[%add3A_1943, %dma_start3A_1946] : memref<65536x128xf32, #tpu.memory_space<hbm>> -> memref<128x128xf32, #tpu.memory_space<hbm>>
    tpu.enqueue_dma source(%arg9 : memref<128x128xf32, #tpu.memory_space<vmem>>) target(%dma_start3A_1947 : memref<128x128xf32, #tpu.memory_space<hbm>>) target_semaphore(%arg21 : memref<!tpu.dma_semaphore, #tpu.memory_space<semaphore_mem>>)
    %dma_wait3A_1948 = arith.constant 0 : i32
    %dma_wait3A_1949 = tpu.memref_slice %arg4[%add3A_1943, %dma_wait3A_1948] : memref<65536x128xf32, #tpu.memory_space<hbm>> -> memref<128x128xf32, #tpu.memory_space<hbm>>
    %dma_wait3A_1950 = arith.constant 0 : i32
    %dma_wait3A_1951 = tpu.memref_slice %arg4[%add3A_1943, %dma_wait3A_1950] : memref<65536x128xf32, #tpu.memory_space<hbm>> -> memref<128x128xf32, #tpu.memory_space<hbm>>
    tpu.wait_dma2 semaphore(%arg21 : memref<!tpu.dma_semaphore, #tpu.memory_space<semaphore_mem>>) src(%arg9 : memref<128x128xf32, #tpu.memory_space<vmem>>) dst(%dma_wait3A_1951 : memref<128x128xf32, #tpu.memory_space<hbm>>)
    %dma_start3A_1952 = arith.constant 1024 : i32
    %dma_start3A_1953 = tpu.memref_slice %arg6[%dma_start3A_1952] : memref<2048xi32, #tpu.memory_space<vmem>> -> memref<128xi32, #tpu.memory_space<vmem>>
    %dma_start3A_1954 = arith.constant 0 : i32
    %dma_start3A_1955 = arith.constant 0 : i32
    %dma_start3A_1956 = tpu.memref_slice %arg3[%dma_start3A_1954, %dma_start3A_1955] : memref<65544x128xf32, #tpu.memory_space<hbm>> -> memref<65544x128xf32, #tpu.memory_space<hbm>>
    tpu.enqueue_indirect_dma source(%dma_start3A_1956 : memref<65544x128xf32, #tpu.memory_space<hbm>>) target(%arg9 : memref<128x128xf32, #tpu.memory_space<vmem>>) offsets(%dma_start3A_1953 : memref<128xi32, #tpu.memory_space<vmem>>) semaphore(%arg15 : memref<!tpu.dma_semaphore, #tpu.memory_space<semaphore_mem>>)
    %add3A_1957 = arith.constant 1152 : i32
    %add3A_1958 = vector.broadcast %add3A_1957 : i32 to vector<16xi32>
    %add3A_1959 = arith.addi %add3A_1958, %iota3A : vector<16xi32>
    %shift_right_arithmetic3A_1960 = arith.constant 6 : i32
    %shift_right_arithmetic3A_1961 = vector.broadcast %shift_right_arithmetic3A_1960 : i32 to vector<16xi32>
    %shift_right_arithmetic3A_1962 = arith.shrsi %add3A_1959, %shift_right_arithmetic3A_1961 : vector<16xi32>
    %shift_left3A_1963 = arith.constant 3 : i32
    %shift_left3A_1964 = vector.broadcast %shift_left3A_1963 : i32 to vector<16xi32>
    %shift_left3A_1965 = arith.shli %shift_right_arithmetic3A_1962, %shift_left3A_1964 : vector<16xi32>
    %and3A_1966 = arith.constant 7 : i32
    %and3A_1967 = vector.broadcast %and3A_1966 : i32 to vector<16xi32>
    %and3A_1968 = arith.andi %add3A_1959, %and3A_1967 : vector<16xi32>
    %add3A_1969 = arith.addi %shift_left3A_1965, %and3A_1968 : vector<16xi32>
    %shift_right_arithmetic3A_1970 = arith.constant 3 : i32
    %shift_right_arithmetic3A_1971 = vector.broadcast %shift_right_arithmetic3A_1970 : i32 to vector<16xi32>
    %shift_right_arithmetic3A_1972 = arith.shrsi %add3A_1959, %shift_right_arithmetic3A_1971 : vector<16xi32>
    %and3A_1973 = arith.constant 7 : i32
    %and3A_1974 = vector.broadcast %and3A_1973 : i32 to vector<16xi32>
    %and3A_1975 = arith.andi %shift_right_arithmetic3A_1972, %and3A_1974 : vector<16xi32>
    %gather3A_1976 = tpu.vector_load_idx %arg5[%add3A_1969] : memref<256xi32, #tpu.memory_space<vmem>>[vector<16xi32>], vector<16xi32>,
    %shift_left3A_1977 = arith.constant 3 : i32
    %shift_left3A_1978 = vector.broadcast %shift_left3A_1977 : i32 to vector<16xi32>
    %shift_left3A_1979 = arith.shli %gather3A_1976, %shift_left3A_1978 : vector<16xi32>
    %or3A_1980 = arith.ori %shift_left3A_1979, %and3A_1975 : vector<16xi32>
    %swap3A_1981 = arith.constant 1152 : index
    %swap3A_1982 = tpu.vector_load %arg6[%swap3A_1981] {strides = array<i32>} : memref<2048xi32, #tpu.memory_space<vmem>>, vector<16xi32>,
    tpu.vector_store %arg6[%swap3A_1981], %or3A_1980 {strides = array<i32>} : memref<2048xi32, #tpu.memory_space<vmem>>, vector<16xi32>,
    %add3A_1983 = arith.constant 1168 : i32
    %add3A_1984 = vector.broadcast %add3A_1983 : i32 to vector<16xi32>
    %add3A_1985 = arith.addi %add3A_1984, %iota3A : vector<16xi32>
    %shift_right_arithmetic3A_1986 = arith.constant 6 : i32
    %shift_right_arithmetic3A_1987 = vector.broadcast %shift_right_arithmetic3A_1986 : i32 to vector<16xi32>
    %shift_right_arithmetic3A_1988 = arith.shrsi %add3A_1985, %shift_right_arithmetic3A_1987 : vector<16xi32>
    %shift_left3A_1989 = arith.constant 3 : i32
    %shift_left3A_1990 = vector.broadcast %shift_left3A_1989 : i32 to vector<16xi32>
    %shift_left3A_1991 = arith.shli %shift_right_arithmetic3A_1988, %shift_left3A_1990 : vector<16xi32>
    %and3A_1992 = arith.constant 7 : i32
    %and3A_1993 = vector.broadcast %and3A_1992 : i32 to vector<16xi32>
    %and3A_1994 = arith.andi %add3A_1985, %and3A_1993 : vector<16xi32>
    %add3A_1995 = arith.addi %shift_left3A_1991, %and3A_1994 : vector<16xi32>
    %shift_right_arithmetic3A_1996 = arith.constant 3 : i32
    %shift_right_arithmetic3A_1997 = vector.broadcast %shift_right_arithmetic3A_1996 : i32 to vector<16xi32>
    %shift_right_arithmetic3A_1998 = arith.shrsi %add3A_1985, %shift_right_arithmetic3A_1997 : vector<16xi32>
    %and3A_1999 = arith.constant 7 : i32
    %and3A_2000 = vector.broadcast %and3A_1999 : i32 to vector<16xi32>
    %and3A_2001 = arith.andi %shift_right_arithmetic3A_1998, %and3A_2000 : vector<16xi32>
    %gather3A_2002 = tpu.vector_load_idx %arg5[%add3A_1995] : memref<256xi32, #tpu.memory_space<vmem>>[vector<16xi32>], vector<16xi32>,
    %shift_left3A_2003 = arith.constant 3 : i32
    %shift_left3A_2004 = vector.broadcast %shift_left3A_2003 : i32 to vector<16xi32>
    %shift_left3A_2005 = arith.shli %gather3A_2002, %shift_left3A_2004 : vector<16xi32>
    %or3A_2006 = arith.ori %shift_left3A_2005, %and3A_2001 : vector<16xi32>
    %swap3A_2007 = arith.constant 1168 : index
    %swap3A_2008 = tpu.vector_load %arg6[%swap3A_2007] {strides = array<i32>} : memref<2048xi32, #tpu.memory_space<vmem>>, vector<16xi32>,
    tpu.vector_store %arg6[%swap3A_2007], %or3A_2006 {strides = array<i32>} : memref<2048xi32, #tpu.memory_space<vmem>>, vector<16xi32>,
    %add3A_2009 = arith.constant 1184 : i32
    %add3A_2010 = vector.broadcast %add3A_2009 : i32 to vector<16xi32>
    %add3A_2011 = arith.addi %add3A_2010, %iota3A : vector<16xi32>
    %shift_right_arithmetic3A_2012 = arith.constant 6 : i32
    %shift_right_arithmetic3A_2013 = vector.broadcast %shift_right_arithmetic3A_2012 : i32 to vector<16xi32>
    %shift_right_arithmetic3A_2014 = arith.shrsi %add3A_2011, %shift_right_arithmetic3A_2013 : vector<16xi32>
    %shift_left3A_2015 = arith.constant 3 : i32
    %shift_left3A_2016 = vector.broadcast %shift_left3A_2015 : i32 to vector<16xi32>
    %shift_left3A_2017 = arith.shli %shift_right_arithmetic3A_2014, %shift_left3A_2016 : vector<16xi32>
    %and3A_2018 = arith.constant 7 : i32
    %and3A_2019 = vector.broadcast %and3A_2018 : i32 to vector<16xi32>
    %and3A_2020 = arith.andi %add3A_2011, %and3A_2019 : vector<16xi32>
    %add3A_2021 = arith.addi %shift_left3A_2017, %and3A_2020 : vector<16xi32>
    %shift_right_arithmetic3A_2022 = arith.constant 3 : i32
    %shift_right_arithmetic3A_2023 = vector.broadcast %shift_right_arithmetic3A_2022 : i32 to vector<16xi32>
    %shift_right_arithmetic3A_2024 = arith.shrsi %add3A_2011, %shift_right_arithmetic3A_2023 : vector<16xi32>
    %and3A_2025 = arith.constant 7 : i32
    %and3A_2026 = vector.broadcast %and3A_2025 : i32 to vector<16xi32>
    %and3A_2027 = arith.andi %shift_right_arithmetic3A_2024, %and3A_2026 : vector<16xi32>
    %gather3A_2028 = tpu.vector_load_idx %arg5[%add3A_2021] : memref<256xi32, #tpu.memory_space<vmem>>[vector<16xi32>], vector<16xi32>,
    %shift_left3A_2029 = arith.constant 3 : i32
    %shift_left3A_2030 = vector.broadcast %shift_left3A_2029 : i32 to vector<16xi32>
    %shift_left3A_2031 = arith.shli %gather3A_2028, %shift_left3A_2030 : vector<16xi32>
    %or3A_2032 = arith.ori %shift_left3A_2031, %and3A_2027 : vector<16xi32>
    %swap3A_2033 = arith.constant 1184 : index
    %swap3A_2034 = tpu.vector_load %arg6[%swap3A_2033] {strides = array<i32>} : memref<2048xi32, #tpu.memory_space<vmem>>, vector<16xi32>,
    tpu.vector_store %arg6[%swap3A_2033], %or3A_2032 {strides = array<i32>} : memref<2048xi32, #tpu.memory_space<vmem>>, vector<16xi32>,
    %add3A_2035 = arith.constant 1200 : i32
    %add3A_2036 = vector.broadcast %add3A_2035 : i32 to vector<16xi32>
    %add3A_2037 = arith.addi %add3A_2036, %iota3A : vector<16xi32>
    %shift_right_arithmetic3A_2038 = arith.constant 6 : i32
    %shift_right_arithmetic3A_2039 = vector.broadcast %shift_right_arithmetic3A_2038 : i32 to vector<16xi32>
    %shift_right_arithmetic3A_2040 = arith.shrsi %add3A_2037, %shift_right_arithmetic3A_2039 : vector<16xi32>
    %shift_left3A_2041 = arith.constant 3 : i32
    %shift_left3A_2042 = vector.broadcast %shift_left3A_2041 : i32 to vector<16xi32>
    %shift_left3A_2043 = arith.shli %shift_right_arithmetic3A_2040, %shift_left3A_2042 : vector<16xi32>
    %and3A_2044 = arith.constant 7 : i32
    %and3A_2045 = vector.broadcast %and3A_2044 : i32 to vector<16xi32>
    %and3A_2046 = arith.andi %add3A_2037, %and3A_2045 : vector<16xi32>
    %add3A_2047 = arith.addi %shift_left3A_2043, %and3A_2046 : vector<16xi32>
    %shift_right_arithmetic3A_2048 = arith.constant 3 : i32
    %shift_right_arithmetic3A_2049 = vector.broadcast %shift_right_arithmetic3A_2048 : i32 to vector<16xi32>
    %shift_right_arithmetic3A_2050 = arith.shrsi %add3A_2037, %shift_right_arithmetic3A_2049 : vector<16xi32>
    %and3A_2051 = arith.constant 7 : i32
    %and3A_2052 = vector.broadcast %and3A_2051 : i32 to vector<16xi32>
    %and3A_2053 = arith.andi %shift_right_arithmetic3A_2050, %and3A_2052 : vector<16xi32>
    %gather3A_2054 = tpu.vector_load_idx %arg5[%add3A_2047] : memref<256xi32, #tpu.memory_space<vmem>>[vector<16xi32>], vector<16xi32>,
    %shift_left3A_2055 = arith.constant 3 : i32
    %shift_left3A_2056 = vector.broadcast %shift_left3A_2055 : i32 to vector<16xi32>
    %shift_left3A_2057 = arith.shli %gather3A_2054, %shift_left3A_2056 : vector<16xi32>
    %or3A_2058 = arith.ori %shift_left3A_2057, %and3A_2053 : vector<16xi32>
    %swap3A_2059 = arith.constant 1200 : index
    %swap3A_2060 = tpu.vector_load %arg6[%swap3A_2059] {strides = array<i32>} : memref<2048xi32, #tpu.memory_space<vmem>>, vector<16xi32>,
    tpu.vector_store %arg6[%swap3A_2059], %or3A_2058 {strides = array<i32>} : memref<2048xi32, #tpu.memory_space<vmem>>, vector<16xi32>,
    %add3A_2061 = arith.constant 1216 : i32
    %add3A_2062 = vector.broadcast %add3A_2061 : i32 to vector<16xi32>
    %add3A_2063 = arith.addi %add3A_2062, %iota3A : vector<16xi32>
    %shift_right_arithmetic3A_2064 = arith.constant 6 : i32
    %shift_right_arithmetic3A_2065 = vector.broadcast %shift_right_arithmetic3A_2064 : i32 to vector<16xi32>
    %shift_right_arithmetic3A_2066 = arith.shrsi %add3A_2063, %shift_right_arithmetic3A_2065 : vector<16xi32>
    %shift_left3A_2067 = arith.constant 3 : i32
    %shift_left3A_2068 = vector.broadcast %shift_left3A_2067 : i32 to vector<16xi32>
    %shift_left3A_2069 = arith.shli %shift_right_arithmetic3A_2066, %shift_left3A_2068 : vector<16xi32>
    %and3A_2070 = arith.constant 7 : i32
    %and3A_2071 = vector.broadcast %and3A_2070 : i32 to vector<16xi32>
    %and3A_2072 = arith.andi %add3A_2063, %and3A_2071 : vector<16xi32>
    %add3A_2073 = arith.addi %shift_left3A_2069, %and3A_2072 : vector<16xi32>
    %shift_right_arithmetic3A_2074 = arith.constant 3 : i32
    %shift_right_arithmetic3A_2075 = vector.broadcast %shift_right_arithmetic3A_2074 : i32 to vector<16xi32>
    %shift_right_arithmetic3A_2076 = arith.shrsi %add3A_2063, %shift_right_arithmetic3A_2075 : vector<16xi32>
    %and3A_2077 = arith.constant 7 : i32
    %and3A_2078 = vector.broadcast %and3A_2077 : i32 to vector<16xi32>
    %and3A_2079 = arith.andi %shift_right_arithmetic3A_2076, %and3A_2078 : vector<16xi32>
    %gather3A_2080 = tpu.vector_load_idx %arg5[%add3A_2073] : memref<256xi32, #tpu.memory_space<vmem>>[vector<16xi32>], vector<16xi32>,
    %shift_left3A_2081 = arith.constant 3 : i32
    %shift_left3A_2082 = vector.broadcast %shift_left3A_2081 : i32 to vector<16xi32>
    %shift_left3A_2083 = arith.shli %gather3A_2080, %shift_left3A_2082 : vector<16xi32>
    %or3A_2084 = arith.ori %shift_left3A_2083, %and3A_2079 : vector<16xi32>
    %swap3A_2085 = arith.constant 1216 : index
    %swap3A_2086 = tpu.vector_load %arg6[%swap3A_2085] {strides = array<i32>} : memref<2048xi32, #tpu.memory_space<vmem>>, vector<16xi32>,
    tpu.vector_store %arg6[%swap3A_2085], %or3A_2084 {strides = array<i32>} : memref<2048xi32, #tpu.memory_space<vmem>>, vector<16xi32>,
    %add3A_2087 = arith.constant 1232 : i32
    %add3A_2088 = vector.broadcast %add3A_2087 : i32 to vector<16xi32>
    %add3A_2089 = arith.addi %add3A_2088, %iota3A : vector<16xi32>
    %shift_right_arithmetic3A_2090 = arith.constant 6 : i32
    %shift_right_arithmetic3A_2091 = vector.broadcast %shift_right_arithmetic3A_2090 : i32 to vector<16xi32>
    %shift_right_arithmetic3A_2092 = arith.shrsi %add3A_2089, %shift_right_arithmetic3A_2091 : vector<16xi32>
    %shift_left3A_2093 = arith.constant 3 : i32
    %shift_left3A_2094 = vector.broadcast %shift_left3A_2093 : i32 to vector<16xi32>
    %shift_left3A_2095 = arith.shli %shift_right_arithmetic3A_2092, %shift_left3A_2094 : vector<16xi32>
    %and3A_2096 = arith.constant 7 : i32
    %and3A_2097 = vector.broadcast %and3A_2096 : i32 to vector<16xi32>
    %and3A_2098 = arith.andi %add3A_2089, %and3A_2097 : vector<16xi32>
    %add3A_2099 = arith.addi %shift_left3A_2095, %and3A_2098 : vector<16xi32>
    %shift_right_arithmetic3A_2100 = arith.constant 3 : i32
    %shift_right_arithmetic3A_2101 = vector.broadcast %shift_right_arithmetic3A_2100 : i32 to vector<16xi32>
    %shift_right_arithmetic3A_2102 = arith.shrsi %add3A_2089, %shift_right_arithmetic3A_2101 : vector<16xi32>
    %and3A_2103 = arith.constant 7 : i32
    %and3A_2104 = vector.broadcast %and3A_2103 : i32 to vector<16xi32>
    %and3A_2105 = arith.andi %shift_right_arithmetic3A_2102, %and3A_2104 : vector<16xi32>
    %gather3A_2106 = tpu.vector_load_idx %arg5[%add3A_2099] : memref<256xi32, #tpu.memory_space<vmem>>[vector<16xi32>], vector<16xi32>,
    %shift_left3A_2107 = arith.constant 3 : i32
    %shift_left3A_2108 = vector.broadcast %shift_left3A_2107 : i32 to vector<16xi32>
    %shift_left3A_2109 = arith.shli %gather3A_2106, %shift_left3A_2108 : vector<16xi32>
    %or3A_2110 = arith.ori %shift_left3A_2109, %and3A_2105 : vector<16xi32>
    %swap3A_2111 = arith.constant 1232 : index
    %swap3A_2112 = tpu.vector_load %arg6[%swap3A_2111] {strides = array<i32>} : memref<2048xi32, #tpu.memory_space<vmem>>, vector<16xi32>,
    tpu.vector_store %arg6[%swap3A_2111], %or3A_2110 {strides = array<i32>} : memref<2048xi32, #tpu.memory_space<vmem>>, vector<16xi32>,
    %add3A_2113 = arith.constant 1248 : i32
    %add3A_2114 = vector.broadcast %add3A_2113 : i32 to vector<16xi32>
    %add3A_2115 = arith.addi %add3A_2114, %iota3A : vector<16xi32>
    %shift_right_arithmetic3A_2116 = arith.constant 6 : i32
    %shift_right_arithmetic3A_2117 = vector.broadcast %shift_right_arithmetic3A_2116 : i32 to vector<16xi32>
    %shift_right_arithmetic3A_2118 = arith.shrsi %add3A_2115, %shift_right_arithmetic3A_2117 : vector<16xi32>
    %shift_left3A_2119 = arith.constant 3 : i32
    %shift_left3A_2120 = vector.broadcast %shift_left3A_2119 : i32 to vector<16xi32>
    %shift_left3A_2121 = arith.shli %shift_right_arithmetic3A_2118, %shift_left3A_2120 : vector<16xi32>
    %and3A_2122 = arith.constant 7 : i32
    %and3A_2123 = vector.broadcast %and3A_2122 : i32 to vector<16xi32>
    %and3A_2124 = arith.andi %add3A_2115, %and3A_2123 : vector<16xi32>
    %add3A_2125 = arith.addi %shift_left3A_2121, %and3A_2124 : vector<16xi32>
    %shift_right_arithmetic3A_2126 = arith.constant 3 : i32
    %shift_right_arithmetic3A_2127 = vector.broadcast %shift_right_arithmetic3A_2126 : i32 to vector<16xi32>
    %shift_right_arithmetic3A_2128 = arith.shrsi %add3A_2115, %shift_right_arithmetic3A_2127 : vector<16xi32>
    %and3A_2129 = arith.constant 7 : i32
    %and3A_2130 = vector.broadcast %and3A_2129 : i32 to vector<16xi32>
    %and3A_2131 = arith.andi %shift_right_arithmetic3A_2128, %and3A_2130 : vector<16xi32>
    %gather3A_2132 = tpu.vector_load_idx %arg5[%add3A_2125] : memref<256xi32, #tpu.memory_space<vmem>>[vector<16xi32>], vector<16xi32>,
    %shift_left3A_2133 = arith.constant 3 : i32
    %shift_left3A_2134 = vector.broadcast %shift_left3A_2133 : i32 to vector<16xi32>
    %shift_left3A_2135 = arith.shli %gather3A_2132, %shift_left3A_2134 : vector<16xi32>
    %or3A_2136 = arith.ori %shift_left3A_2135, %and3A_2131 : vector<16xi32>
    %swap3A_2137 = arith.constant 1248 : index
    %swap3A_2138 = tpu.vector_load %arg6[%swap3A_2137] {strides = array<i32>} : memref<2048xi32, #tpu.memory_space<vmem>>, vector<16xi32>,
    tpu.vector_store %arg6[%swap3A_2137], %or3A_2136 {strides = array<i32>} : memref<2048xi32, #tpu.memory_space<vmem>>, vector<16xi32>,
    %add3A_2139 = arith.constant 1264 : i32
    %add3A_2140 = vector.broadcast %add3A_2139 : i32 to vector<16xi32>
    %add3A_2141 = arith.addi %add3A_2140, %iota3A : vector<16xi32>
    %shift_right_arithmetic3A_2142 = arith.constant 6 : i32
    %shift_right_arithmetic3A_2143 = vector.broadcast %shift_right_arithmetic3A_2142 : i32 to vector<16xi32>
    %shift_right_arithmetic3A_2144 = arith.shrsi %add3A_2141, %shift_right_arithmetic3A_2143 : vector<16xi32>
    %shift_left3A_2145 = arith.constant 3 : i32
    %shift_left3A_2146 = vector.broadcast %shift_left3A_2145 : i32 to vector<16xi32>
    %shift_left3A_2147 = arith.shli %shift_right_arithmetic3A_2144, %shift_left3A_2146 : vector<16xi32>
    %and3A_2148 = arith.constant 7 : i32
    %and3A_2149 = vector.broadcast %and3A_2148 : i32 to vector<16xi32>
    %and3A_2150 = arith.andi %add3A_2141, %and3A_2149 : vector<16xi32>
    %add3A_2151 = arith.addi %shift_left3A_2147, %and3A_2150 : vector<16xi32>
    %shift_right_arithmetic3A_2152 = arith.constant 3 : i32
    %shift_right_arithmetic3A_2153 = vector.broadcast %shift_right_arithmetic3A_2152 : i32 to vector<16xi32>
    %shift_right_arithmetic3A_2154 = arith.shrsi %add3A_2141, %shift_right_arithmetic3A_2153 : vector<16xi32>
    %and3A_2155 = arith.constant 7 : i32
    %and3A_2156 = vector.broadcast %and3A_2155 : i32 to vector<16xi32>
    %and3A_2157 = arith.andi %shift_right_arithmetic3A_2154, %and3A_2156 : vector<16xi32>
    %gather3A_2158 = tpu.vector_load_idx %arg5[%add3A_2151] : memref<256xi32, #tpu.memory_space<vmem>>[vector<16xi32>], vector<16xi32>,
    %shift_left3A_2159 = arith.constant 3 : i32
    %shift_left3A_2160 = vector.broadcast %shift_left3A_2159 : i32 to vector<16xi32>
    %shift_left3A_2161 = arith.shli %gather3A_2158, %shift_left3A_2160 : vector<16xi32>
    %or3A_2162 = arith.ori %shift_left3A_2161, %and3A_2157 : vector<16xi32>
    %swap3A_2163 = arith.constant 1264 : index
    %swap3A_2164 = tpu.vector_load %arg6[%swap3A_2163] {strides = array<i32>} : memref<2048xi32, #tpu.memory_space<vmem>>, vector<16xi32>,
    tpu.vector_store %arg6[%swap3A_2163], %or3A_2162 {strides = array<i32>} : memref<2048xi32, #tpu.memory_space<vmem>>, vector<16xi32>,
    %dma_wait3A_2165 = arith.constant 384 : i32
    %dma_wait3A_2166 = tpu.memref_slice %arg6[%dma_wait3A_2165] : memref<2048xi32, #tpu.memory_space<vmem>> -> memref<128xi32, #tpu.memory_space<vmem>>
    %dma_wait3A_2167 = arith.constant 0 : i32
    %dma_wait3A_2168 = arith.constant 0 : i32
    %dma_wait3A_2169 = tpu.memref_slice %arg3[%dma_wait3A_2167, %dma_wait3A_2168] : memref<65544x128xf32, #tpu.memory_space<hbm>> -> memref<65544x128xf32, #tpu.memory_space<hbm>>
    tpu.wait_indirect_dma semaphore(%arg16 : memref<!tpu.dma_semaphore, #tpu.memory_space<semaphore_mem>>) src(%dma_wait3A_2169 : memref<65544x128xf32, #tpu.memory_space<hbm>>) dst(%arg10 : memref<128x128xf32, #tpu.memory_space<vmem>>)
    %add3A_2170 = arith.constant 384 : i32
    %add3A_2171 = arith.addi %mul3A_2, %add3A_2170 : i32
    %dma_start3A_2172 = arith.constant 0 : i32
    %dma_start3A_2173 = tpu.memref_slice %arg4[%add3A_2171, %dma_start3A_2172] : memref<65536x128xf32, #tpu.memory_space<hbm>> -> memref<128x128xf32, #tpu.memory_space<hbm>>
    %dma_start3A_2174 = arith.constant 0 : i32
    %dma_start3A_2175 = tpu.memref_slice %arg4[%add3A_2171, %dma_start3A_2174] : memref<65536x128xf32, #tpu.memory_space<hbm>> -> memref<128x128xf32, #tpu.memory_space<hbm>>
    tpu.enqueue_dma source(%arg10 : memref<128x128xf32, #tpu.memory_space<vmem>>) target(%dma_start3A_2175 : memref<128x128xf32, #tpu.memory_space<hbm>>) target_semaphore(%arg22 : memref<!tpu.dma_semaphore, #tpu.memory_space<semaphore_mem>>)
    %dma_wait3A_2176 = arith.constant 0 : i32
    %dma_wait3A_2177 = tpu.memref_slice %arg4[%add3A_2171, %dma_wait3A_2176] : memref<65536x128xf32, #tpu.memory_space<hbm>> -> memref<128x128xf32, #tpu.memory_space<hbm>>
    %dma_wait3A_2178 = arith.constant 0 : i32
    %dma_wait3A_2179 = tpu.memref_slice %arg4[%add3A_2171, %dma_wait3A_2178] : memref<65536x128xf32, #tpu.memory_space<hbm>> -> memref<128x128xf32, #tpu.memory_space<hbm>>
    tpu.wait_dma2 semaphore(%arg22 : memref<!tpu.dma_semaphore, #tpu.memory_space<semaphore_mem>>) src(%arg10 : memref<128x128xf32, #tpu.memory_space<vmem>>) dst(%dma_wait3A_2179 : memref<128x128xf32, #tpu.memory_space<hbm>>)
    %dma_start3A_2180 = arith.constant 1152 : i32
    %dma_start3A_2181 = tpu.memref_slice %arg6[%dma_start3A_2180] : memref<2048xi32, #tpu.memory_space<vmem>> -> memref<128xi32, #tpu.memory_space<vmem>>
    %dma_start3A_2182 = arith.constant 0 : i32
    %dma_start3A_2183 = arith.constant 0 : i32
    %dma_start3A_2184 = tpu.memref_slice %arg3[%dma_start3A_2182, %dma_start3A_2183] : memref<65544x128xf32, #tpu.memory_space<hbm>> -> memref<65544x128xf32, #tpu.memory_space<hbm>>
    tpu.enqueue_indirect_dma source(%dma_start3A_2184 : memref<65544x128xf32, #tpu.memory_space<hbm>>) target(%arg10 : memref<128x128xf32, #tpu.memory_space<vmem>>) offsets(%dma_start3A_2181 : memref<128xi32, #tpu.memory_space<vmem>>) semaphore(%arg16 : memref<!tpu.dma_semaphore, #tpu.memory_space<semaphore_mem>>)
    %add3A_2185 = arith.constant 1280 : i32
    %add3A_2186 = vector.broadcast %add3A_2185 : i32 to vector<16xi32>
    %add3A_2187 = arith.addi %add3A_2186, %iota3A : vector<16xi32>
    %shift_right_arithmetic3A_2188 = arith.constant 6 : i32
    %shift_right_arithmetic3A_2189 = vector.broadcast %shift_right_arithmetic3A_2188 : i32 to vector<16xi32>
    %shift_right_arithmetic3A_2190 = arith.shrsi %add3A_2187, %shift_right_arithmetic3A_2189 : vector<16xi32>
    %shift_left3A_2191 = arith.constant 3 : i32
    %shift_left3A_2192 = vector.broadcast %shift_left3A_2191 : i32 to vector<16xi32>
    %shift_left3A_2193 = arith.shli %shift_right_arithmetic3A_2190, %shift_left3A_2192 : vector<16xi32>
    %and3A_2194 = arith.constant 7 : i32
    %and3A_2195 = vector.broadcast %and3A_2194 : i32 to vector<16xi32>
    %and3A_2196 = arith.andi %add3A_2187, %and3A_2195 : vector<16xi32>
    %add3A_2197 = arith.addi %shift_left3A_2193, %and3A_2196 : vector<16xi32>
    %shift_right_arithmetic3A_2198 = arith.constant 3 : i32
    %shift_right_arithmetic3A_2199 = vector.broadcast %shift_right_arithmetic3A_2198 : i32 to vector<16xi32>
    %shift_right_arithmetic3A_2200 = arith.shrsi %add3A_2187, %shift_right_arithmetic3A_2199 : vector<16xi32>
    %and3A_2201 = arith.constant 7 : i32
    %and3A_2202 = vector.broadcast %and3A_2201 : i32 to vector<16xi32>
    %and3A_2203 = arith.andi %shift_right_arithmetic3A_2200, %and3A_2202 : vector<16xi32>
    %gather3A_2204 = tpu.vector_load_idx %arg5[%add3A_2197] : memref<256xi32, #tpu.memory_space<vmem>>[vector<16xi32>], vector<16xi32>,
    %shift_left3A_2205 = arith.constant 3 : i32
    %shift_left3A_2206 = vector.broadcast %shift_left3A_2205 : i32 to vector<16xi32>
    %shift_left3A_2207 = arith.shli %gather3A_2204, %shift_left3A_2206 : vector<16xi32>
    %or3A_2208 = arith.ori %shift_left3A_2207, %and3A_2203 : vector<16xi32>
    %swap3A_2209 = arith.constant 1280 : index
    %swap3A_2210 = tpu.vector_load %arg6[%swap3A_2209] {strides = array<i32>} : memref<2048xi32, #tpu.memory_space<vmem>>, vector<16xi32>,
    tpu.vector_store %arg6[%swap3A_2209], %or3A_2208 {strides = array<i32>} : memref<2048xi32, #tpu.memory_space<vmem>>, vector<16xi32>,
    %add3A_2211 = arith.constant 1296 : i32
    %add3A_2212 = vector.broadcast %add3A_2211 : i32 to vector<16xi32>
    %add3A_2213 = arith.addi %add3A_2212, %iota3A : vector<16xi32>
    %shift_right_arithmetic3A_2214 = arith.constant 6 : i32
    %shift_right_arithmetic3A_2215 = vector.broadcast %shift_right_arithmetic3A_2214 : i32 to vector<16xi32>
    %shift_right_arithmetic3A_2216 = arith.shrsi %add3A_2213, %shift_right_arithmetic3A_2215 : vector<16xi32>
    %shift_left3A_2217 = arith.constant 3 : i32
    %shift_left3A_2218 = vector.broadcast %shift_left3A_2217 : i32 to vector<16xi32>
    %shift_left3A_2219 = arith.shli %shift_right_arithmetic3A_2216, %shift_left3A_2218 : vector<16xi32>
    %and3A_2220 = arith.constant 7 : i32
    %and3A_2221 = vector.broadcast %and3A_2220 : i32 to vector<16xi32>
    %and3A_2222 = arith.andi %add3A_2213, %and3A_2221 : vector<16xi32>
    %add3A_2223 = arith.addi %shift_left3A_2219, %and3A_2222 : vector<16xi32>
    %shift_right_arithmetic3A_2224 = arith.constant 3 : i32
    %shift_right_arithmetic3A_2225 = vector.broadcast %shift_right_arithmetic3A_2224 : i32 to vector<16xi32>
    %shift_right_arithmetic3A_2226 = arith.shrsi %add3A_2213, %shift_right_arithmetic3A_2225 : vector<16xi32>
    %and3A_2227 = arith.constant 7 : i32
    %and3A_2228 = vector.broadcast %and3A_2227 : i32 to vector<16xi32>
    %and3A_2229 = arith.andi %shift_right_arithmetic3A_2226, %and3A_2228 : vector<16xi32>
    %gather3A_2230 = tpu.vector_load_idx %arg5[%add3A_2223] : memref<256xi32, #tpu.memory_space<vmem>>[vector<16xi32>], vector<16xi32>,
    %shift_left3A_2231 = arith.constant 3 : i32
    %shift_left3A_2232 = vector.broadcast %shift_left3A_2231 : i32 to vector<16xi32>
    %shift_left3A_2233 = arith.shli %gather3A_2230, %shift_left3A_2232 : vector<16xi32>
    %or3A_2234 = arith.ori %shift_left3A_2233, %and3A_2229 : vector<16xi32>
    %swap3A_2235 = arith.constant 1296 : index
    %swap3A_2236 = tpu.vector_load %arg6[%swap3A_2235] {strides = array<i32>} : memref<2048xi32, #tpu.memory_space<vmem>>, vector<16xi32>,
    tpu.vector_store %arg6[%swap3A_2235], %or3A_2234 {strides = array<i32>} : memref<2048xi32, #tpu.memory_space<vmem>>, vector<16xi32>,
    %add3A_2237 = arith.constant 1312 : i32
    %add3A_2238 = vector.broadcast %add3A_2237 : i32 to vector<16xi32>
    %add3A_2239 = arith.addi %add3A_2238, %iota3A : vector<16xi32>
    %shift_right_arithmetic3A_2240 = arith.constant 6 : i32
    %shift_right_arithmetic3A_2241 = vector.broadcast %shift_right_arithmetic3A_2240 : i32 to vector<16xi32>
    %shift_right_arithmetic3A_2242 = arith.shrsi %add3A_2239, %shift_right_arithmetic3A_2241 : vector<16xi32>
    %shift_left3A_2243 = arith.constant 3 : i32
    %shift_left3A_2244 = vector.broadcast %shift_left3A_2243 : i32 to vector<16xi32>
    %shift_left3A_2245 = arith.shli %shift_right_arithmetic3A_2242, %shift_left3A_2244 : vector<16xi32>
    %and3A_2246 = arith.constant 7 : i32
    %and3A_2247 = vector.broadcast %and3A_2246 : i32 to vector<16xi32>
    %and3A_2248 = arith.andi %add3A_2239, %and3A_2247 : vector<16xi32>
    %add3A_2249 = arith.addi %shift_left3A_2245, %and3A_2248 : vector<16xi32>
    %shift_right_arithmetic3A_2250 = arith.constant 3 : i32
    %shift_right_arithmetic3A_2251 = vector.broadcast %shift_right_arithmetic3A_2250 : i32 to vector<16xi32>
    %shift_right_arithmetic3A_2252 = arith.shrsi %add3A_2239, %shift_right_arithmetic3A_2251 : vector<16xi32>
    %and3A_2253 = arith.constant 7 : i32
    %and3A_2254 = vector.broadcast %and3A_2253 : i32 to vector<16xi32>
    %and3A_2255 = arith.andi %shift_right_arithmetic3A_2252, %and3A_2254 : vector<16xi32>
    %gather3A_2256 = tpu.vector_load_idx %arg5[%add3A_2249] : memref<256xi32, #tpu.memory_space<vmem>>[vector<16xi32>], vector<16xi32>,
    %shift_left3A_2257 = arith.constant 3 : i32
    %shift_left3A_2258 = vector.broadcast %shift_left3A_2257 : i32 to vector<16xi32>
    %shift_left3A_2259 = arith.shli %gather3A_2256, %shift_left3A_2258 : vector<16xi32>
    %or3A_2260 = arith.ori %shift_left3A_2259, %and3A_2255 : vector<16xi32>
    %swap3A_2261 = arith.constant 1312 : index
    %swap3A_2262 = tpu.vector_load %arg6[%swap3A_2261] {strides = array<i32>} : memref<2048xi32, #tpu.memory_space<vmem>>, vector<16xi32>,
    tpu.vector_store %arg6[%swap3A_2261], %or3A_2260 {strides = array<i32>} : memref<2048xi32, #tpu.memory_space<vmem>>, vector<16xi32>,
    %add3A_2263 = arith.constant 1328 : i32
    %add3A_2264 = vector.broadcast %add3A_2263 : i32 to vector<16xi32>
    %add3A_2265 = arith.addi %add3A_2264, %iota3A : vector<16xi32>
    %shift_right_arithmetic3A_2266 = arith.constant 6 : i32
    %shift_right_arithmetic3A_2267 = vector.broadcast %shift_right_arithmetic3A_2266 : i32 to vector<16xi32>
    %shift_right_arithmetic3A_2268 = arith.shrsi %add3A_2265, %shift_right_arithmetic3A_2267 : vector<16xi32>
    %shift_left3A_2269 = arith.constant 3 : i32
    %shift_left3A_2270 = vector.broadcast %shift_left3A_2269 : i32 to vector<16xi32>
    %shift_left3A_2271 = arith.shli %shift_right_arithmetic3A_2268, %shift_left3A_2270 : vector<16xi32>
    %and3A_2272 = arith.constant 7 : i32
    %and3A_2273 = vector.broadcast %and3A_2272 : i32 to vector<16xi32>
    %and3A_2274 = arith.andi %add3A_2265, %and3A_2273 : vector<16xi32>
    %add3A_2275 = arith.addi %shift_left3A_2271, %and3A_2274 : vector<16xi32>
    %shift_right_arithmetic3A_2276 = arith.constant 3 : i32
    %shift_right_arithmetic3A_2277 = vector.broadcast %shift_right_arithmetic3A_2276 : i32 to vector<16xi32>
    %shift_right_arithmetic3A_2278 = arith.shrsi %add3A_2265, %shift_right_arithmetic3A_2277 : vector<16xi32>
    %and3A_2279 = arith.constant 7 : i32
    %and3A_2280 = vector.broadcast %and3A_2279 : i32 to vector<16xi32>
    %and3A_2281 = arith.andi %shift_right_arithmetic3A_2278, %and3A_2280 : vector<16xi32>
    %gather3A_2282 = tpu.vector_load_idx %arg5[%add3A_2275] : memref<256xi32, #tpu.memory_space<vmem>>[vector<16xi32>], vector<16xi32>,
    %shift_left3A_2283 = arith.constant 3 : i32
    %shift_left3A_2284 = vector.broadcast %shift_left3A_2283 : i32 to vector<16xi32>
    %shift_left3A_2285 = arith.shli %gather3A_2282, %shift_left3A_2284 : vector<16xi32>
    %or3A_2286 = arith.ori %shift_left3A_2285, %and3A_2281 : vector<16xi32>
    %swap3A_2287 = arith.constant 1328 : index
    %swap3A_2288 = tpu.vector_load %arg6[%swap3A_2287] {strides = array<i32>} : memref<2048xi32, #tpu.memory_space<vmem>>, vector<16xi32>,
    tpu.vector_store %arg6[%swap3A_2287], %or3A_2286 {strides = array<i32>} : memref<2048xi32, #tpu.memory_space<vmem>>, vector<16xi32>,
    %add3A_2289 = arith.constant 1344 : i32
    %add3A_2290 = vector.broadcast %add3A_2289 : i32 to vector<16xi32>
    %add3A_2291 = arith.addi %add3A_2290, %iota3A : vector<16xi32>
    %shift_right_arithmetic3A_2292 = arith.constant 6 : i32
    %shift_right_arithmetic3A_2293 = vector.broadcast %shift_right_arithmetic3A_2292 : i32 to vector<16xi32>
    %shift_right_arithmetic3A_2294 = arith.shrsi %add3A_2291, %shift_right_arithmetic3A_2293 : vector<16xi32>
    %shift_left3A_2295 = arith.constant 3 : i32
    %shift_left3A_2296 = vector.broadcast %shift_left3A_2295 : i32 to vector<16xi32>
    %shift_left3A_2297 = arith.shli %shift_right_arithmetic3A_2294, %shift_left3A_2296 : vector<16xi32>
    %and3A_2298 = arith.constant 7 : i32
    %and3A_2299 = vector.broadcast %and3A_2298 : i32 to vector<16xi32>
    %and3A_2300 = arith.andi %add3A_2291, %and3A_2299 : vector<16xi32>
    %add3A_2301 = arith.addi %shift_left3A_2297, %and3A_2300 : vector<16xi32>
    %shift_right_arithmetic3A_2302 = arith.constant 3 : i32
    %shift_right_arithmetic3A_2303 = vector.broadcast %shift_right_arithmetic3A_2302 : i32 to vector<16xi32>
    %shift_right_arithmetic3A_2304 = arith.shrsi %add3A_2291, %shift_right_arithmetic3A_2303 : vector<16xi32>
    %and3A_2305 = arith.constant 7 : i32
    %and3A_2306 = vector.broadcast %and3A_2305 : i32 to vector<16xi32>
    %and3A_2307 = arith.andi %shift_right_arithmetic3A_2304, %and3A_2306 : vector<16xi32>
    %gather3A_2308 = tpu.vector_load_idx %arg5[%add3A_2301] : memref<256xi32, #tpu.memory_space<vmem>>[vector<16xi32>], vector<16xi32>,
    %shift_left3A_2309 = arith.constant 3 : i32
    %shift_left3A_2310 = vector.broadcast %shift_left3A_2309 : i32 to vector<16xi32>
    %shift_left3A_2311 = arith.shli %gather3A_2308, %shift_left3A_2310 : vector<16xi32>
    %or3A_2312 = arith.ori %shift_left3A_2311, %and3A_2307 : vector<16xi32>
    %swap3A_2313 = arith.constant 1344 : index
    %swap3A_2314 = tpu.vector_load %arg6[%swap3A_2313] {strides = array<i32>} : memref<2048xi32, #tpu.memory_space<vmem>>, vector<16xi32>,
    tpu.vector_store %arg6[%swap3A_2313], %or3A_2312 {strides = array<i32>} : memref<2048xi32, #tpu.memory_space<vmem>>, vector<16xi32>,
    %add3A_2315 = arith.constant 1360 : i32
    %add3A_2316 = vector.broadcast %add3A_2315 : i32 to vector<16xi32>
    %add3A_2317 = arith.addi %add3A_2316, %iota3A : vector<16xi32>
    %shift_right_arithmetic3A_2318 = arith.constant 6 : i32
    %shift_right_arithmetic3A_2319 = vector.broadcast %shift_right_arithmetic3A_2318 : i32 to vector<16xi32>
    %shift_right_arithmetic3A_2320 = arith.shrsi %add3A_2317, %shift_right_arithmetic3A_2319 : vector<16xi32>
    %shift_left3A_2321 = arith.constant 3 : i32
    %shift_left3A_2322 = vector.broadcast %shift_left3A_2321 : i32 to vector<16xi32>
    %shift_left3A_2323 = arith.shli %shift_right_arithmetic3A_2320, %shift_left3A_2322 : vector<16xi32>
    %and3A_2324 = arith.constant 7 : i32
    %and3A_2325 = vector.broadcast %and3A_2324 : i32 to vector<16xi32>
    %and3A_2326 = arith.andi %add3A_2317, %and3A_2325 : vector<16xi32>
    %add3A_2327 = arith.addi %shift_left3A_2323, %and3A_2326 : vector<16xi32>
    %shift_right_arithmetic3A_2328 = arith.constant 3 : i32
    %shift_right_arithmetic3A_2329 = vector.broadcast %shift_right_arithmetic3A_2328 : i32 to vector<16xi32>
    %shift_right_arithmetic3A_2330 = arith.shrsi %add3A_2317, %shift_right_arithmetic3A_2329 : vector<16xi32>
    %and3A_2331 = arith.constant 7 : i32
    %and3A_2332 = vector.broadcast %and3A_2331 : i32 to vector<16xi32>
    %and3A_2333 = arith.andi %shift_right_arithmetic3A_2330, %and3A_2332 : vector<16xi32>
    %gather3A_2334 = tpu.vector_load_idx %arg5[%add3A_2327] : memref<256xi32, #tpu.memory_space<vmem>>[vector<16xi32>], vector<16xi32>,
    %shift_left3A_2335 = arith.constant 3 : i32
    %shift_left3A_2336 = vector.broadcast %shift_left3A_2335 : i32 to vector<16xi32>
    %shift_left3A_2337 = arith.shli %gather3A_2334, %shift_left3A_2336 : vector<16xi32>
    %or3A_2338 = arith.ori %shift_left3A_2337, %and3A_2333 : vector<16xi32>
    %swap3A_2339 = arith.constant 1360 : index
    %swap3A_2340 = tpu.vector_load %arg6[%swap3A_2339] {strides = array<i32>} : memref<2048xi32, #tpu.memory_space<vmem>>, vector<16xi32>,
    tpu.vector_store %arg6[%swap3A_2339], %or3A_2338 {strides = array<i32>} : memref<2048xi32, #tpu.memory_space<vmem>>, vector<16xi32>,
    %add3A_2341 = arith.constant 1376 : i32
    %add3A_2342 = vector.broadcast %add3A_2341 : i32 to vector<16xi32>
    %add3A_2343 = arith.addi %add3A_2342, %iota3A : vector<16xi32>
    %shift_right_arithmetic3A_2344 = arith.constant 6 : i32
    %shift_right_arithmetic3A_2345 = vector.broadcast %shift_right_arithmetic3A_2344 : i32 to vector<16xi32>
    %shift_right_arithmetic3A_2346 = arith.shrsi %add3A_2343, %shift_right_arithmetic3A_2345 : vector<16xi32>
    %shift_left3A_2347 = arith.constant 3 : i32
    %shift_left3A_2348 = vector.broadcast %shift_left3A_2347 : i32 to vector<16xi32>
    %shift_left3A_2349 = arith.shli %shift_right_arithmetic3A_2346, %shift_left3A_2348 : vector<16xi32>
    %and3A_2350 = arith.constant 7 : i32
    %and3A_2351 = vector.broadcast %and3A_2350 : i32 to vector<16xi32>
    %and3A_2352 = arith.andi %add3A_2343, %and3A_2351 : vector<16xi32>
    %add3A_2353 = arith.addi %shift_left3A_2349, %and3A_2352 : vector<16xi32>
    %shift_right_arithmetic3A_2354 = arith.constant 3 : i32
    %shift_right_arithmetic3A_2355 = vector.broadcast %shift_right_arithmetic3A_2354 : i32 to vector<16xi32>
    %shift_right_arithmetic3A_2356 = arith.shrsi %add3A_2343, %shift_right_arithmetic3A_2355 : vector<16xi32>
    %and3A_2357 = arith.constant 7 : i32
    %and3A_2358 = vector.broadcast %and3A_2357 : i32 to vector<16xi32>
    %and3A_2359 = arith.andi %shift_right_arithmetic3A_2356, %and3A_2358 : vector<16xi32>
    %gather3A_2360 = tpu.vector_load_idx %arg5[%add3A_2353] : memref<256xi32, #tpu.memory_space<vmem>>[vector<16xi32>], vector<16xi32>,
    %shift_left3A_2361 = arith.constant 3 : i32
    %shift_left3A_2362 = vector.broadcast %shift_left3A_2361 : i32 to vector<16xi32>
    %shift_left3A_2363 = arith.shli %gather3A_2360, %shift_left3A_2362 : vector<16xi32>
    %or3A_2364 = arith.ori %shift_left3A_2363, %and3A_2359 : vector<16xi32>
    %swap3A_2365 = arith.constant 1376 : index
    %swap3A_2366 = tpu.vector_load %arg6[%swap3A_2365] {strides = array<i32>} : memref<2048xi32, #tpu.memory_space<vmem>>, vector<16xi32>,
    tpu.vector_store %arg6[%swap3A_2365], %or3A_2364 {strides = array<i32>} : memref<2048xi32, #tpu.memory_space<vmem>>, vector<16xi32>,
    %add3A_2367 = arith.constant 1392 : i32
    %add3A_2368 = vector.broadcast %add3A_2367 : i32 to vector<16xi32>
    %add3A_2369 = arith.addi %add3A_2368, %iota3A : vector<16xi32>
    %shift_right_arithmetic3A_2370 = arith.constant 6 : i32
    %shift_right_arithmetic3A_2371 = vector.broadcast %shift_right_arithmetic3A_2370 : i32 to vector<16xi32>
    %shift_right_arithmetic3A_2372 = arith.shrsi %add3A_2369, %shift_right_arithmetic3A_2371 : vector<16xi32>
    %shift_left3A_2373 = arith.constant 3 : i32
    %shift_left3A_2374 = vector.broadcast %shift_left3A_2373 : i32 to vector<16xi32>
    %shift_left3A_2375 = arith.shli %shift_right_arithmetic3A_2372, %shift_left3A_2374 : vector<16xi32>
    %and3A_2376 = arith.constant 7 : i32
    %and3A_2377 = vector.broadcast %and3A_2376 : i32 to vector<16xi32>
    %and3A_2378 = arith.andi %add3A_2369, %and3A_2377 : vector<16xi32>
    %add3A_2379 = arith.addi %shift_left3A_2375, %and3A_2378 : vector<16xi32>
    %shift_right_arithmetic3A_2380 = arith.constant 3 : i32
    %shift_right_arithmetic3A_2381 = vector.broadcast %shift_right_arithmetic3A_2380 : i32 to vector<16xi32>
    %shift_right_arithmetic3A_2382 = arith.shrsi %add3A_2369, %shift_right_arithmetic3A_2381 : vector<16xi32>
    %and3A_2383 = arith.constant 7 : i32
    %and3A_2384 = vector.broadcast %and3A_2383 : i32 to vector<16xi32>
    %and3A_2385 = arith.andi %shift_right_arithmetic3A_2382, %and3A_2384 : vector<16xi32>
    %gather3A_2386 = tpu.vector_load_idx %arg5[%add3A_2379] : memref<256xi32, #tpu.memory_space<vmem>>[vector<16xi32>], vector<16xi32>,
    %shift_left3A_2387 = arith.constant 3 : i32
    %shift_left3A_2388 = vector.broadcast %shift_left3A_2387 : i32 to vector<16xi32>
    %shift_left3A_2389 = arith.shli %gather3A_2386, %shift_left3A_2388 : vector<16xi32>
    %or3A_2390 = arith.ori %shift_left3A_2389, %and3A_2385 : vector<16xi32>
    %swap3A_2391 = arith.constant 1392 : index
    %swap3A_2392 = tpu.vector_load %arg6[%swap3A_2391] {strides = array<i32>} : memref<2048xi32, #tpu.memory_space<vmem>>, vector<16xi32>,
    tpu.vector_store %arg6[%swap3A_2391], %or3A_2390 {strides = array<i32>} : memref<2048xi32, #tpu.memory_space<vmem>>, vector<16xi32>,
    %dma_wait3A_2393 = arith.constant 512 : i32
    %dma_wait3A_2394 = tpu.memref_slice %arg6[%dma_wait3A_2393] : memref<2048xi32, #tpu.memory_space<vmem>> -> memref<128xi32, #tpu.memory_space<vmem>>
    %dma_wait3A_2395 = arith.constant 0 : i32
    %dma_wait3A_2396 = arith.constant 0 : i32
    %dma_wait3A_2397 = tpu.memref_slice %arg3[%dma_wait3A_2395, %dma_wait3A_2396] : memref<65544x128xf32, #tpu.memory_space<hbm>> -> memref<65544x128xf32, #tpu.memory_space<hbm>>
    tpu.wait_indirect_dma semaphore(%arg17 : memref<!tpu.dma_semaphore, #tpu.memory_space<semaphore_mem>>) src(%dma_wait3A_2397 : memref<65544x128xf32, #tpu.memory_space<hbm>>) dst(%arg11 : memref<128x128xf32, #tpu.memory_space<vmem>>)
    %add3A_2398 = arith.constant 512 : i32
    %add3A_2399 = arith.addi %mul3A_2, %add3A_2398 : i32
    %dma_start3A_2400 = arith.constant 0 : i32
    %dma_start3A_2401 = tpu.memref_slice %arg4[%add3A_2399, %dma_start3A_2400] : memref<65536x128xf32, #tpu.memory_space<hbm>> -> memref<128x128xf32, #tpu.memory_space<hbm>>
    %dma_start3A_2402 = arith.constant 0 : i32
    %dma_start3A_2403 = tpu.memref_slice %arg4[%add3A_2399, %dma_start3A_2402] : memref<65536x128xf32, #tpu.memory_space<hbm>> -> memref<128x128xf32, #tpu.memory_space<hbm>>
    tpu.enqueue_dma source(%arg11 : memref<128x128xf32, #tpu.memory_space<vmem>>) target(%dma_start3A_2403 : memref<128x128xf32, #tpu.memory_space<hbm>>) target_semaphore(%arg23 : memref<!tpu.dma_semaphore, #tpu.memory_space<semaphore_mem>>)
    %dma_wait3A_2404 = arith.constant 0 : i32
    %dma_wait3A_2405 = tpu.memref_slice %arg4[%add3A_2399, %dma_wait3A_2404] : memref<65536x128xf32, #tpu.memory_space<hbm>> -> memref<128x128xf32, #tpu.memory_space<hbm>>
    %dma_wait3A_2406 = arith.constant 0 : i32
    %dma_wait3A_2407 = tpu.memref_slice %arg4[%add3A_2399, %dma_wait3A_2406] : memref<65536x128xf32, #tpu.memory_space<hbm>> -> memref<128x128xf32, #tpu.memory_space<hbm>>
    tpu.wait_dma2 semaphore(%arg23 : memref<!tpu.dma_semaphore, #tpu.memory_space<semaphore_mem>>) src(%arg11 : memref<128x128xf32, #tpu.memory_space<vmem>>) dst(%dma_wait3A_2407 : memref<128x128xf32, #tpu.memory_space<hbm>>)
    %dma_start3A_2408 = arith.constant 1280 : i32
    %dma_start3A_2409 = tpu.memref_slice %arg6[%dma_start3A_2408] : memref<2048xi32, #tpu.memory_space<vmem>> -> memref<128xi32, #tpu.memory_space<vmem>>
    %dma_start3A_2410 = arith.constant 0 : i32
    %dma_start3A_2411 = arith.constant 0 : i32
    %dma_start3A_2412 = tpu.memref_slice %arg3[%dma_start3A_2410, %dma_start3A_2411] : memref<65544x128xf32, #tpu.memory_space<hbm>> -> memref<65544x128xf32, #tpu.memory_space<hbm>>
    tpu.enqueue_indirect_dma source(%dma_start3A_2412 : memref<65544x128xf32, #tpu.memory_space<hbm>>) target(%arg11 : memref<128x128xf32, #tpu.memory_space<vmem>>) offsets(%dma_start3A_2409 : memref<128xi32, #tpu.memory_space<vmem>>) semaphore(%arg17 : memref<!tpu.dma_semaphore, #tpu.memory_space<semaphore_mem>>)
    %add3A_2413 = arith.constant 1408 : i32
    %add3A_2414 = vector.broadcast %add3A_2413 : i32 to vector<16xi32>
    %add3A_2415 = arith.addi %add3A_2414, %iota3A : vector<16xi32>
    %shift_right_arithmetic3A_2416 = arith.constant 6 : i32
    %shift_right_arithmetic3A_2417 = vector.broadcast %shift_right_arithmetic3A_2416 : i32 to vector<16xi32>
    %shift_right_arithmetic3A_2418 = arith.shrsi %add3A_2415, %shift_right_arithmetic3A_2417 : vector<16xi32>
    %shift_left3A_2419 = arith.constant 3 : i32
    %shift_left3A_2420 = vector.broadcast %shift_left3A_2419 : i32 to vector<16xi32>
    %shift_left3A_2421 = arith.shli %shift_right_arithmetic3A_2418, %shift_left3A_2420 : vector<16xi32>
    %and3A_2422 = arith.constant 7 : i32
    %and3A_2423 = vector.broadcast %and3A_2422 : i32 to vector<16xi32>
    %and3A_2424 = arith.andi %add3A_2415, %and3A_2423 : vector<16xi32>
    %add3A_2425 = arith.addi %shift_left3A_2421, %and3A_2424 : vector<16xi32>
    %shift_right_arithmetic3A_2426 = arith.constant 3 : i32
    %shift_right_arithmetic3A_2427 = vector.broadcast %shift_right_arithmetic3A_2426 : i32 to vector<16xi32>
    %shift_right_arithmetic3A_2428 = arith.shrsi %add3A_2415, %shift_right_arithmetic3A_2427 : vector<16xi32>
    %and3A_2429 = arith.constant 7 : i32
    %and3A_2430 = vector.broadcast %and3A_2429 : i32 to vector<16xi32>
    %and3A_2431 = arith.andi %shift_right_arithmetic3A_2428, %and3A_2430 : vector<16xi32>
    %gather3A_2432 = tpu.vector_load_idx %arg5[%add3A_2425] : memref<256xi32, #tpu.memory_space<vmem>>[vector<16xi32>], vector<16xi32>,
    %shift_left3A_2433 = arith.constant 3 : i32
    %shift_left3A_2434 = vector.broadcast %shift_left3A_2433 : i32 to vector<16xi32>
    %shift_left3A_2435 = arith.shli %gather3A_2432, %shift_left3A_2434 : vector<16xi32>
    %or3A_2436 = arith.ori %shift_left3A_2435, %and3A_2431 : vector<16xi32>
    %swap3A_2437 = arith.constant 1408 : index
    %swap3A_2438 = tpu.vector_load %arg6[%swap3A_2437] {strides = array<i32>} : memref<2048xi32, #tpu.memory_space<vmem>>, vector<16xi32>,
    tpu.vector_store %arg6[%swap3A_2437], %or3A_2436 {strides = array<i32>} : memref<2048xi32, #tpu.memory_space<vmem>>, vector<16xi32>,
    %add3A_2439 = arith.constant 1424 : i32
    %add3A_2440 = vector.broadcast %add3A_2439 : i32 to vector<16xi32>
    %add3A_2441 = arith.addi %add3A_2440, %iota3A : vector<16xi32>
    %shift_right_arithmetic3A_2442 = arith.constant 6 : i32
    %shift_right_arithmetic3A_2443 = vector.broadcast %shift_right_arithmetic3A_2442 : i32 to vector<16xi32>
    %shift_right_arithmetic3A_2444 = arith.shrsi %add3A_2441, %shift_right_arithmetic3A_2443 : vector<16xi32>
    %shift_left3A_2445 = arith.constant 3 : i32
    %shift_left3A_2446 = vector.broadcast %shift_left3A_2445 : i32 to vector<16xi32>
    %shift_left3A_2447 = arith.shli %shift_right_arithmetic3A_2444, %shift_left3A_2446 : vector<16xi32>
    %and3A_2448 = arith.constant 7 : i32
    %and3A_2449 = vector.broadcast %and3A_2448 : i32 to vector<16xi32>
    %and3A_2450 = arith.andi %add3A_2441, %and3A_2449 : vector<16xi32>
    %add3A_2451 = arith.addi %shift_left3A_2447, %and3A_2450 : vector<16xi32>
    %shift_right_arithmetic3A_2452 = arith.constant 3 : i32
    %shift_right_arithmetic3A_2453 = vector.broadcast %shift_right_arithmetic3A_2452 : i32 to vector<16xi32>
    %shift_right_arithmetic3A_2454 = arith.shrsi %add3A_2441, %shift_right_arithmetic3A_2453 : vector<16xi32>
    %and3A_2455 = arith.constant 7 : i32
    %and3A_2456 = vector.broadcast %and3A_2455 : i32 to vector<16xi32>
    %and3A_2457 = arith.andi %shift_right_arithmetic3A_2454, %and3A_2456 : vector<16xi32>
    %gather3A_2458 = tpu.vector_load_idx %arg5[%add3A_2451] : memref<256xi32, #tpu.memory_space<vmem>>[vector<16xi32>], vector<16xi32>,
    %shift_left3A_2459 = arith.constant 3 : i32
    %shift_left3A_2460 = vector.broadcast %shift_left3A_2459 : i32 to vector<16xi32>
    %shift_left3A_2461 = arith.shli %gather3A_2458, %shift_left3A_2460 : vector<16xi32>
    %or3A_2462 = arith.ori %shift_left3A_2461, %and3A_2457 : vector<16xi32>
    %swap3A_2463 = arith.constant 1424 : index
    %swap3A_2464 = tpu.vector_load %arg6[%swap3A_2463] {strides = array<i32>} : memref<2048xi32, #tpu.memory_space<vmem>>, vector<16xi32>,
    tpu.vector_store %arg6[%swap3A_2463], %or3A_2462 {strides = array<i32>} : memref<2048xi32, #tpu.memory_space<vmem>>, vector<16xi32>,
    %add3A_2465 = arith.constant 1440 : i32
    %add3A_2466 = vector.broadcast %add3A_2465 : i32 to vector<16xi32>
    %add3A_2467 = arith.addi %add3A_2466, %iota3A : vector<16xi32>
    %shift_right_arithmetic3A_2468 = arith.constant 6 : i32
    %shift_right_arithmetic3A_2469 = vector.broadcast %shift_right_arithmetic3A_2468 : i32 to vector<16xi32>
    %shift_right_arithmetic3A_2470 = arith.shrsi %add3A_2467, %shift_right_arithmetic3A_2469 : vector<16xi32>
    %shift_left3A_2471 = arith.constant 3 : i32
    %shift_left3A_2472 = vector.broadcast %shift_left3A_2471 : i32 to vector<16xi32>
    %shift_left3A_2473 = arith.shli %shift_right_arithmetic3A_2470, %shift_left3A_2472 : vector<16xi32>
    %and3A_2474 = arith.constant 7 : i32
    %and3A_2475 = vector.broadcast %and3A_2474 : i32 to vector<16xi32>
    %and3A_2476 = arith.andi %add3A_2467, %and3A_2475 : vector<16xi32>
    %add3A_2477 = arith.addi %shift_left3A_2473, %and3A_2476 : vector<16xi32>
    %shift_right_arithmetic3A_2478 = arith.constant 3 : i32
    %shift_right_arithmetic3A_2479 = vector.broadcast %shift_right_arithmetic3A_2478 : i32 to vector<16xi32>
    %shift_right_arithmetic3A_2480 = arith.shrsi %add3A_2467, %shift_right_arithmetic3A_2479 : vector<16xi32>
    %and3A_2481 = arith.constant 7 : i32
    %and3A_2482 = vector.broadcast %and3A_2481 : i32 to vector<16xi32>
    %and3A_2483 = arith.andi %shift_right_arithmetic3A_2480, %and3A_2482 : vector<16xi32>
    %gather3A_2484 = tpu.vector_load_idx %arg5[%add3A_2477] : memref<256xi32, #tpu.memory_space<vmem>>[vector<16xi32>], vector<16xi32>,
    %shift_left3A_2485 = arith.constant 3 : i32
    %shift_left3A_2486 = vector.broadcast %shift_left3A_2485 : i32 to vector<16xi32>
    %shift_left3A_2487 = arith.shli %gather3A_2484, %shift_left3A_2486 : vector<16xi32>
    %or3A_2488 = arith.ori %shift_left3A_2487, %and3A_2483 : vector<16xi32>
    %swap3A_2489 = arith.constant 1440 : index
    %swap3A_2490 = tpu.vector_load %arg6[%swap3A_2489] {strides = array<i32>} : memref<2048xi32, #tpu.memory_space<vmem>>, vector<16xi32>,
    tpu.vector_store %arg6[%swap3A_2489], %or3A_2488 {strides = array<i32>} : memref<2048xi32, #tpu.memory_space<vmem>>, vector<16xi32>,
    %add3A_2491 = arith.constant 1456 : i32
    %add3A_2492 = vector.broadcast %add3A_2491 : i32 to vector<16xi32>
    %add3A_2493 = arith.addi %add3A_2492, %iota3A : vector<16xi32>
    %shift_right_arithmetic3A_2494 = arith.constant 6 : i32
    %shift_right_arithmetic3A_2495 = vector.broadcast %shift_right_arithmetic3A_2494 : i32 to vector<16xi32>
    %shift_right_arithmetic3A_2496 = arith.shrsi %add3A_2493, %shift_right_arithmetic3A_2495 : vector<16xi32>
    %shift_left3A_2497 = arith.constant 3 : i32
    %shift_left3A_2498 = vector.broadcast %shift_left3A_2497 : i32 to vector<16xi32>
    %shift_left3A_2499 = arith.shli %shift_right_arithmetic3A_2496, %shift_left3A_2498 : vector<16xi32>
    %and3A_2500 = arith.constant 7 : i32
    %and3A_2501 = vector.broadcast %and3A_2500 : i32 to vector<16xi32>
    %and3A_2502 = arith.andi %add3A_2493, %and3A_2501 : vector<16xi32>
    %add3A_2503 = arith.addi %shift_left3A_2499, %and3A_2502 : vector<16xi32>
    %shift_right_arithmetic3A_2504 = arith.constant 3 : i32
    %shift_right_arithmetic3A_2505 = vector.broadcast %shift_right_arithmetic3A_2504 : i32 to vector<16xi32>
    %shift_right_arithmetic3A_2506 = arith.shrsi %add3A_2493, %shift_right_arithmetic3A_2505 : vector<16xi32>
    %and3A_2507 = arith.constant 7 : i32
    %and3A_2508 = vector.broadcast %and3A_2507 : i32 to vector<16xi32>
    %and3A_2509 = arith.andi %shift_right_arithmetic3A_2506, %and3A_2508 : vector<16xi32>
    %gather3A_2510 = tpu.vector_load_idx %arg5[%add3A_2503] : memref<256xi32, #tpu.memory_space<vmem>>[vector<16xi32>], vector<16xi32>,
    %shift_left3A_2511 = arith.constant 3 : i32
    %shift_left3A_2512 = vector.broadcast %shift_left3A_2511 : i32 to vector<16xi32>
    %shift_left3A_2513 = arith.shli %gather3A_2510, %shift_left3A_2512 : vector<16xi32>
    %or3A_2514 = arith.ori %shift_left3A_2513, %and3A_2509 : vector<16xi32>
    %swap3A_2515 = arith.constant 1456 : index
    %swap3A_2516 = tpu.vector_load %arg6[%swap3A_2515] {strides = array<i32>} : memref<2048xi32, #tpu.memory_space<vmem>>, vector<16xi32>,
    tpu.vector_store %arg6[%swap3A_2515], %or3A_2514 {strides = array<i32>} : memref<2048xi32, #tpu.memory_space<vmem>>, vector<16xi32>,
    %add3A_2517 = arith.constant 1472 : i32
    %add3A_2518 = vector.broadcast %add3A_2517 : i32 to vector<16xi32>
    %add3A_2519 = arith.addi %add3A_2518, %iota3A : vector<16xi32>
    %shift_right_arithmetic3A_2520 = arith.constant 6 : i32
    %shift_right_arithmetic3A_2521 = vector.broadcast %shift_right_arithmetic3A_2520 : i32 to vector<16xi32>
    %shift_right_arithmetic3A_2522 = arith.shrsi %add3A_2519, %shift_right_arithmetic3A_2521 : vector<16xi32>
    %shift_left3A_2523 = arith.constant 3 : i32
    %shift_left3A_2524 = vector.broadcast %shift_left3A_2523 : i32 to vector<16xi32>
    %shift_left3A_2525 = arith.shli %shift_right_arithmetic3A_2522, %shift_left3A_2524 : vector<16xi32>
    %and3A_2526 = arith.constant 7 : i32
    %and3A_2527 = vector.broadcast %and3A_2526 : i32 to vector<16xi32>
    %and3A_2528 = arith.andi %add3A_2519, %and3A_2527 : vector<16xi32>
    %add3A_2529 = arith.addi %shift_left3A_2525, %and3A_2528 : vector<16xi32>
    %shift_right_arithmetic3A_2530 = arith.constant 3 : i32
    %shift_right_arithmetic3A_2531 = vector.broadcast %shift_right_arithmetic3A_2530 : i32 to vector<16xi32>
    %shift_right_arithmetic3A_2532 = arith.shrsi %add3A_2519, %shift_right_arithmetic3A_2531 : vector<16xi32>
    %and3A_2533 = arith.constant 7 : i32
    %and3A_2534 = vector.broadcast %and3A_2533 : i32 to vector<16xi32>
    %and3A_2535 = arith.andi %shift_right_arithmetic3A_2532, %and3A_2534 : vector<16xi32>
    %gather3A_2536 = tpu.vector_load_idx %arg5[%add3A_2529] : memref<256xi32, #tpu.memory_space<vmem>>[vector<16xi32>], vector<16xi32>,
    %shift_left3A_2537 = arith.constant 3 : i32
    %shift_left3A_2538 = vector.broadcast %shift_left3A_2537 : i32 to vector<16xi32>
    %shift_left3A_2539 = arith.shli %gather3A_2536, %shift_left3A_2538 : vector<16xi32>
    %or3A_2540 = arith.ori %shift_left3A_2539, %and3A_2535 : vector<16xi32>
    %swap3A_2541 = arith.constant 1472 : index
    %swap3A_2542 = tpu.vector_load %arg6[%swap3A_2541] {strides = array<i32>} : memref<2048xi32, #tpu.memory_space<vmem>>, vector<16xi32>,
    tpu.vector_store %arg6[%swap3A_2541], %or3A_2540 {strides = array<i32>} : memref<2048xi32, #tpu.memory_space<vmem>>, vector<16xi32>,
    %add3A_2543 = arith.constant 1488 : i32
    %add3A_2544 = vector.broadcast %add3A_2543 : i32 to vector<16xi32>
    %add3A_2545 = arith.addi %add3A_2544, %iota3A : vector<16xi32>
    %shift_right_arithmetic3A_2546 = arith.constant 6 : i32
    %shift_right_arithmetic3A_2547 = vector.broadcast %shift_right_arithmetic3A_2546 : i32 to vector<16xi32>
    %shift_right_arithmetic3A_2548 = arith.shrsi %add3A_2545, %shift_right_arithmetic3A_2547 : vector<16xi32>
    %shift_left3A_2549 = arith.constant 3 : i32
    %shift_left3A_2550 = vector.broadcast %shift_left3A_2549 : i32 to vector<16xi32>
    %shift_left3A_2551 = arith.shli %shift_right_arithmetic3A_2548, %shift_left3A_2550 : vector<16xi32>
    %and3A_2552 = arith.constant 7 : i32
    %and3A_2553 = vector.broadcast %and3A_2552 : i32 to vector<16xi32>
    %and3A_2554 = arith.andi %add3A_2545, %and3A_2553 : vector<16xi32>
    %add3A_2555 = arith.addi %shift_left3A_2551, %and3A_2554 : vector<16xi32>
    %shift_right_arithmetic3A_2556 = arith.constant 3 : i32
    %shift_right_arithmetic3A_2557 = vector.broadcast %shift_right_arithmetic3A_2556 : i32 to vector<16xi32>
    %shift_right_arithmetic3A_2558 = arith.shrsi %add3A_2545, %shift_right_arithmetic3A_2557 : vector<16xi32>
    %and3A_2559 = arith.constant 7 : i32
    %and3A_2560 = vector.broadcast %and3A_2559 : i32 to vector<16xi32>
    %and3A_2561 = arith.andi %shift_right_arithmetic3A_2558, %and3A_2560 : vector<16xi32>
    %gather3A_2562 = tpu.vector_load_idx %arg5[%add3A_2555] : memref<256xi32, #tpu.memory_space<vmem>>[vector<16xi32>], vector<16xi32>,
    %shift_left3A_2563 = arith.constant 3 : i32
    %shift_left3A_2564 = vector.broadcast %shift_left3A_2563 : i32 to vector<16xi32>
    %shift_left3A_2565 = arith.shli %gather3A_2562, %shift_left3A_2564 : vector<16xi32>
    %or3A_2566 = arith.ori %shift_left3A_2565, %and3A_2561 : vector<16xi32>
    %swap3A_2567 = arith.constant 1488 : index
    %swap3A_2568 = tpu.vector_load %arg6[%swap3A_2567] {strides = array<i32>} : memref<2048xi32, #tpu.memory_space<vmem>>, vector<16xi32>,
    tpu.vector_store %arg6[%swap3A_2567], %or3A_2566 {strides = array<i32>} : memref<2048xi32, #tpu.memory_space<vmem>>, vector<16xi32>,
    %add3A_2569 = arith.constant 1504 : i32
    %add3A_2570 = vector.broadcast %add3A_2569 : i32 to vector<16xi32>
    %add3A_2571 = arith.addi %add3A_2570, %iota3A : vector<16xi32>
    %shift_right_arithmetic3A_2572 = arith.constant 6 : i32
    %shift_right_arithmetic3A_2573 = vector.broadcast %shift_right_arithmetic3A_2572 : i32 to vector<16xi32>
    %shift_right_arithmetic3A_2574 = arith.shrsi %add3A_2571, %shift_right_arithmetic3A_2573 : vector<16xi32>
    %shift_left3A_2575 = arith.constant 3 : i32
    %shift_left3A_2576 = vector.broadcast %shift_left3A_2575 : i32 to vector<16xi32>
    %shift_left3A_2577 = arith.shli %shift_right_arithmetic3A_2574, %shift_left3A_2576 : vector<16xi32>
    %and3A_2578 = arith.constant 7 : i32
    %and3A_2579 = vector.broadcast %and3A_2578 : i32 to vector<16xi32>
    %and3A_2580 = arith.andi %add3A_2571, %and3A_2579 : vector<16xi32>
    %add3A_2581 = arith.addi %shift_left3A_2577, %and3A_2580 : vector<16xi32>
    %shift_right_arithmetic3A_2582 = arith.constant 3 : i32
    %shift_right_arithmetic3A_2583 = vector.broadcast %shift_right_arithmetic3A_2582 : i32 to vector<16xi32>
    %shift_right_arithmetic3A_2584 = arith.shrsi %add3A_2571, %shift_right_arithmetic3A_2583 : vector<16xi32>
    %and3A_2585 = arith.constant 7 : i32
    %and3A_2586 = vector.broadcast %and3A_2585 : i32 to vector<16xi32>
    %and3A_2587 = arith.andi %shift_right_arithmetic3A_2584, %and3A_2586 : vector<16xi32>
    %gather3A_2588 = tpu.vector_load_idx %arg5[%add3A_2581] : memref<256xi32, #tpu.memory_space<vmem>>[vector<16xi32>], vector<16xi32>,
    %shift_left3A_2589 = arith.constant 3 : i32
    %shift_left3A_2590 = vector.broadcast %shift_left3A_2589 : i32 to vector<16xi32>
    %shift_left3A_2591 = arith.shli %gather3A_2588, %shift_left3A_2590 : vector<16xi32>
    %or3A_2592 = arith.ori %shift_left3A_2591, %and3A_2587 : vector<16xi32>
    %swap3A_2593 = arith.constant 1504 : index
    %swap3A_2594 = tpu.vector_load %arg6[%swap3A_2593] {strides = array<i32>} : memref<2048xi32, #tpu.memory_space<vmem>>, vector<16xi32>,
    tpu.vector_store %arg6[%swap3A_2593], %or3A_2592 {strides = array<i32>} : memref<2048xi32, #tpu.memory_space<vmem>>, vector<16xi32>,
    %add3A_2595 = arith.constant 1520 : i32
    %add3A_2596 = vector.broadcast %add3A_2595 : i32 to vector<16xi32>
    %add3A_2597 = arith.addi %add3A_2596, %iota3A : vector<16xi32>
    %shift_right_arithmetic3A_2598 = arith.constant 6 : i32
    %shift_right_arithmetic3A_2599 = vector.broadcast %shift_right_arithmetic3A_2598 : i32 to vector<16xi32>
    %shift_right_arithmetic3A_2600 = arith.shrsi %add3A_2597, %shift_right_arithmetic3A_2599 : vector<16xi32>
    %shift_left3A_2601 = arith.constant 3 : i32
    %shift_left3A_2602 = vector.broadcast %shift_left3A_2601 : i32 to vector<16xi32>
    %shift_left3A_2603 = arith.shli %shift_right_arithmetic3A_2600, %shift_left3A_2602 : vector<16xi32>
    %and3A_2604 = arith.constant 7 : i32
    %and3A_2605 = vector.broadcast %and3A_2604 : i32 to vector<16xi32>
    %and3A_2606 = arith.andi %add3A_2597, %and3A_2605 : vector<16xi32>
    %add3A_2607 = arith.addi %shift_left3A_2603, %and3A_2606 : vector<16xi32>
    %shift_right_arithmetic3A_2608 = arith.constant 3 : i32
    %shift_right_arithmetic3A_2609 = vector.broadcast %shift_right_arithmetic3A_2608 : i32 to vector<16xi32>
    %shift_right_arithmetic3A_2610 = arith.shrsi %add3A_2597, %shift_right_arithmetic3A_2609 : vector<16xi32>
    %and3A_2611 = arith.constant 7 : i32
    %and3A_2612 = vector.broadcast %and3A_2611 : i32 to vector<16xi32>
    %and3A_2613 = arith.andi %shift_right_arithmetic3A_2610, %and3A_2612 : vector<16xi32>
    %gather3A_2614 = tpu.vector_load_idx %arg5[%add3A_2607] : memref<256xi32, #tpu.memory_space<vmem>>[vector<16xi32>], vector<16xi32>,
    %shift_left3A_2615 = arith.constant 3 : i32
    %shift_left3A_2616 = vector.broadcast %shift_left3A_2615 : i32 to vector<16xi32>
    %shift_left3A_2617 = arith.shli %gather3A_2614, %shift_left3A_2616 : vector<16xi32>
    %or3A_2618 = arith.ori %shift_left3A_2617, %and3A_2613 : vector<16xi32>
    %swap3A_2619 = arith.constant 1520 : index
    %swap3A_2620 = tpu.vector_load %arg6[%swap3A_2619] {strides = array<i32>} : memref<2048xi32, #tpu.memory_space<vmem>>, vector<16xi32>,
    tpu.vector_store %arg6[%swap3A_2619], %or3A_2618 {strides = array<i32>} : memref<2048xi32, #tpu.memory_space<vmem>>, vector<16xi32>,
    %dma_wait3A_2621 = arith.constant 640 : i32
    %dma_wait3A_2622 = tpu.memref_slice %arg6[%dma_wait3A_2621] : memref<2048xi32, #tpu.memory_space<vmem>> -> memref<128xi32, #tpu.memory_space<vmem>>
    %dma_wait3A_2623 = arith.constant 0 : i32
    %dma_wait3A_2624 = arith.constant 0 : i32
    %dma_wait3A_2625 = tpu.memref_slice %arg3[%dma_wait3A_2623, %dma_wait3A_2624] : memref<65544x128xf32, #tpu.memory_space<hbm>> -> memref<65544x128xf32, #tpu.memory_space<hbm>>
    tpu.wait_indirect_dma semaphore(%arg18 : memref<!tpu.dma_semaphore, #tpu.memory_space<semaphore_mem>>) src(%dma_wait3A_2625 : memref<65544x128xf32, #tpu.memory_space<hbm>>) dst(%arg12 : memref<128x128xf32, #tpu.memory_space<vmem>>)
    %add3A_2626 = arith.constant 640 : i32
    %add3A_2627 = arith.addi %mul3A_2, %add3A_2626 : i32
    %dma_start3A_2628 = arith.constant 0 : i32
    %dma_start3A_2629 = tpu.memref_slice %arg4[%add3A_2627, %dma_start3A_2628] : memref<65536x128xf32, #tpu.memory_space<hbm>> -> memref<128x128xf32, #tpu.memory_space<hbm>>
    %dma_start3A_2630 = arith.constant 0 : i32
    %dma_start3A_2631 = tpu.memref_slice %arg4[%add3A_2627, %dma_start3A_2630] : memref<65536x128xf32, #tpu.memory_space<hbm>> -> memref<128x128xf32, #tpu.memory_space<hbm>>
    tpu.enqueue_dma source(%arg12 : memref<128x128xf32, #tpu.memory_space<vmem>>) target(%dma_start3A_2631 : memref<128x128xf32, #tpu.memory_space<hbm>>) target_semaphore(%arg24 : memref<!tpu.dma_semaphore, #tpu.memory_space<semaphore_mem>>)
    %dma_wait3A_2632 = arith.constant 0 : i32
    %dma_wait3A_2633 = tpu.memref_slice %arg4[%add3A_2627, %dma_wait3A_2632] : memref<65536x128xf32, #tpu.memory_space<hbm>> -> memref<128x128xf32, #tpu.memory_space<hbm>>
    %dma_wait3A_2634 = arith.constant 0 : i32
    %dma_wait3A_2635 = tpu.memref_slice %arg4[%add3A_2627, %dma_wait3A_2634] : memref<65536x128xf32, #tpu.memory_space<hbm>> -> memref<128x128xf32, #tpu.memory_space<hbm>>
    tpu.wait_dma2 semaphore(%arg24 : memref<!tpu.dma_semaphore, #tpu.memory_space<semaphore_mem>>) src(%arg12 : memref<128x128xf32, #tpu.memory_space<vmem>>) dst(%dma_wait3A_2635 : memref<128x128xf32, #tpu.memory_space<hbm>>)
    %dma_start3A_2636 = arith.constant 1408 : i32
    %dma_start3A_2637 = tpu.memref_slice %arg6[%dma_start3A_2636] : memref<2048xi32, #tpu.memory_space<vmem>> -> memref<128xi32, #tpu.memory_space<vmem>>
    %dma_start3A_2638 = arith.constant 0 : i32
    %dma_start3A_2639 = arith.constant 0 : i32
    %dma_start3A_2640 = tpu.memref_slice %arg3[%dma_start3A_2638, %dma_start3A_2639] : memref<65544x128xf32, #tpu.memory_space<hbm>> -> memref<65544x128xf32, #tpu.memory_space<hbm>>
    tpu.enqueue_indirect_dma source(%dma_start3A_2640 : memref<65544x128xf32, #tpu.memory_space<hbm>>) target(%arg12 : memref<128x128xf32, #tpu.memory_space<vmem>>) offsets(%dma_start3A_2637 : memref<128xi32, #tpu.memory_space<vmem>>) semaphore(%arg18 : memref<!tpu.dma_semaphore, #tpu.memory_space<semaphore_mem>>)
    %add3A_2641 = arith.constant 1536 : i32
    %add3A_2642 = vector.broadcast %add3A_2641 : i32 to vector<16xi32>
    %add3A_2643 = arith.addi %add3A_2642, %iota3A : vector<16xi32>
    %shift_right_arithmetic3A_2644 = arith.constant 6 : i32
    %shift_right_arithmetic3A_2645 = vector.broadcast %shift_right_arithmetic3A_2644 : i32 to vector<16xi32>
    %shift_right_arithmetic3A_2646 = arith.shrsi %add3A_2643, %shift_right_arithmetic3A_2645 : vector<16xi32>
    %shift_left3A_2647 = arith.constant 3 : i32
    %shift_left3A_2648 = vector.broadcast %shift_left3A_2647 : i32 to vector<16xi32>
    %shift_left3A_2649 = arith.shli %shift_right_arithmetic3A_2646, %shift_left3A_2648 : vector<16xi32>
    %and3A_2650 = arith.constant 7 : i32
    %and3A_2651 = vector.broadcast %and3A_2650 : i32 to vector<16xi32>
    %and3A_2652 = arith.andi %add3A_2643, %and3A_2651 : vector<16xi32>
    %add3A_2653 = arith.addi %shift_left3A_2649, %and3A_2652 : vector<16xi32>
    %shift_right_arithmetic3A_2654 = arith.constant 3 : i32
    %shift_right_arithmetic3A_2655 = vector.broadcast %shift_right_arithmetic3A_2654 : i32 to vector<16xi32>
    %shift_right_arithmetic3A_2656 = arith.shrsi %add3A_2643, %shift_right_arithmetic3A_2655 : vector<16xi32>
    %and3A_2657 = arith.constant 7 : i32
    %and3A_2658 = vector.broadcast %and3A_2657 : i32 to vector<16xi32>
    %and3A_2659 = arith.andi %shift_right_arithmetic3A_2656, %and3A_2658 : vector<16xi32>
    %gather3A_2660 = tpu.vector_load_idx %arg5[%add3A_2653] : memref<256xi32, #tpu.memory_space<vmem>>[vector<16xi32>], vector<16xi32>,
    %shift_left3A_2661 = arith.constant 3 : i32
    %shift_left3A_2662 = vector.broadcast %shift_left3A_2661 : i32 to vector<16xi32>
    %shift_left3A_2663 = arith.shli %gather3A_2660, %shift_left3A_2662 : vector<16xi32>
    %or3A_2664 = arith.ori %shift_left3A_2663, %and3A_2659 : vector<16xi32>
    %swap3A_2665 = arith.constant 1536 : index
    %swap3A_2666 = tpu.vector_load %arg6[%swap3A_2665] {strides = array<i32>} : memref<2048xi32, #tpu.memory_space<vmem>>, vector<16xi32>,
    tpu.vector_store %arg6[%swap3A_2665], %or3A_2664 {strides = array<i32>} : memref<2048xi32, #tpu.memory_space<vmem>>, vector<16xi32>,
    %add3A_2667 = arith.constant 1552 : i32
    %add3A_2668 = vector.broadcast %add3A_2667 : i32 to vector<16xi32>
    %add3A_2669 = arith.addi %add3A_2668, %iota3A : vector<16xi32>
    %shift_right_arithmetic3A_2670 = arith.constant 6 : i32
    %shift_right_arithmetic3A_2671 = vector.broadcast %shift_right_arithmetic3A_2670 : i32 to vector<16xi32>
    %shift_right_arithmetic3A_2672 = arith.shrsi %add3A_2669, %shift_right_arithmetic3A_2671 : vector<16xi32>
    %shift_left3A_2673 = arith.constant 3 : i32
    %shift_left3A_2674 = vector.broadcast %shift_left3A_2673 : i32 to vector<16xi32>
    %shift_left3A_2675 = arith.shli %shift_right_arithmetic3A_2672, %shift_left3A_2674 : vector<16xi32>
    %and3A_2676 = arith.constant 7 : i32
    %and3A_2677 = vector.broadcast %and3A_2676 : i32 to vector<16xi32>
    %and3A_2678 = arith.andi %add3A_2669, %and3A_2677 : vector<16xi32>
    %add3A_2679 = arith.addi %shift_left3A_2675, %and3A_2678 : vector<16xi32>
    %shift_right_arithmetic3A_2680 = arith.constant 3 : i32
    %shift_right_arithmetic3A_2681 = vector.broadcast %shift_right_arithmetic3A_2680 : i32 to vector<16xi32>
    %shift_right_arithmetic3A_2682 = arith.shrsi %add3A_2669, %shift_right_arithmetic3A_2681 : vector<16xi32>
    %and3A_2683 = arith.constant 7 : i32
    %and3A_2684 = vector.broadcast %and3A_2683 : i32 to vector<16xi32>
    %and3A_2685 = arith.andi %shift_right_arithmetic3A_2682, %and3A_2684 : vector<16xi32>
    %gather3A_2686 = tpu.vector_load_idx %arg5[%add3A_2679] : memref<256xi32, #tpu.memory_space<vmem>>[vector<16xi32>], vector<16xi32>,
    %shift_left3A_2687 = arith.constant 3 : i32
    %shift_left3A_2688 = vector.broadcast %shift_left3A_2687 : i32 to vector<16xi32>
    %shift_left3A_2689 = arith.shli %gather3A_2686, %shift_left3A_2688 : vector<16xi32>
    %or3A_2690 = arith.ori %shift_left3A_2689, %and3A_2685 : vector<16xi32>
    %swap3A_2691 = arith.constant 1552 : index
    %swap3A_2692 = tpu.vector_load %arg6[%swap3A_2691] {strides = array<i32>} : memref<2048xi32, #tpu.memory_space<vmem>>, vector<16xi32>,
    tpu.vector_store %arg6[%swap3A_2691], %or3A_2690 {strides = array<i32>} : memref<2048xi32, #tpu.memory_space<vmem>>, vector<16xi32>,
    %add3A_2693 = arith.constant 1568 : i32
    %add3A_2694 = vector.broadcast %add3A_2693 : i32 to vector<16xi32>
    %add3A_2695 = arith.addi %add3A_2694, %iota3A : vector<16xi32>
    %shift_right_arithmetic3A_2696 = arith.constant 6 : i32
    %shift_right_arithmetic3A_2697 = vector.broadcast %shift_right_arithmetic3A_2696 : i32 to vector<16xi32>
    %shift_right_arithmetic3A_2698 = arith.shrsi %add3A_2695, %shift_right_arithmetic3A_2697 : vector<16xi32>
    %shift_left3A_2699 = arith.constant 3 : i32
    %shift_left3A_2700 = vector.broadcast %shift_left3A_2699 : i32 to vector<16xi32>
    %shift_left3A_2701 = arith.shli %shift_right_arithmetic3A_2698, %shift_left3A_2700 : vector<16xi32>
    %and3A_2702 = arith.constant 7 : i32
    %and3A_2703 = vector.broadcast %and3A_2702 : i32 to vector<16xi32>
    %and3A_2704 = arith.andi %add3A_2695, %and3A_2703 : vector<16xi32>
    %add3A_2705 = arith.addi %shift_left3A_2701, %and3A_2704 : vector<16xi32>
    %shift_right_arithmetic3A_2706 = arith.constant 3 : i32
    %shift_right_arithmetic3A_2707 = vector.broadcast %shift_right_arithmetic3A_2706 : i32 to vector<16xi32>
    %shift_right_arithmetic3A_2708 = arith.shrsi %add3A_2695, %shift_right_arithmetic3A_2707 : vector<16xi32>
    %and3A_2709 = arith.constant 7 : i32
    %and3A_2710 = vector.broadcast %and3A_2709 : i32 to vector<16xi32>
    %and3A_2711 = arith.andi %shift_right_arithmetic3A_2708, %and3A_2710 : vector<16xi32>
    %gather3A_2712 = tpu.vector_load_idx %arg5[%add3A_2705] : memref<256xi32, #tpu.memory_space<vmem>>[vector<16xi32>], vector<16xi32>,
    %shift_left3A_2713 = arith.constant 3 : i32
    %shift_left3A_2714 = vector.broadcast %shift_left3A_2713 : i32 to vector<16xi32>
    %shift_left3A_2715 = arith.shli %gather3A_2712, %shift_left3A_2714 : vector<16xi32>
    %or3A_2716 = arith.ori %shift_left3A_2715, %and3A_2711 : vector<16xi32>
    %swap3A_2717 = arith.constant 1568 : index
    %swap3A_2718 = tpu.vector_load %arg6[%swap3A_2717] {strides = array<i32>} : memref<2048xi32, #tpu.memory_space<vmem>>, vector<16xi32>,
    tpu.vector_store %arg6[%swap3A_2717], %or3A_2716 {strides = array<i32>} : memref<2048xi32, #tpu.memory_space<vmem>>, vector<16xi32>,
    %add3A_2719 = arith.constant 1584 : i32
    %add3A_2720 = vector.broadcast %add3A_2719 : i32 to vector<16xi32>
    %add3A_2721 = arith.addi %add3A_2720, %iota3A : vector<16xi32>
    %shift_right_arithmetic3A_2722 = arith.constant 6 : i32
    %shift_right_arithmetic3A_2723 = vector.broadcast %shift_right_arithmetic3A_2722 : i32 to vector<16xi32>
    %shift_right_arithmetic3A_2724 = arith.shrsi %add3A_2721, %shift_right_arithmetic3A_2723 : vector<16xi32>
    %shift_left3A_2725 = arith.constant 3 : i32
    %shift_left3A_2726 = vector.broadcast %shift_left3A_2725 : i32 to vector<16xi32>
    %shift_left3A_2727 = arith.shli %shift_right_arithmetic3A_2724, %shift_left3A_2726 : vector<16xi32>
    %and3A_2728 = arith.constant 7 : i32
    %and3A_2729 = vector.broadcast %and3A_2728 : i32 to vector<16xi32>
    %and3A_2730 = arith.andi %add3A_2721, %and3A_2729 : vector<16xi32>
    %add3A_2731 = arith.addi %shift_left3A_2727, %and3A_2730 : vector<16xi32>
    %shift_right_arithmetic3A_2732 = arith.constant 3 : i32
    %shift_right_arithmetic3A_2733 = vector.broadcast %shift_right_arithmetic3A_2732 : i32 to vector<16xi32>
    %shift_right_arithmetic3A_2734 = arith.shrsi %add3A_2721, %shift_right_arithmetic3A_2733 : vector<16xi32>
    %and3A_2735 = arith.constant 7 : i32
    %and3A_2736 = vector.broadcast %and3A_2735 : i32 to vector<16xi32>
    %and3A_2737 = arith.andi %shift_right_arithmetic3A_2734, %and3A_2736 : vector<16xi32>
    %gather3A_2738 = tpu.vector_load_idx %arg5[%add3A_2731] : memref<256xi32, #tpu.memory_space<vmem>>[vector<16xi32>], vector<16xi32>,
    %shift_left3A_2739 = arith.constant 3 : i32
    %shift_left3A_2740 = vector.broadcast %shift_left3A_2739 : i32 to vector<16xi32>
    %shift_left3A_2741 = arith.shli %gather3A_2738, %shift_left3A_2740 : vector<16xi32>
    %or3A_2742 = arith.ori %shift_left3A_2741, %and3A_2737 : vector<16xi32>
    %swap3A_2743 = arith.constant 1584 : index
    %swap3A_2744 = tpu.vector_load %arg6[%swap3A_2743] {strides = array<i32>} : memref<2048xi32, #tpu.memory_space<vmem>>, vector<16xi32>,
    tpu.vector_store %arg6[%swap3A_2743], %or3A_2742 {strides = array<i32>} : memref<2048xi32, #tpu.memory_space<vmem>>, vector<16xi32>,
    %add3A_2745 = arith.constant 1600 : i32
    %add3A_2746 = vector.broadcast %add3A_2745 : i32 to vector<16xi32>
    %add3A_2747 = arith.addi %add3A_2746, %iota3A : vector<16xi32>
    %shift_right_arithmetic3A_2748 = arith.constant 6 : i32
    %shift_right_arithmetic3A_2749 = vector.broadcast %shift_right_arithmetic3A_2748 : i32 to vector<16xi32>
    %shift_right_arithmetic3A_2750 = arith.shrsi %add3A_2747, %shift_right_arithmetic3A_2749 : vector<16xi32>
    %shift_left3A_2751 = arith.constant 3 : i32
    %shift_left3A_2752 = vector.broadcast %shift_left3A_2751 : i32 to vector<16xi32>
    %shift_left3A_2753 = arith.shli %shift_right_arithmetic3A_2750, %shift_left3A_2752 : vector<16xi32>
    %and3A_2754 = arith.constant 7 : i32
    %and3A_2755 = vector.broadcast %and3A_2754 : i32 to vector<16xi32>
    %and3A_2756 = arith.andi %add3A_2747, %and3A_2755 : vector<16xi32>
    %add3A_2757 = arith.addi %shift_left3A_2753, %and3A_2756 : vector<16xi32>
    %shift_right_arithmetic3A_2758 = arith.constant 3 : i32
    %shift_right_arithmetic3A_2759 = vector.broadcast %shift_right_arithmetic3A_2758 : i32 to vector<16xi32>
    %shift_right_arithmetic3A_2760 = arith.shrsi %add3A_2747, %shift_right_arithmetic3A_2759 : vector<16xi32>
    %and3A_2761 = arith.constant 7 : i32
    %and3A_2762 = vector.broadcast %and3A_2761 : i32 to vector<16xi32>
    %and3A_2763 = arith.andi %shift_right_arithmetic3A_2760, %and3A_2762 : vector<16xi32>
    %gather3A_2764 = tpu.vector_load_idx %arg5[%add3A_2757] : memref<256xi32, #tpu.memory_space<vmem>>[vector<16xi32>], vector<16xi32>,
    %shift_left3A_2765 = arith.constant 3 : i32
    %shift_left3A_2766 = vector.broadcast %shift_left3A_2765 : i32 to vector<16xi32>
    %shift_left3A_2767 = arith.shli %gather3A_2764, %shift_left3A_2766 : vector<16xi32>
    %or3A_2768 = arith.ori %shift_left3A_2767, %and3A_2763 : vector<16xi32>
    %swap3A_2769 = arith.constant 1600 : index
    %swap3A_2770 = tpu.vector_load %arg6[%swap3A_2769] {strides = array<i32>} : memref<2048xi32, #tpu.memory_space<vmem>>, vector<16xi32>,
    tpu.vector_store %arg6[%swap3A_2769], %or3A_2768 {strides = array<i32>} : memref<2048xi32, #tpu.memory_space<vmem>>, vector<16xi32>,
    %add3A_2771 = arith.constant 1616 : i32
    %add3A_2772 = vector.broadcast %add3A_2771 : i32 to vector<16xi32>
    %add3A_2773 = arith.addi %add3A_2772, %iota3A : vector<16xi32>
    %shift_right_arithmetic3A_2774 = arith.constant 6 : i32
    %shift_right_arithmetic3A_2775 = vector.broadcast %shift_right_arithmetic3A_2774 : i32 to vector<16xi32>
    %shift_right_arithmetic3A_2776 = arith.shrsi %add3A_2773, %shift_right_arithmetic3A_2775 : vector<16xi32>
    %shift_left3A_2777 = arith.constant 3 : i32
    %shift_left3A_2778 = vector.broadcast %shift_left3A_2777 : i32 to vector<16xi32>
    %shift_left3A_2779 = arith.shli %shift_right_arithmetic3A_2776, %shift_left3A_2778 : vector<16xi32>
    %and3A_2780 = arith.constant 7 : i32
    %and3A_2781 = vector.broadcast %and3A_2780 : i32 to vector<16xi32>
    %and3A_2782 = arith.andi %add3A_2773, %and3A_2781 : vector<16xi32>
    %add3A_2783 = arith.addi %shift_left3A_2779, %and3A_2782 : vector<16xi32>
    %shift_right_arithmetic3A_2784 = arith.constant 3 : i32
    %shift_right_arithmetic3A_2785 = vector.broadcast %shift_right_arithmetic3A_2784 : i32 to vector<16xi32>
    %shift_right_arithmetic3A_2786 = arith.shrsi %add3A_2773, %shift_right_arithmetic3A_2785 : vector<16xi32>
    %and3A_2787 = arith.constant 7 : i32
    %and3A_2788 = vector.broadcast %and3A_2787 : i32 to vector<16xi32>
    %and3A_2789 = arith.andi %shift_right_arithmetic3A_2786, %and3A_2788 : vector<16xi32>
    %gather3A_2790 = tpu.vector_load_idx %arg5[%add3A_2783] : memref<256xi32, #tpu.memory_space<vmem>>[vector<16xi32>], vector<16xi32>,
    %shift_left3A_2791 = arith.constant 3 : i32
    %shift_left3A_2792 = vector.broadcast %shift_left3A_2791 : i32 to vector<16xi32>
    %shift_left3A_2793 = arith.shli %gather3A_2790, %shift_left3A_2792 : vector<16xi32>
    %or3A_2794 = arith.ori %shift_left3A_2793, %and3A_2789 : vector<16xi32>
    %swap3A_2795 = arith.constant 1616 : index
    %swap3A_2796 = tpu.vector_load %arg6[%swap3A_2795] {strides = array<i32>} : memref<2048xi32, #tpu.memory_space<vmem>>, vector<16xi32>,
    tpu.vector_store %arg6[%swap3A_2795], %or3A_2794 {strides = array<i32>} : memref<2048xi32, #tpu.memory_space<vmem>>, vector<16xi32>,
    %add3A_2797 = arith.constant 1632 : i32
    %add3A_2798 = vector.broadcast %add3A_2797 : i32 to vector<16xi32>
    %add3A_2799 = arith.addi %add3A_2798, %iota3A : vector<16xi32>
    %shift_right_arithmetic3A_2800 = arith.constant 6 : i32
    %shift_right_arithmetic3A_2801 = vector.broadcast %shift_right_arithmetic3A_2800 : i32 to vector<16xi32>
    %shift_right_arithmetic3A_2802 = arith.shrsi %add3A_2799, %shift_right_arithmetic3A_2801 : vector<16xi32>
    %shift_left3A_2803 = arith.constant 3 : i32
    %shift_left3A_2804 = vector.broadcast %shift_left3A_2803 : i32 to vector<16xi32>
    %shift_left3A_2805 = arith.shli %shift_right_arithmetic3A_2802, %shift_left3A_2804 : vector<16xi32>
    %and3A_2806 = arith.constant 7 : i32
    %and3A_2807 = vector.broadcast %and3A_2806 : i32 to vector<16xi32>
    %and3A_2808 = arith.andi %add3A_2799, %and3A_2807 : vector<16xi32>
    %add3A_2809 = arith.addi %shift_left3A_2805, %and3A_2808 : vector<16xi32>
    %shift_right_arithmetic3A_2810 = arith.constant 3 : i32
    %shift_right_arithmetic3A_2811 = vector.broadcast %shift_right_arithmetic3A_2810 : i32 to vector<16xi32>
    %shift_right_arithmetic3A_2812 = arith.shrsi %add3A_2799, %shift_right_arithmetic3A_2811 : vector<16xi32>
    %and3A_2813 = arith.constant 7 : i32
    %and3A_2814 = vector.broadcast %and3A_2813 : i32 to vector<16xi32>
    %and3A_2815 = arith.andi %shift_right_arithmetic3A_2812, %and3A_2814 : vector<16xi32>
    %gather3A_2816 = tpu.vector_load_idx %arg5[%add3A_2809] : memref<256xi32, #tpu.memory_space<vmem>>[vector<16xi32>], vector<16xi32>,
    %shift_left3A_2817 = arith.constant 3 : i32
    %shift_left3A_2818 = vector.broadcast %shift_left3A_2817 : i32 to vector<16xi32>
    %shift_left3A_2819 = arith.shli %gather3A_2816, %shift_left3A_2818 : vector<16xi32>
    %or3A_2820 = arith.ori %shift_left3A_2819, %and3A_2815 : vector<16xi32>
    %swap3A_2821 = arith.constant 1632 : index
    %swap3A_2822 = tpu.vector_load %arg6[%swap3A_2821] {strides = array<i32>} : memref<2048xi32, #tpu.memory_space<vmem>>, vector<16xi32>,
    tpu.vector_store %arg6[%swap3A_2821], %or3A_2820 {strides = array<i32>} : memref<2048xi32, #tpu.memory_space<vmem>>, vector<16xi32>,
    %add3A_2823 = arith.constant 1648 : i32
    %add3A_2824 = vector.broadcast %add3A_2823 : i32 to vector<16xi32>
    %add3A_2825 = arith.addi %add3A_2824, %iota3A : vector<16xi32>
    %shift_right_arithmetic3A_2826 = arith.constant 6 : i32
    %shift_right_arithmetic3A_2827 = vector.broadcast %shift_right_arithmetic3A_2826 : i32 to vector<16xi32>
    %shift_right_arithmetic3A_2828 = arith.shrsi %add3A_2825, %shift_right_arithmetic3A_2827 : vector<16xi32>
    %shift_left3A_2829 = arith.constant 3 : i32
    %shift_left3A_2830 = vector.broadcast %shift_left3A_2829 : i32 to vector<16xi32>
    %shift_left3A_2831 = arith.shli %shift_right_arithmetic3A_2828, %shift_left3A_2830 : vector<16xi32>
    %and3A_2832 = arith.constant 7 : i32
    %and3A_2833 = vector.broadcast %and3A_2832 : i32 to vector<16xi32>
    %and3A_2834 = arith.andi %add3A_2825, %and3A_2833 : vector<16xi32>
    %add3A_2835 = arith.addi %shift_left3A_2831, %and3A_2834 : vector<16xi32>
    %shift_right_arithmetic3A_2836 = arith.constant 3 : i32
    %shift_right_arithmetic3A_2837 = vector.broadcast %shift_right_arithmetic3A_2836 : i32 to vector<16xi32>
    %shift_right_arithmetic3A_2838 = arith.shrsi %add3A_2825, %shift_right_arithmetic3A_2837 : vector<16xi32>
    %and3A_2839 = arith.constant 7 : i32
    %and3A_2840 = vector.broadcast %and3A_2839 : i32 to vector<16xi32>
    %and3A_2841 = arith.andi %shift_right_arithmetic3A_2838, %and3A_2840 : vector<16xi32>
    %gather3A_2842 = tpu.vector_load_idx %arg5[%add3A_2835] : memref<256xi32, #tpu.memory_space<vmem>>[vector<16xi32>], vector<16xi32>,
    %shift_left3A_2843 = arith.constant 3 : i32
    %shift_left3A_2844 = vector.broadcast %shift_left3A_2843 : i32 to vector<16xi32>
    %shift_left3A_2845 = arith.shli %gather3A_2842, %shift_left3A_2844 : vector<16xi32>
    %or3A_2846 = arith.ori %shift_left3A_2845, %and3A_2841 : vector<16xi32>
    %swap3A_2847 = arith.constant 1648 : index
    %swap3A_2848 = tpu.vector_load %arg6[%swap3A_2847] {strides = array<i32>} : memref<2048xi32, #tpu.memory_space<vmem>>, vector<16xi32>,
    tpu.vector_store %arg6[%swap3A_2847], %or3A_2846 {strides = array<i32>} : memref<2048xi32, #tpu.memory_space<vmem>>, vector<16xi32>,
    %dma_wait3A_2849 = arith.constant 768 : i32
    %dma_wait3A_2850 = tpu.memref_slice %arg6[%dma_wait3A_2849] : memref<2048xi32, #tpu.memory_space<vmem>> -> memref<128xi32, #tpu.memory_space<vmem>>
    %dma_wait3A_2851 = arith.constant 0 : i32
    %dma_wait3A_2852 = arith.constant 0 : i32
    %dma_wait3A_2853 = tpu.memref_slice %arg3[%dma_wait3A_2851, %dma_wait3A_2852] : memref<65544x128xf32, #tpu.memory_space<hbm>> -> memref<65544x128xf32, #tpu.memory_space<hbm>>
    tpu.wait_indirect_dma semaphore(%arg13 : memref<!tpu.dma_semaphore, #tpu.memory_space<semaphore_mem>>) src(%dma_wait3A_2853 : memref<65544x128xf32, #tpu.memory_space<hbm>>) dst(%arg7 : memref<128x128xf32, #tpu.memory_space<vmem>>)
    %add3A_2854 = arith.constant 768 : i32
    %add3A_2855 = arith.addi %mul3A_2, %add3A_2854 : i32
    %dma_start3A_2856 = arith.constant 0 : i32
    %dma_start3A_2857 = tpu.memref_slice %arg4[%add3A_2855, %dma_start3A_2856] : memref<65536x128xf32, #tpu.memory_space<hbm>> -> memref<128x128xf32, #tpu.memory_space<hbm>>
    %dma_start3A_2858 = arith.constant 0 : i32
    %dma_start3A_2859 = tpu.memref_slice %arg4[%add3A_2855, %dma_start3A_2858] : memref<65536x128xf32, #tpu.memory_space<hbm>> -> memref<128x128xf32, #tpu.memory_space<hbm>>
    tpu.enqueue_dma source(%arg7 : memref<128x128xf32, #tpu.memory_space<vmem>>) target(%dma_start3A_2859 : memref<128x128xf32, #tpu.memory_space<hbm>>) target_semaphore(%arg19 : memref<!tpu.dma_semaphore, #tpu.memory_space<semaphore_mem>>)
    %dma_wait3A_2860 = arith.constant 0 : i32
    %dma_wait3A_2861 = tpu.memref_slice %arg4[%add3A_2855, %dma_wait3A_2860] : memref<65536x128xf32, #tpu.memory_space<hbm>> -> memref<128x128xf32, #tpu.memory_space<hbm>>
    %dma_wait3A_2862 = arith.constant 0 : i32
    %dma_wait3A_2863 = tpu.memref_slice %arg4[%add3A_2855, %dma_wait3A_2862] : memref<65536x128xf32, #tpu.memory_space<hbm>> -> memref<128x128xf32, #tpu.memory_space<hbm>>
    tpu.wait_dma2 semaphore(%arg19 : memref<!tpu.dma_semaphore, #tpu.memory_space<semaphore_mem>>) src(%arg7 : memref<128x128xf32, #tpu.memory_space<vmem>>) dst(%dma_wait3A_2863 : memref<128x128xf32, #tpu.memory_space<hbm>>)
    %dma_start3A_2864 = arith.constant 1536 : i32
    %dma_start3A_2865 = tpu.memref_slice %arg6[%dma_start3A_2864] : memref<2048xi32, #tpu.memory_space<vmem>> -> memref<128xi32, #tpu.memory_space<vmem>>
    %dma_start3A_2866 = arith.constant 0 : i32
    %dma_start3A_2867 = arith.constant 0 : i32
    %dma_start3A_2868 = tpu.memref_slice %arg3[%dma_start3A_2866, %dma_start3A_2867] : memref<65544x128xf32, #tpu.memory_space<hbm>> -> memref<65544x128xf32, #tpu.memory_space<hbm>>
    tpu.enqueue_indirect_dma source(%dma_start3A_2868 : memref<65544x128xf32, #tpu.memory_space<hbm>>) target(%arg7 : memref<128x128xf32, #tpu.memory_space<vmem>>) offsets(%dma_start3A_2865 : memref<128xi32, #tpu.memory_space<vmem>>) semaphore(%arg13 : memref<!tpu.dma_semaphore, #tpu.memory_space<semaphore_mem>>)
    %add3A_2869 = arith.constant 1664 : i32
    %add3A_2870 = vector.broadcast %add3A_2869 : i32 to vector<16xi32>
    %add3A_2871 = arith.addi %add3A_2870, %iota3A : vector<16xi32>
    %shift_right_arithmetic3A_2872 = arith.constant 6 : i32
    %shift_right_arithmetic3A_2873 = vector.broadcast %shift_right_arithmetic3A_2872 : i32 to vector<16xi32>
    %shift_right_arithmetic3A_2874 = arith.shrsi %add3A_2871, %shift_right_arithmetic3A_2873 : vector<16xi32>
    %shift_left3A_2875 = arith.constant 3 : i32
    %shift_left3A_2876 = vector.broadcast %shift_left3A_2875 : i32 to vector<16xi32>
    %shift_left3A_2877 = arith.shli %shift_right_arithmetic3A_2874, %shift_left3A_2876 : vector<16xi32>
    %and3A_2878 = arith.constant 7 : i32
    %and3A_2879 = vector.broadcast %and3A_2878 : i32 to vector<16xi32>
    %and3A_2880 = arith.andi %add3A_2871, %and3A_2879 : vector<16xi32>
    %add3A_2881 = arith.addi %shift_left3A_2877, %and3A_2880 : vector<16xi32>
    %shift_right_arithmetic3A_2882 = arith.constant 3 : i32
    %shift_right_arithmetic3A_2883 = vector.broadcast %shift_right_arithmetic3A_2882 : i32 to vector<16xi32>
    %shift_right_arithmetic3A_2884 = arith.shrsi %add3A_2871, %shift_right_arithmetic3A_2883 : vector<16xi32>
    %and3A_2885 = arith.constant 7 : i32
    %and3A_2886 = vector.broadcast %and3A_2885 : i32 to vector<16xi32>
    %and3A_2887 = arith.andi %shift_right_arithmetic3A_2884, %and3A_2886 : vector<16xi32>
    %gather3A_2888 = tpu.vector_load_idx %arg5[%add3A_2881] : memref<256xi32, #tpu.memory_space<vmem>>[vector<16xi32>], vector<16xi32>,
    %shift_left3A_2889 = arith.constant 3 : i32
    %shift_left3A_2890 = vector.broadcast %shift_left3A_2889 : i32 to vector<16xi32>
    %shift_left3A_2891 = arith.shli %gather3A_2888, %shift_left3A_2890 : vector<16xi32>
    %or3A_2892 = arith.ori %shift_left3A_2891, %and3A_2887 : vector<16xi32>
    %swap3A_2893 = arith.constant 1664 : index
    %swap3A_2894 = tpu.vector_load %arg6[%swap3A_2893] {strides = array<i32>} : memref<2048xi32, #tpu.memory_space<vmem>>, vector<16xi32>,
    tpu.vector_store %arg6[%swap3A_2893], %or3A_2892 {strides = array<i32>} : memref<2048xi32, #tpu.memory_space<vmem>>, vector<16xi32>,
    %add3A_2895 = arith.constant 1680 : i32
    %add3A_2896 = vector.broadcast %add3A_2895 : i32 to vector<16xi32>
    %add3A_2897 = arith.addi %add3A_2896, %iota3A : vector<16xi32>
    %shift_right_arithmetic3A_2898 = arith.constant 6 : i32
    %shift_right_arithmetic3A_2899 = vector.broadcast %shift_right_arithmetic3A_2898 : i32 to vector<16xi32>
    %shift_right_arithmetic3A_2900 = arith.shrsi %add3A_2897, %shift_right_arithmetic3A_2899 : vector<16xi32>
    %shift_left3A_2901 = arith.constant 3 : i32
    %shift_left3A_2902 = vector.broadcast %shift_left3A_2901 : i32 to vector<16xi32>
    %shift_left3A_2903 = arith.shli %shift_right_arithmetic3A_2900, %shift_left3A_2902 : vector<16xi32>
    %and3A_2904 = arith.constant 7 : i32
    %and3A_2905 = vector.broadcast %and3A_2904 : i32 to vector<16xi32>
    %and3A_2906 = arith.andi %add3A_2897, %and3A_2905 : vector<16xi32>
    %add3A_2907 = arith.addi %shift_left3A_2903, %and3A_2906 : vector<16xi32>
    %shift_right_arithmetic3A_2908 = arith.constant 3 : i32
    %shift_right_arithmetic3A_2909 = vector.broadcast %shift_right_arithmetic3A_2908 : i32 to vector<16xi32>
    %shift_right_arithmetic3A_2910 = arith.shrsi %add3A_2897, %shift_right_arithmetic3A_2909 : vector<16xi32>
    %and3A_2911 = arith.constant 7 : i32
    %and3A_2912 = vector.broadcast %and3A_2911 : i32 to vector<16xi32>
    %and3A_2913 = arith.andi %shift_right_arithmetic3A_2910, %and3A_2912 : vector<16xi32>
    %gather3A_2914 = tpu.vector_load_idx %arg5[%add3A_2907] : memref<256xi32, #tpu.memory_space<vmem>>[vector<16xi32>], vector<16xi32>,
    %shift_left3A_2915 = arith.constant 3 : i32
    %shift_left3A_2916 = vector.broadcast %shift_left3A_2915 : i32 to vector<16xi32>
    %shift_left3A_2917 = arith.shli %gather3A_2914, %shift_left3A_2916 : vector<16xi32>
    %or3A_2918 = arith.ori %shift_left3A_2917, %and3A_2913 : vector<16xi32>
    %swap3A_2919 = arith.constant 1680 : index
    %swap3A_2920 = tpu.vector_load %arg6[%swap3A_2919] {strides = array<i32>} : memref<2048xi32, #tpu.memory_space<vmem>>, vector<16xi32>,
    tpu.vector_store %arg6[%swap3A_2919], %or3A_2918 {strides = array<i32>} : memref<2048xi32, #tpu.memory_space<vmem>>, vector<16xi32>,
    %add3A_2921 = arith.constant 1696 : i32
    %add3A_2922 = vector.broadcast %add3A_2921 : i32 to vector<16xi32>
    %add3A_2923 = arith.addi %add3A_2922, %iota3A : vector<16xi32>
    %shift_right_arithmetic3A_2924 = arith.constant 6 : i32
    %shift_right_arithmetic3A_2925 = vector.broadcast %shift_right_arithmetic3A_2924 : i32 to vector<16xi32>
    %shift_right_arithmetic3A_2926 = arith.shrsi %add3A_2923, %shift_right_arithmetic3A_2925 : vector<16xi32>
    %shift_left3A_2927 = arith.constant 3 : i32
    %shift_left3A_2928 = vector.broadcast %shift_left3A_2927 : i32 to vector<16xi32>
    %shift_left3A_2929 = arith.shli %shift_right_arithmetic3A_2926, %shift_left3A_2928 : vector<16xi32>
    %and3A_2930 = arith.constant 7 : i32
    %and3A_2931 = vector.broadcast %and3A_2930 : i32 to vector<16xi32>
    %and3A_2932 = arith.andi %add3A_2923, %and3A_2931 : vector<16xi32>
    %add3A_2933 = arith.addi %shift_left3A_2929, %and3A_2932 : vector<16xi32>
    %shift_right_arithmetic3A_2934 = arith.constant 3 : i32
    %shift_right_arithmetic3A_2935 = vector.broadcast %shift_right_arithmetic3A_2934 : i32 to vector<16xi32>
    %shift_right_arithmetic3A_2936 = arith.shrsi %add3A_2923, %shift_right_arithmetic3A_2935 : vector<16xi32>
    %and3A_2937 = arith.constant 7 : i32
    %and3A_2938 = vector.broadcast %and3A_2937 : i32 to vector<16xi32>
    %and3A_2939 = arith.andi %shift_right_arithmetic3A_2936, %and3A_2938 : vector<16xi32>
    %gather3A_2940 = tpu.vector_load_idx %arg5[%add3A_2933] : memref<256xi32, #tpu.memory_space<vmem>>[vector<16xi32>], vector<16xi32>,
    %shift_left3A_2941 = arith.constant 3 : i32
    %shift_left3A_2942 = vector.broadcast %shift_left3A_2941 : i32 to vector<16xi32>
    %shift_left3A_2943 = arith.shli %gather3A_2940, %shift_left3A_2942 : vector<16xi32>
    %or3A_2944 = arith.ori %shift_left3A_2943, %and3A_2939 : vector<16xi32>
    %swap3A_2945 = arith.constant 1696 : index
    %swap3A_2946 = tpu.vector_load %arg6[%swap3A_2945] {strides = array<i32>} : memref<2048xi32, #tpu.memory_space<vmem>>, vector<16xi32>,
    tpu.vector_store %arg6[%swap3A_2945], %or3A_2944 {strides = array<i32>} : memref<2048xi32, #tpu.memory_space<vmem>>, vector<16xi32>,
    %add3A_2947 = arith.constant 1712 : i32
    %add3A_2948 = vector.broadcast %add3A_2947 : i32 to vector<16xi32>
    %add3A_2949 = arith.addi %add3A_2948, %iota3A : vector<16xi32>
    %shift_right_arithmetic3A_2950 = arith.constant 6 : i32
    %shift_right_arithmetic3A_2951 = vector.broadcast %shift_right_arithmetic3A_2950 : i32 to vector<16xi32>
    %shift_right_arithmetic3A_2952 = arith.shrsi %add3A_2949, %shift_right_arithmetic3A_2951 : vector<16xi32>
    %shift_left3A_2953 = arith.constant 3 : i32
    %shift_left3A_2954 = vector.broadcast %shift_left3A_2953 : i32 to vector<16xi32>
    %shift_left3A_2955 = arith.shli %shift_right_arithmetic3A_2952, %shift_left3A_2954 : vector<16xi32>
    %and3A_2956 = arith.constant 7 : i32
    %and3A_2957 = vector.broadcast %and3A_2956 : i32 to vector<16xi32>
    %and3A_2958 = arith.andi %add3A_2949, %and3A_2957 : vector<16xi32>
    %add3A_2959 = arith.addi %shift_left3A_2955, %and3A_2958 : vector<16xi32>
    %shift_right_arithmetic3A_2960 = arith.constant 3 : i32
    %shift_right_arithmetic3A_2961 = vector.broadcast %shift_right_arithmetic3A_2960 : i32 to vector<16xi32>
    %shift_right_arithmetic3A_2962 = arith.shrsi %add3A_2949, %shift_right_arithmetic3A_2961 : vector<16xi32>
    %and3A_2963 = arith.constant 7 : i32
    %and3A_2964 = vector.broadcast %and3A_2963 : i32 to vector<16xi32>
    %and3A_2965 = arith.andi %shift_right_arithmetic3A_2962, %and3A_2964 : vector<16xi32>
    %gather3A_2966 = tpu.vector_load_idx %arg5[%add3A_2959] : memref<256xi32, #tpu.memory_space<vmem>>[vector<16xi32>], vector<16xi32>,
    %shift_left3A_2967 = arith.constant 3 : i32
    %shift_left3A_2968 = vector.broadcast %shift_left3A_2967 : i32 to vector<16xi32>
    %shift_left3A_2969 = arith.shli %gather3A_2966, %shift_left3A_2968 : vector<16xi32>
    %or3A_2970 = arith.ori %shift_left3A_2969, %and3A_2965 : vector<16xi32>
    %swap3A_2971 = arith.constant 1712 : index
    %swap3A_2972 = tpu.vector_load %arg6[%swap3A_2971] {strides = array<i32>} : memref<2048xi32, #tpu.memory_space<vmem>>, vector<16xi32>,
    tpu.vector_store %arg6[%swap3A_2971], %or3A_2970 {strides = array<i32>} : memref<2048xi32, #tpu.memory_space<vmem>>, vector<16xi32>,
    %add3A_2973 = arith.constant 1728 : i32
    %add3A_2974 = vector.broadcast %add3A_2973 : i32 to vector<16xi32>
    %add3A_2975 = arith.addi %add3A_2974, %iota3A : vector<16xi32>
    %shift_right_arithmetic3A_2976 = arith.constant 6 : i32
    %shift_right_arithmetic3A_2977 = vector.broadcast %shift_right_arithmetic3A_2976 : i32 to vector<16xi32>
    %shift_right_arithmetic3A_2978 = arith.shrsi %add3A_2975, %shift_right_arithmetic3A_2977 : vector<16xi32>
    %shift_left3A_2979 = arith.constant 3 : i32
    %shift_left3A_2980 = vector.broadcast %shift_left3A_2979 : i32 to vector<16xi32>
    %shift_left3A_2981 = arith.shli %shift_right_arithmetic3A_2978, %shift_left3A_2980 : vector<16xi32>
    %and3A_2982 = arith.constant 7 : i32
    %and3A_2983 = vector.broadcast %and3A_2982 : i32 to vector<16xi32>
    %and3A_2984 = arith.andi %add3A_2975, %and3A_2983 : vector<16xi32>
    %add3A_2985 = arith.addi %shift_left3A_2981, %and3A_2984 : vector<16xi32>
    %shift_right_arithmetic3A_2986 = arith.constant 3 : i32
    %shift_right_arithmetic3A_2987 = vector.broadcast %shift_right_arithmetic3A_2986 : i32 to vector<16xi32>
    %shift_right_arithmetic3A_2988 = arith.shrsi %add3A_2975, %shift_right_arithmetic3A_2987 : vector<16xi32>
    %and3A_2989 = arith.constant 7 : i32
    %and3A_2990 = vector.broadcast %and3A_2989 : i32 to vector<16xi32>
    %and3A_2991 = arith.andi %shift_right_arithmetic3A_2988, %and3A_2990 : vector<16xi32>
    %gather3A_2992 = tpu.vector_load_idx %arg5[%add3A_2985] : memref<256xi32, #tpu.memory_space<vmem>>[vector<16xi32>], vector<16xi32>,
    %shift_left3A_2993 = arith.constant 3 : i32
    %shift_left3A_2994 = vector.broadcast %shift_left3A_2993 : i32 to vector<16xi32>
    %shift_left3A_2995 = arith.shli %gather3A_2992, %shift_left3A_2994 : vector<16xi32>
    %or3A_2996 = arith.ori %shift_left3A_2995, %and3A_2991 : vector<16xi32>
    %swap3A_2997 = arith.constant 1728 : index
    %swap3A_2998 = tpu.vector_load %arg6[%swap3A_2997] {strides = array<i32>} : memref<2048xi32, #tpu.memory_space<vmem>>, vector<16xi32>,
    tpu.vector_store %arg6[%swap3A_2997], %or3A_2996 {strides = array<i32>} : memref<2048xi32, #tpu.memory_space<vmem>>, vector<16xi32>,
    %add3A_2999 = arith.constant 1744 : i32
    %add3A_3000 = vector.broadcast %add3A_2999 : i32 to vector<16xi32>
    %add3A_3001 = arith.addi %add3A_3000, %iota3A : vector<16xi32>
    %shift_right_arithmetic3A_3002 = arith.constant 6 : i32
    %shift_right_arithmetic3A_3003 = vector.broadcast %shift_right_arithmetic3A_3002 : i32 to vector<16xi32>
    %shift_right_arithmetic3A_3004 = arith.shrsi %add3A_3001, %shift_right_arithmetic3A_3003 : vector<16xi32>
    %shift_left3A_3005 = arith.constant 3 : i32
    %shift_left3A_3006 = vector.broadcast %shift_left3A_3005 : i32 to vector<16xi32>
    %shift_left3A_3007 = arith.shli %shift_right_arithmetic3A_3004, %shift_left3A_3006 : vector<16xi32>
    %and3A_3008 = arith.constant 7 : i32
    %and3A_3009 = vector.broadcast %and3A_3008 : i32 to vector<16xi32>
    %and3A_3010 = arith.andi %add3A_3001, %and3A_3009 : vector<16xi32>
    %add3A_3011 = arith.addi %shift_left3A_3007, %and3A_3010 : vector<16xi32>
    %shift_right_arithmetic3A_3012 = arith.constant 3 : i32
    %shift_right_arithmetic3A_3013 = vector.broadcast %shift_right_arithmetic3A_3012 : i32 to vector<16xi32>
    %shift_right_arithmetic3A_3014 = arith.shrsi %add3A_3001, %shift_right_arithmetic3A_3013 : vector<16xi32>
    %and3A_3015 = arith.constant 7 : i32
    %and3A_3016 = vector.broadcast %and3A_3015 : i32 to vector<16xi32>
    %and3A_3017 = arith.andi %shift_right_arithmetic3A_3014, %and3A_3016 : vector<16xi32>
    %gather3A_3018 = tpu.vector_load_idx %arg5[%add3A_3011] : memref<256xi32, #tpu.memory_space<vmem>>[vector<16xi32>], vector<16xi32>,
    %shift_left3A_3019 = arith.constant 3 : i32
    %shift_left3A_3020 = vector.broadcast %shift_left3A_3019 : i32 to vector<16xi32>
    %shift_left3A_3021 = arith.shli %gather3A_3018, %shift_left3A_3020 : vector<16xi32>
    %or3A_3022 = arith.ori %shift_left3A_3021, %and3A_3017 : vector<16xi32>
    %swap3A_3023 = arith.constant 1744 : index
    %swap3A_3024 = tpu.vector_load %arg6[%swap3A_3023] {strides = array<i32>} : memref<2048xi32, #tpu.memory_space<vmem>>, vector<16xi32>,
    tpu.vector_store %arg6[%swap3A_3023], %or3A_3022 {strides = array<i32>} : memref<2048xi32, #tpu.memory_space<vmem>>, vector<16xi32>,
    %add3A_3025 = arith.constant 1760 : i32
    %add3A_3026 = vector.broadcast %add3A_3025 : i32 to vector<16xi32>
    %add3A_3027 = arith.addi %add3A_3026, %iota3A : vector<16xi32>
    %shift_right_arithmetic3A_3028 = arith.constant 6 : i32
    %shift_right_arithmetic3A_3029 = vector.broadcast %shift_right_arithmetic3A_3028 : i32 to vector<16xi32>
    %shift_right_arithmetic3A_3030 = arith.shrsi %add3A_3027, %shift_right_arithmetic3A_3029 : vector<16xi32>
    %shift_left3A_3031 = arith.constant 3 : i32
    %shift_left3A_3032 = vector.broadcast %shift_left3A_3031 : i32 to vector<16xi32>
    %shift_left3A_3033 = arith.shli %shift_right_arithmetic3A_3030, %shift_left3A_3032 : vector<16xi32>
    %and3A_3034 = arith.constant 7 : i32
    %and3A_3035 = vector.broadcast %and3A_3034 : i32 to vector<16xi32>
    %and3A_3036 = arith.andi %add3A_3027, %and3A_3035 : vector<16xi32>
    %add3A_3037 = arith.addi %shift_left3A_3033, %and3A_3036 : vector<16xi32>
    %shift_right_arithmetic3A_3038 = arith.constant 3 : i32
    %shift_right_arithmetic3A_3039 = vector.broadcast %shift_right_arithmetic3A_3038 : i32 to vector<16xi32>
    %shift_right_arithmetic3A_3040 = arith.shrsi %add3A_3027, %shift_right_arithmetic3A_3039 : vector<16xi32>
    %and3A_3041 = arith.constant 7 : i32
    %and3A_3042 = vector.broadcast %and3A_3041 : i32 to vector<16xi32>
    %and3A_3043 = arith.andi %shift_right_arithmetic3A_3040, %and3A_3042 : vector<16xi32>
    %gather3A_3044 = tpu.vector_load_idx %arg5[%add3A_3037] : memref<256xi32, #tpu.memory_space<vmem>>[vector<16xi32>], vector<16xi32>,
    %shift_left3A_3045 = arith.constant 3 : i32
    %shift_left3A_3046 = vector.broadcast %shift_left3A_3045 : i32 to vector<16xi32>
    %shift_left3A_3047 = arith.shli %gather3A_3044, %shift_left3A_3046 : vector<16xi32>
    %or3A_3048 = arith.ori %shift_left3A_3047, %and3A_3043 : vector<16xi32>
    %swap3A_3049 = arith.constant 1760 : index
    %swap3A_3050 = tpu.vector_load %arg6[%swap3A_3049] {strides = array<i32>} : memref<2048xi32, #tpu.memory_space<vmem>>, vector<16xi32>,
    tpu.vector_store %arg6[%swap3A_3049], %or3A_3048 {strides = array<i32>} : memref<2048xi32, #tpu.memory_space<vmem>>, vector<16xi32>,
    %add3A_3051 = arith.constant 1776 : i32
    %add3A_3052 = vector.broadcast %add3A_3051 : i32 to vector<16xi32>
    %add3A_3053 = arith.addi %add3A_3052, %iota3A : vector<16xi32>
    %shift_right_arithmetic3A_3054 = arith.constant 6 : i32
    %shift_right_arithmetic3A_3055 = vector.broadcast %shift_right_arithmetic3A_3054 : i32 to vector<16xi32>
    %shift_right_arithmetic3A_3056 = arith.shrsi %add3A_3053, %shift_right_arithmetic3A_3055 : vector<16xi32>
    %shift_left3A_3057 = arith.constant 3 : i32
    %shift_left3A_3058 = vector.broadcast %shift_left3A_3057 : i32 to vector<16xi32>
    %shift_left3A_3059 = arith.shli %shift_right_arithmetic3A_3056, %shift_left3A_3058 : vector<16xi32>
    %and3A_3060 = arith.constant 7 : i32
    %and3A_3061 = vector.broadcast %and3A_3060 : i32 to vector<16xi32>
    %and3A_3062 = arith.andi %add3A_3053, %and3A_3061 : vector<16xi32>
    %add3A_3063 = arith.addi %shift_left3A_3059, %and3A_3062 : vector<16xi32>
    %shift_right_arithmetic3A_3064 = arith.constant 3 : i32
    %shift_right_arithmetic3A_3065 = vector.broadcast %shift_right_arithmetic3A_3064 : i32 to vector<16xi32>
    %shift_right_arithmetic3A_3066 = arith.shrsi %add3A_3053, %shift_right_arithmetic3A_3065 : vector<16xi32>
    %and3A_3067 = arith.constant 7 : i32
    %and3A_3068 = vector.broadcast %and3A_3067 : i32 to vector<16xi32>
    %and3A_3069 = arith.andi %shift_right_arithmetic3A_3066, %and3A_3068 : vector<16xi32>
    %gather3A_3070 = tpu.vector_load_idx %arg5[%add3A_3063] : memref<256xi32, #tpu.memory_space<vmem>>[vector<16xi32>], vector<16xi32>,
    %shift_left3A_3071 = arith.constant 3 : i32
    %shift_left3A_3072 = vector.broadcast %shift_left3A_3071 : i32 to vector<16xi32>
    %shift_left3A_3073 = arith.shli %gather3A_3070, %shift_left3A_3072 : vector<16xi32>
    %or3A_3074 = arith.ori %shift_left3A_3073, %and3A_3069 : vector<16xi32>
    %swap3A_3075 = arith.constant 1776 : index
    %swap3A_3076 = tpu.vector_load %arg6[%swap3A_3075] {strides = array<i32>} : memref<2048xi32, #tpu.memory_space<vmem>>, vector<16xi32>,
    tpu.vector_store %arg6[%swap3A_3075], %or3A_3074 {strides = array<i32>} : memref<2048xi32, #tpu.memory_space<vmem>>, vector<16xi32>,
    %dma_wait3A_3077 = arith.constant 896 : i32
    %dma_wait3A_3078 = tpu.memref_slice %arg6[%dma_wait3A_3077] : memref<2048xi32, #tpu.memory_space<vmem>> -> memref<128xi32, #tpu.memory_space<vmem>>
    %dma_wait3A_3079 = arith.constant 0 : i32
    %dma_wait3A_3080 = arith.constant 0 : i32
    %dma_wait3A_3081 = tpu.memref_slice %arg3[%dma_wait3A_3079, %dma_wait3A_3080] : memref<65544x128xf32, #tpu.memory_space<hbm>> -> memref<65544x128xf32, #tpu.memory_space<hbm>>
    tpu.wait_indirect_dma semaphore(%arg14 : memref<!tpu.dma_semaphore, #tpu.memory_space<semaphore_mem>>) src(%dma_wait3A_3081 : memref<65544x128xf32, #tpu.memory_space<hbm>>) dst(%arg8 : memref<128x128xf32, #tpu.memory_space<vmem>>)
    %add3A_3082 = arith.constant 896 : i32
    %add3A_3083 = arith.addi %mul3A_2, %add3A_3082 : i32
    %dma_start3A_3084 = arith.constant 0 : i32
    %dma_start3A_3085 = tpu.memref_slice %arg4[%add3A_3083, %dma_start3A_3084] : memref<65536x128xf32, #tpu.memory_space<hbm>> -> memref<128x128xf32, #tpu.memory_space<hbm>>
    %dma_start3A_3086 = arith.constant 0 : i32
    %dma_start3A_3087 = tpu.memref_slice %arg4[%add3A_3083, %dma_start3A_3086] : memref<65536x128xf32, #tpu.memory_space<hbm>> -> memref<128x128xf32, #tpu.memory_space<hbm>>
    tpu.enqueue_dma source(%arg8 : memref<128x128xf32, #tpu.memory_space<vmem>>) target(%dma_start3A_3087 : memref<128x128xf32, #tpu.memory_space<hbm>>) target_semaphore(%arg20 : memref<!tpu.dma_semaphore, #tpu.memory_space<semaphore_mem>>)
    %dma_wait3A_3088 = arith.constant 0 : i32
    %dma_wait3A_3089 = tpu.memref_slice %arg4[%add3A_3083, %dma_wait3A_3088] : memref<65536x128xf32, #tpu.memory_space<hbm>> -> memref<128x128xf32, #tpu.memory_space<hbm>>
    %dma_wait3A_3090 = arith.constant 0 : i32
    %dma_wait3A_3091 = tpu.memref_slice %arg4[%add3A_3083, %dma_wait3A_3090] : memref<65536x128xf32, #tpu.memory_space<hbm>> -> memref<128x128xf32, #tpu.memory_space<hbm>>
    tpu.wait_dma2 semaphore(%arg20 : memref<!tpu.dma_semaphore, #tpu.memory_space<semaphore_mem>>) src(%arg8 : memref<128x128xf32, #tpu.memory_space<vmem>>) dst(%dma_wait3A_3091 : memref<128x128xf32, #tpu.memory_space<hbm>>)
    %dma_start3A_3092 = arith.constant 1664 : i32
    %dma_start3A_3093 = tpu.memref_slice %arg6[%dma_start3A_3092] : memref<2048xi32, #tpu.memory_space<vmem>> -> memref<128xi32, #tpu.memory_space<vmem>>
    %dma_start3A_3094 = arith.constant 0 : i32
    %dma_start3A_3095 = arith.constant 0 : i32
    %dma_start3A_3096 = tpu.memref_slice %arg3[%dma_start3A_3094, %dma_start3A_3095] : memref<65544x128xf32, #tpu.memory_space<hbm>> -> memref<65544x128xf32, #tpu.memory_space<hbm>>
    tpu.enqueue_indirect_dma source(%dma_start3A_3096 : memref<65544x128xf32, #tpu.memory_space<hbm>>) target(%arg8 : memref<128x128xf32, #tpu.memory_space<vmem>>) offsets(%dma_start3A_3093 : memref<128xi32, #tpu.memory_space<vmem>>) semaphore(%arg14 : memref<!tpu.dma_semaphore, #tpu.memory_space<semaphore_mem>>)
    %add3A_3097 = arith.constant 1792 : i32
    %add3A_3098 = vector.broadcast %add3A_3097 : i32 to vector<16xi32>
    %add3A_3099 = arith.addi %add3A_3098, %iota3A : vector<16xi32>
    %shift_right_arithmetic3A_3100 = arith.constant 6 : i32
    %shift_right_arithmetic3A_3101 = vector.broadcast %shift_right_arithmetic3A_3100 : i32 to vector<16xi32>
    %shift_right_arithmetic3A_3102 = arith.shrsi %add3A_3099, %shift_right_arithmetic3A_3101 : vector<16xi32>
    %shift_left3A_3103 = arith.constant 3 : i32
    %shift_left3A_3104 = vector.broadcast %shift_left3A_3103 : i32 to vector<16xi32>
    %shift_left3A_3105 = arith.shli %shift_right_arithmetic3A_3102, %shift_left3A_3104 : vector<16xi32>
    %and3A_3106 = arith.constant 7 : i32
    %and3A_3107 = vector.broadcast %and3A_3106 : i32 to vector<16xi32>
    %and3A_3108 = arith.andi %add3A_3099, %and3A_3107 : vector<16xi32>
    %add3A_3109 = arith.addi %shift_left3A_3105, %and3A_3108 : vector<16xi32>
    %shift_right_arithmetic3A_3110 = arith.constant 3 : i32
    %shift_right_arithmetic3A_3111 = vector.broadcast %shift_right_arithmetic3A_3110 : i32 to vector<16xi32>
    %shift_right_arithmetic3A_3112 = arith.shrsi %add3A_3099, %shift_right_arithmetic3A_3111 : vector<16xi32>
    %and3A_3113 = arith.constant 7 : i32
    %and3A_3114 = vector.broadcast %and3A_3113 : i32 to vector<16xi32>
    %and3A_3115 = arith.andi %shift_right_arithmetic3A_3112, %and3A_3114 : vector<16xi32>
    %gather3A_3116 = tpu.vector_load_idx %arg5[%add3A_3109] : memref<256xi32, #tpu.memory_space<vmem>>[vector<16xi32>], vector<16xi32>,
    %shift_left3A_3117 = arith.constant 3 : i32
    %shift_left3A_3118 = vector.broadcast %shift_left3A_3117 : i32 to vector<16xi32>
    %shift_left3A_3119 = arith.shli %gather3A_3116, %shift_left3A_3118 : vector<16xi32>
    %or3A_3120 = arith.ori %shift_left3A_3119, %and3A_3115 : vector<16xi32>
    %swap3A_3121 = arith.constant 1792 : index
    %swap3A_3122 = tpu.vector_load %arg6[%swap3A_3121] {strides = array<i32>} : memref<2048xi32, #tpu.memory_space<vmem>>, vector<16xi32>,
    tpu.vector_store %arg6[%swap3A_3121], %or3A_3120 {strides = array<i32>} : memref<2048xi32, #tpu.memory_space<vmem>>, vector<16xi32>,
    %add3A_3123 = arith.constant 1808 : i32
    %add3A_3124 = vector.broadcast %add3A_3123 : i32 to vector<16xi32>
    %add3A_3125 = arith.addi %add3A_3124, %iota3A : vector<16xi32>
    %shift_right_arithmetic3A_3126 = arith.constant 6 : i32
    %shift_right_arithmetic3A_3127 = vector.broadcast %shift_right_arithmetic3A_3126 : i32 to vector<16xi32>
    %shift_right_arithmetic3A_3128 = arith.shrsi %add3A_3125, %shift_right_arithmetic3A_3127 : vector<16xi32>
    %shift_left3A_3129 = arith.constant 3 : i32
    %shift_left3A_3130 = vector.broadcast %shift_left3A_3129 : i32 to vector<16xi32>
    %shift_left3A_3131 = arith.shli %shift_right_arithmetic3A_3128, %shift_left3A_3130 : vector<16xi32>
    %and3A_3132 = arith.constant 7 : i32
    %and3A_3133 = vector.broadcast %and3A_3132 : i32 to vector<16xi32>
    %and3A_3134 = arith.andi %add3A_3125, %and3A_3133 : vector<16xi32>
    %add3A_3135 = arith.addi %shift_left3A_3131, %and3A_3134 : vector<16xi32>
    %shift_right_arithmetic3A_3136 = arith.constant 3 : i32
    %shift_right_arithmetic3A_3137 = vector.broadcast %shift_right_arithmetic3A_3136 : i32 to vector<16xi32>
    %shift_right_arithmetic3A_3138 = arith.shrsi %add3A_3125, %shift_right_arithmetic3A_3137 : vector<16xi32>
    %and3A_3139 = arith.constant 7 : i32
    %and3A_3140 = vector.broadcast %and3A_3139 : i32 to vector<16xi32>
    %and3A_3141 = arith.andi %shift_right_arithmetic3A_3138, %and3A_3140 : vector<16xi32>
    %gather3A_3142 = tpu.vector_load_idx %arg5[%add3A_3135] : memref<256xi32, #tpu.memory_space<vmem>>[vector<16xi32>], vector<16xi32>,
    %shift_left3A_3143 = arith.constant 3 : i32
    %shift_left3A_3144 = vector.broadcast %shift_left3A_3143 : i32 to vector<16xi32>
    %shift_left3A_3145 = arith.shli %gather3A_3142, %shift_left3A_3144 : vector<16xi32>
    %or3A_3146 = arith.ori %shift_left3A_3145, %and3A_3141 : vector<16xi32>
    %swap3A_3147 = arith.constant 1808 : index
    %swap3A_3148 = tpu.vector_load %arg6[%swap3A_3147] {strides = array<i32>} : memref<2048xi32, #tpu.memory_space<vmem>>, vector<16xi32>,
    tpu.vector_store %arg6[%swap3A_3147], %or3A_3146 {strides = array<i32>} : memref<2048xi32, #tpu.memory_space<vmem>>, vector<16xi32>,
    %add3A_3149 = arith.constant 1824 : i32
    %add3A_3150 = vector.broadcast %add3A_3149 : i32 to vector<16xi32>
    %add3A_3151 = arith.addi %add3A_3150, %iota3A : vector<16xi32>
    %shift_right_arithmetic3A_3152 = arith.constant 6 : i32
    %shift_right_arithmetic3A_3153 = vector.broadcast %shift_right_arithmetic3A_3152 : i32 to vector<16xi32>
    %shift_right_arithmetic3A_3154 = arith.shrsi %add3A_3151, %shift_right_arithmetic3A_3153 : vector<16xi32>
    %shift_left3A_3155 = arith.constant 3 : i32
    %shift_left3A_3156 = vector.broadcast %shift_left3A_3155 : i32 to vector<16xi32>
    %shift_left3A_3157 = arith.shli %shift_right_arithmetic3A_3154, %shift_left3A_3156 : vector<16xi32>
    %and3A_3158 = arith.constant 7 : i32
    %and3A_3159 = vector.broadcast %and3A_3158 : i32 to vector<16xi32>
    %and3A_3160 = arith.andi %add3A_3151, %and3A_3159 : vector<16xi32>
    %add3A_3161 = arith.addi %shift_left3A_3157, %and3A_3160 : vector<16xi32>
    %shift_right_arithmetic3A_3162 = arith.constant 3 : i32
    %shift_right_arithmetic3A_3163 = vector.broadcast %shift_right_arithmetic3A_3162 : i32 to vector<16xi32>
    %shift_right_arithmetic3A_3164 = arith.shrsi %add3A_3151, %shift_right_arithmetic3A_3163 : vector<16xi32>
    %and3A_3165 = arith.constant 7 : i32
    %and3A_3166 = vector.broadcast %and3A_3165 : i32 to vector<16xi32>
    %and3A_3167 = arith.andi %shift_right_arithmetic3A_3164, %and3A_3166 : vector<16xi32>
    %gather3A_3168 = tpu.vector_load_idx %arg5[%add3A_3161] : memref<256xi32, #tpu.memory_space<vmem>>[vector<16xi32>], vector<16xi32>,
    %shift_left3A_3169 = arith.constant 3 : i32
    %shift_left3A_3170 = vector.broadcast %shift_left3A_3169 : i32 to vector<16xi32>
    %shift_left3A_3171 = arith.shli %gather3A_3168, %shift_left3A_3170 : vector<16xi32>
    %or3A_3172 = arith.ori %shift_left3A_3171, %and3A_3167 : vector<16xi32>
    %swap3A_3173 = arith.constant 1824 : index
    %swap3A_3174 = tpu.vector_load %arg6[%swap3A_3173] {strides = array<i32>} : memref<2048xi32, #tpu.memory_space<vmem>>, vector<16xi32>,
    tpu.vector_store %arg6[%swap3A_3173], %or3A_3172 {strides = array<i32>} : memref<2048xi32, #tpu.memory_space<vmem>>, vector<16xi32>,
    %add3A_3175 = arith.constant 1840 : i32
    %add3A_3176 = vector.broadcast %add3A_3175 : i32 to vector<16xi32>
    %add3A_3177 = arith.addi %add3A_3176, %iota3A : vector<16xi32>
    %shift_right_arithmetic3A_3178 = arith.constant 6 : i32
    %shift_right_arithmetic3A_3179 = vector.broadcast %shift_right_arithmetic3A_3178 : i32 to vector<16xi32>
    %shift_right_arithmetic3A_3180 = arith.shrsi %add3A_3177, %shift_right_arithmetic3A_3179 : vector<16xi32>
    %shift_left3A_3181 = arith.constant 3 : i32
    %shift_left3A_3182 = vector.broadcast %shift_left3A_3181 : i32 to vector<16xi32>
    %shift_left3A_3183 = arith.shli %shift_right_arithmetic3A_3180, %shift_left3A_3182 : vector<16xi32>
    %and3A_3184 = arith.constant 7 : i32
    %and3A_3185 = vector.broadcast %and3A_3184 : i32 to vector<16xi32>
    %and3A_3186 = arith.andi %add3A_3177, %and3A_3185 : vector<16xi32>
    %add3A_3187 = arith.addi %shift_left3A_3183, %and3A_3186 : vector<16xi32>
    %shift_right_arithmetic3A_3188 = arith.constant 3 : i32
    %shift_right_arithmetic3A_3189 = vector.broadcast %shift_right_arithmetic3A_3188 : i32 to vector<16xi32>
    %shift_right_arithmetic3A_3190 = arith.shrsi %add3A_3177, %shift_right_arithmetic3A_3189 : vector<16xi32>
    %and3A_3191 = arith.constant 7 : i32
    %and3A_3192 = vector.broadcast %and3A_3191 : i32 to vector<16xi32>
    %and3A_3193 = arith.andi %shift_right_arithmetic3A_3190, %and3A_3192 : vector<16xi32>
    %gather3A_3194 = tpu.vector_load_idx %arg5[%add3A_3187] : memref<256xi32, #tpu.memory_space<vmem>>[vector<16xi32>], vector<16xi32>,
    %shift_left3A_3195 = arith.constant 3 : i32
    %shift_left3A_3196 = vector.broadcast %shift_left3A_3195 : i32 to vector<16xi32>
    %shift_left3A_3197 = arith.shli %gather3A_3194, %shift_left3A_3196 : vector<16xi32>
    %or3A_3198 = arith.ori %shift_left3A_3197, %and3A_3193 : vector<16xi32>
    %swap3A_3199 = arith.constant 1840 : index
    %swap3A_3200 = tpu.vector_load %arg6[%swap3A_3199] {strides = array<i32>} : memref<2048xi32, #tpu.memory_space<vmem>>, vector<16xi32>,
    tpu.vector_store %arg6[%swap3A_3199], %or3A_3198 {strides = array<i32>} : memref<2048xi32, #tpu.memory_space<vmem>>, vector<16xi32>,
    %add3A_3201 = arith.constant 1856 : i32
    %add3A_3202 = vector.broadcast %add3A_3201 : i32 to vector<16xi32>
    %add3A_3203 = arith.addi %add3A_3202, %iota3A : vector<16xi32>
    %shift_right_arithmetic3A_3204 = arith.constant 6 : i32
    %shift_right_arithmetic3A_3205 = vector.broadcast %shift_right_arithmetic3A_3204 : i32 to vector<16xi32>
    %shift_right_arithmetic3A_3206 = arith.shrsi %add3A_3203, %shift_right_arithmetic3A_3205 : vector<16xi32>
    %shift_left3A_3207 = arith.constant 3 : i32
    %shift_left3A_3208 = vector.broadcast %shift_left3A_3207 : i32 to vector<16xi32>
    %shift_left3A_3209 = arith.shli %shift_right_arithmetic3A_3206, %shift_left3A_3208 : vector<16xi32>
    %and3A_3210 = arith.constant 7 : i32
    %and3A_3211 = vector.broadcast %and3A_3210 : i32 to vector<16xi32>
    %and3A_3212 = arith.andi %add3A_3203, %and3A_3211 : vector<16xi32>
    %add3A_3213 = arith.addi %shift_left3A_3209, %and3A_3212 : vector<16xi32>
    %shift_right_arithmetic3A_3214 = arith.constant 3 : i32
    %shift_right_arithmetic3A_3215 = vector.broadcast %shift_right_arithmetic3A_3214 : i32 to vector<16xi32>
    %shift_right_arithmetic3A_3216 = arith.shrsi %add3A_3203, %shift_right_arithmetic3A_3215 : vector<16xi32>
    %and3A_3217 = arith.constant 7 : i32
    %and3A_3218 = vector.broadcast %and3A_3217 : i32 to vector<16xi32>
    %and3A_3219 = arith.andi %shift_right_arithmetic3A_3216, %and3A_3218 : vector<16xi32>
    %gather3A_3220 = tpu.vector_load_idx %arg5[%add3A_3213] : memref<256xi32, #tpu.memory_space<vmem>>[vector<16xi32>], vector<16xi32>,
    %shift_left3A_3221 = arith.constant 3 : i32
    %shift_left3A_3222 = vector.broadcast %shift_left3A_3221 : i32 to vector<16xi32>
    %shift_left3A_3223 = arith.shli %gather3A_3220, %shift_left3A_3222 : vector<16xi32>
    %or3A_3224 = arith.ori %shift_left3A_3223, %and3A_3219 : vector<16xi32>
    %swap3A_3225 = arith.constant 1856 : index
    %swap3A_3226 = tpu.vector_load %arg6[%swap3A_3225] {strides = array<i32>} : memref<2048xi32, #tpu.memory_space<vmem>>, vector<16xi32>,
    tpu.vector_store %arg6[%swap3A_3225], %or3A_3224 {strides = array<i32>} : memref<2048xi32, #tpu.memory_space<vmem>>, vector<16xi32>,
    %add3A_3227 = arith.constant 1872 : i32
    %add3A_3228 = vector.broadcast %add3A_3227 : i32 to vector<16xi32>
    %add3A_3229 = arith.addi %add3A_3228, %iota3A : vector<16xi32>
    %shift_right_arithmetic3A_3230 = arith.constant 6 : i32
    %shift_right_arithmetic3A_3231 = vector.broadcast %shift_right_arithmetic3A_3230 : i32 to vector<16xi32>
    %shift_right_arithmetic3A_3232 = arith.shrsi %add3A_3229, %shift_right_arithmetic3A_3231 : vector<16xi32>
    %shift_left3A_3233 = arith.constant 3 : i32
    %shift_left3A_3234 = vector.broadcast %shift_left3A_3233 : i32 to vector<16xi32>
    %shift_left3A_3235 = arith.shli %shift_right_arithmetic3A_3232, %shift_left3A_3234 : vector<16xi32>
    %and3A_3236 = arith.constant 7 : i32
    %and3A_3237 = vector.broadcast %and3A_3236 : i32 to vector<16xi32>
    %and3A_3238 = arith.andi %add3A_3229, %and3A_3237 : vector<16xi32>
    %add3A_3239 = arith.addi %shift_left3A_3235, %and3A_3238 : vector<16xi32>
    %shift_right_arithmetic3A_3240 = arith.constant 3 : i32
    %shift_right_arithmetic3A_3241 = vector.broadcast %shift_right_arithmetic3A_3240 : i32 to vector<16xi32>
    %shift_right_arithmetic3A_3242 = arith.shrsi %add3A_3229, %shift_right_arithmetic3A_3241 : vector<16xi32>
    %and3A_3243 = arith.constant 7 : i32
    %and3A_3244 = vector.broadcast %and3A_3243 : i32 to vector<16xi32>
    %and3A_3245 = arith.andi %shift_right_arithmetic3A_3242, %and3A_3244 : vector<16xi32>
    %gather3A_3246 = tpu.vector_load_idx %arg5[%add3A_3239] : memref<256xi32, #tpu.memory_space<vmem>>[vector<16xi32>], vector<16xi32>,
    %shift_left3A_3247 = arith.constant 3 : i32
    %shift_left3A_3248 = vector.broadcast %shift_left3A_3247 : i32 to vector<16xi32>
    %shift_left3A_3249 = arith.shli %gather3A_3246, %shift_left3A_3248 : vector<16xi32>
    %or3A_3250 = arith.ori %shift_left3A_3249, %and3A_3245 : vector<16xi32>
    %swap3A_3251 = arith.constant 1872 : index
    %swap3A_3252 = tpu.vector_load %arg6[%swap3A_3251] {strides = array<i32>} : memref<2048xi32, #tpu.memory_space<vmem>>, vector<16xi32>,
    tpu.vector_store %arg6[%swap3A_3251], %or3A_3250 {strides = array<i32>} : memref<2048xi32, #tpu.memory_space<vmem>>, vector<16xi32>,
    %add3A_3253 = arith.constant 1888 : i32
    %add3A_3254 = vector.broadcast %add3A_3253 : i32 to vector<16xi32>
    %add3A_3255 = arith.addi %add3A_3254, %iota3A : vector<16xi32>
    %shift_right_arithmetic3A_3256 = arith.constant 6 : i32
    %shift_right_arithmetic3A_3257 = vector.broadcast %shift_right_arithmetic3A_3256 : i32 to vector<16xi32>
    %shift_right_arithmetic3A_3258 = arith.shrsi %add3A_3255, %shift_right_arithmetic3A_3257 : vector<16xi32>
    %shift_left3A_3259 = arith.constant 3 : i32
    %shift_left3A_3260 = vector.broadcast %shift_left3A_3259 : i32 to vector<16xi32>
    %shift_left3A_3261 = arith.shli %shift_right_arithmetic3A_3258, %shift_left3A_3260 : vector<16xi32>
    %and3A_3262 = arith.constant 7 : i32
    %and3A_3263 = vector.broadcast %and3A_3262 : i32 to vector<16xi32>
    %and3A_3264 = arith.andi %add3A_3255, %and3A_3263 : vector<16xi32>
    %add3A_3265 = arith.addi %shift_left3A_3261, %and3A_3264 : vector<16xi32>
    %shift_right_arithmetic3A_3266 = arith.constant 3 : i32
    %shift_right_arithmetic3A_3267 = vector.broadcast %shift_right_arithmetic3A_3266 : i32 to vector<16xi32>
    %shift_right_arithmetic3A_3268 = arith.shrsi %add3A_3255, %shift_right_arithmetic3A_3267 : vector<16xi32>
    %and3A_3269 = arith.constant 7 : i32
    %and3A_3270 = vector.broadcast %and3A_3269 : i32 to vector<16xi32>
    %and3A_3271 = arith.andi %shift_right_arithmetic3A_3268, %and3A_3270 : vector<16xi32>
    %gather3A_3272 = tpu.vector_load_idx %arg5[%add3A_3265] : memref<256xi32, #tpu.memory_space<vmem>>[vector<16xi32>], vector<16xi32>,
    %shift_left3A_3273 = arith.constant 3 : i32
    %shift_left3A_3274 = vector.broadcast %shift_left3A_3273 : i32 to vector<16xi32>
    %shift_left3A_3275 = arith.shli %gather3A_3272, %shift_left3A_3274 : vector<16xi32>
    %or3A_3276 = arith.ori %shift_left3A_3275, %and3A_3271 : vector<16xi32>
    %swap3A_3277 = arith.constant 1888 : index
    %swap3A_3278 = tpu.vector_load %arg6[%swap3A_3277] {strides = array<i32>} : memref<2048xi32, #tpu.memory_space<vmem>>, vector<16xi32>,
    tpu.vector_store %arg6[%swap3A_3277], %or3A_3276 {strides = array<i32>} : memref<2048xi32, #tpu.memory_space<vmem>>, vector<16xi32>,
    %add3A_3279 = arith.constant 1904 : i32
    %add3A_3280 = vector.broadcast %add3A_3279 : i32 to vector<16xi32>
    %add3A_3281 = arith.addi %add3A_3280, %iota3A : vector<16xi32>
    %shift_right_arithmetic3A_3282 = arith.constant 6 : i32
    %shift_right_arithmetic3A_3283 = vector.broadcast %shift_right_arithmetic3A_3282 : i32 to vector<16xi32>
    %shift_right_arithmetic3A_3284 = arith.shrsi %add3A_3281, %shift_right_arithmetic3A_3283 : vector<16xi32>
    %shift_left3A_3285 = arith.constant 3 : i32
    %shift_left3A_3286 = vector.broadcast %shift_left3A_3285 : i32 to vector<16xi32>
    %shift_left3A_3287 = arith.shli %shift_right_arithmetic3A_3284, %shift_left3A_3286 : vector<16xi32>
    %and3A_3288 = arith.constant 7 : i32
    %and3A_3289 = vector.broadcast %and3A_3288 : i32 to vector<16xi32>
    %and3A_3290 = arith.andi %add3A_3281, %and3A_3289 : vector<16xi32>
    %add3A_3291 = arith.addi %shift_left3A_3287, %and3A_3290 : vector<16xi32>
    %shift_right_arithmetic3A_3292 = arith.constant 3 : i32
    %shift_right_arithmetic3A_3293 = vector.broadcast %shift_right_arithmetic3A_3292 : i32 to vector<16xi32>
    %shift_right_arithmetic3A_3294 = arith.shrsi %add3A_3281, %shift_right_arithmetic3A_3293 : vector<16xi32>
    %and3A_3295 = arith.constant 7 : i32
    %and3A_3296 = vector.broadcast %and3A_3295 : i32 to vector<16xi32>
    %and3A_3297 = arith.andi %shift_right_arithmetic3A_3294, %and3A_3296 : vector<16xi32>
    %gather3A_3298 = tpu.vector_load_idx %arg5[%add3A_3291] : memref<256xi32, #tpu.memory_space<vmem>>[vector<16xi32>], vector<16xi32>,
    %shift_left3A_3299 = arith.constant 3 : i32
    %shift_left3A_3300 = vector.broadcast %shift_left3A_3299 : i32 to vector<16xi32>
    %shift_left3A_3301 = arith.shli %gather3A_3298, %shift_left3A_3300 : vector<16xi32>
    %or3A_3302 = arith.ori %shift_left3A_3301, %and3A_3297 : vector<16xi32>
    %swap3A_3303 = arith.constant 1904 : index
    %swap3A_3304 = tpu.vector_load %arg6[%swap3A_3303] {strides = array<i32>} : memref<2048xi32, #tpu.memory_space<vmem>>, vector<16xi32>,
    tpu.vector_store %arg6[%swap3A_3303], %or3A_3302 {strides = array<i32>} : memref<2048xi32, #tpu.memory_space<vmem>>, vector<16xi32>,
    %dma_wait3A_3305 = arith.constant 1024 : i32
    %dma_wait3A_3306 = tpu.memref_slice %arg6[%dma_wait3A_3305] : memref<2048xi32, #tpu.memory_space<vmem>> -> memref<128xi32, #tpu.memory_space<vmem>>
    %dma_wait3A_3307 = arith.constant 0 : i32
    %dma_wait3A_3308 = arith.constant 0 : i32
    %dma_wait3A_3309 = tpu.memref_slice %arg3[%dma_wait3A_3307, %dma_wait3A_3308] : memref<65544x128xf32, #tpu.memory_space<hbm>> -> memref<65544x128xf32, #tpu.memory_space<hbm>>
    tpu.wait_indirect_dma semaphore(%arg15 : memref<!tpu.dma_semaphore, #tpu.memory_space<semaphore_mem>>) src(%dma_wait3A_3309 : memref<65544x128xf32, #tpu.memory_space<hbm>>) dst(%arg9 : memref<128x128xf32, #tpu.memory_space<vmem>>)
    %add3A_3310 = arith.constant 1024 : i32
    %add3A_3311 = arith.addi %mul3A_2, %add3A_3310 : i32
    %dma_start3A_3312 = arith.constant 0 : i32
    %dma_start3A_3313 = tpu.memref_slice %arg4[%add3A_3311, %dma_start3A_3312] : memref<65536x128xf32, #tpu.memory_space<hbm>> -> memref<128x128xf32, #tpu.memory_space<hbm>>
    %dma_start3A_3314 = arith.constant 0 : i32
    %dma_start3A_3315 = tpu.memref_slice %arg4[%add3A_3311, %dma_start3A_3314] : memref<65536x128xf32, #tpu.memory_space<hbm>> -> memref<128x128xf32, #tpu.memory_space<hbm>>
    tpu.enqueue_dma source(%arg9 : memref<128x128xf32, #tpu.memory_space<vmem>>) target(%dma_start3A_3315 : memref<128x128xf32, #tpu.memory_space<hbm>>) target_semaphore(%arg21 : memref<!tpu.dma_semaphore, #tpu.memory_space<semaphore_mem>>)
    %dma_wait3A_3316 = arith.constant 0 : i32
    %dma_wait3A_3317 = tpu.memref_slice %arg4[%add3A_3311, %dma_wait3A_3316] : memref<65536x128xf32, #tpu.memory_space<hbm>> -> memref<128x128xf32, #tpu.memory_space<hbm>>
    %dma_wait3A_3318 = arith.constant 0 : i32
    %dma_wait3A_3319 = tpu.memref_slice %arg4[%add3A_3311, %dma_wait3A_3318] : memref<65536x128xf32, #tpu.memory_space<hbm>> -> memref<128x128xf32, #tpu.memory_space<hbm>>
    tpu.wait_dma2 semaphore(%arg21 : memref<!tpu.dma_semaphore, #tpu.memory_space<semaphore_mem>>) src(%arg9 : memref<128x128xf32, #tpu.memory_space<vmem>>) dst(%dma_wait3A_3319 : memref<128x128xf32, #tpu.memory_space<hbm>>)
    %dma_start3A_3320 = arith.constant 1792 : i32
    %dma_start3A_3321 = tpu.memref_slice %arg6[%dma_start3A_3320] : memref<2048xi32, #tpu.memory_space<vmem>> -> memref<128xi32, #tpu.memory_space<vmem>>
    %dma_start3A_3322 = arith.constant 0 : i32
    %dma_start3A_3323 = arith.constant 0 : i32
    %dma_start3A_3324 = tpu.memref_slice %arg3[%dma_start3A_3322, %dma_start3A_3323] : memref<65544x128xf32, #tpu.memory_space<hbm>> -> memref<65544x128xf32, #tpu.memory_space<hbm>>
    tpu.enqueue_indirect_dma source(%dma_start3A_3324 : memref<65544x128xf32, #tpu.memory_space<hbm>>) target(%arg9 : memref<128x128xf32, #tpu.memory_space<vmem>>) offsets(%dma_start3A_3321 : memref<128xi32, #tpu.memory_space<vmem>>) semaphore(%arg15 : memref<!tpu.dma_semaphore, #tpu.memory_space<semaphore_mem>>)
    %add3A_3325 = arith.constant 1920 : i32
    %add3A_3326 = vector.broadcast %add3A_3325 : i32 to vector<16xi32>
    %add3A_3327 = arith.addi %add3A_3326, %iota3A : vector<16xi32>
    %shift_right_arithmetic3A_3328 = arith.constant 6 : i32
    %shift_right_arithmetic3A_3329 = vector.broadcast %shift_right_arithmetic3A_3328 : i32 to vector<16xi32>
    %shift_right_arithmetic3A_3330 = arith.shrsi %add3A_3327, %shift_right_arithmetic3A_3329 : vector<16xi32>
    %shift_left3A_3331 = arith.constant 3 : i32
    %shift_left3A_3332 = vector.broadcast %shift_left3A_3331 : i32 to vector<16xi32>
    %shift_left3A_3333 = arith.shli %shift_right_arithmetic3A_3330, %shift_left3A_3332 : vector<16xi32>
    %and3A_3334 = arith.constant 7 : i32
    %and3A_3335 = vector.broadcast %and3A_3334 : i32 to vector<16xi32>
    %and3A_3336 = arith.andi %add3A_3327, %and3A_3335 : vector<16xi32>
    %add3A_3337 = arith.addi %shift_left3A_3333, %and3A_3336 : vector<16xi32>
    %shift_right_arithmetic3A_3338 = arith.constant 3 : i32
    %shift_right_arithmetic3A_3339 = vector.broadcast %shift_right_arithmetic3A_3338 : i32 to vector<16xi32>
    %shift_right_arithmetic3A_3340 = arith.shrsi %add3A_3327, %shift_right_arithmetic3A_3339 : vector<16xi32>
    %and3A_3341 = arith.constant 7 : i32
    %and3A_3342 = vector.broadcast %and3A_3341 : i32 to vector<16xi32>
    %and3A_3343 = arith.andi %shift_right_arithmetic3A_3340, %and3A_3342 : vector<16xi32>
    %gather3A_3344 = tpu.vector_load_idx %arg5[%add3A_3337] : memref<256xi32, #tpu.memory_space<vmem>>[vector<16xi32>], vector<16xi32>,
    %shift_left3A_3345 = arith.constant 3 : i32
    %shift_left3A_3346 = vector.broadcast %shift_left3A_3345 : i32 to vector<16xi32>
    %shift_left3A_3347 = arith.shli %gather3A_3344, %shift_left3A_3346 : vector<16xi32>
    %or3A_3348 = arith.ori %shift_left3A_3347, %and3A_3343 : vector<16xi32>
    %swap3A_3349 = arith.constant 1920 : index
    %swap3A_3350 = tpu.vector_load %arg6[%swap3A_3349] {strides = array<i32>} : memref<2048xi32, #tpu.memory_space<vmem>>, vector<16xi32>,
    tpu.vector_store %arg6[%swap3A_3349], %or3A_3348 {strides = array<i32>} : memref<2048xi32, #tpu.memory_space<vmem>>, vector<16xi32>,
    %add3A_3351 = arith.constant 1936 : i32
    %add3A_3352 = vector.broadcast %add3A_3351 : i32 to vector<16xi32>
    %add3A_3353 = arith.addi %add3A_3352, %iota3A : vector<16xi32>
    %shift_right_arithmetic3A_3354 = arith.constant 6 : i32
    %shift_right_arithmetic3A_3355 = vector.broadcast %shift_right_arithmetic3A_3354 : i32 to vector<16xi32>
    %shift_right_arithmetic3A_3356 = arith.shrsi %add3A_3353, %shift_right_arithmetic3A_3355 : vector<16xi32>
    %shift_left3A_3357 = arith.constant 3 : i32
    %shift_left3A_3358 = vector.broadcast %shift_left3A_3357 : i32 to vector<16xi32>
    %shift_left3A_3359 = arith.shli %shift_right_arithmetic3A_3356, %shift_left3A_3358 : vector<16xi32>
    %and3A_3360 = arith.constant 7 : i32
    %and3A_3361 = vector.broadcast %and3A_3360 : i32 to vector<16xi32>
    %and3A_3362 = arith.andi %add3A_3353, %and3A_3361 : vector<16xi32>
    %add3A_3363 = arith.addi %shift_left3A_3359, %and3A_3362 : vector<16xi32>
    %shift_right_arithmetic3A_3364 = arith.constant 3 : i32
    %shift_right_arithmetic3A_3365 = vector.broadcast %shift_right_arithmetic3A_3364 : i32 to vector<16xi32>
    %shift_right_arithmetic3A_3366 = arith.shrsi %add3A_3353, %shift_right_arithmetic3A_3365 : vector<16xi32>
    %and3A_3367 = arith.constant 7 : i32
    %and3A_3368 = vector.broadcast %and3A_3367 : i32 to vector<16xi32>
    %and3A_3369 = arith.andi %shift_right_arithmetic3A_3366, %and3A_3368 : vector<16xi32>
    %gather3A_3370 = tpu.vector_load_idx %arg5[%add3A_3363] : memref<256xi32, #tpu.memory_space<vmem>>[vector<16xi32>], vector<16xi32>,
    %shift_left3A_3371 = arith.constant 3 : i32
    %shift_left3A_3372 = vector.broadcast %shift_left3A_3371 : i32 to vector<16xi32>
    %shift_left3A_3373 = arith.shli %gather3A_3370, %shift_left3A_3372 : vector<16xi32>
    %or3A_3374 = arith.ori %shift_left3A_3373, %and3A_3369 : vector<16xi32>
    %swap3A_3375 = arith.constant 1936 : index
    %swap3A_3376 = tpu.vector_load %arg6[%swap3A_3375] {strides = array<i32>} : memref<2048xi32, #tpu.memory_space<vmem>>, vector<16xi32>,
    tpu.vector_store %arg6[%swap3A_3375], %or3A_3374 {strides = array<i32>} : memref<2048xi32, #tpu.memory_space<vmem>>, vector<16xi32>,
    %add3A_3377 = arith.constant 1952 : i32
    %add3A_3378 = vector.broadcast %add3A_3377 : i32 to vector<16xi32>
    %add3A_3379 = arith.addi %add3A_3378, %iota3A : vector<16xi32>
    %shift_right_arithmetic3A_3380 = arith.constant 6 : i32
    %shift_right_arithmetic3A_3381 = vector.broadcast %shift_right_arithmetic3A_3380 : i32 to vector<16xi32>
    %shift_right_arithmetic3A_3382 = arith.shrsi %add3A_3379, %shift_right_arithmetic3A_3381 : vector<16xi32>
    %shift_left3A_3383 = arith.constant 3 : i32
    %shift_left3A_3384 = vector.broadcast %shift_left3A_3383 : i32 to vector<16xi32>
    %shift_left3A_3385 = arith.shli %shift_right_arithmetic3A_3382, %shift_left3A_3384 : vector<16xi32>
    %and3A_3386 = arith.constant 7 : i32
    %and3A_3387 = vector.broadcast %and3A_3386 : i32 to vector<16xi32>
    %and3A_3388 = arith.andi %add3A_3379, %and3A_3387 : vector<16xi32>
    %add3A_3389 = arith.addi %shift_left3A_3385, %and3A_3388 : vector<16xi32>
    %shift_right_arithmetic3A_3390 = arith.constant 3 : i32
    %shift_right_arithmetic3A_3391 = vector.broadcast %shift_right_arithmetic3A_3390 : i32 to vector<16xi32>
    %shift_right_arithmetic3A_3392 = arith.shrsi %add3A_3379, %shift_right_arithmetic3A_3391 : vector<16xi32>
    %and3A_3393 = arith.constant 7 : i32
    %and3A_3394 = vector.broadcast %and3A_3393 : i32 to vector<16xi32>
    %and3A_3395 = arith.andi %shift_right_arithmetic3A_3392, %and3A_3394 : vector<16xi32>
    %gather3A_3396 = tpu.vector_load_idx %arg5[%add3A_3389] : memref<256xi32, #tpu.memory_space<vmem>>[vector<16xi32>], vector<16xi32>,
    %shift_left3A_3397 = arith.constant 3 : i32
    %shift_left3A_3398 = vector.broadcast %shift_left3A_3397 : i32 to vector<16xi32>
    %shift_left3A_3399 = arith.shli %gather3A_3396, %shift_left3A_3398 : vector<16xi32>
    %or3A_3400 = arith.ori %shift_left3A_3399, %and3A_3395 : vector<16xi32>
    %swap3A_3401 = arith.constant 1952 : index
    %swap3A_3402 = tpu.vector_load %arg6[%swap3A_3401] {strides = array<i32>} : memref<2048xi32, #tpu.memory_space<vmem>>, vector<16xi32>,
    tpu.vector_store %arg6[%swap3A_3401], %or3A_3400 {strides = array<i32>} : memref<2048xi32, #tpu.memory_space<vmem>>, vector<16xi32>,
    %add3A_3403 = arith.constant 1968 : i32
    %add3A_3404 = vector.broadcast %add3A_3403 : i32 to vector<16xi32>
    %add3A_3405 = arith.addi %add3A_3404, %iota3A : vector<16xi32>
    %shift_right_arithmetic3A_3406 = arith.constant 6 : i32
    %shift_right_arithmetic3A_3407 = vector.broadcast %shift_right_arithmetic3A_3406 : i32 to vector<16xi32>
    %shift_right_arithmetic3A_3408 = arith.shrsi %add3A_3405, %shift_right_arithmetic3A_3407 : vector<16xi32>
    %shift_left3A_3409 = arith.constant 3 : i32
    %shift_left3A_3410 = vector.broadcast %shift_left3A_3409 : i32 to vector<16xi32>
    %shift_left3A_3411 = arith.shli %shift_right_arithmetic3A_3408, %shift_left3A_3410 : vector<16xi32>
    %and3A_3412 = arith.constant 7 : i32
    %and3A_3413 = vector.broadcast %and3A_3412 : i32 to vector<16xi32>
    %and3A_3414 = arith.andi %add3A_3405, %and3A_3413 : vector<16xi32>
    %add3A_3415 = arith.addi %shift_left3A_3411, %and3A_3414 : vector<16xi32>
    %shift_right_arithmetic3A_3416 = arith.constant 3 : i32
    %shift_right_arithmetic3A_3417 = vector.broadcast %shift_right_arithmetic3A_3416 : i32 to vector<16xi32>
    %shift_right_arithmetic3A_3418 = arith.shrsi %add3A_3405, %shift_right_arithmetic3A_3417 : vector<16xi32>
    %and3A_3419 = arith.constant 7 : i32
    %and3A_3420 = vector.broadcast %and3A_3419 : i32 to vector<16xi32>
    %and3A_3421 = arith.andi %shift_right_arithmetic3A_3418, %and3A_3420 : vector<16xi32>
    %gather3A_3422 = tpu.vector_load_idx %arg5[%add3A_3415] : memref<256xi32, #tpu.memory_space<vmem>>[vector<16xi32>], vector<16xi32>,
    %shift_left3A_3423 = arith.constant 3 : i32
    %shift_left3A_3424 = vector.broadcast %shift_left3A_3423 : i32 to vector<16xi32>
    %shift_left3A_3425 = arith.shli %gather3A_3422, %shift_left3A_3424 : vector<16xi32>
    %or3A_3426 = arith.ori %shift_left3A_3425, %and3A_3421 : vector<16xi32>
    %swap3A_3427 = arith.constant 1968 : index
    %swap3A_3428 = tpu.vector_load %arg6[%swap3A_3427] {strides = array<i32>} : memref<2048xi32, #tpu.memory_space<vmem>>, vector<16xi32>,
    tpu.vector_store %arg6[%swap3A_3427], %or3A_3426 {strides = array<i32>} : memref<2048xi32, #tpu.memory_space<vmem>>, vector<16xi32>,
    %add3A_3429 = arith.constant 1984 : i32
    %add3A_3430 = vector.broadcast %add3A_3429 : i32 to vector<16xi32>
    %add3A_3431 = arith.addi %add3A_3430, %iota3A : vector<16xi32>
    %shift_right_arithmetic3A_3432 = arith.constant 6 : i32
    %shift_right_arithmetic3A_3433 = vector.broadcast %shift_right_arithmetic3A_3432 : i32 to vector<16xi32>
    %shift_right_arithmetic3A_3434 = arith.shrsi %add3A_3431, %shift_right_arithmetic3A_3433 : vector<16xi32>
    %shift_left3A_3435 = arith.constant 3 : i32
    %shift_left3A_3436 = vector.broadcast %shift_left3A_3435 : i32 to vector<16xi32>
    %shift_left3A_3437 = arith.shli %shift_right_arithmetic3A_3434, %shift_left3A_3436 : vector<16xi32>
    %and3A_3438 = arith.constant 7 : i32
    %and3A_3439 = vector.broadcast %and3A_3438 : i32 to vector<16xi32>
    %and3A_3440 = arith.andi %add3A_3431, %and3A_3439 : vector<16xi32>
    %add3A_3441 = arith.addi %shift_left3A_3437, %and3A_3440 : vector<16xi32>
    %shift_right_arithmetic3A_3442 = arith.constant 3 : i32
    %shift_right_arithmetic3A_3443 = vector.broadcast %shift_right_arithmetic3A_3442 : i32 to vector<16xi32>
    %shift_right_arithmetic3A_3444 = arith.shrsi %add3A_3431, %shift_right_arithmetic3A_3443 : vector<16xi32>
    %and3A_3445 = arith.constant 7 : i32
    %and3A_3446 = vector.broadcast %and3A_3445 : i32 to vector<16xi32>
    %and3A_3447 = arith.andi %shift_right_arithmetic3A_3444, %and3A_3446 : vector<16xi32>
    %gather3A_3448 = tpu.vector_load_idx %arg5[%add3A_3441] : memref<256xi32, #tpu.memory_space<vmem>>[vector<16xi32>], vector<16xi32>,
    %shift_left3A_3449 = arith.constant 3 : i32
    %shift_left3A_3450 = vector.broadcast %shift_left3A_3449 : i32 to vector<16xi32>
    %shift_left3A_3451 = arith.shli %gather3A_3448, %shift_left3A_3450 : vector<16xi32>
    %or3A_3452 = arith.ori %shift_left3A_3451, %and3A_3447 : vector<16xi32>
    %swap3A_3453 = arith.constant 1984 : index
    %swap3A_3454 = tpu.vector_load %arg6[%swap3A_3453] {strides = array<i32>} : memref<2048xi32, #tpu.memory_space<vmem>>, vector<16xi32>,
    tpu.vector_store %arg6[%swap3A_3453], %or3A_3452 {strides = array<i32>} : memref<2048xi32, #tpu.memory_space<vmem>>, vector<16xi32>,
    %add3A_3455 = arith.constant 2000 : i32
    %add3A_3456 = vector.broadcast %add3A_3455 : i32 to vector<16xi32>
    %add3A_3457 = arith.addi %add3A_3456, %iota3A : vector<16xi32>
    %shift_right_arithmetic3A_3458 = arith.constant 6 : i32
    %shift_right_arithmetic3A_3459 = vector.broadcast %shift_right_arithmetic3A_3458 : i32 to vector<16xi32>
    %shift_right_arithmetic3A_3460 = arith.shrsi %add3A_3457, %shift_right_arithmetic3A_3459 : vector<16xi32>
    %shift_left3A_3461 = arith.constant 3 : i32
    %shift_left3A_3462 = vector.broadcast %shift_left3A_3461 : i32 to vector<16xi32>
    %shift_left3A_3463 = arith.shli %shift_right_arithmetic3A_3460, %shift_left3A_3462 : vector<16xi32>
    %and3A_3464 = arith.constant 7 : i32
    %and3A_3465 = vector.broadcast %and3A_3464 : i32 to vector<16xi32>
    %and3A_3466 = arith.andi %add3A_3457, %and3A_3465 : vector<16xi32>
    %add3A_3467 = arith.addi %shift_left3A_3463, %and3A_3466 : vector<16xi32>
    %shift_right_arithmetic3A_3468 = arith.constant 3 : i32
    %shift_right_arithmetic3A_3469 = vector.broadcast %shift_right_arithmetic3A_3468 : i32 to vector<16xi32>
    %shift_right_arithmetic3A_3470 = arith.shrsi %add3A_3457, %shift_right_arithmetic3A_3469 : vector<16xi32>
    %and3A_3471 = arith.constant 7 : i32
    %and3A_3472 = vector.broadcast %and3A_3471 : i32 to vector<16xi32>
    %and3A_3473 = arith.andi %shift_right_arithmetic3A_3470, %and3A_3472 : vector<16xi32>
    %gather3A_3474 = tpu.vector_load_idx %arg5[%add3A_3467] : memref<256xi32, #tpu.memory_space<vmem>>[vector<16xi32>], vector<16xi32>,
    %shift_left3A_3475 = arith.constant 3 : i32
    %shift_left3A_3476 = vector.broadcast %shift_left3A_3475 : i32 to vector<16xi32>
    %shift_left3A_3477 = arith.shli %gather3A_3474, %shift_left3A_3476 : vector<16xi32>
    %or3A_3478 = arith.ori %shift_left3A_3477, %and3A_3473 : vector<16xi32>
    %swap3A_3479 = arith.constant 2000 : index
    %swap3A_3480 = tpu.vector_load %arg6[%swap3A_3479] {strides = array<i32>} : memref<2048xi32, #tpu.memory_space<vmem>>, vector<16xi32>,
    tpu.vector_store %arg6[%swap3A_3479], %or3A_3478 {strides = array<i32>} : memref<2048xi32, #tpu.memory_space<vmem>>, vector<16xi32>,
    %add3A_3481 = arith.constant 2016 : i32
    %add3A_3482 = vector.broadcast %add3A_3481 : i32 to vector<16xi32>
    %add3A_3483 = arith.addi %add3A_3482, %iota3A : vector<16xi32>
    %shift_right_arithmetic3A_3484 = arith.constant 6 : i32
    %shift_right_arithmetic3A_3485 = vector.broadcast %shift_right_arithmetic3A_3484 : i32 to vector<16xi32>
    %shift_right_arithmetic3A_3486 = arith.shrsi %add3A_3483, %shift_right_arithmetic3A_3485 : vector<16xi32>
    %shift_left3A_3487 = arith.constant 3 : i32
    %shift_left3A_3488 = vector.broadcast %shift_left3A_3487 : i32 to vector<16xi32>
    %shift_left3A_3489 = arith.shli %shift_right_arithmetic3A_3486, %shift_left3A_3488 : vector<16xi32>
    %and3A_3490 = arith.constant 7 : i32
    %and3A_3491 = vector.broadcast %and3A_3490 : i32 to vector<16xi32>
    %and3A_3492 = arith.andi %add3A_3483, %and3A_3491 : vector<16xi32>
    %add3A_3493 = arith.addi %shift_left3A_3489, %and3A_3492 : vector<16xi32>
    %shift_right_arithmetic3A_3494 = arith.constant 3 : i32
    %shift_right_arithmetic3A_3495 = vector.broadcast %shift_right_arithmetic3A_3494 : i32 to vector<16xi32>
    %shift_right_arithmetic3A_3496 = arith.shrsi %add3A_3483, %shift_right_arithmetic3A_3495 : vector<16xi32>
    %and3A_3497 = arith.constant 7 : i32
    %and3A_3498 = vector.broadcast %and3A_3497 : i32 to vector<16xi32>
    %and3A_3499 = arith.andi %shift_right_arithmetic3A_3496, %and3A_3498 : vector<16xi32>
    %gather3A_3500 = tpu.vector_load_idx %arg5[%add3A_3493] : memref<256xi32, #tpu.memory_space<vmem>>[vector<16xi32>], vector<16xi32>,
    %shift_left3A_3501 = arith.constant 3 : i32
    %shift_left3A_3502 = vector.broadcast %shift_left3A_3501 : i32 to vector<16xi32>
    %shift_left3A_3503 = arith.shli %gather3A_3500, %shift_left3A_3502 : vector<16xi32>
    %or3A_3504 = arith.ori %shift_left3A_3503, %and3A_3499 : vector<16xi32>
    %swap3A_3505 = arith.constant 2016 : index
    %swap3A_3506 = tpu.vector_load %arg6[%swap3A_3505] {strides = array<i32>} : memref<2048xi32, #tpu.memory_space<vmem>>, vector<16xi32>,
    tpu.vector_store %arg6[%swap3A_3505], %or3A_3504 {strides = array<i32>} : memref<2048xi32, #tpu.memory_space<vmem>>, vector<16xi32>,
    %add3A_3507 = arith.constant 2032 : i32
    %add3A_3508 = vector.broadcast %add3A_3507 : i32 to vector<16xi32>
    %add3A_3509 = arith.addi %add3A_3508, %iota3A : vector<16xi32>
    %shift_right_arithmetic3A_3510 = arith.constant 6 : i32
    %shift_right_arithmetic3A_3511 = vector.broadcast %shift_right_arithmetic3A_3510 : i32 to vector<16xi32>
    %shift_right_arithmetic3A_3512 = arith.shrsi %add3A_3509, %shift_right_arithmetic3A_3511 : vector<16xi32>
    %shift_left3A_3513 = arith.constant 3 : i32
    %shift_left3A_3514 = vector.broadcast %shift_left3A_3513 : i32 to vector<16xi32>
    %shift_left3A_3515 = arith.shli %shift_right_arithmetic3A_3512, %shift_left3A_3514 : vector<16xi32>
    %and3A_3516 = arith.constant 7 : i32
    %and3A_3517 = vector.broadcast %and3A_3516 : i32 to vector<16xi32>
    %and3A_3518 = arith.andi %add3A_3509, %and3A_3517 : vector<16xi32>
    %add3A_3519 = arith.addi %shift_left3A_3515, %and3A_3518 : vector<16xi32>
    %shift_right_arithmetic3A_3520 = arith.constant 3 : i32
    %shift_right_arithmetic3A_3521 = vector.broadcast %shift_right_arithmetic3A_3520 : i32 to vector<16xi32>
    %shift_right_arithmetic3A_3522 = arith.shrsi %add3A_3509, %shift_right_arithmetic3A_3521 : vector<16xi32>
    %and3A_3523 = arith.constant 7 : i32
    %and3A_3524 = vector.broadcast %and3A_3523 : i32 to vector<16xi32>
    %and3A_3525 = arith.andi %shift_right_arithmetic3A_3522, %and3A_3524 : vector<16xi32>
    %gather3A_3526 = tpu.vector_load_idx %arg5[%add3A_3519] : memref<256xi32, #tpu.memory_space<vmem>>[vector<16xi32>], vector<16xi32>,
    %shift_left3A_3527 = arith.constant 3 : i32
    %shift_left3A_3528 = vector.broadcast %shift_left3A_3527 : i32 to vector<16xi32>
    %shift_left3A_3529 = arith.shli %gather3A_3526, %shift_left3A_3528 : vector<16xi32>
    %or3A_3530 = arith.ori %shift_left3A_3529, %and3A_3525 : vector<16xi32>
    %swap3A_3531 = arith.constant 2032 : index
    %swap3A_3532 = tpu.vector_load %arg6[%swap3A_3531] {strides = array<i32>} : memref<2048xi32, #tpu.memory_space<vmem>>, vector<16xi32>,
    tpu.vector_store %arg6[%swap3A_3531], %or3A_3530 {strides = array<i32>} : memref<2048xi32, #tpu.memory_space<vmem>>, vector<16xi32>,
    %dma_wait3A_3533 = arith.constant 1152 : i32
    %dma_wait3A_3534 = tpu.memref_slice %arg6[%dma_wait3A_3533] : memref<2048xi32, #tpu.memory_space<vmem>> -> memref<128xi32, #tpu.memory_space<vmem>>
    %dma_wait3A_3535 = arith.constant 0 : i32
    %dma_wait3A_3536 = arith.constant 0 : i32
    %dma_wait3A_3537 = tpu.memref_slice %arg3[%dma_wait3A_3535, %dma_wait3A_3536] : memref<65544x128xf32, #tpu.memory_space<hbm>> -> memref<65544x128xf32, #tpu.memory_space<hbm>>
    tpu.wait_indirect_dma semaphore(%arg16 : memref<!tpu.dma_semaphore, #tpu.memory_space<semaphore_mem>>) src(%dma_wait3A_3537 : memref<65544x128xf32, #tpu.memory_space<hbm>>) dst(%arg10 : memref<128x128xf32, #tpu.memory_space<vmem>>)
    %add3A_3538 = arith.constant 1152 : i32
    %add3A_3539 = arith.addi %mul3A_2, %add3A_3538 : i32
    %dma_start3A_3540 = arith.constant 0 : i32
    %dma_start3A_3541 = tpu.memref_slice %arg4[%add3A_3539, %dma_start3A_3540] : memref<65536x128xf32, #tpu.memory_space<hbm>> -> memref<128x128xf32, #tpu.memory_space<hbm>>
    %dma_start3A_3542 = arith.constant 0 : i32
    %dma_start3A_3543 = tpu.memref_slice %arg4[%add3A_3539, %dma_start3A_3542] : memref<65536x128xf32, #tpu.memory_space<hbm>> -> memref<128x128xf32, #tpu.memory_space<hbm>>
    tpu.enqueue_dma source(%arg10 : memref<128x128xf32, #tpu.memory_space<vmem>>) target(%dma_start3A_3543 : memref<128x128xf32, #tpu.memory_space<hbm>>) target_semaphore(%arg22 : memref<!tpu.dma_semaphore, #tpu.memory_space<semaphore_mem>>)
    %dma_wait3A_3544 = arith.constant 0 : i32
    %dma_wait3A_3545 = tpu.memref_slice %arg4[%add3A_3539, %dma_wait3A_3544] : memref<65536x128xf32, #tpu.memory_space<hbm>> -> memref<128x128xf32, #tpu.memory_space<hbm>>
    %dma_wait3A_3546 = arith.constant 0 : i32
    %dma_wait3A_3547 = tpu.memref_slice %arg4[%add3A_3539, %dma_wait3A_3546] : memref<65536x128xf32, #tpu.memory_space<hbm>> -> memref<128x128xf32, #tpu.memory_space<hbm>>
    tpu.wait_dma2 semaphore(%arg22 : memref<!tpu.dma_semaphore, #tpu.memory_space<semaphore_mem>>) src(%arg10 : memref<128x128xf32, #tpu.memory_space<vmem>>) dst(%dma_wait3A_3547 : memref<128x128xf32, #tpu.memory_space<hbm>>)
    %dma_start3A_3548 = arith.constant 1920 : i32
    %dma_start3A_3549 = tpu.memref_slice %arg6[%dma_start3A_3548] : memref<2048xi32, #tpu.memory_space<vmem>> -> memref<128xi32, #tpu.memory_space<vmem>>
    %dma_start3A_3550 = arith.constant 0 : i32
    %dma_start3A_3551 = arith.constant 0 : i32
    %dma_start3A_3552 = tpu.memref_slice %arg3[%dma_start3A_3550, %dma_start3A_3551] : memref<65544x128xf32, #tpu.memory_space<hbm>> -> memref<65544x128xf32, #tpu.memory_space<hbm>>
    tpu.enqueue_indirect_dma source(%dma_start3A_3552 : memref<65544x128xf32, #tpu.memory_space<hbm>>) target(%arg10 : memref<128x128xf32, #tpu.memory_space<vmem>>) offsets(%dma_start3A_3549 : memref<128xi32, #tpu.memory_space<vmem>>) semaphore(%arg16 : memref<!tpu.dma_semaphore, #tpu.memory_space<semaphore_mem>>)
    %dma_wait3A_3553 = arith.constant 1280 : i32
    %dma_wait3A_3554 = tpu.memref_slice %arg6[%dma_wait3A_3553] : memref<2048xi32, #tpu.memory_space<vmem>> -> memref<128xi32, #tpu.memory_space<vmem>>
    %dma_wait3A_3555 = arith.constant 0 : i32
    %dma_wait3A_3556 = arith.constant 0 : i32
    %dma_wait3A_3557 = tpu.memref_slice %arg3[%dma_wait3A_3555, %dma_wait3A_3556] : memref<65544x128xf32, #tpu.memory_space<hbm>> -> memref<65544x128xf32, #tpu.memory_space<hbm>>
    tpu.wait_indirect_dma semaphore(%arg17 : memref<!tpu.dma_semaphore, #tpu.memory_space<semaphore_mem>>) src(%dma_wait3A_3557 : memref<65544x128xf32, #tpu.memory_space<hbm>>) dst(%arg11 : memref<128x128xf32, #tpu.memory_space<vmem>>)
    %add3A_3558 = arith.constant 1280 : i32
    %add3A_3559 = arith.addi %mul3A_2, %add3A_3558 : i32
    %dma_start3A_3560 = arith.constant 0 : i32
    %dma_start3A_3561 = tpu.memref_slice %arg4[%add3A_3559, %dma_start3A_3560] : memref<65536x128xf32, #tpu.memory_space<hbm>> -> memref<128x128xf32, #tpu.memory_space<hbm>>
    %dma_start3A_3562 = arith.constant 0 : i32
    %dma_start3A_3563 = tpu.memref_slice %arg4[%add3A_3559, %dma_start3A_3562] : memref<65536x128xf32, #tpu.memory_space<hbm>> -> memref<128x128xf32, #tpu.memory_space<hbm>>
    tpu.enqueue_dma source(%arg11 : memref<128x128xf32, #tpu.memory_space<vmem>>) target(%dma_start3A_3563 : memref<128x128xf32, #tpu.memory_space<hbm>>) target_semaphore(%arg23 : memref<!tpu.dma_semaphore, #tpu.memory_space<semaphore_mem>>)
    %dma_wait3A_3564 = arith.constant 1408 : i32
    %dma_wait3A_3565 = tpu.memref_slice %arg6[%dma_wait3A_3564] : memref<2048xi32, #tpu.memory_space<vmem>> -> memref<128xi32, #tpu.memory_space<vmem>>
    %dma_wait3A_3566 = arith.constant 0 : i32
    %dma_wait3A_3567 = arith.constant 0 : i32
    %dma_wait3A_3568 = tpu.memref_slice %arg3[%dma_wait3A_3566, %dma_wait3A_3567] : memref<65544x128xf32, #tpu.memory_space<hbm>> -> memref<65544x128xf32, #tpu.memory_space<hbm>>
    tpu.wait_indirect_dma semaphore(%arg18 : memref<!tpu.dma_semaphore, #tpu.memory_space<semaphore_mem>>) src(%dma_wait3A_3568 : memref<65544x128xf32, #tpu.memory_space<hbm>>) dst(%arg12 : memref<128x128xf32, #tpu.memory_space<vmem>>)
    %add3A_3569 = arith.constant 1408 : i32
    %add3A_3570 = arith.addi %mul3A_2, %add3A_3569 : i32
    %dma_start3A_3571 = arith.constant 0 : i32
    %dma_start3A_3572 = tpu.memref_slice %arg4[%add3A_3570, %dma_start3A_3571] : memref<65536x128xf32, #tpu.memory_space<hbm>> -> memref<128x128xf32, #tpu.memory_space<hbm>>
    %dma_start3A_3573 = arith.constant 0 : i32
    %dma_start3A_3574 = tpu.memref_slice %arg4[%add3A_3570, %dma_start3A_3573] : memref<65536x128xf32, #tpu.memory_space<hbm>> -> memref<128x128xf32, #tpu.memory_space<hbm>>
    tpu.enqueue_dma source(%arg12 : memref<128x128xf32, #tpu.memory_space<vmem>>) target(%dma_start3A_3574 : memref<128x128xf32, #tpu.memory_space<hbm>>) target_semaphore(%arg24 : memref<!tpu.dma_semaphore, #tpu.memory_space<semaphore_mem>>)
    %dma_wait3A_3575 = arith.constant 1536 : i32
    %dma_wait3A_3576 = tpu.memref_slice %arg6[%dma_wait3A_3575] : memref<2048xi32, #tpu.memory_space<vmem>> -> memref<128xi32, #tpu.memory_space<vmem>>
    %dma_wait3A_3577 = arith.constant 0 : i32
    %dma_wait3A_3578 = arith.constant 0 : i32
    %dma_wait3A_3579 = tpu.memref_slice %arg3[%dma_wait3A_3577, %dma_wait3A_3578] : memref<65544x128xf32, #tpu.memory_space<hbm>> -> memref<65544x128xf32, #tpu.memory_space<hbm>>
    tpu.wait_indirect_dma semaphore(%arg13 : memref<!tpu.dma_semaphore, #tpu.memory_space<semaphore_mem>>) src(%dma_wait3A_3579 : memref<65544x128xf32, #tpu.memory_space<hbm>>) dst(%arg7 : memref<128x128xf32, #tpu.memory_space<vmem>>)
    %add3A_3580 = arith.constant 1536 : i32
    %add3A_3581 = arith.addi %mul3A_2, %add3A_3580 : i32
    %dma_start3A_3582 = arith.constant 0 : i32
    %dma_start3A_3583 = tpu.memref_slice %arg4[%add3A_3581, %dma_start3A_3582] : memref<65536x128xf32, #tpu.memory_space<hbm>> -> memref<128x128xf32, #tpu.memory_space<hbm>>
    %dma_start3A_3584 = arith.constant 0 : i32
    %dma_start3A_3585 = tpu.memref_slice %arg4[%add3A_3581, %dma_start3A_3584] : memref<65536x128xf32, #tpu.memory_space<hbm>> -> memref<128x128xf32, #tpu.memory_space<hbm>>
    tpu.enqueue_dma source(%arg7 : memref<128x128xf32, #tpu.memory_space<vmem>>) target(%dma_start3A_3585 : memref<128x128xf32, #tpu.memory_space<hbm>>) target_semaphore(%arg19 : memref<!tpu.dma_semaphore, #tpu.memory_space<semaphore_mem>>)
    %dma_wait3A_3586 = arith.constant 1664 : i32
    %dma_wait3A_3587 = tpu.memref_slice %arg6[%dma_wait3A_3586] : memref<2048xi32, #tpu.memory_space<vmem>> -> memref<128xi32, #tpu.memory_space<vmem>>
    %dma_wait3A_3588 = arith.constant 0 : i32
    %dma_wait3A_3589 = arith.constant 0 : i32
    %dma_wait3A_3590 = tpu.memref_slice %arg3[%dma_wait3A_3588, %dma_wait3A_3589] : memref<65544x128xf32, #tpu.memory_space<hbm>> -> memref<65544x128xf32, #tpu.memory_space<hbm>>
    tpu.wait_indirect_dma semaphore(%arg14 : memref<!tpu.dma_semaphore, #tpu.memory_space<semaphore_mem>>) src(%dma_wait3A_3590 : memref<65544x128xf32, #tpu.memory_space<hbm>>) dst(%arg8 : memref<128x128xf32, #tpu.memory_space<vmem>>)
    %add3A_3591 = arith.constant 1664 : i32
    %add3A_3592 = arith.addi %mul3A_2, %add3A_3591 : i32
    %dma_start3A_3593 = arith.constant 0 : i32
    %dma_start3A_3594 = tpu.memref_slice %arg4[%add3A_3592, %dma_start3A_3593] : memref<65536x128xf32, #tpu.memory_space<hbm>> -> memref<128x128xf32, #tpu.memory_space<hbm>>
    %dma_start3A_3595 = arith.constant 0 : i32
    %dma_start3A_3596 = tpu.memref_slice %arg4[%add3A_3592, %dma_start3A_3595] : memref<65536x128xf32, #tpu.memory_space<hbm>> -> memref<128x128xf32, #tpu.memory_space<hbm>>
    tpu.enqueue_dma source(%arg8 : memref<128x128xf32, #tpu.memory_space<vmem>>) target(%dma_start3A_3596 : memref<128x128xf32, #tpu.memory_space<hbm>>) target_semaphore(%arg20 : memref<!tpu.dma_semaphore, #tpu.memory_space<semaphore_mem>>)
    %dma_wait3A_3597 = arith.constant 1792 : i32
    %dma_wait3A_3598 = tpu.memref_slice %arg6[%dma_wait3A_3597] : memref<2048xi32, #tpu.memory_space<vmem>> -> memref<128xi32, #tpu.memory_space<vmem>>
    %dma_wait3A_3599 = arith.constant 0 : i32
    %dma_wait3A_3600 = arith.constant 0 : i32
    %dma_wait3A_3601 = tpu.memref_slice %arg3[%dma_wait3A_3599, %dma_wait3A_3600] : memref<65544x128xf32, #tpu.memory_space<hbm>> -> memref<65544x128xf32, #tpu.memory_space<hbm>>
    tpu.wait_indirect_dma semaphore(%arg15 : memref<!tpu.dma_semaphore, #tpu.memory_space<semaphore_mem>>) src(%dma_wait3A_3601 : memref<65544x128xf32, #tpu.memory_space<hbm>>) dst(%arg9 : memref<128x128xf32, #tpu.memory_space<vmem>>)
    %add3A_3602 = arith.constant 1792 : i32
    %add3A_3603 = arith.addi %mul3A_2, %add3A_3602 : i32
    %dma_start3A_3604 = arith.constant 0 : i32
    %dma_start3A_3605 = tpu.memref_slice %arg4[%add3A_3603, %dma_start3A_3604] : memref<65536x128xf32, #tpu.memory_space<hbm>> -> memref<128x128xf32, #tpu.memory_space<hbm>>
    %dma_start3A_3606 = arith.constant 0 : i32
    %dma_start3A_3607 = tpu.memref_slice %arg4[%add3A_3603, %dma_start3A_3606] : memref<65536x128xf32, #tpu.memory_space<hbm>> -> memref<128x128xf32, #tpu.memory_space<hbm>>
    tpu.enqueue_dma source(%arg9 : memref<128x128xf32, #tpu.memory_space<vmem>>) target(%dma_start3A_3607 : memref<128x128xf32, #tpu.memory_space<hbm>>) target_semaphore(%arg21 : memref<!tpu.dma_semaphore, #tpu.memory_space<semaphore_mem>>)
    %dma_wait3A_3608 = arith.constant 1920 : i32
    %dma_wait3A_3609 = tpu.memref_slice %arg6[%dma_wait3A_3608] : memref<2048xi32, #tpu.memory_space<vmem>> -> memref<128xi32, #tpu.memory_space<vmem>>
    %dma_wait3A_3610 = arith.constant 0 : i32
    %dma_wait3A_3611 = arith.constant 0 : i32
    %dma_wait3A_3612 = tpu.memref_slice %arg3[%dma_wait3A_3610, %dma_wait3A_3611] : memref<65544x128xf32, #tpu.memory_space<hbm>> -> memref<65544x128xf32, #tpu.memory_space<hbm>>
    tpu.wait_indirect_dma semaphore(%arg16 : memref<!tpu.dma_semaphore, #tpu.memory_space<semaphore_mem>>) src(%dma_wait3A_3612 : memref<65544x128xf32, #tpu.memory_space<hbm>>) dst(%arg10 : memref<128x128xf32, #tpu.memory_space<vmem>>)
    %add3A_3613 = arith.constant 1920 : i32
    %add3A_3614 = arith.addi %mul3A_2, %add3A_3613 : i32
    %dma_start3A_3615 = arith.constant 0 : i32
    %dma_start3A_3616 = tpu.memref_slice %arg4[%add3A_3614, %dma_start3A_3615] : memref<65536x128xf32, #tpu.memory_space<hbm>> -> memref<128x128xf32, #tpu.memory_space<hbm>>
    %dma_start3A_3617 = arith.constant 0 : i32
    %dma_start3A_3618 = tpu.memref_slice %arg4[%add3A_3614, %dma_start3A_3617] : memref<65536x128xf32, #tpu.memory_space<hbm>> -> memref<128x128xf32, #tpu.memory_space<hbm>>
    tpu.enqueue_dma source(%arg10 : memref<128x128xf32, #tpu.memory_space<vmem>>) target(%dma_start3A_3618 : memref<128x128xf32, #tpu.memory_space<hbm>>) target_semaphore(%arg22 : memref<!tpu.dma_semaphore, #tpu.memory_space<semaphore_mem>>)
    %dma_wait3A_3619 = arith.constant 0 : i32
    %dma_wait3A_3620 = tpu.memref_slice %arg4[%add3A_3559, %dma_wait3A_3619] : memref<65536x128xf32, #tpu.memory_space<hbm>> -> memref<128x128xf32, #tpu.memory_space<hbm>>
    %dma_wait3A_3621 = arith.constant 0 : i32
    %dma_wait3A_3622 = tpu.memref_slice %arg4[%add3A_3559, %dma_wait3A_3621] : memref<65536x128xf32, #tpu.memory_space<hbm>> -> memref<128x128xf32, #tpu.memory_space<hbm>>
    tpu.wait_dma2 semaphore(%arg23 : memref<!tpu.dma_semaphore, #tpu.memory_space<semaphore_mem>>) src(%arg11 : memref<128x128xf32, #tpu.memory_space<vmem>>) dst(%dma_wait3A_3622 : memref<128x128xf32, #tpu.memory_space<hbm>>)
    %dma_wait3A_3623 = arith.constant 0 : i32
    %dma_wait3A_3624 = tpu.memref_slice %arg4[%add3A_3570, %dma_wait3A_3623] : memref<65536x128xf32, #tpu.memory_space<hbm>> -> memref<128x128xf32, #tpu.memory_space<hbm>>
    %dma_wait3A_3625 = arith.constant 0 : i32
    %dma_wait3A_3626 = tpu.memref_slice %arg4[%add3A_3570, %dma_wait3A_3625] : memref<65536x128xf32, #tpu.memory_space<hbm>> -> memref<128x128xf32, #tpu.memory_space<hbm>>
    tpu.wait_dma2 semaphore(%arg24 : memref<!tpu.dma_semaphore, #tpu.memory_space<semaphore_mem>>) src(%arg12 : memref<128x128xf32, #tpu.memory_space<vmem>>) dst(%dma_wait3A_3626 : memref<128x128xf32, #tpu.memory_space<hbm>>)
    %dma_wait3A_3627 = arith.constant 0 : i32
    %dma_wait3A_3628 = tpu.memref_slice %arg4[%add3A_3581, %dma_wait3A_3627] : memref<65536x128xf32, #tpu.memory_space<hbm>> -> memref<128x128xf32, #tpu.memory_space<hbm>>
    %dma_wait3A_3629 = arith.constant 0 : i32
    %dma_wait3A_3630 = tpu.memref_slice %arg4[%add3A_3581, %dma_wait3A_3629] : memref<65536x128xf32, #tpu.memory_space<hbm>> -> memref<128x128xf32, #tpu.memory_space<hbm>>
    tpu.wait_dma2 semaphore(%arg19 : memref<!tpu.dma_semaphore, #tpu.memory_space<semaphore_mem>>) src(%arg7 : memref<128x128xf32, #tpu.memory_space<vmem>>) dst(%dma_wait3A_3630 : memref<128x128xf32, #tpu.memory_space<hbm>>)
    %dma_wait3A_3631 = arith.constant 0 : i32
    %dma_wait3A_3632 = tpu.memref_slice %arg4[%add3A_3592, %dma_wait3A_3631] : memref<65536x128xf32, #tpu.memory_space<hbm>> -> memref<128x128xf32, #tpu.memory_space<hbm>>
    %dma_wait3A_3633 = arith.constant 0 : i32
    %dma_wait3A_3634 = tpu.memref_slice %arg4[%add3A_3592, %dma_wait3A_3633] : memref<65536x128xf32, #tpu.memory_space<hbm>> -> memref<128x128xf32, #tpu.memory_space<hbm>>
    tpu.wait_dma2 semaphore(%arg20 : memref<!tpu.dma_semaphore, #tpu.memory_space<semaphore_mem>>) src(%arg8 : memref<128x128xf32, #tpu.memory_space<vmem>>) dst(%dma_wait3A_3634 : memref<128x128xf32, #tpu.memory_space<hbm>>)
    %dma_wait3A_3635 = arith.constant 0 : i32
    %dma_wait3A_3636 = tpu.memref_slice %arg4[%add3A_3603, %dma_wait3A_3635] : memref<65536x128xf32, #tpu.memory_space<hbm>> -> memref<128x128xf32, #tpu.memory_space<hbm>>
    %dma_wait3A_3637 = arith.constant 0 : i32
    %dma_wait3A_3638 = tpu.memref_slice %arg4[%add3A_3603, %dma_wait3A_3637] : memref<65536x128xf32, #tpu.memory_space<hbm>> -> memref<128x128xf32, #tpu.memory_space<hbm>>
    tpu.wait_dma2 semaphore(%arg21 : memref<!tpu.dma_semaphore, #tpu.memory_space<semaphore_mem>>) src(%arg9 : memref<128x128xf32, #tpu.memory_space<vmem>>) dst(%dma_wait3A_3638 : memref<128x128xf32, #tpu.memory_space<hbm>>)
    %dma_wait3A_3639 = arith.constant 0 : i32
    %dma_wait3A_3640 = tpu.memref_slice %arg4[%add3A_3614, %dma_wait3A_3639] : memref<65536x128xf32, #tpu.memory_space<hbm>> -> memref<128x128xf32, #tpu.memory_space<hbm>>
    %dma_wait3A_3641 = arith.constant 0 : i32
    %dma_wait3A_3642 = tpu.memref_slice %arg4[%add3A_3614, %dma_wait3A_3641] : memref<65536x128xf32, #tpu.memory_space<hbm>> -> memref<128x128xf32, #tpu.memory_space<hbm>>
    tpu.wait_dma2 semaphore(%arg22 : memref<!tpu.dma_semaphore, #tpu.memory_space<semaphore_mem>>) src(%arg10 : memref<128x128xf32, #tpu.memory_space<vmem>>) dst(%dma_wait3A_3642 : memref<128x128xf32, #tpu.memory_space<hbm>>)
    return
  }
}

</mosaic_0001>

<sc_bundles>
// kernel: kernel.3.cloned.1.call-start
scs
__scs_entry_jumppad:
0x0: {  	(pc) =	sbr.rel $0x88, $3  }
0x1: {  	(tag) =	ssettag $0x0;
	lr =	simm.s32 $0x1  }
0x2: {  	[smem:$0x3F9F] =	sst lr;
	_ =	strace $0xD0000000  }
0x3: {  	_ = 	snop  }
0x4: {  	_ = 	snop  }
0x5: {  	_ = 	snop  }
0x6: {  	_ = 	snop  }
0x7: {  	_ = 	snop  }
__scs_overlays_trampoline_lowered:
0x8: {  	[smem:$0x3FAE] =	sst s0  }
0x9: {  	[smem:$0x3FAF] =	sst s1  }
0xa: {  	[smem:$0x3FB0] =	sst s2  }
0xb: {  	[smem:$0x3FB1] =	sst s3  }
0xc: {  	[smem:$0x3FB2] =	sst s4  }
0xd: {  	[smem:$0x3FB3] =	sst s5  }
0xe: {  	[smem:$0x3FB4] =	sst s6  }
0xf: {  	[smem:$0x3FB5] =	sst s7  }
0x10: {  	[smem:$0x3FB6] =	sst s8  }
0x11: {  	[smem:$0x3FB7] =	sst s9;
	s0 =	simm.s32 @!p0 $0x0  }
0x12: {  	s1 =	sld [smem:$0x3F9D];
	s0 =	simm.s32 @p0 $0x1  }
0x13: {  	[smem:$0x3FB8] =	sst s0;
	s0 =	simm.s32 @!p1 $0x0  }
0x14: {  	s2 =	sld [smem:$0x3F9C];
	s0 =	simm.s32 @p1 $0x1  }
0x15: {  	[smem:$0x3FB9] =	sst s0;
	s0 =	simm.s32 @!p2 $0x0  }
0x16: {  	s3 =	sld [smem:$0x3FDB];
	s0 =	simm.s32 @p2 $0x1  }
0x17: {  	s4 =	simm.s32 $0x1BF5;
	[smem:$0x3FBB] =	sst s0  }
0x18: {  	s0 =	sld [smem:$0x3F9E];
	_ =	swait.ge [sflag:s4], $0x0  }
0x19: {  	s7 =	sld [smem:$0x3F9F]  }
0x1a: {  	s8 =	sadd.s32 $0xFFFFE003, lr  }
0x1b: {  	s9 =	sadd.s32 $0xFFFFFEF7, lr;
	s5 =	simm.s32 $0xFFFFFFFF;
	p2 =	slt.u32 s8, $0xFFFFF086  }
0x1c: {  	p1 =	slt.u32 s9, $0xF7A;
	s5 =	simm.s32 @!p2 $0x0  }
0x1d: {  	s5 =	simm.s32 @p1 $0x1;
	p0 =	seq.s32 s7, s2  }
0x1e: {  	s7 =	smul.u32 @!p0 $0xF7A, s2;
	p2 =	seq.s32 @!p0 s5, $0x0  }
0x1f: {  	s9 =	smul.u32 $0xF7A, s1;
	s8 =	simm.s32 @!p0 $0x1BF5;
	p2 =	por !p2, p0  }
0x20: {  	[sflag:s8] =	ssyncset.s32 @!p0 $0xFFFFF086;
	s6 =	sadd.s32 @!p0 s3, s7;
	s7 =	simm.s32 @!p0 $0x108  }
0x21: {  	s3 =	sadd.s32 s3, s9;
	s6 =	sadd.s32 @!p0 $0x88, s6;
	s7 =	simm.s32 @p2 $0x1082  }
0x22: {  	[simem:s7], [sflag:s8] =	dma.local @!p0 [hbm:s6], $0xF7A  }
0x23: {  	s9 =	sor.u32 $0xD0000000, s2;
	s6 =	simm.s32 $0x108;
	_ =	swait.ge @!p0 [sflag:s8], $0x0  }
0x24: {  	s3 =	sadd.s32 $0x88, s3;
	s6 =	simm.s32 @!p1 $0x1082;
	[sflag:s4] =	ssyncset.s32 $0xFFFFF086  }
0x25: {  	[simem:s6], [sflag:s4] =	dma.local [hbm:s3], $0xF7A  }
0x26: {  	[smem:$0x3F9F] =	sst s1;
	(tag) =	ssettag s2;
	_ =	strace s9  }
0x27: {  	s1 =	sld [smem:$0x3FAF]  }
0x28: {  	s2 =	sld [smem:$0x3FB0]  }
0x29: {  	s4 =	sld [smem:$0x3FB2]  }
0x2a: {  	p0 =	seq.s32 s5, $0x0;
	s5 =	sld [smem:$0x3FB3]  }
0x2b: {  	s6 =	sld [smem:$0x3FB4]  }
0x2c: {  	s7 =	sld [smem:$0x3FB5]  }
0x2d: {  	s3 =	simm.s32 $0x108;
	s8 =	sld [smem:$0x3FB6]  }
0x2e: {  	s3 =	simm.s32 @!p0 $0x1082;
	s9 =	sld [smem:$0x3FB7]  }
0x2f: {  	lr =	sadd.s32 s0, s3;
	s0 =	sld [smem:$0x3FAE]  }
0x30: {  	s3 =	sld [smem:$0x3FB1]  }
0x31: {  	[smem:$0x3FBA] =	sst s10  }
0x32: {  	s10 =	sld [smem:$0x3FB8];
	_ =	sdelay $0x3  }
0x33: {  	p0 =	seq.s32 s10, $0x1;
	s10 =	sld [smem:$0x3FBA];
	_ =	sdelay $0x3  }
0x34: {  	[smem:$0x3FBA] =	sst s10  }
0x35: {  	s10 =	sld [smem:$0x3FB9];
	_ =	sdelay $0x3  }
0x36: {  	p1 =	seq.s32 s10, $0x1;
	s10 =	sld [smem:$0x3FBA];
	_ =	sdelay $0x3  }
0x37: {  	[smem:$0x3FBA] =	sst s10  }
0x38: {  	s10 =	sld [smem:$0x3FBB]  }
0x39: {  	_ = 	snop;
	(pc) =	sbr.ind lr, $3  }
0x3a: {  	_ = 	snop  }
0x3b: {  	_ = 	snop  }
0x3c: {  	p2 =	seq.s32 s10, $0x1;
	s10 =	sld [smem:$0x3FBA]  }
0x3d: {  	_ =	shalt  }
0x3e: {  	_ =	shalt  }
0x3f: {  	_ =	shalt  }
0x40: {  	_ =	shalt  }
0x41: {  	_ =	shalt  }
0x42: {  	_ =	shalt  }
0x43: {  	_ =	shalt  }
0x44: {  	_ =	shalt  }
0x45: {  	_ =	shalt  }
0x46: {  	_ =	shalt  }
0x47: {  	_ =	shalt  }
0x48: {  	_ =	shalt  }
0x49: {  	_ =	shalt  }
0x4a: {  	_ =	shalt  }
0x4b: {  	_ =	shalt  }
0x4c: {  	_ =	shalt  }
0x4d: {  	_ =	shalt  }
0x4e: {  	_ =	shalt  }
0x4f: {  	_ =	shalt  }
0x50: {  	_ =	shalt  }
0x51: {  	_ =	shalt  }
0x52: {  	_ =	shalt  }
0x53: {  	_ =	shalt  }
0x54: {  	_ =	shalt  }
0x55: {  	_ =	shalt  }
0x56: {  	_ =	shalt  }
0x57: {  	_ =	shalt  }
0x58: {  	_ =	shalt  }
0x59: {  	_ =	shalt  }
0x5a: {  	_ =	shalt  }
0x5b: {  	_ =	shalt  }
0x5c: {  	_ =	shalt  }
0x5d: {  	_ =	shalt  }
0x5e: {  	_ =	shalt  }
0x5f: {  	_ =	shalt  }
0x60: {  	_ =	shalt  }
0x61: {  	_ =	shalt  }
0x62: {  	_ =	shalt  }
0x63: {  	_ =	shalt  }
0x64: {  	_ =	shalt  }
0x65: {  	_ =	shalt  }
0x66: {  	_ =	shalt  }
0x67: {  	_ =	shalt  }
0x68: {  	_ =	shalt  }
0x69: {  	_ =	shalt  }
0x6a: {  	_ =	shalt  }
0x6b: {  	_ =	shalt  }
0x6c: {  	_ =	shalt  }
0x6d: {  	_ =	shalt  }
0x6e: {  	_ =	shalt  }
0x6f: {  	_ =	shalt  }
0x70: {  	_ =	shalt  }
0x71: {  	_ =	shalt  }
0x72: {  	_ =	shalt  }
0x73: {  	_ =	shalt  }
0x74: {  	_ =	shalt  }
0x75: {  	_ =	shalt  }
0x76: {  	_ =	shalt  }
0x77: {  	_ =	shalt  }
0x78: {  	_ =	shalt  }
0x79: {  	_ =	shalt  }
0x7a: {  	_ =	shalt  }
0x7b: {  	_ =	shalt  }
0x7c: {  	_ =	shalt  }
0x7d: {  	_ =	shalt  }
0x7e: {  	_ =	shalt  }
0x7f: {  	_ =	shalt  }
0x80: {  	_ =	shalt  }
0x81: {  	_ =	shalt  }
0x82: {  	_ =	shalt  }
0x83: {  	_ =	shalt  }
0x84: {  	_ =	shalt  }
0x85: {  	_ =	shalt  }
0x86: {  	_ =	shalt  }
0x87: {  	_ =	shalt  }
.Lfunc_end0:
.L_simem_size_0:
called_computation_lowered:
.L_overlay_start_0:
0x88: {  	s2 =	sld [smem:$0x3FD9]  }
0x89: {  	s3 =	sld [smem:$0x3FFE];
	_ =	sdelay $0x1  }
0x8a: {  	s1 =	srdreg.scid  }
0x8b: {  	s0 =	sand.u32 $0x1, s1  }
0x8c: {  	s18 =	sshll.u32 s0, $0xA;
	s2 =	sadd.s32 s3, s2  }
0x8d: {  	s2 =	sadd.s32 s2, s18  }
0x8e: {  	[smem:$0x3FC6] =	sst s2  }
0x8f: {  	_ = 	snop  }
0x90: {  	s2 =	sld [smem:$0x3FC9]  }
0x91: {  	s19 =	sld [smem:$0x3FC8]  }
0x92: {  	s4 =	sld [smem:$0x3FD0];
	(tm) =	ssettm $0x1  }
0x93: {  	s5 =	sld [smem:$0x3FFB];
	_ =	sdelay $0x3  }
0x94: {  	_ =	strace s5  }
0x95: {  	s5 =	sld [smem:$0x3FFC];
	_ =	sdelay $0x3  }
0x96: {  	_ =	strace s5  }
0x97: {  	s5 =	sld [smem:$0x3FFD];
	_ =	sdelay $0x3  }
0x98: {  	_ =	strace s5  }
0x99: {  	_ =	strace $0x8FFFFFFF  }
0x9a: {  	s20 =	sld [smem:$0x3FDB];
	_ =	sdelay $0x1  }
0x9b: {  	s6 =	simm.s32 $_scs_section_size  }
0x9c: {  	s7 =	simm.s32 $_size__tile_overlayer_lowered;
	s8 =	simm.s32 $_tile_overlayer_lowered  }
0x9d: {  	s23 =	simm.s32 $0x1BFF;
	s22 =	sshll.u32 s8, $0x1;
	s5 =	sadd.s32 s6, s20  }
0x9e: {  	s9 =	simm.s32 $0x0;
	s21 =	sshll.u32 s7, $0x1;
	s7 =	sadd.s32 s22, s5  }
0x9f: {  	[timem:s9], [sflag:s23] =	dma.local [hbm:s7], s21  }
0xa0: {  	_ =	swait.ge [sflag:s23], s21  }
0xa1: {  	s6 =	ssub.s32 $0x0, s21;
	[sflag:s23] =	ssyncset.done $0x0  }
0xa2: {  	[sflag:s23] =	ssyncadd.s32 s6;
	_ =	sdelay $0x1  }
0xa3: {  	s24 =	simm.s32 $0x1B8B  }
0xa4: {  	_ =	swait.ge [sflag:s24], $0x1  }
0xa5: {  	[sflag:s24] =	ssyncset.done $0x0  }
0xa6: {  	s25 =	simm.s32 $0x1B8E;
	[sflag:s24] =	ssyncadd.s32 $0xFFFFFFFF  }
0xa7: {  	s26 =	simm.s32 $execute0_lowered;
	[smem:$0x3FD2] =	sst s25  }
0xa8: {  	s6 =	sshll.u32 s26, $0x1;
	_ =	strace $0x80000046;
	[dreg:$0x1] =	wrdreg $0xFFFFFFFF  }
0xa9: {  	s28 =	simm.s32 $_size_execute0_lowered;
	s5 =	sadd.s32 s5, s6;
	[dreg:$0x0] =	wrdreg $0x0  }
0xaa: {  	s6 =	sshll.u32 s28, $0x1;
	[dreg:$0x2] =	wrdreg s5  }
0xab: {  	[dreg:$0x3] =	wrdreg s6  }
0xac: {  	[dreg:$0x4] =	wrdreg $0xC0  }
0xad: {  	_ =	task [dreg:s9], $0x5FFFF  }
0xae: {  	[dreg:$0x1] =	wrdreg $0xFFFFFFFF  }
0xaf: {  	[dreg:$0x0] =	wrdreg $0x60  }
0xb0: {  	[dreg:$0x2] =	wrdreg s2  }
0xb1: {  	[dreg:$0x3] =	wrdreg s19  }
0xb2: {  	[dreg:$0x4] =	wrdreg s4  }
0xb3: {  	[dreg:$0x5] =	wrdreg $0x9  }
0xb4: {  	_ =	task.clear_ibuf [dreg:s9], $0x6FFFF;
	_ =	strace $0x90000046  }
0xb5: {  	s29 =	simm.s32 $0x9;
	_ =	strace $0x80000048  }
0xb6: {  	_ =	swait.ge [sflag:s29], $0x1  }
0xb7: {  	[sflag:s29] =	ssyncadd.s32 $0xFFFFFFFF  }
0xb8: {  	_ =	strace $0x90000048  }
0xb9: {  	_ =	sfence  }
0xba: {  	s30 =	sld [smem:$0x0];
	_ =	sdelay $0x2  }
0xbb: {  	s31 =	sshll.u32 s1, $0xD;
	s1 =	sshrl.u32 s1, $0x2  }
0xbc: {  	s3 =	sand.u32 $0x4000, s31;
	s1 =	sadd.s32 s1, s30  }
0xbd: {  	s0 =	sor.u32 s3, s0;
	s1 =	sshll.u32 s1, $0x11  }
0xbe: {  	s0 =	sor.u32 s1, s0  }
0xbf: {  	s0 =	sadd.s32 $0x8F2B, s0  }
0xc0: {  	[sflag:s0] =	ssyncadd.remote.s32 $0x1  }
0xc1: {  	_ =	sfence.sel $0xFFFF  }
0xc2: {  	[dreg:$0x0] =	wrdreg $0xFFFFFFFF;
	(pc) =	sbr.abs _section_cstart, $3  }
0xc3: {  	[dreg:$0x1] =	wrdreg $0xFFFFFFFF  }
0xc4: {  	_ =	task.clear_ibuf [dreg:s9], $0x2FFFF;
	_ =	strace $0x9FFFFFFF  }
0xc5: {  	(tm) =	ssettm $0x7FFFFFFF  }
tec
execute0_lowered:
.L_overlay_start_1:
0x0: {  	(tag) =	ssettag $0x1  }
0x1: {  	s1 =	rddreg [dreg:$0x0]  }
0x2: {  	s2 =	rddreg [dreg:$0x1];
	s3 =	srdreg.scid  }
0x3: {  	s4 =	rddreg [dreg:$0x2];
	s5 =	sand.u32 $0x1, s3;
	s3 =	simm.s32 $0x0  }
0x4: {  	s0 =	stileid.u32;
	s17 =	simm.s32 $0x100;
	[smem:$0x7FF] =	sst s3  }
0x5: {  	s18 =	simm.s32 $0x180;
	_ =	strace $0x80000047;
	[dreg:$0x14] =	wrdreg s17  }
0x6: {  	s19 =	simm.s32 $0x200;
	s20 =	simm.s32 $0x280;
	[dreg:$0x15] =	wrdreg s18  }
0x7: {  	s21 =	simm.s32 $0x300;
	s6 =	sshll.u32 s0, $0x1;
	[dreg:$0x16] =	wrdreg s19  }
0x8: {  	s22 =	simm.s32 $0x380;
	s6 =	sor.u32 s5, s6;
	[dreg:$0x17] =	wrdreg s20  }
0x9: {  	s7 =	sshll.u32 s6, $0x5;
	s6 =	sshll.u32 s6, $0xF;
	[dreg:$0x18] =	wrdreg s21  }
0xa: {  	[dreg:$0x19] =	wrdreg s22;
	s1 =	sadd.s32 s1, s7;
	s4 =	sadd.s32 s4, s6  }
0xb: {  	s28 =	simm.s32 $0x680;
	[dreg:$0x4] =	wrdreg s1;
	s23 =	sadd.s32 $0x800, s4  }
0xc: {  	s29 =	simm.s32 $0x700;
	s24 =	sadd.s32 $0x1000, s4;
	[dreg:$0x5] =	wrdreg s23  }
0xd: {  	s30 =	simm.s32 $0x780;
	s25 =	sadd.s32 $0x1800, s4;
	[dreg:$0x6] =	wrdreg s24  }
0xe: {  	s31 =	simm.s32 $0x800;
	s26 =	sadd.s32 $0x2000, s4;
	[dreg:$0x7] =	wrdreg s25  }
0xf: {  	s5 =	ssub.s32 $0x2, s5;
	s0 =	sadd.s32 $0x2800, s4;
	[dreg:$0x8] =	wrdreg s26  }
0x10: {  	s14 =	sshrl.u32 s5, $0x1;
	s6 =	sadd.s32 $0x3000, s4;
	[dreg:$0x9] =	wrdreg s0  }
0x11: {  	s17 =	simm.s32 $0x8;
	s7 =	sadd.s32 $0x3800, s4;
	[dreg:$0xa] =	wrdreg s6  }
0x12: {  	s18 =	simm.s32 $0x3;
	s8 =	sadd.s32 $0x4000, s4;
	[dreg:$0xb] =	wrdreg s7  }
0x13: {  	s19 =	simm.s32 $0x9;
	s9 =	sadd.s32 $0x4800, s4;
	[dreg:$0xc] =	wrdreg s8  }
0x14: {  	s20 =	simm.s32 $0x4;
	s10 =	sadd.s32 $0x5000, s4;
	[dreg:$0xd] =	wrdreg s9  }
0x15: {  	v35 =	vlaneseq.u32;
	s21 =	simm.s32 $0xA;
	s11 =	sadd.s32 $0x5800, s4;
	[dreg:$0xe] =	wrdreg s10  }
0x16: {  	v0 =	vshrl.u32 v35, $0x3;
	v1 =	vand.u32 $0x7, v35;
	v35 =	vor.u32 $0xF8, v35;
	s22 =	simm.s32 $0x5;
	s12 =	sadd.s32 $0x6000, s4;
	[dreg:$0xf] =	wrdreg s11  }
0x17: {  	v2 =	vor.u32 $0x2, v0;
	v3 =	vor.u32 $0x4, v0;
	v4 =	vor.u32 $0x6, v0;
	s5 =	ssub.s32 s5, s14;
	s13 =	sadd.s32 $0x6800, s4;
	[dreg:$0x10] =	wrdreg s12  }
0x18: {  	v5 =	vor.u32 $0x8, v1;
	v6 =	vor.u32 $0x10, v1;
	v7 =	vor.u32 $0x18, v1;
	s14 =	simm.s32 $0x1;
	s15 =	sadd.s32 $0x7000, s4;
	[dreg:$0x11] =	wrdreg s13  }
0x19: {  	v8 =	vor.u32 $0x20, v1;
	v9 =	vor.u32 $0x28, v1;
	v10 =	vor.u32 $0x30, v1;
	s16 =	sadd.s32 $0x7800, s4;
	s5 =	smax.u32 s5, $0x1;
	[dreg:$0x12] =	wrdreg s15  }
0x1a: {  	v11 =	vor.u32 $0x38, v1;
	v12 =	vor.u32 $0x40, v1;
	v13 =	vor.u32 $0x48, v1;
	s1 =	simm.s32 $0x880;
	[dreg:$0x13] =	wrdreg s16;
	s6 =	simm.s32 $0xD  }
0x1b: {  	v14 =	vor.u32 $0x50, v1;
	v15 =	vor.u32 $0x58, v1;
	v16 =	vor.u32 $0x60, v1;
	s7 =	simm.s32 $0x80;
	s8 =	simm.s32 $0x900;
	s9 =	simm.s32 $0x4900  }
0x1c: {  	v17 =	vor.u32 $0x68, v1;
	v18 =	vor.u32 $0x70, v1;
	v19 =	vor.u32 $0x78, v1;
	s10 =	simm.s32 $0x8900;
	s11 =	simm.s32 $0xC900;
	s23 =	simm.s32 $0x400  }
0x1d: {  	v20 =	vor.u32 $0x80, v1;
	v21 =	vor.u32 $0x88, v1;
	v22 =	vor.u32 $0x90, v1;
	s12 =	simm.s32 $0x10900;
	s24 =	simm.s32 $0x480;
	[dreg:$0x1a] =	wrdreg s23  }
0x1e: {  	v23 =	vor.u32 $0x98, v1;
	v24 =	vor.u32 $0xA0, v1;
	v25 =	vor.u32 $0xA8, v1;
	s13 =	simm.s32 $0x14900;
	s25 =	simm.s32 $0x500;
	[dreg:$0x1b] =	wrdreg s24  }
0x1f: {  	v26 =	vor.u32 $0xB0, v1;
	v27 =	vor.u32 $0xB8, v1;
	v28 =	vor.u32 $0xC0, v1;
	s15 =	simm.s32 $0x7;
	s26 =	simm.s32 $0x580;
	[dreg:$0x1c] =	wrdreg s25  }
0x20: {  	v29 =	vor.u32 $0xC8, v1;
	v30 =	vor.u32 $0xD0, v1;
	v31 =	vor.u32 $0xD8, v1;
	s16 =	simm.s32 $0x2;
	[dreg:$0x1d] =	wrdreg s26;
	s23 =	simm.s32 $0xB  }
0x21: {  	v32 =	vor.u32 $0xE0, v1;
	v33 =	vor.u32 $0xE8, v1;
	v34 =	vor.u32 $0xF0, v1;
	s24 =	simm.s32 $0x600;
	s25 =	simm.s32 $0x6;
	s26 =	simm.s32 $0xC  }
.LBB2_1:
0x22: {  	s0 =	rddreg [dreg:$0x4]  }
0x23: {  	[tilespmem:s3], [sflag:$0xD] =	stream.linear.gather [hbm4b:s0+s3], $0x100, $0x38;
	[tilespmem:$0x18900] =	vst v63  }
0x24: {  	_ =	swait.ge [sflag:s6], $0x100  }
0x25: {  	[sflag:s6] =	ssyncset.done $0x0  }
0x26: {  	[sflag:s6] =	ssyncadd.s32 $0xFFFFFF00  }
0x27: {  	v36 =	vld.idx.msk [tilespmem:v1+s3+$0x0], $0xffff;
	_ =	sdelay $0x4  }
0x28: {  	v36 =	vshll.u32 v36, $0x3  }
0x29: {  	v36 =	vor.u32 v0, v36  }
0x2a: {  	[tilespmem:$0x100] =	vst v36  }
0x2b: {  	v36 =	vld.idx.msk [tilespmem:v1+s3+$0x0], $0xffff;
	_ =	sdelay $0x4  }
0x2c: {  	v36 =	vshll.u32 v36, $0x3  }
0x2d: {  	v36 =	vor.u32 v2, v36  }
0x2e: {  	[tilespmem:$0x110] =	vst v36  }
0x2f: {  	v36 =	vld.idx.msk [tilespmem:v1+s3+$0x0], $0xffff;
	_ =	sdelay $0x4  }
0x30: {  	v36 =	vshll.u32 v36, $0x3  }
0x31: {  	v36 =	vor.u32 v3, v36  }
0x32: {  	[tilespmem:$0x120] =	vst v36  }
0x33: {  	v36 =	vld.idx.msk [tilespmem:v1+s3+$0x0], $0xffff;
	_ =	sdelay $0x4  }
0x34: {  	v36 =	vshll.u32 v36, $0x3  }
0x35: {  	v36 =	vor.u32 v4, v36  }
0x36: {  	[tilespmem:$0x130] =	vst v36  }
0x37: {  	v36 =	vld.idx.msk [tilespmem:v5+s3+$0x0], $0xffff;
	_ =	sdelay $0x4  }
0x38: {  	v36 =	vshll.u32 v36, $0x3  }
0x39: {  	v36 =	vor.u32 v0, v36  }
0x3a: {  	[tilespmem:$0x140] =	vst v36  }
0x3b: {  	v36 =	vld.idx.msk [tilespmem:v5+s3+$0x0], $0xffff;
	_ =	sdelay $0x4  }
0x3c: {  	v36 =	vshll.u32 v36, $0x3  }
0x3d: {  	v36 =	vor.u32 v2, v36  }
0x3e: {  	[tilespmem:$0x150] =	vst v36  }
0x3f: {  	v36 =	vld.idx.msk [tilespmem:v5+s3+$0x0], $0xffff;
	_ =	sdelay $0x4  }
0x40: {  	v36 =	vshll.u32 v36, $0x3  }
0x41: {  	v36 =	vor.u32 v3, v36  }
0x42: {  	[tilespmem:$0x160] =	vst v36  }
0x43: {  	v36 =	vld.idx.msk [tilespmem:v5+s3+$0x0], $0xffff;
	_ =	sdelay $0x4  }
0x44: {  	v36 =	vshll.u32 v36, $0x3  }
0x45: {  	v36 =	vor.u32 v4, v36  }
0x46: {  	s0 =	rddreg [dreg:$0x14];
	[tilespmem:$0x170] =	vst v36  }
0x47: {  	[tilespmem:s8], [sflag:$0x1] =	stream.indirect.gather [hbm4b:s2+s7], $0x80, s0, s7, $0xb8;
	[tilespmem:$0x18900] =	vst v63  }
0x48: {  	v36 =	vld.idx.msk [tilespmem:v6+s3+$0x0], $0xffff;
	_ =	sdelay $0x4  }
0x49: {  	v36 =	vshll.u32 v36, $0x3  }
0x4a: {  	v36 =	vor.u32 v0, v36  }
0x4b: {  	[tilespmem:$0x180] =	vst v36  }
0x4c: {  	v36 =	vld.idx.msk [tilespmem:v6+s3+$0x0], $0xffff;
	_ =	sdelay $0x4  }
0x4d: {  	v36 =	vshll.u32 v36, $0x3  }
0x4e: {  	v36 =	vor.u32 v2, v36  }
0x4f: {  	[tilespmem:$0x190] =	vst v36  }
0x50: {  	v36 =	vld.idx.msk [tilespmem:v6+s3+$0x0], $0xffff;
	_ =	sdelay $0x4  }
0x51: {  	v36 =	vshll.u32 v36, $0x3  }
0x52: {  	v36 =	vor.u32 v3, v36  }
0x53: {  	[tilespmem:$0x1A0] =	vst v36  }
0x54: {  	v36 =	vld.idx.msk [tilespmem:v6+s3+$0x0], $0xffff;
	_ =	sdelay $0x4  }
0x55: {  	v36 =	vshll.u32 v36, $0x3  }
0x56: {  	v36 =	vor.u32 v4, v36  }
0x57: {  	[tilespmem:$0x1B0] =	vst v36  }
0x58: {  	v36 =	vld.idx.msk [tilespmem:v7+s3+$0x0], $0xffff;
	_ =	sdelay $0x4  }
0x59: {  	v36 =	vshll.u32 v36, $0x3  }
0x5a: {  	v36 =	vor.u32 v0, v36  }
0x5b: {  	[tilespmem:$0x1C0] =	vst v36  }
0x5c: {  	v36 =	vld.idx.msk [tilespmem:v7+s3+$0x0], $0xffff;
	_ =	sdelay $0x4  }
0x5d: {  	v36 =	vshll.u32 v36, $0x3  }
0x5e: {  	v36 =	vor.u32 v2, v36  }
0x5f: {  	[tilespmem:$0x1D0] =	vst v36  }
0x60: {  	v36 =	vld.idx.msk [tilespmem:v7+s3+$0x0], $0xffff;
	_ =	sdelay $0x4  }
0x61: {  	v36 =	vshll.u32 v36, $0x3  }
0x62: {  	v36 =	vor.u32 v3, v36  }
0x63: {  	[tilespmem:$0x1E0] =	vst v36  }
0x64: {  	v36 =	vld.idx.msk [tilespmem:v7+s3+$0x0], $0xffff;
	_ =	sdelay $0x4  }
0x65: {  	v36 =	vshll.u32 v36, $0x3  }
0x66: {  	v36 =	vor.u32 v4, v36  }
0x67: {  	s0 =	rddreg [dreg:$0x15];
	[tilespmem:$0x1F0] =	vst v36  }
0x68: {  	[tilespmem:s9], [sflag:$0x2] =	stream.indirect.gather [hbm4b:s2+s7], $0x80, s0, s7, $0xb8;
	[tilespmem:$0x18900] =	vst v63  }
0x69: {  	v36 =	vld.idx.msk [tilespmem:v8+s3+$0x0], $0xffff;
	_ =	sdelay $0x4  }
0x6a: {  	v36 =	vshll.u32 v36, $0x3  }
0x6b: {  	v36 =	vor.u32 v0, v36  }
0x6c: {  	[tilespmem:$0x200] =	vst v36  }
0x6d: {  	v36 =	vld.idx.msk [tilespmem:v8+s3+$0x0], $0xffff;
	_ =	sdelay $0x4  }
0x6e: {  	v36 =	vshll.u32 v36, $0x3  }
0x6f: {  	v36 =	vor.u32 v2, v36  }
0x70: {  	[tilespmem:$0x210] =	vst v36  }
0x71: {  	v36 =	vld.idx.msk [tilespmem:v8+s3+$0x0], $0xffff;
	_ =	sdelay $0x4  }
0x72: {  	v36 =	vshll.u32 v36, $0x3  }
0x73: {  	v36 =	vor.u32 v3, v36  }
0x74: {  	[tilespmem:$0x220] =	vst v36  }
0x75: {  	v36 =	vld.idx.msk [tilespmem:v8+s3+$0x0], $0xffff;
	_ =	sdelay $0x4  }
0x76: {  	v36 =	vshll.u32 v36, $0x3  }
0x77: {  	v36 =	vor.u32 v4, v36  }
0x78: {  	[tilespmem:$0x230] =	vst v36  }
0x79: {  	v36 =	vld.idx.msk [tilespmem:v9+s3+$0x0], $0xffff;
	_ =	sdelay $0x4  }
0x7a: {  	v36 =	vshll.u32 v36, $0x3  }
0x7b: {  	v36 =	vor.u32 v0, v36  }
0x7c: {  	[tilespmem:$0x240] =	vst v36  }
0x7d: {  	v36 =	vld.idx.msk [tilespmem:v9+s3+$0x0], $0xffff;
	_ =	sdelay $0x4  }
0x7e: {  	v36 =	vshll.u32 v36, $0x3  }
0x7f: {  	v36 =	vor.u32 v2, v36  }
0x80: {  	[tilespmem:$0x250] =	vst v36  }
0x81: {  	v36 =	vld.idx.msk [tilespmem:v9+s3+$0x0], $0xffff;
	_ =	sdelay $0x4  }
0x82: {  	v36 =	vshll.u32 v36, $0x3  }
0x83: {  	v36 =	vor.u32 v3, v36  }
0x84: {  	[tilespmem:$0x260] =	vst v36  }
0x85: {  	v36 =	vld.idx.msk [tilespmem:v9+s3+$0x0], $0xffff;
	_ =	sdelay $0x4  }
0x86: {  	v36 =	vshll.u32 v36, $0x3  }
0x87: {  	v36 =	vor.u32 v4, v36  }
0x88: {  	s0 =	rddreg [dreg:$0x16];
	[tilespmem:$0x270] =	vst v36  }
0x89: {  	[tilespmem:s10], [sflag:$0x3] =	stream.indirect.gather [hbm4b:s2+s7], $0x80, s0, s7, $0xb8;
	[tilespmem:$0x18900] =	vst v63  }
0x8a: {  	v36 =	vld.idx.msk [tilespmem:v10+s3+$0x0], $0xffff;
	_ =	sdelay $0x4  }
0x8b: {  	v36 =	vshll.u32 v36, $0x3  }
0x8c: {  	v36 =	vor.u32 v0, v36  }
0x8d: {  	[tilespmem:$0x280] =	vst v36  }
0x8e: {  	v36 =	vld.idx.msk [tilespmem:v10+s3+$0x0], $0xffff;
	_ =	sdelay $0x4  }
0x8f: {  	v36 =	vshll.u32 v36, $0x3  }
0x90: {  	v36 =	vor.u32 v2, v36  }
0x91: {  	[tilespmem:$0x290] =	vst v36  }
0x92: {  	v36 =	vld.idx.msk [tilespmem:v10+s3+$0x0], $0xffff;
	_ =	sdelay $0x4  }
0x93: {  	v36 =	vshll.u32 v36, $0x3  }
0x94: {  	v36 =	vor.u32 v3, v36  }
0x95: {  	[tilespmem:$0x2A0] =	vst v36  }
0x96: {  	v36 =	vld.idx.msk [tilespmem:v10+s3+$0x0], $0xffff;
	_ =	sdelay $0x4  }
0x97: {  	v36 =	vshll.u32 v36, $0x3  }
0x98: {  	v36 =	vor.u32 v4, v36  }
0x99: {  	[tilespmem:$0x2B0] =	vst v36  }
0x9a: {  	v36 =	vld.idx.msk [tilespmem:v11+s3+$0x0], $0xffff;
	_ =	sdelay $0x4  }
0x9b: {  	v36 =	vshll.u32 v36, $0x3  }
0x9c: {  	v36 =	vor.u32 v0, v36  }
0x9d: {  	[tilespmem:$0x2C0] =	vst v36  }
0x9e: {  	v36 =	vld.idx.msk [tilespmem:v11+s3+$0x0], $0xffff;
	_ =	sdelay $0x4  }
0x9f: {  	v36 =	vshll.u32 v36, $0x3  }
0xa0: {  	v36 =	vor.u32 v2, v36  }
0xa1: {  	[tilespmem:$0x2D0] =	vst v36  }
0xa2: {  	v36 =	vld.idx.msk [tilespmem:v11+s3+$0x0], $0xffff;
	_ =	sdelay $0x4  }
0xa3: {  	v36 =	vshll.u32 v36, $0x3  }
0xa4: {  	v36 =	vor.u32 v3, v36  }
0xa5: {  	[tilespmem:$0x2E0] =	vst v36  }
0xa6: {  	v36 =	vld.idx.msk [tilespmem:v11+s3+$0x0], $0xffff;
	_ =	sdelay $0x4  }
0xa7: {  	v36 =	vshll.u32 v36, $0x3  }
0xa8: {  	v36 =	vor.u32 v4, v36  }
0xa9: {  	s0 =	rddreg [dreg:$0x17];
	[tilespmem:$0x2F0] =	vst v36  }
0xaa: {  	[tilespmem:s11], [sflag:$0x4] =	stream.indirect.gather [hbm4b:s2+s7], $0x80, s0, s7, $0xb8;
	[tilespmem:$0x18900] =	vst v63  }
0xab: {  	v36 =	vld.idx.msk [tilespmem:v12+s3+$0x0], $0xffff;
	_ =	sdelay $0x4  }
0xac: {  	v36 =	vshll.u32 v36, $0x3  }
0xad: {  	v36 =	vor.u32 v0, v36  }
0xae: {  	[tilespmem:$0x300] =	vst v36  }
0xaf: {  	v36 =	vld.idx.msk [tilespmem:v12+s3+$0x0], $0xffff;
	_ =	sdelay $0x4  }
0xb0: {  	v36 =	vshll.u32 v36, $0x3  }
0xb1: {  	v36 =	vor.u32 v2, v36  }
0xb2: {  	[tilespmem:$0x310] =	vst v36  }
0xb3: {  	v36 =	vld.idx.msk [tilespmem:v12+s3+$0x0], $0xffff;
	_ =	sdelay $0x4  }
0xb4: {  	v36 =	vshll.u32 v36, $0x3  }
0xb5: {  	v36 =	vor.u32 v3, v36  }
0xb6: {  	[tilespmem:$0x320] =	vst v36  }
0xb7: {  	v36 =	vld.idx.msk [tilespmem:v12+s3+$0x0], $0xffff;
	_ =	sdelay $0x4  }
0xb8: {  	v36 =	vshll.u32 v36, $0x3  }
0xb9: {  	v36 =	vor.u32 v4, v36  }
0xba: {  	[tilespmem:$0x330] =	vst v36  }
0xbb: {  	v36 =	vld.idx.msk [tilespmem:v13+s3+$0x0], $0xffff;
	_ =	sdelay $0x4  }
0xbc: {  	v36 =	vshll.u32 v36, $0x3  }
0xbd: {  	v36 =	vor.u32 v0, v36  }
0xbe: {  	[tilespmem:$0x340] =	vst v36  }
0xbf: {  	v36 =	vld.idx.msk [tilespmem:v13+s3+$0x0], $0xffff;
	_ =	sdelay $0x4  }
0xc0: {  	v36 =	vshll.u32 v36, $0x3  }
0xc1: {  	v36 =	vor.u32 v2, v36  }
0xc2: {  	[tilespmem:$0x350] =	vst v36  }
0xc3: {  	v36 =	vld.idx.msk [tilespmem:v13+s3+$0x0], $0xffff;
	_ =	sdelay $0x4  }
0xc4: {  	v36 =	vshll.u32 v36, $0x3  }
0xc5: {  	v36 =	vor.u32 v3, v36  }
0xc6: {  	[tilespmem:$0x360] =	vst v36  }
0xc7: {  	v36 =	vld.idx.msk [tilespmem:v13+s3+$0x0], $0xffff;
	_ =	sdelay $0x4  }
0xc8: {  	v36 =	vshll.u32 v36, $0x3  }
0xc9: {  	v36 =	vor.u32 v4, v36  }
0xca: {  	s0 =	rddreg [dreg:$0x18];
	[tilespmem:$0x370] =	vst v36  }
0xcb: {  	[tilespmem:s12], [sflag:$0x5] =	stream.indirect.gather [hbm4b:s2+s7], $0x80, s0, s7, $0xb8;
	[tilespmem:$0x18900] =	vst v63  }
0xcc: {  	v36 =	vld.idx.msk [tilespmem:v14+s3+$0x0], $0xffff;
	_ =	sdelay $0x4  }
0xcd: {  	v36 =	vshll.u32 v36, $0x3  }
0xce: {  	v36 =	vor.u32 v0, v36  }
0xcf: {  	[tilespmem:$0x380] =	vst v36  }
0xd0: {  	v36 =	vld.idx.msk [tilespmem:v14+s3+$0x0], $0xffff;
	_ =	sdelay $0x4  }
0xd1: {  	v36 =	vshll.u32 v36, $0x3  }
0xd2: {  	v36 =	vor.u32 v2, v36  }
0xd3: {  	[tilespmem:$0x390] =	vst v36  }
0xd4: {  	v36 =	vld.idx.msk [tilespmem:v14+s3+$0x0], $0xffff;
	_ =	sdelay $0x4  }
0xd5: {  	v36 =	vshll.u32 v36, $0x3  }
0xd6: {  	v36 =	vor.u32 v3, v36  }
0xd7: {  	[tilespmem:$0x3A0] =	vst v36  }
0xd8: {  	v36 =	vld.idx.msk [tilespmem:v14+s3+$0x0], $0xffff;
	_ =	sdelay $0x4  }
0xd9: {  	v36 =	vshll.u32 v36, $0x3  }
0xda: {  	v36 =	vor.u32 v4, v36  }
0xdb: {  	[tilespmem:$0x3B0] =	vst v36  }
0xdc: {  	v36 =	vld.idx.msk [tilespmem:v15+s3+$0x0], $0xffff;
	_ =	sdelay $0x4  }
0xdd: {  	v36 =	vshll.u32 v36, $0x3  }
0xde: {  	v36 =	vor.u32 v0, v36  }
0xdf: {  	[tilespmem:$0x3C0] =	vst v36  }
0xe0: {  	v36 =	vld.idx.msk [tilespmem:v15+s3+$0x0], $0xffff;
	_ =	sdelay $0x4  }
0xe1: {  	v36 =	vshll.u32 v36, $0x3  }
0xe2: {  	v36 =	vor.u32 v2, v36  }
0xe3: {  	[tilespmem:$0x3D0] =	vst v36  }
0xe4: {  	v36 =	vld.idx.msk [tilespmem:v15+s3+$0x0], $0xffff;
	_ =	sdelay $0x4  }
0xe5: {  	v36 =	vshll.u32 v36, $0x3  }
0xe6: {  	v36 =	vor.u32 v3, v36  }
0xe7: {  	[tilespmem:$0x3E0] =	vst v36  }
0xe8: {  	v36 =	vld.idx.msk [tilespmem:v15+s3+$0x0], $0xffff;
	_ =	sdelay $0x4  }
0xe9: {  	v36 =	vshll.u32 v36, $0x3  }
0xea: {  	v36 =	vor.u32 v4, v36  }
0xeb: {  	s0 =	rddreg [dreg:$0x19];
	[tilespmem:$0x3F0] =	vst v36  }
0xec: {  	[tilespmem:s13], [sflag:$0x6] =	stream.indirect.gather [hbm4b:s2+s7], $0x80, s0, s7, $0xb8;
	[tilespmem:$0x18900] =	vst v63  }
0xed: {  	v36 =	vld.idx.msk [tilespmem:v16+s3+$0x0], $0xffff;
	_ =	sdelay $0x4  }
0xee: {  	v36 =	vshll.u32 v36, $0x3  }
0xef: {  	v36 =	vor.u32 v0, v36  }
0xf0: {  	[tilespmem:$0x400] =	vst v36  }
0xf1: {  	v36 =	vld.idx.msk [tilespmem:v16+s3+$0x0], $0xffff;
	_ =	sdelay $0x4  }
0xf2: {  	v36 =	vshll.u32 v36, $0x3  }
0xf3: {  	v36 =	vor.u32 v2, v36  }
0xf4: {  	[tilespmem:$0x410] =	vst v36  }
0xf5: {  	v36 =	vld.idx.msk [tilespmem:v16+s3+$0x0], $0xffff;
	_ =	sdelay $0x4  }
0xf6: {  	v36 =	vshll.u32 v36, $0x3  }
0xf7: {  	v36 =	vor.u32 v3, v36  }
0xf8: {  	[tilespmem:$0x420] =	vst v36  }
0xf9: {  	v36 =	vld.idx.msk [tilespmem:v16+s3+$0x0], $0xffff;
	_ =	sdelay $0x4  }
0xfa: {  	v36 =	vshll.u32 v36, $0x3  }
0xfb: {  	v36 =	vor.u32 v4, v36  }
0xfc: {  	[tilespmem:$0x430] =	vst v36  }
0xfd: {  	v36 =	vld.idx.msk [tilespmem:v17+s3+$0x0], $0xffff;
	_ =	sdelay $0x4  }
0xfe: {  	v36 =	vshll.u32 v36, $0x3  }
0xff: {  	v36 =	vor.u32 v0, v36  }
0x100: {  	[tilespmem:$0x440] =	vst v36  }
0x101: {  	v36 =	vld.idx.msk [tilespmem:v17+s3+$0x0], $0xffff;
	_ =	sdelay $0x4  }
0x102: {  	v36 =	vshll.u32 v36, $0x3  }
0x103: {  	v36 =	vor.u32 v2, v36  }
0x104: {  	[tilespmem:$0x450] =	vst v36  }
0x105: {  	v36 =	vld.idx.msk [tilespmem:v17+s3+$0x0], $0xffff;
	_ =	sdelay $0x4  }
0x106: {  	v36 =	vshll.u32 v36, $0x3  }
0x107: {  	v36 =	vor.u32 v3, v36  }
0x108: {  	[tilespmem:$0x460] =	vst v36  }
0x109: {  	v36 =	vld.idx.msk [tilespmem:v17+s3+$0x0], $0xffff;
	_ =	sdelay $0x4  }
0x10a: {  	v36 =	vshll.u32 v36, $0x3  }
0x10b: {  	v36 =	vor.u32 v4, v36  }
0x10c: {  	[tilespmem:$0x470] =	vst v36  }
0x10d: {  	_ =	swait.ge [sflag:s14], $0x4000  }
0x10e: {  	[sflag:s14] =	ssyncset.done $0x0  }
0x10f: {  	[sflag:s14] =	ssyncadd.s32 $0xFFFFC000  }
0x110: {  	[hbm4b:s4+s3] =	stream.linear.scatter [tilespmem:s8], [sflag:$0x7], $0x4000, $0x38;
	[tilespmem:$0x18900] =	vst v63  }
0x111: {  	_ =	swait.ge [sflag:s15], $0x4000  }
0x112: {  	[sflag:s15] =	ssyncset.done $0x0  }
0x113: {  	s0 =	rddreg [dreg:$0x1a];
	[sflag:s15] =	ssyncadd.s32 $0xFFFFC000  }
0x114: {  	[tilespmem:s8], [sflag:$0x1] =	stream.indirect.gather [hbm4b:s2+s7], $0x80, s0, s7, $0xb8;
	[tilespmem:$0x18900] =	vst v63  }
0x115: {  	v55 =	vld.idx.msk [tilespmem:v18+s3+$0x0], $0xffff;
	_ =	sdelay $0x4  }
0x116: {  	v36 =	vshll.u32 v55, $0x3  }
0x117: {  	v36 =	vor.u32 v0, v36  }
0x118: {  	[tilespmem:$0x480] =	vst v36  }
0x119: {  	v36 =	vld.idx.msk [tilespmem:v18+s3+$0x0], $0xffff;
	_ =	sdelay $0x4  }
0x11a: {  	v36 =	vshll.u32 v36, $0x3  }
0x11b: {  	v36 =	vor.u32 v2, v36  }
0x11c: {  	[tilespmem:$0x490] =	vst v36  }
0x11d: {  	v36 =	vld.idx.msk [tilespmem:v18+s3+$0x0], $0xffff;
	_ =	sdelay $0x4  }
0x11e: {  	v36 =	vshll.u32 v36, $0x3  }
0x11f: {  	v36 =	vor.u32 v3, v36  }
0x120: {  	[tilespmem:$0x4A0] =	vst v36  }
0x121: {  	v36 =	vld.idx.msk [tilespmem:v18+s3+$0x0], $0xffff;
	_ =	sdelay $0x4  }
0x122: {  	v36 =	vshll.u32 v36, $0x3  }
0x123: {  	v36 =	vor.u32 v4, v36  }
0x124: {  	[tilespmem:$0x4B0] =	vst v36  }
0x125: {  	v36 =	vld.idx.msk [tilespmem:v19+s3+$0x0], $0xffff;
	_ =	sdelay $0x4  }
0x126: {  	v36 =	vshll.u32 v36, $0x3  }
0x127: {  	v36 =	vor.u32 v0, v36  }
0x128: {  	[tilespmem:$0x4C0] =	vst v36  }
0x129: {  	v36 =	vld.idx.msk [tilespmem:v19+s3+$0x0], $0xffff;
	_ =	sdelay $0x4  }
0x12a: {  	v36 =	vshll.u32 v36, $0x3  }
0x12b: {  	v36 =	vor.u32 v2, v36  }
0x12c: {  	[tilespmem:$0x4D0] =	vst v36  }
0x12d: {  	v36 =	vld.idx.msk [tilespmem:v19+s3+$0x0], $0xffff;
	_ =	sdelay $0x4  }
0x12e: {  	v36 =	vshll.u32 v36, $0x3  }
0x12f: {  	v36 =	vor.u32 v3, v36  }
0x130: {  	[tilespmem:$0x4E0] =	vst v36  }
0x131: {  	v36 =	vld.idx.msk [tilespmem:v19+s3+$0x0], $0xffff;
	_ =	sdelay $0x4  }
0x132: {  	v36 =	vshll.u32 v36, $0x3  }
0x133: {  	v36 =	vor.u32 v4, v36  }
0x134: {  	[tilespmem:$0x4F0] =	vst v36  }
0x135: {  	_ =	swait.ge [sflag:s16], $0x4000  }
0x136: {  	[sflag:s16] =	ssyncset.done $0x0  }
0x137: {  	s0 =	rddreg [dreg:$0x5];
	[sflag:s16] =	ssyncadd.s32 $0xFFFFC000  }
0x138: {  	[hbm4b:s0+s3] =	stream.linear.scatter [tilespmem:s9], [sflag:$0x8], $0x4000, $0x38;
	[tilespmem:$0x18900] =	vst v63  }
0x139: {  	_ =	swait.ge [sflag:s17], $0x4000  }
0x13a: {  	[sflag:s17] =	ssyncset.done $0x0  }
0x13b: {  	s0 =	rddreg [dreg:$0x1b];
	[sflag:s17] =	ssyncadd.s32 $0xFFFFC000  }
0x13c: {  	[tilespmem:s9], [sflag:$0x2] =	stream.indirect.gather [hbm4b:s2+s7], $0x80, s0, s7, $0xb8;
	[tilespmem:$0x18900] =	vst v63  }
0x13d: {  	v56 =	vld.idx.msk [tilespmem:v20+s3+$0x0], $0xffff;
	_ =	sdelay $0x4  }
0x13e: {  	v36 =	vshll.u32 v56, $0x3  }
0x13f: {  	v36 =	vor.u32 v0, v36  }
0x140: {  	[tilespmem:$0x500] =	vst v36  }
0x141: {  	v36 =	vld.idx.msk [tilespmem:v20+s3+$0x0], $0xffff;
	_ =	sdelay $0x4  }
0x142: {  	v36 =	vshll.u32 v36, $0x3  }
0x143: {  	v36 =	vor.u32 v2, v36  }
0x144: {  	[tilespmem:$0x510] =	vst v36  }
0x145: {  	v36 =	vld.idx.msk [tilespmem:v20+s3+$0x0], $0xffff;
	_ =	sdelay $0x4  }
0x146: {  	v36 =	vshll.u32 v36, $0x3  }
0x147: {  	v36 =	vor.u32 v3, v36  }
0x148: {  	[tilespmem:$0x520] =	vst v36  }
0x149: {  	v36 =	vld.idx.msk [tilespmem:v20+s3+$0x0], $0xffff;
	_ =	sdelay $0x4  }
0x14a: {  	v36 =	vshll.u32 v36, $0x3  }
0x14b: {  	v36 =	vor.u32 v4, v36  }
0x14c: {  	[tilespmem:$0x530] =	vst v36  }
0x14d: {  	v36 =	vld.idx.msk [tilespmem:v21+s3+$0x0], $0xffff;
	_ =	sdelay $0x4  }
0x14e: {  	v36 =	vshll.u32 v36, $0x3  }
0x14f: {  	v36 =	vor.u32 v0, v36  }
0x150: {  	[tilespmem:$0x540] =	vst v36  }
0x151: {  	v36 =	vld.idx.msk [tilespmem:v21+s3+$0x0], $0xffff;
	_ =	sdelay $0x4  }
0x152: {  	v36 =	vshll.u32 v36, $0x3  }
0x153: {  	v36 =	vor.u32 v2, v36  }
0x154: {  	[tilespmem:$0x550] =	vst v36  }
0x155: {  	v36 =	vld.idx.msk [tilespmem:v21+s3+$0x0], $0xffff;
	_ =	sdelay $0x4  }
0x156: {  	v36 =	vshll.u32 v36, $0x3  }
0x157: {  	v36 =	vor.u32 v3, v36  }
0x158: {  	[tilespmem:$0x560] =	vst v36  }
0x159: {  	v36 =	vld.idx.msk [tilespmem:v21+s3+$0x0], $0xffff;
	_ =	sdelay $0x4  }
0x15a: {  	v36 =	vshll.u32 v36, $0x3  }
0x15b: {  	v36 =	vor.u32 v4, v36  }
0x15c: {  	[tilespmem:$0x570] =	vst v36  }
0x15d: {  	_ =	swait.ge [sflag:s18], $0x4000  }
0x15e: {  	[sflag:s18] =	ssyncset.done $0x0  }
0x15f: {  	s0 =	rddreg [dreg:$0x6];
	[sflag:s18] =	ssyncadd.s32 $0xFFFFC000  }
0x160: {  	[hbm4b:s0+s3] =	stream.linear.scatter [tilespmem:s10], [sflag:$0x9], $0x4000, $0x38;
	[tilespmem:$0x18900] =	vst v63  }
0x161: {  	_ =	swait.ge [sflag:s19], $0x4000  }
0x162: {  	[sflag:s19] =	ssyncset.done $0x0  }
0x163: {  	s0 =	rddreg [dreg:$0x1c];
	[sflag:s19] =	ssyncadd.s32 $0xFFFFC000  }
0x164: {  	[tilespmem:s10], [sflag:$0x3] =	stream.indirect.gather [hbm4b:s2+s7], $0x80, s0, s7, $0xb8;
	[tilespmem:$0x18900] =	vst v63  }
0x165: {  	v57 =	vld.idx.msk [tilespmem:v22+s3+$0x0], $0xffff;
	_ =	sdelay $0x4  }
0x166: {  	v36 =	vshll.u32 v57, $0x3  }
0x167: {  	v36 =	vor.u32 v0, v36  }
0x168: {  	[tilespmem:$0x580] =	vst v36  }
0x169: {  	v36 =	vld.idx.msk [tilespmem:v22+s3+$0x0], $0xffff;
	_ =	sdelay $0x4  }
0x16a: {  	v36 =	vshll.u32 v36, $0x3  }
0x16b: {  	v36 =	vor.u32 v2, v36  }
0x16c: {  	[tilespmem:$0x590] =	vst v36  }
0x16d: {  	v36 =	vld.idx.msk [tilespmem:v22+s3+$0x0], $0xffff;
	_ =	sdelay $0x4  }
0x16e: {  	v36 =	vshll.u32 v36, $0x3  }
0x16f: {  	v36 =	vor.u32 v3, v36  }
0x170: {  	[tilespmem:$0x5A0] =	vst v36  }
0x171: {  	v36 =	vld.idx.msk [tilespmem:v22+s3+$0x0], $0xffff;
	_ =	sdelay $0x4  }
0x172: {  	v36 =	vshll.u32 v36, $0x3  }
0x173: {  	v36 =	vor.u32 v4, v36  }
0x174: {  	[tilespmem:$0x5B0] =	vst v36  }
0x175: {  	v36 =	vld.idx.msk [tilespmem:v23+s3+$0x0], $0xffff;
	_ =	sdelay $0x4  }
0x176: {  	v36 =	vshll.u32 v36, $0x3  }
0x177: {  	v36 =	vor.u32 v0, v36  }
0x178: {  	[tilespmem:$0x5C0] =	vst v36  }
0x179: {  	v36 =	vld.idx.msk [tilespmem:v23+s3+$0x0], $0xffff;
	_ =	sdelay $0x4  }
0x17a: {  	v36 =	vshll.u32 v36, $0x3  }
0x17b: {  	v36 =	vor.u32 v2, v36  }
0x17c: {  	[tilespmem:$0x5D0] =	vst v36  }
0x17d: {  	v36 =	vld.idx.msk [tilespmem:v23+s3+$0x0], $0xffff;
	_ =	sdelay $0x4  }
0x17e: {  	v36 =	vshll.u32 v36, $0x3  }
0x17f: {  	v36 =	vor.u32 v3, v36  }
0x180: {  	[tilespmem:$0x5E0] =	vst v36  }
0x181: {  	v36 =	vld.idx.msk [tilespmem:v23+s3+$0x0], $0xffff;
	_ =	sdelay $0x4  }
0x182: {  	v36 =	vshll.u32 v36, $0x3  }
0x183: {  	v36 =	vor.u32 v4, v36  }
0x184: {  	[tilespmem:$0x5F0] =	vst v36  }
0x185: {  	_ =	swait.ge [sflag:s20], $0x4000  }
0x186: {  	[sflag:s20] =	ssyncset.done $0x0  }
0x187: {  	s0 =	rddreg [dreg:$0x7];
	[sflag:s20] =	ssyncadd.s32 $0xFFFFC000  }
0x188: {  	[hbm4b:s0+s3] =	stream.linear.scatter [tilespmem:s11], [sflag:$0xA], $0x4000, $0x38;
	[tilespmem:$0x18900] =	vst v63  }
0x189: {  	_ =	swait.ge [sflag:s21], $0x4000  }
0x18a: {  	[sflag:s21] =	ssyncset.done $0x0  }
0x18b: {  	s0 =	rddreg [dreg:$0x1d];
	[sflag:s21] =	ssyncadd.s32 $0xFFFFC000  }
0x18c: {  	[tilespmem:s11], [sflag:$0x4] =	stream.indirect.gather [hbm4b:s2+s7], $0x80, s0, s7, $0xb8;
	[tilespmem:$0x18900] =	vst v63  }
0x18d: {  	v58 =	vld.idx.msk [tilespmem:v24+s3+$0x0], $0xffff;
	_ =	sdelay $0x4  }
0x18e: {  	v36 =	vshll.u32 v58, $0x3  }
0x18f: {  	v36 =	vor.u32 v0, v36  }
0x190: {  	[tilespmem:$0x600] =	vst v36  }
0x191: {  	v36 =	vld.idx.msk [tilespmem:v24+s3+$0x0], $0xffff;
	_ =	sdelay $0x4  }
0x192: {  	v36 =	vshll.u32 v36, $0x3  }
0x193: {  	v36 =	vor.u32 v2, v36  }
0x194: {  	[tilespmem:$0x610] =	vst v36  }
0x195: {  	v36 =	vld.idx.msk [tilespmem:v24+s3+$0x0], $0xffff;
	_ =	sdelay $0x4  }
0x196: {  	v36 =	vshll.u32 v36, $0x3  }
0x197: {  	v36 =	vor.u32 v3, v36  }
0x198: {  	[tilespmem:$0x620] =	vst v36  }
0x199: {  	v36 =	vld.idx.msk [tilespmem:v24+s3+$0x0], $0xffff;
	_ =	sdelay $0x4  }
0x19a: {  	v36 =	vshll.u32 v36, $0x3  }
0x19b: {  	v36 =	vor.u32 v4, v36  }
0x19c: {  	[tilespmem:$0x630] =	vst v36  }
0x19d: {  	v36 =	vld.idx.msk [tilespmem:v25+s3+$0x0], $0xffff;
	_ =	sdelay $0x4  }
0x19e: {  	v36 =	vshll.u32 v36, $0x3  }
0x19f: {  	v36 =	vor.u32 v0, v36  }
0x1a0: {  	[tilespmem:$0x640] =	vst v36  }
0x1a1: {  	v36 =	vld.idx.msk [tilespmem:v25+s3+$0x0], $0xffff;
	_ =	sdelay $0x4  }
0x1a2: {  	v36 =	vshll.u32 v36, $0x3  }
0x1a3: {  	v36 =	vor.u32 v2, v36  }
0x1a4: {  	[tilespmem:$0x650] =	vst v36  }
0x1a5: {  	v36 =	vld.idx.msk [tilespmem:v25+s3+$0x0], $0xffff;
	_ =	sdelay $0x4  }
0x1a6: {  	v36 =	vshll.u32 v36, $0x3  }
0x1a7: {  	v36 =	vor.u32 v3, v36  }
0x1a8: {  	[tilespmem:$0x660] =	vst v36  }
0x1a9: {  	v36 =	vld.idx.msk [tilespmem:v25+s3+$0x0], $0xffff;
	_ =	sdelay $0x4  }
0x1aa: {  	v36 =	vshll.u32 v36, $0x3  }
0x1ab: {  	v36 =	vor.u32 v4, v36  }
0x1ac: {  	[tilespmem:$0x670] =	vst v36  }
0x1ad: {  	_ =	swait.ge [sflag:s22], $0x4000  }
0x1ae: {  	[sflag:s22] =	ssyncset.done $0x0  }
0x1af: {  	s0 =	rddreg [dreg:$0x8];
	[sflag:s22] =	ssyncadd.s32 $0xFFFFC000  }
0x1b0: {  	[hbm4b:s0+s3] =	stream.linear.scatter [tilespmem:s12], [sflag:$0xB], $0x4000, $0x38;
	[tilespmem:$0x18900] =	vst v63  }
0x1b1: {  	_ =	swait.ge [sflag:s23], $0x4000  }
0x1b2: {  	[sflag:s23] =	ssyncset.done $0x0  }
0x1b3: {  	[sflag:s23] =	ssyncadd.s32 $0xFFFFC000  }
0x1b4: {  	[tilespmem:s12], [sflag:$0x5] =	stream.indirect.gather [hbm4b:s2+s7], $0x80, s24, s7, $0xb8;
	[tilespmem:$0x18900] =	vst v63  }
0x1b5: {  	v59 =	vld.idx.msk [tilespmem:v26+s3+$0x0], $0xffff;
	_ =	sdelay $0x4  }
0x1b6: {  	v36 =	vshll.u32 v59, $0x3  }
0x1b7: {  	v36 =	vor.u32 v0, v36  }
0x1b8: {  	[tilespmem:$0x680] =	vst v36  }
0x1b9: {  	v36 =	vld.idx.msk [tilespmem:v26+s3+$0x0], $0xffff;
	_ =	sdelay $0x4  }
0x1ba: {  	v36 =	vshll.u32 v36, $0x3  }
0x1bb: {  	v36 =	vor.u32 v2, v36  }
0x1bc: {  	[tilespmem:$0x690] =	vst v36  }
0x1bd: {  	v36 =	vld.idx.msk [tilespmem:v26+s3+$0x0], $0xffff;
	_ =	sdelay $0x4  }
0x1be: {  	v36 =	vshll.u32 v36, $0x3  }
0x1bf: {  	v36 =	vor.u32 v3, v36  }
0x1c0: {  	[tilespmem:$0x6A0] =	vst v36  }
0x1c1: {  	v36 =	vld.idx.msk [tilespmem:v26+s3+$0x0], $0xffff;
	_ =	sdelay $0x4  }
0x1c2: {  	v36 =	vshll.u32 v36, $0x3  }
0x1c3: {  	v36 =	vor.u32 v4, v36  }
0x1c4: {  	[tilespmem:$0x6B0] =	vst v36  }
0x1c5: {  	v36 =	vld.idx.msk [tilespmem:v27+s3+$0x0], $0xffff;
	_ =	sdelay $0x4  }
0x1c6: {  	v36 =	vshll.u32 v36, $0x3  }
0x1c7: {  	v36 =	vor.u32 v0, v36  }
0x1c8: {  	[tilespmem:$0x6C0] =	vst v36  }
0x1c9: {  	v36 =	vld.idx.msk [tilespmem:v27+s3+$0x0], $0xffff;
	_ =	sdelay $0x4  }
0x1ca: {  	v36 =	vshll.u32 v36, $0x3  }
0x1cb: {  	v36 =	vor.u32 v2, v36  }
0x1cc: {  	[tilespmem:$0x6D0] =	vst v36  }
0x1cd: {  	v36 =	vld.idx.msk [tilespmem:v27+s3+$0x0], $0xffff;
	_ =	sdelay $0x4  }
0x1ce: {  	v36 =	vshll.u32 v36, $0x3  }
0x1cf: {  	v36 =	vor.u32 v3, v36  }
0x1d0: {  	[tilespmem:$0x6E0] =	vst v36  }
0x1d1: {  	v36 =	vld.idx.msk [tilespmem:v27+s3+$0x0], $0xffff;
	_ =	sdelay $0x4  }
0x1d2: {  	v36 =	vshll.u32 v36, $0x3  }
0x1d3: {  	v36 =	vor.u32 v4, v36  }
0x1d4: {  	[tilespmem:$0x6F0] =	vst v36  }
0x1d5: {  	_ =	swait.ge [sflag:s25], $0x4000  }
0x1d6: {  	[sflag:s25] =	ssyncset.done $0x0  }
0x1d7: {  	s0 =	rddreg [dreg:$0x9];
	[sflag:s25] =	ssyncadd.s32 $0xFFFFC000  }
0x1d8: {  	[hbm4b:s0+s3] =	stream.linear.scatter [tilespmem:s13], [sflag:$0xC], $0x4000, $0x38;
	[tilespmem:$0x18900] =	vst v63  }
0x1d9: {  	_ =	swait.ge [sflag:s26], $0x4000  }
0x1da: {  	[sflag:s26] =	ssyncset.done $0x0  }
0x1db: {  	[sflag:s26] =	ssyncadd.s32 $0xFFFFC000  }
0x1dc: {  	[tilespmem:s13], [sflag:$0x6] =	stream.indirect.gather [hbm4b:s2+s7], $0x80, s28, s7, $0xb8;
	[tilespmem:$0x18900] =	vst v63  }
0x1dd: {  	v60 =	vld.idx.msk [tilespmem:v28+s3+$0x0], $0xffff;
	_ =	sdelay $0x4  }
0x1de: {  	v36 =	vshll.u32 v60, $0x3  }
0x1df: {  	v36 =	vor.u32 v0, v36  }
0x1e0: {  	[tilespmem:$0x700] =	vst v36  }
0x1e1: {  	v36 =	vld.idx.msk [tilespmem:v28+s3+$0x0], $0xffff;
	_ =	sdelay $0x4  }
0x1e2: {  	v36 =	vshll.u32 v36, $0x3  }
0x1e3: {  	v36 =	vor.u32 v2, v36  }
0x1e4: {  	[tilespmem:$0x710] =	vst v36  }
0x1e5: {  	v36 =	vld.idx.msk [tilespmem:v28+s3+$0x0], $0xffff;
	_ =	sdelay $0x4  }
0x1e6: {  	v36 =	vshll.u32 v36, $0x3  }
0x1e7: {  	v36 =	vor.u32 v3, v36  }
0x1e8: {  	[tilespmem:$0x720] =	vst v36  }
0x1e9: {  	v36 =	vld.idx.msk [tilespmem:v28+s3+$0x0], $0xffff;
	_ =	sdelay $0x4  }
0x1ea: {  	v36 =	vshll.u32 v36, $0x3  }
0x1eb: {  	v36 =	vor.u32 v4, v36  }
0x1ec: {  	[tilespmem:$0x730] =	vst v36  }
0x1ed: {  	v36 =	vld.idx.msk [tilespmem:v29+s3+$0x0], $0xffff;
	_ =	sdelay $0x4  }
0x1ee: {  	v36 =	vshll.u32 v36, $0x3  }
0x1ef: {  	v36 =	vor.u32 v0, v36  }
0x1f0: {  	[tilespmem:$0x740] =	vst v36  }
0x1f1: {  	v36 =	vld.idx.msk [tilespmem:v29+s3+$0x0], $0xffff;
	_ =	sdelay $0x4  }
0x1f2: {  	v36 =	vshll.u32 v36, $0x3  }
0x1f3: {  	v36 =	vor.u32 v2, v36  }
0x1f4: {  	[tilespmem:$0x750] =	vst v36  }
0x1f5: {  	v36 =	vld.idx.msk [tilespmem:v29+s3+$0x0], $0xffff;
	_ =	sdelay $0x4  }
0x1f6: {  	v36 =	vshll.u32 v36, $0x3  }
0x1f7: {  	v36 =	vor.u32 v3, v36  }
0x1f8: {  	[tilespmem:$0x760] =	vst v36  }
0x1f9: {  	v36 =	vld.idx.msk [tilespmem:v29+s3+$0x0], $0xffff;
	_ =	sdelay $0x4  }
0x1fa: {  	v36 =	vshll.u32 v36, $0x3  }
0x1fb: {  	v36 =	vor.u32 v4, v36  }
0x1fc: {  	[tilespmem:$0x770] =	vst v36  }
0x1fd: {  	_ =	swait.ge [sflag:s14], $0x4000  }
0x1fe: {  	[sflag:s14] =	ssyncset.done $0x0  }
0x1ff: {  	s0 =	rddreg [dreg:$0xa];
	[sflag:s14] =	ssyncadd.s32 $0xFFFFC000  }
0x200: {  	[hbm4b:s0+s3] =	stream.linear.scatter [tilespmem:s8], [sflag:$0x7], $0x4000, $0x38;
	[tilespmem:$0x18900] =	vst v63  }
0x201: {  	_ =	swait.ge [sflag:s15], $0x4000  }
0x202: {  	[sflag:s15] =	ssyncset.done $0x0  }
0x203: {  	[sflag:s15] =	ssyncadd.s32 $0xFFFFC000  }
0x204: {  	[tilespmem:s8], [sflag:$0x1] =	stream.indirect.gather [hbm4b:s2+s7], $0x80, s29, s7, $0xb8;
	[tilespmem:$0x18900] =	vst v63  }
0x205: {  	v61 =	vld.idx.msk [tilespmem:v30+s3+$0x0], $0xffff;
	_ =	sdelay $0x4  }
0x206: {  	v36 =	vshll.u32 v61, $0x3  }
0x207: {  	v36 =	vor.u32 v0, v36  }
0x208: {  	[tilespmem:$0x780] =	vst v36  }
0x209: {  	v36 =	vld.idx.msk [tilespmem:v30+s3+$0x0], $0xffff;
	_ =	sdelay $0x4  }
0x20a: {  	v36 =	vshll.u32 v36, $0x3  }
0x20b: {  	v36 =	vor.u32 v2, v36  }
0x20c: {  	[tilespmem:$0x790] =	vst v36  }
0x20d: {  	v36 =	vld.idx.msk [tilespmem:v30+s3+$0x0], $0xffff;
	_ =	sdelay $0x4  }
0x20e: {  	v36 =	vshll.u32 v36, $0x3  }
0x20f: {  	v36 =	vor.u32 v3, v36  }
0x210: {  	[tilespmem:$0x7A0] =	vst v36  }
0x211: {  	v36 =	vld.idx.msk [tilespmem:v30+s3+$0x0], $0xffff;
	_ =	sdelay $0x4  }
0x212: {  	v36 =	vshll.u32 v36, $0x3  }
0x213: {  	v36 =	vor.u32 v4, v36  }
0x214: {  	[tilespmem:$0x7B0] =	vst v36  }
0x215: {  	v36 =	vld.idx.msk [tilespmem:v31+s3+$0x0], $0xffff;
	_ =	sdelay $0x4  }
0x216: {  	v36 =	vshll.u32 v36, $0x3  }
0x217: {  	v36 =	vor.u32 v0, v36  }
0x218: {  	[tilespmem:$0x7C0] =	vst v36  }
0x219: {  	v36 =	vld.idx.msk [tilespmem:v31+s3+$0x0], $0xffff;
	_ =	sdelay $0x4  }
0x21a: {  	v36 =	vshll.u32 v36, $0x3  }
0x21b: {  	v36 =	vor.u32 v2, v36  }
0x21c: {  	[tilespmem:$0x7D0] =	vst v36  }
0x21d: {  	v36 =	vld.idx.msk [tilespmem:v31+s3+$0x0], $0xffff;
	_ =	sdelay $0x4  }
0x21e: {  	v36 =	vshll.u32 v36, $0x3  }
0x21f: {  	v36 =	vor.u32 v3, v36  }
0x220: {  	[tilespmem:$0x7E0] =	vst v36  }
0x221: {  	v36 =	vld.idx.msk [tilespmem:v31+s3+$0x0], $0xffff;
	_ =	sdelay $0x4  }
0x222: {  	v36 =	vshll.u32 v36, $0x3  }
0x223: {  	v36 =	vor.u32 v4, v36  }
0x224: {  	[tilespmem:$0x7F0] =	vst v36  }
0x225: {  	_ =	swait.ge [sflag:s16], $0x4000  }
0x226: {  	[sflag:s16] =	ssyncset.done $0x0  }
0x227: {  	s0 =	rddreg [dreg:$0xb];
	[sflag:s16] =	ssyncadd.s32 $0xFFFFC000  }
0x228: {  	[hbm4b:s0+s3] =	stream.linear.scatter [tilespmem:s9], [sflag:$0x8], $0x4000, $0x38;
	[tilespmem:$0x18900] =	vst v63  }
0x229: {  	_ =	swait.ge [sflag:s17], $0x4000  }
0x22a: {  	[sflag:s17] =	ssyncset.done $0x0  }
0x22b: {  	[sflag:s17] =	ssyncadd.s32 $0xFFFFC000  }
0x22c: {  	[tilespmem:s9], [sflag:$0x2] =	stream.indirect.gather [hbm4b:s2+s7], $0x80, s30, s7, $0xb8;
	[tilespmem:$0x18900] =	vst v63  }
0x22d: {  	v62 =	vld.idx.msk [tilespmem:v32+s3+$0x0], $0xffff;
	_ =	sdelay $0x4  }
0x22e: {  	v36 =	vshll.u32 v62, $0x3  }
0x22f: {  	v36 =	vor.u32 v0, v36  }
0x230: {  	[tilespmem:$0x800] =	vst v36  }
0x231: {  	v36 =	vld.idx.msk [tilespmem:v32+s3+$0x0], $0xffff;
	_ =	sdelay $0x4  }
0x232: {  	v36 =	vshll.u32 v36, $0x3  }
0x233: {  	v36 =	vor.u32 v2, v36  }
0x234: {  	[tilespmem:$0x810] =	vst v36  }
0x235: {  	v36 =	vld.idx.msk [tilespmem:v32+s3+$0x0], $0xffff;
	_ =	sdelay $0x4  }
0x236: {  	v36 =	vshll.u32 v36, $0x3  }
0x237: {  	v36 =	vor.u32 v3, v36  }
0x238: {  	[tilespmem:$0x820] =	vst v36  }
0x239: {  	v36 =	vld.idx.msk [tilespmem:v32+s3+$0x0], $0xffff;
	_ =	sdelay $0x4  }
0x23a: {  	v36 =	vshll.u32 v36, $0x3  }
0x23b: {  	v36 =	vor.u32 v4, v36  }
0x23c: {  	[tilespmem:$0x830] =	vst v36  }
0x23d: {  	v36 =	vld.idx.msk [tilespmem:v33+s3+$0x0], $0xffff;
	_ =	sdelay $0x4  }
0x23e: {  	v36 =	vshll.u32 v36, $0x3  }
0x23f: {  	v36 =	vor.u32 v0, v36  }
0x240: {  	[tilespmem:$0x840] =	vst v36  }
0x241: {  	v36 =	vld.idx.msk [tilespmem:v33+s3+$0x0], $0xffff;
	_ =	sdelay $0x4  }
0x242: {  	v36 =	vshll.u32 v36, $0x3  }
0x243: {  	v36 =	vor.u32 v2, v36  }
0x244: {  	[tilespmem:$0x850] =	vst v36  }
0x245: {  	v36 =	vld.idx.msk [tilespmem:v33+s3+$0x0], $0xffff;
	_ =	sdelay $0x4  }
0x246: {  	v36 =	vshll.u32 v36, $0x3  }
0x247: {  	v36 =	vor.u32 v3, v36  }
0x248: {  	[tilespmem:$0x860] =	vst v36  }
0x249: {  	v36 =	vld.idx.msk [tilespmem:v33+s3+$0x0], $0xffff;
	_ =	sdelay $0x4  }
0x24a: {  	v36 =	vshll.u32 v36, $0x3  }
0x24b: {  	v36 =	vor.u32 v4, v36  }
0x24c: {  	[tilespmem:$0x870] =	vst v36  }
0x24d: {  	_ =	swait.ge [sflag:s18], $0x4000  }
0x24e: {  	[sflag:s18] =	ssyncset.done $0x0  }
0x24f: {  	s0 =	rddreg [dreg:$0xc];
	[sflag:s18] =	ssyncadd.s32 $0xFFFFC000  }
0x250: {  	[hbm4b:s0+s3] =	stream.linear.scatter [tilespmem:s10], [sflag:$0x9], $0x4000, $0x38;
	[tilespmem:$0x18900] =	vst v63  }
0x251: {  	_ =	swait.ge [sflag:s19], $0x4000  }
0x252: {  	[sflag:s19] =	ssyncset.done $0x0  }
0x253: {  	[sflag:s19] =	ssyncadd.s32 $0xFFFFC000  }
0x254: {  	[tilespmem:s10], [sflag:$0x3] =	stream.indirect.gather [hbm4b:s2+s7], $0x80, s31, s7, $0xb8;
	[tilespmem:$0x18900] =	vst v63  }
0x255: {  	v63 =	vld.idx.msk [tilespmem:v34+s3+$0x0], $0xffff;
	_ =	sdelay $0x4  }
0x256: {  	v36 =	vshll.u32 v63, $0x3  }
0x257: {  	v36 =	vor.u32 v0, v36  }
0x258: {  	[tilespmem:$0x880] =	vst v36  }
0x259: {  	v36 =	vld.idx.msk [tilespmem:v34+s3+$0x0], $0xffff;
	_ =	sdelay $0x4  }
0x25a: {  	v36 =	vshll.u32 v36, $0x3  }
0x25b: {  	v36 =	vor.u32 v2, v36  }
0x25c: {  	[tilespmem:$0x890] =	vst v36  }
0x25d: {  	v36 =	vld.idx.msk [tilespmem:v34+s3+$0x0], $0xffff;
	_ =	sdelay $0x4  }
0x25e: {  	v36 =	vshll.u32 v36, $0x3  }
0x25f: {  	v36 =	vor.u32 v3, v36  }
0x260: {  	[tilespmem:$0x8A0] =	vst v36  }
0x261: {  	v36 =	vld.idx.msk [tilespmem:v34+s3+$0x0], $0xffff;
	_ =	sdelay $0x4  }
0x262: {  	v36 =	vshll.u32 v36, $0x3  }
0x263: {  	v36 =	vor.u32 v4, v36  }
0x264: {  	[tilespmem:$0x8B0] =	vst v36  }
0x265: {  	v36 =	vld.idx.msk [tilespmem:v35+s3+$0x0], $0xffff;
	_ =	sdelay $0x4  }
0x266: {  	v36 =	vshll.u32 v36, $0x3  }
0x267: {  	v36 =	vor.u32 v0, v36  }
0x268: {  	[tilespmem:$0x8C0] =	vst v36  }
0x269: {  	v36 =	vld.idx.msk [tilespmem:v35+s3+$0x0], $0xffff;
	_ =	sdelay $0x4  }
0x26a: {  	v36 =	vshll.u32 v36, $0x3  }
0x26b: {  	v36 =	vor.u32 v2, v36  }
0x26c: {  	[tilespmem:$0x8D0] =	vst v36  }
0x26d: {  	v36 =	vld.idx.msk [tilespmem:v35+s3+$0x0], $0xffff;
	_ =	sdelay $0x4  }
0x26e: {  	v36 =	vshll.u32 v36, $0x3  }
0x26f: {  	v36 =	vor.u32 v3, v36  }
0x270: {  	[tilespmem:$0x8E0] =	vst v36  }
0x271: {  	v36 =	vld.idx.msk [tilespmem:v35+s3+$0x0], $0xffff;
	_ =	sdelay $0x4  }
0x272: {  	v36 =	vshll.u32 v36, $0x3  }
0x273: {  	v36 =	vor.u32 v4, v36  }
0x274: {  	[tilespmem:$0x8F0] =	vst v36  }
0x275: {  	_ =	swait.ge [sflag:s20], $0x4000  }
0x276: {  	[sflag:s20] =	ssyncset.done $0x0  }
0x277: {  	s0 =	rddreg [dreg:$0xd];
	[sflag:s20] =	ssyncadd.s32 $0xFFFFC000  }
0x278: {  	[hbm4b:s0+s3] =	stream.linear.scatter [tilespmem:s11], [sflag:$0xA], $0x4000, $0x38;
	[tilespmem:$0x18900] =	vst v63  }
0x279: {  	_ =	swait.ge [sflag:s21], $0x4000  }
0x27a: {  	[sflag:s21] =	ssyncset.done $0x0  }
0x27b: {  	[sflag:s21] =	ssyncadd.s32 $0xFFFFC000  }
0x27c: {  	[tilespmem:s11], [sflag:$0x4] =	stream.indirect.gather [hbm4b:s2+s7], $0x80, s1, s7, $0xb8;
	[tilespmem:$0x18900] =	vst v63  }
0x27d: {  	_ =	swait.ge [sflag:s22], $0x4000  }
0x27e: {  	[sflag:s22] =	ssyncset.done $0x0  }
0x27f: {  	s0 =	rddreg [dreg:$0xe];
	[sflag:s22] =	ssyncadd.s32 $0xFFFFC000  }
0x280: {  	[hbm4b:s0+s3] =	stream.linear.scatter [tilespmem:s12], [sflag:$0xB], $0x4000, $0x38;
	[tilespmem:$0x18900] =	vst v63  }
0x281: {  	_ =	swait.ge [sflag:s25], $0x4000  }
0x282: {  	[sflag:s25] =	ssyncset.done $0x0  }
0x283: {  	s0 =	rddreg [dreg:$0xf];
	[sflag:s25] =	ssyncadd.s32 $0xFFFFC000  }
0x284: {  	[hbm4b:s0+s3] =	stream.linear.scatter [tilespmem:s13], [sflag:$0xC], $0x4000, $0x38;
	[tilespmem:$0x18900] =	vst v63  }
0x285: {  	_ =	swait.ge [sflag:s14], $0x4000  }
0x286: {  	[sflag:s14] =	ssyncset.done $0x0  }
0x287: {  	s0 =	rddreg [dreg:$0x10];
	[sflag:s14] =	ssyncadd.s32 $0xFFFFC000  }
0x288: {  	[hbm4b:s0+s3] =	stream.linear.scatter [tilespmem:s8], [sflag:$0x7], $0x4000, $0x38;
	[tilespmem:$0x18900] =	vst v63  }
0x289: {  	_ =	swait.ge [sflag:s16], $0x4000  }
0x28a: {  	[sflag:s16] =	ssyncset.done $0x0  }
0x28b: {  	s0 =	rddreg [dreg:$0x11];
	[sflag:s16] =	ssyncadd.s32 $0xFFFFC000  }
0x28c: {  	[hbm4b:s0+s3] =	stream.linear.scatter [tilespmem:s9], [sflag:$0x8], $0x4000, $0x38;
	[tilespmem:$0x18900] =	vst v63  }
0x28d: {  	_ =	swait.ge [sflag:s18], $0x4000  }
0x28e: {  	[sflag:s18] =	ssyncset.done $0x0  }
0x28f: {  	s0 =	rddreg [dreg:$0x12];
	[sflag:s18] =	ssyncadd.s32 $0xFFFFC000  }
0x290: {  	[hbm4b:s0+s3] =	stream.linear.scatter [tilespmem:s10], [sflag:$0x9], $0x4000, $0x38;
	[tilespmem:$0x18900] =	vst v63  }
0x291: {  	_ =	swait.ge [sflag:s20], $0x4000  }
0x292: {  	[sflag:s20] =	ssyncset.done $0x0  }
0x293: {  	s0 =	rddreg [dreg:$0x13];
	[sflag:s20] =	ssyncadd.s32 $0xFFFFC000  }
0x294: {  	[hbm4b:s0+s3] =	stream.linear.scatter [tilespmem:s11], [sflag:$0xA], $0x4000, $0x38;
	[tilespmem:$0x18900] =	vst v63  }
0x295: {  	_ =	swait.ge [sflag:s23], $0x4000  }
0x296: {  	[sflag:s23] =	ssyncset.done $0x0  }
0x297: {  	[sflag:s23] =	ssyncadd.s32 $0xFFFFC000  }
0x298: {  	_ =	swait.ge [sflag:s26], $0x4000  }
0x299: {  	[sflag:s26] =	ssyncset.done $0x0  }
0x29a: {  	[sflag:s26] =	ssyncadd.s32 $0xFFFFC000  }
0x29b: {  	_ =	swait.ge [sflag:s15], $0x4000  }
0x29c: {  	[sflag:s15] =	ssyncset.done $0x0  }
0x29d: {  	[sflag:s15] =	ssyncadd.s32 $0xFFFFC000  }
0x29e: {  	_ =	swait.ge [sflag:s17], $0x4000  }
0x29f: {  	[sflag:s17] =	ssyncset.done $0x0  }
0x2a0: {  	[sflag:s17] =	ssyncadd.s32 $0xFFFFC000  }
0x2a1: {  	p0 =	sne.s32 s5, $0x1;
	_ =	swait.ge [sflag:s19], $0x4000  }
.Ltmp0:
0x2a2: {  	[sflag:s19] =	ssyncset.done $0x0;
	(pc) =	sbr.rel @p0 .LBB2_1-.Ltmp0, $4  }
0x2a3: {  	[sflag:s19] =	ssyncadd.s32 $0xFFFFC000  }
0x2a4: {  	_ =	swait.ge [sflag:s21], $0x4000  }
0x2a5: {  	[sflag:s21] =	ssyncset.done $0x0  }
0x2a6: {  	s5 =	sadd.s32 $0xFFFFFFFF, s5;
	[sflag:s21] =	ssyncadd.s32 $0xFFFFC000  }
0x2a7: {  	_ =	sfence.sel $0x180000  }
0x2a8: {  	[bflag:$0x0] =	sbarrier.arrive $0xFFFF  }
0x2a9: {  	_ =	strace $0x90000047  }
0x2aa: {  	s0 =	stileid.u32;
	[bflag:$0x2] =	sbarrier.arrive $0xFFFF  }
0x2ab: {  	p0 =	sne.s32 s0, $0x0;
	s0 =	rddreg [dreg:$0x3]  }
0x2ac: {  	s0 =	sadd.s32 @!p0 $0x100000, s0  }
0x2ad: {  	[sflag:s0] =	ssyncadd.tile.s32 @!p0 $0x1;
	_ =	shalt  }
.Lfunc_end2:
_tile_overlayer_lowered:
.L_overlay_start_2:
0x2ae: {  	(tag) =	ssettag $0x2  }
0x2af: {  	s0 =	rddreg [dreg:$0x0];
	s2 =	stileid.u32  }
0x2b0: {  	s1 =	rddreg [dreg:$0x1];
	p0 =	sne.s32 s2, $0x0  }
0x2b1: {  	s3 =	rddreg [dreg:$0x2];
	[bflag:$0x3] =	sbarrier.arrive $0xFFFF;
	s2 =	simm.s32 @!p0 $0x1C0D  }
0x2b2: {  	[timem:s3], [sflag:s2] =	dma.local @!p0 [hbm:s0], s1  }
0x2b3: {  	s0 =	simm.s32 @!p0 $0xD  }
0x2b4: {  	_ =	swait.ge @!p0 [sflag:s0], s1  }
0x2b5: {  	s1 =	ssub.s32 @!p0 $0x0, s1;
	[sflag:s0] =	ssyncset.done @!p0 $0x0  }
0x2b6: {  	[sflag:s0] =	ssyncadd.s32 @!p0 s1  }
0x2b7: {  	[bflag:$0x3] =	sbarrier.arrive $0xFFFF  }
0x2b8: {  	_ =	shalt  }

</sc_bundles>
